<compile_context>
chip_gen: v7x
topology: tpu7x:2x2x1
jax: 0.10.2.dev20260603
libtpu: 0.0.44.dev20260713+nightly
codegen_flags: <defaults>
</compile_context>

<pallas_src>
import functools

import jax
import jax.numpy as jnp
from jax import lax
from jax.experimental import pallas as pl
from jax.experimental.pallas import tpu as pltpu
from jax.experimental.pallas import tpu_sc as plsc

B = 16384
D = 32
CHUNK = 128



def _sc_gather(user_idx, movie_idx, mfu_t, mfm_t, mlu_t, mlm_t, nb=B):
    info = plsc.get_sparse_core_info()
    nc, ns = info.num_cores, info.num_subcores
    nw = nc * ns
    bpw = nb // nw
    KR = 4

    col_t = pltpu.VMEM((KR, D, 128), jnp.float32)

    @functools.partial(
        pl.kernel,
        mesh=plsc.VectorSubcoreMesh(core_axis_name="c", subcore_axis_name="s"),
        compiler_params=pltpu.CompilerParams(use_tc_tiling_on_sc=True,
                                             needs_layout_passes=False,
                                             disable_bounds_checks=True),
        out_type=jax.ShapeDtypeStruct((nb, 128), jnp.float32),
        scratch_types=[
            pltpu.VMEM((bpw,), jnp.int32),
            pltpu.VMEM((bpw,), jnp.int32),
            col_t, col_t, col_t, col_t,
            pltpu.VMEM((CHUNK, 128), jnp.float32),
            pltpu.SemaphoreType.DMA,
        ],
    )
    def k(uidx_h, midx_h, t0_h, t1_h, t2_h, t3_h, out_h,
          uv, mv, b0, b1, b2, b3, oc, sem):
        wid = lax.axis_index("s") * nc + lax.axis_index("c")
        base = wid * bpw
        pltpu.sync_copy(uidx_h.at[pl.ds(base, bpw)], uv)
        pltpu.sync_copy(midx_h.at[pl.ds(base, bpw)], mv)

        tbls = (t0_h, t1_h, t2_h, t3_h)
        bufs = (b0, b1, b2, b3)
        cvecs = [lax.iota(jnp.int32, 16) + h * 16 for h in range(2)]
        ng = bpw // 16

        def fire(s, ru, rm):
            for tbl, r, buf in ((t0_h, ru, b0), (t1_h, rm, b1),
                                (t2_h, ru, b2), (t3_h, rm, b3)):
                col = pl.multiple_of(
                    lax.shift_left(lax.shift_right_logical(r, 7), 7), 128)
                pltpu.async_copy(tbl.at[:, pl.ds(col, 128)], buf.at[s], sem)

        def drain_extract(j, s, ru, rm):
            for tbl, buf in zip(tbls, bufs):
                pltpu.make_async_copy(
                    tbl.at[:, pl.ds(0, 128)], buf.at[s], sem).wait()
            jr = lax.rem(j, CHUNK)
            for t, (r, buf) in enumerate(((ru, b0), (rm, b1),
                                          (ru, b2), (rm, b3))):
                lane = jnp.full((16,), lax.bitwise_and(r, 127), jnp.int32)
                for h in range(2):
                    vals = plsc.load_gather(buf.at[s], [cvecs[h], lane])
                    oc[jr, pl.ds(t * 32 + h * 16, 16)] = vals

        u0 = uv[pl.ds(0, 16)]
        m0 = mv[pl.ds(0, 16)]
        for q in range(KR):
            fire(q, u0[q], m0[q])

        def gstep(g):
            goff = g * 16
            uc = uv[pl.ds(goff, 16)]
            mc = mv[pl.ds(goff, 16)]
            nxt = lax.min(goff + 16, (ng - 1) * 16)
            un = uv[pl.ds(nxt, 16)]
            mn = mv[pl.ds(nxt, 16)]
            for q in range(16):
                j = goff + q
                s = lax.rem(j, KR)
                drain_extract(j, s, uc[q], mc[q])
                s2 = lax.rem(j + KR, KR)
                if q + KR < 16:
                    fire(s2, uc[q + KR], mc[q + KR])
                else:
                    @pl.when(g < ng - 1)
                    def _(q=q, s2=s2, un=un, mn=mn):
                        fire(s2, un[q + KR - 16], mn[q + KR - 16])
            @pl.when(lax.rem(g, CHUNK // 16) == CHUNK // 16 - 1)
            def _():
                start = base + lax.shift_left(
                    lax.shift_right_logical(goff, 7), 7)
                pltpu.sync_copy(
                    oc, out_h.at[pl.ds(pl.multiple_of(start, 128), CHUNK)])

        pl.loop(0, ng)(gstep)

    return k(user_idx, movie_idx, mfu_t, mfm_t, mlu_t, mlm_t)



def _mlp_body(g_r, w1a_r, w1b_r, b1_r, w2_r, b2_r, w3_r, b3_r,
              woa_r, wob_r, bo_r, out_r):
    g = g_r[...]
    mf = g[:, 0:32] * g[:, 32:64]
    u = g[:, 64:96]
    m = g[:, 96:128]
    h = u @ w1a_r[...] + m @ w1b_r[...] + b1_r[...]
    h = jnp.maximum(h, 0.0)
    h = jnp.maximum(h @ w2_r[...] + b2_r[...], 0.0)
    h = jnp.maximum(h @ w3_r[...] + b3_r[...], 0.0)
    logit = (jnp.sum(mf * woa_r[...], axis=1)
             + jnp.sum(h * wob_r[...], axis=1) + bo_r[...])
    out_r[...] = jax.nn.sigmoid(logit)


def _mlp(g, W1, b1, W2, b2, W3, b3, Wo, bo):
    nb = g.shape[0]
    blk = 2048
    grid = (nb // blk,)
    full = lambda s: pl.BlockSpec(s, lambda i: (0,) * len(s))
    w1a, w1b = W1[:D], W1[D:]
    woa, wob = Wo[:D, 0], Wo[D:, 0]
    return pl.pallas_call(
        _mlp_body,
        grid=grid,
        in_specs=[pl.BlockSpec((blk, 128), lambda i: (i, 0)),
                  full((D, 64)), full((D, 64)), full((64,)),
                  full((64, 32)), full((32,)),
                  full((32, 16)), full((16,)),
                  full((D,)), full((16,)), full((1,))],
        out_specs=pl.BlockSpec((blk,), lambda i: (i,)),
        out_shape=jax.ShapeDtypeStruct((nb,), jnp.float32),
        compiler_params=pltpu.CompilerParams(
            dimension_semantics=("arbitrary",)),
    )(g, w1a, w1b, b1, W2, b2, W3, b3, woa, wob, bo)


def kernel(user_idx, movie_idx, mf_user, mf_movie, mlp_user, mlp_movie,
           W1, b1, W2, b2, W3, b3, Wo, bo):
    g = _sc_gather(user_idx, movie_idx,
                   mf_user.T, mf_movie.T, mlp_user.T, mlp_movie.T)
    return _mlp(g, W1, b1, W2, b2, W3, b3, Wo, bo)

# --- scband reference (transcript-rebuilt; emitter-appended) ---
"""Pipeline reference for scband-ncf-46179488367164 (READ-ONLY COPY).

The authoritative reference and input builder live on the scoring server;
editing this copy changes nothing except your own understanding.
"""

import jax, jax.numpy as jnp
import numpy as np

N_USERS = 1000000
N_MOVIES = 1000000
EMB = 32
BATCH = 16384


def setup_inputs(seed: int = 0) -> dict:
    key = jax.random.key(seed)
    ks = jax.random.split(key, 14)
    user_idx = jax.random.randint(ks[0], (BATCH,), 0, N_USERS, dtype=jnp.int64 if jax.config.read('jax_enable_x64') else jnp.int32)
    movie_idx = jax.random.randint(ks[1], (BATCH,), 0, N_MOVIES, dtype=jnp.int64 if jax.config.read('jax_enable_x64') else jnp.int32)
    s = 0.05
    mf_user = jax.random.normal(ks[2], (N_USERS, EMB), dtype=jnp.float32) * s
    mf_movie = jax.random.normal(ks[3], (N_MOVIES, EMB), dtype=jnp.float32) * s
    mlp_user = jax.random.normal(ks[4], (N_USERS, EMB), dtype=jnp.float32) * s
    mlp_movie = jax.random.normal(ks[5], (N_MOVIES, EMB), dtype=jnp.float32) * s
    W1 = jax.random.normal(ks[6], (64, 64), dtype=jnp.float32) * (1.0 / np.sqrt(64))
    b1 = jnp.zeros((64,), dtype=jnp.float32)
    W2 = jax.random.normal(ks[7], (64, 32), dtype=jnp.float32) * (1.0 / np.sqrt(64))
    b2 = jnp.zeros((32,), dtype=jnp.float32)
    W3 = jax.random.normal(ks[8], (32, 16), dtype=jnp.float32) * (1.0 / np.sqrt(32))
    b3 = jnp.zeros((16,), dtype=jnp.float32)
    Wo = jax.random.normal(ks[9], (EMB + 16, 1), dtype=jnp.float32) * (1.0 / np.sqrt(EMB + 16))
    bo = jnp.zeros((1,), dtype=jnp.float32)
    return {
        'user_idx': user_idx, 'movie_idx': movie_idx,
        'mf_user': mf_user, 'mf_movie': mf_movie,
        'mlp_user': mlp_user, 'mlp_movie': mlp_movie,
        'W1': W1, 'b1': b1, 'W2': W2, 'b2': b2, 'W3': W3, 'b3': b3,
        'Wo': Wo, 'bo': bo,
    }


def reference(user_idx, movie_idx, mf_user, mf_movie, mlp_user, mlp_movie,
              W1, b1, W2, b2, W3, b3, Wo, bo):
    # embedding lookups (gather)
    mf = jnp.take(mf_user, user_idx, axis=0) * jnp.take(mf_movie, movie_idx, axis=0)
    mlp_in = jnp.concatenate([jnp.take(mlp_user, user_idx, axis=0),
                              jnp.take(mlp_movie, movie_idx, axis=0)], axis=-1)
    # MLP (dropout is identity in eval mode)
    h = jax.nn.relu(mlp_in @ W1 + b1)
    h = jax.nn.relu(h @ W2 + b2)
    h = jax.nn.relu(h @ W3 + b3)
    out = jnp.concatenate([mf, h], axis=-1) @ Wo + bo
    return jax.nn.sigmoid(out).squeeze(-1)

if __name__ == "__main__":
    import jax
    _d = setup_inputs()
    print(jax.jit(kernel)(*tuple(_d.values())))

</pallas_src>

<mosaic_0001>
#map = affine_map<(d0, d1) -> (0)>
#map1 = affine_map<(d0, d1) -> (0, 0)>
module attributes {stable_mosaic.version = 14 : i64} {
  func.func @k(%arg0: i32, %arg1: i32, %arg2: memref<16384xi32, #tpu.memory_space<hbm>>, %arg3: memref<16384xi32, #tpu.memory_space<hbm>>, %arg4: memref<32x1000000xf32, #tpu.memory_space<hbm>>, %arg5: memref<32x1000000xf32, #tpu.memory_space<hbm>>, %arg6: memref<32x1000000xf32, #tpu.memory_space<hbm>>, %arg7: memref<32x1000000xf32, #tpu.memory_space<hbm>>, %arg8: memref<16384x128xf32, #tpu.memory_space<hbm>>, %arg9: memref<512xi32, #tpu.memory_space<vmem>>, %arg10: memref<512xi32, #tpu.memory_space<vmem>>, %arg11: memref<4x32x128xf32, #tpu.memory_space<vmem>>, %arg12: memref<4x32x128xf32, #tpu.memory_space<vmem>>, %arg13: memref<4x32x128xf32, #tpu.memory_space<vmem>>, %arg14: memref<4x32x128xf32, #tpu.memory_space<vmem>>, %arg15: memref<128x128xf32, #tpu.memory_space<vmem>>, %arg16: memref<!tpu.dma_semaphore, #tpu.memory_space<semaphore_mem>>) attributes {dimension_semantics = [#tpu.dimension_semantics<core_parallel>, #tpu.dimension_semantics<subcore_parallel>], iteration_bounds = array<i64: 2, 16>, scalar_prefetch = 0 : i64, scratch_operands = 8 : i64, tpu.core_type = #tpu.core_type<sc_vector_subcore>, window_params = [{transform_indices = #map}, {transform_indices = #map}, {transform_indices = #map1}, {transform_indices = #map1}, {transform_indices = #map1}, {transform_indices = #map1}, {transform_indices = #map1}]} {
    %mul3A = arith.constant 2 : i32
    %mul3A_0 = arith.muli %arg1, %mul3A : i32
    %add3A = arith.addi %mul3A_0, %arg0 : i32
    %mul3A_1 = arith.constant 512 : i32
    %mul3A_2 = arith.muli %add3A, %mul3A_1 : i32
    "tpu.region"() ({
      %run_scoped3A = tpu.sem_alloc : memref<!tpu.dma_semaphore, #tpu.memory_space<semaphore_mem>>
      %dma_start3A_315 = tpu.memref_slice %arg2[%mul3A_2] : memref<16384xi32, #tpu.memory_space<hbm>> -> memref<512xi32, #tpu.memory_space<hbm>>
      %dma_start3A_316 = tpu.memref_slice %arg2[%mul3A_2] : memref<16384xi32, #tpu.memory_space<hbm>> -> memref<512xi32, #tpu.memory_space<hbm>>
      tpu.enqueue_dma source(%dma_start3A_316 : memref<512xi32, #tpu.memory_space<hbm>>) target(%arg9 : memref<512xi32, #tpu.memory_space<vmem>>) target_semaphore(%run_scoped3A : memref<!tpu.dma_semaphore, #tpu.memory_space<semaphore_mem>>)
      %dma_wait3A = tpu.memref_slice %arg2[%mul3A_2] : memref<16384xi32, #tpu.memory_space<hbm>> -> memref<512xi32, #tpu.memory_space<hbm>>
      %dma_wait3A_317 = tpu.memref_slice %arg2[%mul3A_2] : memref<16384xi32, #tpu.memory_space<hbm>> -> memref<512xi32, #tpu.memory_space<hbm>>
      tpu.wait_dma2 semaphore(%run_scoped3A : memref<!tpu.dma_semaphore, #tpu.memory_space<semaphore_mem>>) src(%dma_wait3A_317 : memref<512xi32, #tpu.memory_space<hbm>>) dst(%arg9 : memref<512xi32, #tpu.memory_space<vmem>>)
      tpu.yield
    }) : () -> ()
    "tpu.region"() ({
      %run_scoped3A = tpu.sem_alloc : memref<!tpu.dma_semaphore, #tpu.memory_space<semaphore_mem>>
      %dma_start3A_315 = tpu.memref_slice %arg3[%mul3A_2] : memref<16384xi32, #tpu.memory_space<hbm>> -> memref<512xi32, #tpu.memory_space<hbm>>
      %dma_start3A_316 = tpu.memref_slice %arg3[%mul3A_2] : memref<16384xi32, #tpu.memory_space<hbm>> -> memref<512xi32, #tpu.memory_space<hbm>>
      tpu.enqueue_dma source(%dma_start3A_316 : memref<512xi32, #tpu.memory_space<hbm>>) target(%arg10 : memref<512xi32, #tpu.memory_space<vmem>>) target_semaphore(%run_scoped3A : memref<!tpu.dma_semaphore, #tpu.memory_space<semaphore_mem>>)
      %dma_wait3A = tpu.memref_slice %arg3[%mul3A_2] : memref<16384xi32, #tpu.memory_space<hbm>> -> memref<512xi32, #tpu.memory_space<hbm>>
      %dma_wait3A_317 = tpu.memref_slice %arg3[%mul3A_2] : memref<16384xi32, #tpu.memory_space<hbm>> -> memref<512xi32, #tpu.memory_space<hbm>>
      tpu.wait_dma2 semaphore(%run_scoped3A : memref<!tpu.dma_semaphore, #tpu.memory_space<semaphore_mem>>) src(%dma_wait3A_317 : memref<512xi32, #tpu.memory_space<hbm>>) dst(%arg10 : memref<512xi32, #tpu.memory_space<vmem>>)
      tpu.yield
    }) : () -> ()
    %iota3A = tpu.iota {dimensions = array<i32: 0>} : vector<16xi32>
    %add3A_3 = arith.constant 0 : i32
    %add3A_4 = vector.broadcast %add3A_3 : i32 to vector<16xi32>
    %add3A_5 = arith.addi %iota3A, %add3A_4 : vector<16xi32>
    %iota3A_6 = tpu.iota {dimensions = array<i32: 0>} : vector<16xi32>
    %add3A_7 = arith.constant 16 : i32
    %add3A_8 = vector.broadcast %add3A_7 : i32 to vector<16xi32>
    %add3A_9 = arith.addi %iota3A_6, %add3A_8 : vector<16xi32>
    %get3A = arith.constant 0 : index
    %get3A_10 = tpu.vector_load %arg9[%get3A] {strides = array<i32>} : memref<512xi32, #tpu.memory_space<vmem>>, vector<16xi32>,
    %get3A_11 = arith.constant 0 : index
    %get3A_12 = tpu.vector_load %arg10[%get3A_11] {strides = array<i32>} : memref<512xi32, #tpu.memory_space<vmem>>, vector<16xi32>,
    %slice3A = vector.extract_strided_slice %get3A_10 {offsets = [0], sizes = [1], strides = [1]} : vector<16xi32> to vector<1xi32>
    %squeeze3A = vector.extract %slice3A[0] : i32 from vector<1xi32>
    %slice3A_13 = vector.extract_strided_slice %get3A_12 {offsets = [0], sizes = [1], strides = [1]} : vector<16xi32> to vector<1xi32>
    %squeeze3A_14 = vector.extract %slice3A_13[0] : i32 from vector<1xi32>
    %shift_right_logical3A = arith.constant 7 : i32
    %shift_right_logical3A_15 = arith.shrui %squeeze3A, %shift_right_logical3A : i32
    %shift_left3A = arith.constant 7 : i32
    %shift_left3A_16 = arith.shli %shift_right_logical3A_15, %shift_left3A : i32
    %multiple_of3A = tpu.assume_multiple %shift_left3A_16, 128 : i32
    %dma_start3A = arith.constant 0 : i32
    %dma_start3A_17 = arith.constant 0 : i32
    %dma_start3A_18 = arith.constant 0 : i32
    %dma_start3A_19 = tpu.memref_slice %arg11[%dma_start3A, %dma_start3A_17, %dma_start3A_18] : memref<4x32x128xf32, #tpu.memory_space<vmem>> -> memref<1x32x128xf32, #tpu.memory_space<vmem>>
    %dma_start3A_20 = tpu.memref_squeeze %dma_start3A_19 : memref<1x32x128xf32, #tpu.memory_space<vmem>> -> memref<32x128xf32, #tpu.memory_space<vmem>>
    %dma_start3A_21 = arith.constant 0 : i32
    %dma_start3A_22 = tpu.memref_slice %arg4[%dma_start3A_21, %multiple_of3A] : memref<32x1000000xf32, #tpu.memory_space<hbm>> -> memref<32x128xf32, #tpu.memory_space<hbm>>
    %dma_start3A_23 = arith.constant 0 : i32
    %dma_start3A_24 = arith.constant 0 : i32
    %dma_start3A_25 = tpu.memref_slice %arg11[%dma_start3A, %dma_start3A_23, %dma_start3A_24] : memref<4x32x128xf32, #tpu.memory_space<vmem>> -> memref<1x32x128xf32, #tpu.memory_space<vmem>>
    %dma_start3A_26 = tpu.memref_squeeze %dma_start3A_25 : memref<1x32x128xf32, #tpu.memory_space<vmem>> -> memref<32x128xf32, #tpu.memory_space<vmem>>
    %dma_start3A_27 = arith.constant 0 : i32
    %dma_start3A_28 = tpu.memref_slice %arg4[%dma_start3A_27, %multiple_of3A] : memref<32x1000000xf32, #tpu.memory_space<hbm>> -> memref<32x128xf32, #tpu.memory_space<hbm>>
    tpu.enqueue_dma source(%dma_start3A_28 : memref<32x128xf32, #tpu.memory_space<hbm>>) target(%dma_start3A_26 : memref<32x128xf32, #tpu.memory_space<vmem>>) target_semaphore(%arg16 : memref<!tpu.dma_semaphore, #tpu.memory_space<semaphore_mem>>)
    %shift_right_logical3A_29 = arith.constant 7 : i32
    %shift_right_logical3A_30 = arith.shrui %squeeze3A_14, %shift_right_logical3A_29 : i32
    %shift_left3A_31 = arith.constant 7 : i32
    %shift_left3A_32 = arith.shli %shift_right_logical3A_30, %shift_left3A_31 : i32
    %multiple_of3A_33 = tpu.assume_multiple %shift_left3A_32, 128 : i32
    %dma_start3A_34 = arith.constant 0 : i32
    %dma_start3A_35 = arith.constant 0 : i32
    %dma_start3A_36 = arith.constant 0 : i32
    %dma_start3A_37 = tpu.memref_slice %arg12[%dma_start3A_34, %dma_start3A_35, %dma_start3A_36] : memref<4x32x128xf32, #tpu.memory_space<vmem>> -> memref<1x32x128xf32, #tpu.memory_space<vmem>>
    %dma_start3A_38 = tpu.memref_squeeze %dma_start3A_37 : memref<1x32x128xf32, #tpu.memory_space<vmem>> -> memref<32x128xf32, #tpu.memory_space<vmem>>
    %dma_start3A_39 = arith.constant 0 : i32
    %dma_start3A_40 = tpu.memref_slice %arg5[%dma_start3A_39, %multiple_of3A_33] : memref<32x1000000xf32, #tpu.memory_space<hbm>> -> memref<32x128xf32, #tpu.memory_space<hbm>>
    %dma_start3A_41 = arith.constant 0 : i32
    %dma_start3A_42 = arith.constant 0 : i32
    %dma_start3A_43 = tpu.memref_slice %arg12[%dma_start3A_34, %dma_start3A_41, %dma_start3A_42] : memref<4x32x128xf32, #tpu.memory_space<vmem>> -> memref<1x32x128xf32, #tpu.memory_space<vmem>>
    %dma_start3A_44 = tpu.memref_squeeze %dma_start3A_43 : memref<1x32x128xf32, #tpu.memory_space<vmem>> -> memref<32x128xf32, #tpu.memory_space<vmem>>
    %dma_start3A_45 = arith.constant 0 : i32
    %dma_start3A_46 = tpu.memref_slice %arg5[%dma_start3A_45, %multiple_of3A_33] : memref<32x1000000xf32, #tpu.memory_space<hbm>> -> memref<32x128xf32, #tpu.memory_space<hbm>>
    tpu.enqueue_dma source(%dma_start3A_46 : memref<32x128xf32, #tpu.memory_space<hbm>>) target(%dma_start3A_44 : memref<32x128xf32, #tpu.memory_space<vmem>>) target_semaphore(%arg16 : memref<!tpu.dma_semaphore, #tpu.memory_space<semaphore_mem>>)
    %shift_right_logical3A_47 = arith.constant 7 : i32
    %shift_right_logical3A_48 = arith.shrui %squeeze3A, %shift_right_logical3A_47 : i32
    %shift_left3A_49 = arith.constant 7 : i32
    %shift_left3A_50 = arith.shli %shift_right_logical3A_48, %shift_left3A_49 : i32
    %multiple_of3A_51 = tpu.assume_multiple %shift_left3A_50, 128 : i32
    %dma_start3A_52 = arith.constant 0 : i32
    %dma_start3A_53 = arith.constant 0 : i32
    %dma_start3A_54 = arith.constant 0 : i32
    %dma_start3A_55 = tpu.memref_slice %arg13[%dma_start3A_52, %dma_start3A_53, %dma_start3A_54] : memref<4x32x128xf32, #tpu.memory_space<vmem>> -> memref<1x32x128xf32, #tpu.memory_space<vmem>>
    %dma_start3A_56 = tpu.memref_squeeze %dma_start3A_55 : memref<1x32x128xf32, #tpu.memory_space<vmem>> -> memref<32x128xf32, #tpu.memory_space<vmem>>
    %dma_start3A_57 = arith.constant 0 : i32
    %dma_start3A_58 = tpu.memref_slice %arg6[%dma_start3A_57, %multiple_of3A_51] : memref<32x1000000xf32, #tpu.memory_space<hbm>> -> memref<32x128xf32, #tpu.memory_space<hbm>>
    %dma_start3A_59 = arith.constant 0 : i32
    %dma_start3A_60 = arith.constant 0 : i32
    %dma_start3A_61 = tpu.memref_slice %arg13[%dma_start3A_52, %dma_start3A_59, %dma_start3A_60] : memref<4x32x128xf32, #tpu.memory_space<vmem>> -> memref<1x32x128xf32, #tpu.memory_space<vmem>>
    %dma_start3A_62 = tpu.memref_squeeze %dma_start3A_61 : memref<1x32x128xf32, #tpu.memory_space<vmem>> -> memref<32x128xf32, #tpu.memory_space<vmem>>
    %dma_start3A_63 = arith.constant 0 : i32
    %dma_start3A_64 = tpu.memref_slice %arg6[%dma_start3A_63, %multiple_of3A_51] : memref<32x1000000xf32, #tpu.memory_space<hbm>> -> memref<32x128xf32, #tpu.memory_space<hbm>>
    tpu.enqueue_dma source(%dma_start3A_64 : memref<32x128xf32, #tpu.memory_space<hbm>>) target(%dma_start3A_62 : memref<32x128xf32, #tpu.memory_space<vmem>>) target_semaphore(%arg16 : memref<!tpu.dma_semaphore, #tpu.memory_space<semaphore_mem>>)
    %shift_right_logical3A_65 = arith.constant 7 : i32
    %shift_right_logical3A_66 = arith.shrui %squeeze3A_14, %shift_right_logical3A_65 : i32
    %shift_left3A_67 = arith.constant 7 : i32
    %shift_left3A_68 = arith.shli %shift_right_logical3A_66, %shift_left3A_67 : i32
    %multiple_of3A_69 = tpu.assume_multiple %shift_left3A_68, 128 : i32
    %dma_start3A_70 = arith.constant 0 : i32
    %dma_start3A_71 = arith.constant 0 : i32
    %dma_start3A_72 = arith.constant 0 : i32
    %dma_start3A_73 = tpu.memref_slice %arg14[%dma_start3A_70, %dma_start3A_71, %dma_start3A_72] : memref<4x32x128xf32, #tpu.memory_space<vmem>> -> memref<1x32x128xf32, #tpu.memory_space<vmem>>
    %dma_start3A_74 = tpu.memref_squeeze %dma_start3A_73 : memref<1x32x128xf32, #tpu.memory_space<vmem>> -> memref<32x128xf32, #tpu.memory_space<vmem>>
    %dma_start3A_75 = arith.constant 0 : i32
    %dma_start3A_76 = tpu.memref_slice %arg7[%dma_start3A_75, %multiple_of3A_69] : memref<32x1000000xf32, #tpu.memory_space<hbm>> -> memref<32x128xf32, #tpu.memory_space<hbm>>
    %dma_start3A_77 = arith.constant 0 : i32
    %dma_start3A_78 = arith.constant 0 : i32
    %dma_start3A_79 = tpu.memref_slice %arg14[%dma_start3A_70, %dma_start3A_77, %dma_start3A_78] : memref<4x32x128xf32, #tpu.memory_space<vmem>> -> memref<1x32x128xf32, #tpu.memory_space<vmem>>
    %dma_start3A_80 = tpu.memref_squeeze %dma_start3A_79 : memref<1x32x128xf32, #tpu.memory_space<vmem>> -> memref<32x128xf32, #tpu.memory_space<vmem>>
    %dma_start3A_81 = arith.constant 0 : i32
    %dma_start3A_82 = tpu.memref_slice %arg7[%dma_start3A_81, %multiple_of3A_69] : memref<32x1000000xf32, #tpu.memory_space<hbm>> -> memref<32x128xf32, #tpu.memory_space<hbm>>
    tpu.enqueue_dma source(%dma_start3A_82 : memref<32x128xf32, #tpu.memory_space<hbm>>) target(%dma_start3A_80 : memref<32x128xf32, #tpu.memory_space<vmem>>) target_semaphore(%arg16 : memref<!tpu.dma_semaphore, #tpu.memory_space<semaphore_mem>>)
    %slice3A_83 = vector.extract_strided_slice %get3A_10 {offsets = [1], sizes = [1], strides = [1]} : vector<16xi32> to vector<1xi32>
    %squeeze3A_84 = vector.extract %slice3A_83[0] : i32 from vector<1xi32>
    %slice3A_85 = vector.extract_strided_slice %get3A_12 {offsets = [1], sizes = [1], strides = [1]} : vector<16xi32> to vector<1xi32>
    %squeeze3A_86 = vector.extract %slice3A_85[0] : i32 from vector<1xi32>
    %shift_right_logical3A_87 = arith.constant 7 : i32
    %shift_right_logical3A_88 = arith.shrui %squeeze3A_84, %shift_right_logical3A_87 : i32
    %shift_left3A_89 = arith.constant 7 : i32
    %shift_left3A_90 = arith.shli %shift_right_logical3A_88, %shift_left3A_89 : i32
    %multiple_of3A_91 = tpu.assume_multiple %shift_left3A_90, 128 : i32
    %dma_start3A_92 = arith.constant 1 : i32
    %dma_start3A_93 = arith.constant 0 : i32
    %dma_start3A_94 = arith.constant 0 : i32
    %dma_start3A_95 = tpu.memref_slice %arg11[%dma_start3A_92, %dma_start3A_93, %dma_start3A_94] : memref<4x32x128xf32, #tpu.memory_space<vmem>> -> memref<1x32x128xf32, #tpu.memory_space<vmem>>
    %dma_start3A_96 = tpu.memref_squeeze %dma_start3A_95 : memref<1x32x128xf32, #tpu.memory_space<vmem>> -> memref<32x128xf32, #tpu.memory_space<vmem>>
    %dma_start3A_97 = arith.constant 0 : i32
    %dma_start3A_98 = tpu.memref_slice %arg4[%dma_start3A_97, %multiple_of3A_91] : memref<32x1000000xf32, #tpu.memory_space<hbm>> -> memref<32x128xf32, #tpu.memory_space<hbm>>
    %dma_start3A_99 = arith.constant 0 : i32
    %dma_start3A_100 = arith.constant 0 : i32
    %dma_start3A_101 = tpu.memref_slice %arg11[%dma_start3A_92, %dma_start3A_99, %dma_start3A_100] : memref<4x32x128xf32, #tpu.memory_space<vmem>> -> memref<1x32x128xf32, #tpu.memory_space<vmem>>
    %dma_start3A_102 = tpu.memref_squeeze %dma_start3A_101 : memref<1x32x128xf32, #tpu.memory_space<vmem>> -> memref<32x128xf32, #tpu.memory_space<vmem>>
    %dma_start3A_103 = arith.constant 0 : i32
    %dma_start3A_104 = tpu.memref_slice %arg4[%dma_start3A_103, %multiple_of3A_91] : memref<32x1000000xf32, #tpu.memory_space<hbm>> -> memref<32x128xf32, #tpu.memory_space<hbm>>
    tpu.enqueue_dma source(%dma_start3A_104 : memref<32x128xf32, #tpu.memory_space<hbm>>) target(%dma_start3A_102 : memref<32x128xf32, #tpu.memory_space<vmem>>) target_semaphore(%arg16 : memref<!tpu.dma_semaphore, #tpu.memory_space<semaphore_mem>>)
    %shift_right_logical3A_105 = arith.constant 7 : i32
    %shift_right_logical3A_106 = arith.shrui %squeeze3A_86, %shift_right_logical3A_105 : i32
    %shift_left3A_107 = arith.constant 7 : i32
    %shift_left3A_108 = arith.shli %shift_right_logical3A_106, %shift_left3A_107 : i32
    %multiple_of3A_109 = tpu.assume_multiple %shift_left3A_108, 128 : i32
    %dma_start3A_110 = arith.constant 1 : i32
    %dma_start3A_111 = arith.constant 0 : i32
    %dma_start3A_112 = arith.constant 0 : i32
    %dma_start3A_113 = tpu.memref_slice %arg12[%dma_start3A_110, %dma_start3A_111, %dma_start3A_112] : memref<4x32x128xf32, #tpu.memory_space<vmem>> -> memref<1x32x128xf32, #tpu.memory_space<vmem>>
    %dma_start3A_114 = tpu.memref_squeeze %dma_start3A_113 : memref<1x32x128xf32, #tpu.memory_space<vmem>> -> memref<32x128xf32, #tpu.memory_space<vmem>>
    %dma_start3A_115 = arith.constant 0 : i32
    %dma_start3A_116 = tpu.memref_slice %arg5[%dma_start3A_115, %multiple_of3A_109] : memref<32x1000000xf32, #tpu.memory_space<hbm>> -> memref<32x128xf32, #tpu.memory_space<hbm>>
    %dma_start3A_117 = arith.constant 0 : i32
    %dma_start3A_118 = arith.constant 0 : i32
    %dma_start3A_119 = tpu.memref_slice %arg12[%dma_start3A_110, %dma_start3A_117, %dma_start3A_118] : memref<4x32x128xf32, #tpu.memory_space<vmem>> -> memref<1x32x128xf32, #tpu.memory_space<vmem>>
    %dma_start3A_120 = tpu.memref_squeeze %dma_start3A_119 : memref<1x32x128xf32, #tpu.memory_space<vmem>> -> memref<32x128xf32, #tpu.memory_space<vmem>>
    %dma_start3A_121 = arith.constant 0 : i32
    %dma_start3A_122 = tpu.memref_slice %arg5[%dma_start3A_121, %multiple_of3A_109] : memref<32x1000000xf32, #tpu.memory_space<hbm>> -> memref<32x128xf32, #tpu.memory_space<hbm>>
    tpu.enqueue_dma source(%dma_start3A_122 : memref<32x128xf32, #tpu.memory_space<hbm>>) target(%dma_start3A_120 : memref<32x128xf32, #tpu.memory_space<vmem>>) target_semaphore(%arg16 : memref<!tpu.dma_semaphore, #tpu.memory_space<semaphore_mem>>)
    %shift_right_logical3A_123 = arith.constant 7 : i32
    %shift_right_logical3A_124 = arith.shrui %squeeze3A_84, %shift_right_logical3A_123 : i32
    %shift_left3A_125 = arith.constant 7 : i32
    %shift_left3A_126 = arith.shli %shift_right_logical3A_124, %shift_left3A_125 : i32
    %multiple_of3A_127 = tpu.assume_multiple %shift_left3A_126, 128 : i32
    %dma_start3A_128 = arith.constant 1 : i32
    %dma_start3A_129 = arith.constant 0 : i32
    %dma_start3A_130 = arith.constant 0 : i32
    %dma_start3A_131 = tpu.memref_slice %arg13[%dma_start3A_128, %dma_start3A_129, %dma_start3A_130] : memref<4x32x128xf32, #tpu.memory_space<vmem>> -> memref<1x32x128xf32, #tpu.memory_space<vmem>>
    %dma_start3A_132 = tpu.memref_squeeze %dma_start3A_131 : memref<1x32x128xf32, #tpu.memory_space<vmem>> -> memref<32x128xf32, #tpu.memory_space<vmem>>
    %dma_start3A_133 = arith.constant 0 : i32
    %dma_start3A_134 = tpu.memref_slice %arg6[%dma_start3A_133, %multiple_of3A_127] : memref<32x1000000xf32, #tpu.memory_space<hbm>> -> memref<32x128xf32, #tpu.memory_space<hbm>>
    %dma_start3A_135 = arith.constant 0 : i32
    %dma_start3A_136 = arith.constant 0 : i32
    %dma_start3A_137 = tpu.memref_slice %arg13[%dma_start3A_128, %dma_start3A_135, %dma_start3A_136] : memref<4x32x128xf32, #tpu.memory_space<vmem>> -> memref<1x32x128xf32, #tpu.memory_space<vmem>>
    %dma_start3A_138 = tpu.memref_squeeze %dma_start3A_137 : memref<1x32x128xf32, #tpu.memory_space<vmem>> -> memref<32x128xf32, #tpu.memory_space<vmem>>
    %dma_start3A_139 = arith.constant 0 : i32
    %dma_start3A_140 = tpu.memref_slice %arg6[%dma_start3A_139, %multiple_of3A_127] : memref<32x1000000xf32, #tpu.memory_space<hbm>> -> memref<32x128xf32, #tpu.memory_space<hbm>>
    tpu.enqueue_dma source(%dma_start3A_140 : memref<32x128xf32, #tpu.memory_space<hbm>>) target(%dma_start3A_138 : memref<32x128xf32, #tpu.memory_space<vmem>>) target_semaphore(%arg16 : memref<!tpu.dma_semaphore, #tpu.memory_space<semaphore_mem>>)
    %shift_right_logical3A_141 = arith.constant 7 : i32
    %shift_right_logical3A_142 = arith.shrui %squeeze3A_86, %shift_right_logical3A_141 : i32
    %shift_left3A_143 = arith.constant 7 : i32
    %shift_left3A_144 = arith.shli %shift_right_logical3A_142, %shift_left3A_143 : i32
    %multiple_of3A_145 = tpu.assume_multiple %shift_left3A_144, 128 : i32
    %dma_start3A_146 = arith.constant 1 : i32
    %dma_start3A_147 = arith.constant 0 : i32
    %dma_start3A_148 = arith.constant 0 : i32
    %dma_start3A_149 = tpu.memref_slice %arg14[%dma_start3A_146, %dma_start3A_147, %dma_start3A_148] : memref<4x32x128xf32, #tpu.memory_space<vmem>> -> memref<1x32x128xf32, #tpu.memory_space<vmem>>
    %dma_start3A_150 = tpu.memref_squeeze %dma_start3A_149 : memref<1x32x128xf32, #tpu.memory_space<vmem>> -> memref<32x128xf32, #tpu.memory_space<vmem>>
    %dma_start3A_151 = arith.constant 0 : i32
    %dma_start3A_152 = tpu.memref_slice %arg7[%dma_start3A_151, %multiple_of3A_145] : memref<32x1000000xf32, #tpu.memory_space<hbm>> -> memref<32x128xf32, #tpu.memory_space<hbm>>
    %dma_start3A_153 = arith.constant 0 : i32
    %dma_start3A_154 = arith.constant 0 : i32
    %dma_start3A_155 = tpu.memref_slice %arg14[%dma_start3A_146, %dma_start3A_153, %dma_start3A_154] : memref<4x32x128xf32, #tpu.memory_space<vmem>> -> memref<1x32x128xf32, #tpu.memory_space<vmem>>
    %dma_start3A_156 = tpu.memref_squeeze %dma_start3A_155 : memref<1x32x128xf32, #tpu.memory_space<vmem>> -> memref<32x128xf32, #tpu.memory_space<vmem>>
    %dma_start3A_157 = arith.constant 0 : i32
    %dma_start3A_158 = tpu.memref_slice %arg7[%dma_start3A_157, %multiple_of3A_145] : memref<32x1000000xf32, #tpu.memory_space<hbm>> -> memref<32x128xf32, #tpu.memory_space<hbm>>
    tpu.enqueue_dma source(%dma_start3A_158 : memref<32x128xf32, #tpu.memory_space<hbm>>) target(%dma_start3A_156 : memref<32x128xf32, #tpu.memory_space<vmem>>) target_semaphore(%arg16 : memref<!tpu.dma_semaphore, #tpu.memory_space<semaphore_mem>>)
    %slice3A_159 = vector.extract_strided_slice %get3A_10 {offsets = [2], sizes = [1], strides = [1]} : vector<16xi32> to vector<1xi32>
    %squeeze3A_160 = vector.extract %slice3A_159[0] : i32 from vector<1xi32>
    %slice3A_161 = vector.extract_strided_slice %get3A_12 {offsets = [2], sizes = [1], strides = [1]} : vector<16xi32> to vector<1xi32>
    %squeeze3A_162 = vector.extract %slice3A_161[0] : i32 from vector<1xi32>
    %shift_right_logical3A_163 = arith.constant 7 : i32
    %shift_right_logical3A_164 = arith.shrui %squeeze3A_160, %shift_right_logical3A_163 : i32
    %shift_left3A_165 = arith.constant 7 : i32
    %shift_left3A_166 = arith.shli %shift_right_logical3A_164, %shift_left3A_165 : i32
    %multiple_of3A_167 = tpu.assume_multiple %shift_left3A_166, 128 : i32
    %dma_start3A_168 = arith.constant 2 : i32
    %dma_start3A_169 = arith.constant 0 : i32
    %dma_start3A_170 = arith.constant 0 : i32
    %dma_start3A_171 = tpu.memref_slice %arg11[%dma_start3A_168, %dma_start3A_169, %dma_start3A_170] : memref<4x32x128xf32, #tpu.memory_space<vmem>> -> memref<1x32x128xf32, #tpu.memory_space<vmem>>
    %dma_start3A_172 = tpu.memref_squeeze %dma_start3A_171 : memref<1x32x128xf32, #tpu.memory_space<vmem>> -> memref<32x128xf32, #tpu.memory_space<vmem>>
    %dma_start3A_173 = arith.constant 0 : i32
    %dma_start3A_174 = tpu.memref_slice %arg4[%dma_start3A_173, %multiple_of3A_167] : memref<32x1000000xf32, #tpu.memory_space<hbm>> -> memref<32x128xf32, #tpu.memory_space<hbm>>
    %dma_start3A_175 = arith.constant 0 : i32
    %dma_start3A_176 = arith.constant 0 : i32
    %dma_start3A_177 = tpu.memref_slice %arg11[%dma_start3A_168, %dma_start3A_175, %dma_start3A_176] : memref<4x32x128xf32, #tpu.memory_space<vmem>> -> memref<1x32x128xf32, #tpu.memory_space<vmem>>
    %dma_start3A_178 = tpu.memref_squeeze %dma_start3A_177 : memref<1x32x128xf32, #tpu.memory_space<vmem>> -> memref<32x128xf32, #tpu.memory_space<vmem>>
    %dma_start3A_179 = arith.constant 0 : i32
    %dma_start3A_180 = tpu.memref_slice %arg4[%dma_start3A_179, %multiple_of3A_167] : memref<32x1000000xf32, #tpu.memory_space<hbm>> -> memref<32x128xf32, #tpu.memory_space<hbm>>
    tpu.enqueue_dma source(%dma_start3A_180 : memref<32x128xf32, #tpu.memory_space<hbm>>) target(%dma_start3A_178 : memref<32x128xf32, #tpu.memory_space<vmem>>) target_semaphore(%arg16 : memref<!tpu.dma_semaphore, #tpu.memory_space<semaphore_mem>>)
    %shift_right_logical3A_181 = arith.constant 7 : i32
    %shift_right_logical3A_182 = arith.shrui %squeeze3A_162, %shift_right_logical3A_181 : i32
    %shift_left3A_183 = arith.constant 7 : i32
    %shift_left3A_184 = arith.shli %shift_right_logical3A_182, %shift_left3A_183 : i32
    %multiple_of3A_185 = tpu.assume_multiple %shift_left3A_184, 128 : i32
    %dma_start3A_186 = arith.constant 2 : i32
    %dma_start3A_187 = arith.constant 0 : i32
    %dma_start3A_188 = arith.constant 0 : i32
    %dma_start3A_189 = tpu.memref_slice %arg12[%dma_start3A_186, %dma_start3A_187, %dma_start3A_188] : memref<4x32x128xf32, #tpu.memory_space<vmem>> -> memref<1x32x128xf32, #tpu.memory_space<vmem>>
    %dma_start3A_190 = tpu.memref_squeeze %dma_start3A_189 : memref<1x32x128xf32, #tpu.memory_space<vmem>> -> memref<32x128xf32, #tpu.memory_space<vmem>>
    %dma_start3A_191 = arith.constant 0 : i32
    %dma_start3A_192 = tpu.memref_slice %arg5[%dma_start3A_191, %multiple_of3A_185] : memref<32x1000000xf32, #tpu.memory_space<hbm>> -> memref<32x128xf32, #tpu.memory_space<hbm>>
    %dma_start3A_193 = arith.constant 0 : i32
    %dma_start3A_194 = arith.constant 0 : i32
    %dma_start3A_195 = tpu.memref_slice %arg12[%dma_start3A_186, %dma_start3A_193, %dma_start3A_194] : memref<4x32x128xf32, #tpu.memory_space<vmem>> -> memref<1x32x128xf32, #tpu.memory_space<vmem>>
    %dma_start3A_196 = tpu.memref_squeeze %dma_start3A_195 : memref<1x32x128xf32, #tpu.memory_space<vmem>> -> memref<32x128xf32, #tpu.memory_space<vmem>>
    %dma_start3A_197 = arith.constant 0 : i32
    %dma_start3A_198 = tpu.memref_slice %arg5[%dma_start3A_197, %multiple_of3A_185] : memref<32x1000000xf32, #tpu.memory_space<hbm>> -> memref<32x128xf32, #tpu.memory_space<hbm>>
    tpu.enqueue_dma source(%dma_start3A_198 : memref<32x128xf32, #tpu.memory_space<hbm>>) target(%dma_start3A_196 : memref<32x128xf32, #tpu.memory_space<vmem>>) target_semaphore(%arg16 : memref<!tpu.dma_semaphore, #tpu.memory_space<semaphore_mem>>)
    %shift_right_logical3A_199 = arith.constant 7 : i32
    %shift_right_logical3A_200 = arith.shrui %squeeze3A_160, %shift_right_logical3A_199 : i32
    %shift_left3A_201 = arith.constant 7 : i32
    %shift_left3A_202 = arith.shli %shift_right_logical3A_200, %shift_left3A_201 : i32
    %multiple_of3A_203 = tpu.assume_multiple %shift_left3A_202, 128 : i32
    %dma_start3A_204 = arith.constant 2 : i32
    %dma_start3A_205 = arith.constant 0 : i32
    %dma_start3A_206 = arith.constant 0 : i32
    %dma_start3A_207 = tpu.memref_slice %arg13[%dma_start3A_204, %dma_start3A_205, %dma_start3A_206] : memref<4x32x128xf32, #tpu.memory_space<vmem>> -> memref<1x32x128xf32, #tpu.memory_space<vmem>>
    %dma_start3A_208 = tpu.memref_squeeze %dma_start3A_207 : memref<1x32x128xf32, #tpu.memory_space<vmem>> -> memref<32x128xf32, #tpu.memory_space<vmem>>
    %dma_start3A_209 = arith.constant 0 : i32
    %dma_start3A_210 = tpu.memref_slice %arg6[%dma_start3A_209, %multiple_of3A_203] : memref<32x1000000xf32, #tpu.memory_space<hbm>> -> memref<32x128xf32, #tpu.memory_space<hbm>>
    %dma_start3A_211 = arith.constant 0 : i32
    %dma_start3A_212 = arith.constant 0 : i32
    %dma_start3A_213 = tpu.memref_slice %arg13[%dma_start3A_204, %dma_start3A_211, %dma_start3A_212] : memref<4x32x128xf32, #tpu.memory_space<vmem>> -> memref<1x32x128xf32, #tpu.memory_space<vmem>>
    %dma_start3A_214 = tpu.memref_squeeze %dma_start3A_213 : memref<1x32x128xf32, #tpu.memory_space<vmem>> -> memref<32x128xf32, #tpu.memory_space<vmem>>
    %dma_start3A_215 = arith.constant 0 : i32
    %dma_start3A_216 = tpu.memref_slice %arg6[%dma_start3A_215, %multiple_of3A_203] : memref<32x1000000xf32, #tpu.memory_space<hbm>> -> memref<32x128xf32, #tpu.memory_space<hbm>>
    tpu.enqueue_dma source(%dma_start3A_216 : memref<32x128xf32, #tpu.memory_space<hbm>>) target(%dma_start3A_214 : memref<32x128xf32, #tpu.memory_space<vmem>>) target_semaphore(%arg16 : memref<!tpu.dma_semaphore, #tpu.memory_space<semaphore_mem>>)
    %shift_right_logical3A_217 = arith.constant 7 : i32
    %shift_right_logical3A_218 = arith.shrui %squeeze3A_162, %shift_right_logical3A_217 : i32
    %shift_left3A_219 = arith.constant 7 : i32
    %shift_left3A_220 = arith.shli %shift_right_logical3A_218, %shift_left3A_219 : i32
    %multiple_of3A_221 = tpu.assume_multiple %shift_left3A_220, 128 : i32
    %dma_start3A_222 = arith.constant 2 : i32
    %dma_start3A_223 = arith.constant 0 : i32
    %dma_start3A_224 = arith.constant 0 : i32
    %dma_start3A_225 = tpu.memref_slice %arg14[%dma_start3A_222, %dma_start3A_223, %dma_start3A_224] : memref<4x32x128xf32, #tpu.memory_space<vmem>> -> memref<1x32x128xf32, #tpu.memory_space<vmem>>
    %dma_start3A_226 = tpu.memref_squeeze %dma_start3A_225 : memref<1x32x128xf32, #tpu.memory_space<vmem>> -> memref<32x128xf32, #tpu.memory_space<vmem>>
    %dma_start3A_227 = arith.constant 0 : i32
    %dma_start3A_228 = tpu.memref_slice %arg7[%dma_start3A_227, %multiple_of3A_221] : memref<32x1000000xf32, #tpu.memory_space<hbm>> -> memref<32x128xf32, #tpu.memory_space<hbm>>
    %dma_start3A_229 = arith.constant 0 : i32
    %dma_start3A_230 = arith.constant 0 : i32
    %dma_start3A_231 = tpu.memref_slice %arg14[%dma_start3A_222, %dma_start3A_229, %dma_start3A_230] : memref<4x32x128xf32, #tpu.memory_space<vmem>> -> memref<1x32x128xf32, #tpu.memory_space<vmem>>
    %dma_start3A_232 = tpu.memref_squeeze %dma_start3A_231 : memref<1x32x128xf32, #tpu.memory_space<vmem>> -> memref<32x128xf32, #tpu.memory_space<vmem>>
    %dma_start3A_233 = arith.constant 0 : i32
    %dma_start3A_234 = tpu.memref_slice %arg7[%dma_start3A_233, %multiple_of3A_221] : memref<32x1000000xf32, #tpu.memory_space<hbm>> -> memref<32x128xf32, #tpu.memory_space<hbm>>
    tpu.enqueue_dma source(%dma_start3A_234 : memref<32x128xf32, #tpu.memory_space<hbm>>) target(%dma_start3A_232 : memref<32x128xf32, #tpu.memory_space<vmem>>) target_semaphore(%arg16 : memref<!tpu.dma_semaphore, #tpu.memory_space<semaphore_mem>>)
    %slice3A_235 = vector.extract_strided_slice %get3A_10 {offsets = [3], sizes = [1], strides = [1]} : vector<16xi32> to vector<1xi32>
    %squeeze3A_236 = vector.extract %slice3A_235[0] : i32 from vector<1xi32>
    %slice3A_237 = vector.extract_strided_slice %get3A_12 {offsets = [3], sizes = [1], strides = [1]} : vector<16xi32> to vector<1xi32>
    %squeeze3A_238 = vector.extract %slice3A_237[0] : i32 from vector<1xi32>
    %shift_right_logical3A_239 = arith.constant 7 : i32
    %shift_right_logical3A_240 = arith.shrui %squeeze3A_236, %shift_right_logical3A_239 : i32
    %shift_left3A_241 = arith.constant 7 : i32
    %shift_left3A_242 = arith.shli %shift_right_logical3A_240, %shift_left3A_241 : i32
    %multiple_of3A_243 = tpu.assume_multiple %shift_left3A_242, 128 : i32
    %dma_start3A_244 = arith.constant 3 : i32
    %dma_start3A_245 = arith.constant 0 : i32
    %dma_start3A_246 = arith.constant 0 : i32
    %dma_start3A_247 = tpu.memref_slice %arg11[%dma_start3A_244, %dma_start3A_245, %dma_start3A_246] : memref<4x32x128xf32, #tpu.memory_space<vmem>> -> memref<1x32x128xf32, #tpu.memory_space<vmem>>
    %dma_start3A_248 = tpu.memref_squeeze %dma_start3A_247 : memref<1x32x128xf32, #tpu.memory_space<vmem>> -> memref<32x128xf32, #tpu.memory_space<vmem>>
    %dma_start3A_249 = arith.constant 0 : i32
    %dma_start3A_250 = tpu.memref_slice %arg4[%dma_start3A_249, %multiple_of3A_243] : memref<32x1000000xf32, #tpu.memory_space<hbm>> -> memref<32x128xf32, #tpu.memory_space<hbm>>
    %dma_start3A_251 = arith.constant 0 : i32
    %dma_start3A_252 = arith.constant 0 : i32
    %dma_start3A_253 = tpu.memref_slice %arg11[%dma_start3A_244, %dma_start3A_251, %dma_start3A_252] : memref<4x32x128xf32, #tpu.memory_space<vmem>> -> memref<1x32x128xf32, #tpu.memory_space<vmem>>
    %dma_start3A_254 = tpu.memref_squeeze %dma_start3A_253 : memref<1x32x128xf32, #tpu.memory_space<vmem>> -> memref<32x128xf32, #tpu.memory_space<vmem>>
    %dma_start3A_255 = arith.constant 0 : i32
    %dma_start3A_256 = tpu.memref_slice %arg4[%dma_start3A_255, %multiple_of3A_243] : memref<32x1000000xf32, #tpu.memory_space<hbm>> -> memref<32x128xf32, #tpu.memory_space<hbm>>
    tpu.enqueue_dma source(%dma_start3A_256 : memref<32x128xf32, #tpu.memory_space<hbm>>) target(%dma_start3A_254 : memref<32x128xf32, #tpu.memory_space<vmem>>) target_semaphore(%arg16 : memref<!tpu.dma_semaphore, #tpu.memory_space<semaphore_mem>>)
    %shift_right_logical3A_257 = arith.constant 7 : i32
    %shift_right_logical3A_258 = arith.shrui %squeeze3A_238, %shift_right_logical3A_257 : i32
    %shift_left3A_259 = arith.constant 7 : i32
    %shift_left3A_260 = arith.shli %shift_right_logical3A_258, %shift_left3A_259 : i32
    %multiple_of3A_261 = tpu.assume_multiple %shift_left3A_260, 128 : i32
    %dma_start3A_262 = arith.constant 3 : i32
    %dma_start3A_263 = arith.constant 0 : i32
    %dma_start3A_264 = arith.constant 0 : i32
    %dma_start3A_265 = tpu.memref_slice %arg12[%dma_start3A_262, %dma_start3A_263, %dma_start3A_264] : memref<4x32x128xf32, #tpu.memory_space<vmem>> -> memref<1x32x128xf32, #tpu.memory_space<vmem>>
    %dma_start3A_266 = tpu.memref_squeeze %dma_start3A_265 : memref<1x32x128xf32, #tpu.memory_space<vmem>> -> memref<32x128xf32, #tpu.memory_space<vmem>>
    %dma_start3A_267 = arith.constant 0 : i32
    %dma_start3A_268 = tpu.memref_slice %arg5[%dma_start3A_267, %multiple_of3A_261] : memref<32x1000000xf32, #tpu.memory_space<hbm>> -> memref<32x128xf32, #tpu.memory_space<hbm>>
    %dma_start3A_269 = arith.constant 0 : i32
    %dma_start3A_270 = arith.constant 0 : i32
    %dma_start3A_271 = tpu.memref_slice %arg12[%dma_start3A_262, %dma_start3A_269, %dma_start3A_270] : memref<4x32x128xf32, #tpu.memory_space<vmem>> -> memref<1x32x128xf32, #tpu.memory_space<vmem>>
    %dma_start3A_272 = tpu.memref_squeeze %dma_start3A_271 : memref<1x32x128xf32, #tpu.memory_space<vmem>> -> memref<32x128xf32, #tpu.memory_space<vmem>>
    %dma_start3A_273 = arith.constant 0 : i32
    %dma_start3A_274 = tpu.memref_slice %arg5[%dma_start3A_273, %multiple_of3A_261] : memref<32x1000000xf32, #tpu.memory_space<hbm>> -> memref<32x128xf32, #tpu.memory_space<hbm>>
    tpu.enqueue_dma source(%dma_start3A_274 : memref<32x128xf32, #tpu.memory_space<hbm>>) target(%dma_start3A_272 : memref<32x128xf32, #tpu.memory_space<vmem>>) target_semaphore(%arg16 : memref<!tpu.dma_semaphore, #tpu.memory_space<semaphore_mem>>)
    %shift_right_logical3A_275 = arith.constant 7 : i32
    %shift_right_logical3A_276 = arith.shrui %squeeze3A_236, %shift_right_logical3A_275 : i32
    %shift_left3A_277 = arith.constant 7 : i32
    %shift_left3A_278 = arith.shli %shift_right_logical3A_276, %shift_left3A_277 : i32
    %multiple_of3A_279 = tpu.assume_multiple %shift_left3A_278, 128 : i32
    %dma_start3A_280 = arith.constant 3 : i32
    %dma_start3A_281 = arith.constant 0 : i32
    %dma_start3A_282 = arith.constant 0 : i32
    %dma_start3A_283 = tpu.memref_slice %arg13[%dma_start3A_280, %dma_start3A_281, %dma_start3A_282] : memref<4x32x128xf32, #tpu.memory_space<vmem>> -> memref<1x32x128xf32, #tpu.memory_space<vmem>>
    %dma_start3A_284 = tpu.memref_squeeze %dma_start3A_283 : memref<1x32x128xf32, #tpu.memory_space<vmem>> -> memref<32x128xf32, #tpu.memory_space<vmem>>
    %dma_start3A_285 = arith.constant 0 : i32
    %dma_start3A_286 = tpu.memref_slice %arg6[%dma_start3A_285, %multiple_of3A_279] : memref<32x1000000xf32, #tpu.memory_space<hbm>> -> memref<32x128xf32, #tpu.memory_space<hbm>>
    %dma_start3A_287 = arith.constant 0 : i32
    %dma_start3A_288 = arith.constant 0 : i32
    %dma_start3A_289 = tpu.memref_slice %arg13[%dma_start3A_280, %dma_start3A_287, %dma_start3A_288] : memref<4x32x128xf32, #tpu.memory_space<vmem>> -> memref<1x32x128xf32, #tpu.memory_space<vmem>>
    %dma_start3A_290 = tpu.memref_squeeze %dma_start3A_289 : memref<1x32x128xf32, #tpu.memory_space<vmem>> -> memref<32x128xf32, #tpu.memory_space<vmem>>
    %dma_start3A_291 = arith.constant 0 : i32
    %dma_start3A_292 = tpu.memref_slice %arg6[%dma_start3A_291, %multiple_of3A_279] : memref<32x1000000xf32, #tpu.memory_space<hbm>> -> memref<32x128xf32, #tpu.memory_space<hbm>>
    tpu.enqueue_dma source(%dma_start3A_292 : memref<32x128xf32, #tpu.memory_space<hbm>>) target(%dma_start3A_290 : memref<32x128xf32, #tpu.memory_space<vmem>>) target_semaphore(%arg16 : memref<!tpu.dma_semaphore, #tpu.memory_space<semaphore_mem>>)
    %shift_right_logical3A_293 = arith.constant 7 : i32
    %shift_right_logical3A_294 = arith.shrui %squeeze3A_238, %shift_right_logical3A_293 : i32
    %shift_left3A_295 = arith.constant 7 : i32
    %shift_left3A_296 = arith.shli %shift_right_logical3A_294, %shift_left3A_295 : i32
    %multiple_of3A_297 = tpu.assume_multiple %shift_left3A_296, 128 : i32
    %dma_start3A_298 = arith.constant 3 : i32
    %dma_start3A_299 = arith.constant 0 : i32
    %dma_start3A_300 = arith.constant 0 : i32
    %dma_start3A_301 = tpu.memref_slice %arg14[%dma_start3A_298, %dma_start3A_299, %dma_start3A_300] : memref<4x32x128xf32, #tpu.memory_space<vmem>> -> memref<1x32x128xf32, #tpu.memory_space<vmem>>
    %dma_start3A_302 = tpu.memref_squeeze %dma_start3A_301 : memref<1x32x128xf32, #tpu.memory_space<vmem>> -> memref<32x128xf32, #tpu.memory_space<vmem>>
    %dma_start3A_303 = arith.constant 0 : i32
    %dma_start3A_304 = tpu.memref_slice %arg7[%dma_start3A_303, %multiple_of3A_297] : memref<32x1000000xf32, #tpu.memory_space<hbm>> -> memref<32x128xf32, #tpu.memory_space<hbm>>
    %dma_start3A_305 = arith.constant 0 : i32
    %dma_start3A_306 = arith.constant 0 : i32
    %dma_start3A_307 = tpu.memref_slice %arg14[%dma_start3A_298, %dma_start3A_305, %dma_start3A_306] : memref<4x32x128xf32, #tpu.memory_space<vmem>> -> memref<1x32x128xf32, #tpu.memory_space<vmem>>
    %dma_start3A_308 = tpu.memref_squeeze %dma_start3A_307 : memref<1x32x128xf32, #tpu.memory_space<vmem>> -> memref<32x128xf32, #tpu.memory_space<vmem>>
    %dma_start3A_309 = arith.constant 0 : i32
    %dma_start3A_310 = tpu.memref_slice %arg7[%dma_start3A_309, %multiple_of3A_297] : memref<32x1000000xf32, #tpu.memory_space<hbm>> -> memref<32x128xf32, #tpu.memory_space<hbm>>
    tpu.enqueue_dma source(%dma_start3A_310 : memref<32x128xf32, #tpu.memory_space<hbm>>) target(%dma_start3A_308 : memref<32x128xf32, #tpu.memory_space<vmem>>) target_semaphore(%arg16 : memref<!tpu.dma_semaphore, #tpu.memory_space<semaphore_mem>>)
    %scan3A = arith.constant 0 : i32
    %scan3A_311 = arith.constant 32 : i32
    %scan3A_312 = arith.addi %scan3A, %scan3A_311 : i32
    %scan3A_313 = arith.constant 1 : i32
    scf.for %scan3A_315 = %scan3A to %scan3A_312 step %scan3A_313  : i32 {
      %mul3A_316 = arith.constant 1 : i32
      %mul3A_317 = arith.muli %scan3A_315, %mul3A_316 : i32
      %add3A_318 = arith.constant 0 : i32
      %add3A_319 = arith.addi %add3A_318, %mul3A_317 : i32
      %mul3A_320 = arith.constant 16 : i32
      %mul3A_321 = arith.muli %add3A_319, %mul3A_320 : i32
      %get3A_322 = arith.index_cast %mul3A_321 : i32 to index
      %get3A_323 = tpu.vector_load %arg9[%get3A_322] {strides = array<i32>} : memref<512xi32, #tpu.memory_space<vmem>>, vector<16xi32>,
      %get3A_324 = arith.index_cast %mul3A_321 : i32 to index
      %get3A_325 = tpu.vector_load %arg10[%get3A_324] {strides = array<i32>} : memref<512xi32, #tpu.memory_space<vmem>>, vector<16xi32>,
      %add3A_326 = arith.constant 16 : i32
      %add3A_327 = arith.addi %mul3A_321, %add3A_326 : i32
      %min3A = arith.constant 496 : i32
      %min3A_328 = arith.minsi %add3A_327, %min3A : i32
      %get3A_329 = arith.index_cast %min3A_328 : i32 to index
      %get3A_330 = tpu.vector_load %arg9[%get3A_329] {strides = array<i32>} : memref<512xi32, #tpu.memory_space<vmem>>, vector<16xi32>,
      %get3A_331 = arith.index_cast %min3A_328 : i32 to index
      %get3A_332 = tpu.vector_load %arg10[%get3A_331] {strides = array<i32>} : memref<512xi32, #tpu.memory_space<vmem>>, vector<16xi32>,
      %add3A_333 = arith.constant 0 : i32
      %add3A_334 = arith.addi %mul3A_321, %add3A_333 : i32
      %rem3A = arith.constant 4 : i32
      %rem3A_335 = arith.remsi %add3A_334, %rem3A : i32
      %slice3A_336 = vector.extract_strided_slice %get3A_323 {offsets = [0], sizes = [1], strides = [1]} : vector<16xi32> to vector<1xi32>
      %squeeze3A_337 = vector.extract %slice3A_336[0] : i32 from vector<1xi32>
      %slice3A_338 = vector.extract_strided_slice %get3A_325 {offsets = [0], sizes = [1], strides = [1]} : vector<16xi32> to vector<1xi32>
      %squeeze3A_339 = vector.extract %slice3A_338[0] : i32 from vector<1xi32>
      %dma_wait3A = arith.constant 0 : i32
      %dma_wait3A_340 = arith.constant 0 : i32
      %dma_wait3A_341 = tpu.memref_slice %arg11[%rem3A_335, %dma_wait3A, %dma_wait3A_340] : memref<4x32x128xf32, #tpu.memory_space<vmem>> -> memref<1x32x128xf32, #tpu.memory_space<vmem>>
      %dma_wait3A_342 = tpu.memref_squeeze %dma_wait3A_341 : memref<1x32x128xf32, #tpu.memory_space<vmem>> -> memref<32x128xf32, #tpu.memory_space<vmem>>
      %dma_wait3A_343 = arith.constant 0 : i32
      %dma_wait3A_344 = arith.constant 0 : i32
      %dma_wait3A_345 = tpu.memref_slice %arg4[%dma_wait3A_343, %dma_wait3A_344] : memref<32x1000000xf32, #tpu.memory_space<hbm>> -> memref<32x128xf32, #tpu.memory_space<hbm>>
      %dma_wait3A_346 = arith.constant 0 : i32
      %dma_wait3A_347 = arith.constant 0 : i32
      %dma_wait3A_348 = tpu.memref_slice %arg11[%rem3A_335, %dma_wait3A_346, %dma_wait3A_347] : memref<4x32x128xf32, #tpu.memory_space<vmem>> -> memref<1x32x128xf32, #tpu.memory_space<vmem>>
      %dma_wait3A_349 = tpu.memref_squeeze %dma_wait3A_348 : memref<1x32x128xf32, #tpu.memory_space<vmem>> -> memref<32x128xf32, #tpu.memory_space<vmem>>
      %dma_wait3A_350 = arith.constant 0 : i32
      %dma_wait3A_351 = arith.constant 0 : i32
      %dma_wait3A_352 = tpu.memref_slice %arg4[%dma_wait3A_350, %dma_wait3A_351] : memref<32x1000000xf32, #tpu.memory_space<hbm>> -> memref<32x128xf32, #tpu.memory_space<hbm>>
      tpu.wait_dma2 semaphore(%arg16 : memref<!tpu.dma_semaphore, #tpu.memory_space<semaphore_mem>>) src(%dma_wait3A_352 : memref<32x128xf32, #tpu.memory_space<hbm>>) dst(%dma_wait3A_349 : memref<32x128xf32, #tpu.memory_space<vmem>>)
      %dma_wait3A_353 = arith.constant 0 : i32
      %dma_wait3A_354 = arith.constant 0 : i32
      %dma_wait3A_355 = tpu.memref_slice %arg12[%rem3A_335, %dma_wait3A_353, %dma_wait3A_354] : memref<4x32x128xf32, #tpu.memory_space<vmem>> -> memref<1x32x128xf32, #tpu.memory_space<vmem>>
      %dma_wait3A_356 = tpu.memref_squeeze %dma_wait3A_355 : memref<1x32x128xf32, #tpu.memory_space<vmem>> -> memref<32x128xf32, #tpu.memory_space<vmem>>
      %dma_wait3A_357 = arith.constant 0 : i32
      %dma_wait3A_358 = arith.constant 0 : i32
      %dma_wait3A_359 = tpu.memref_slice %arg5[%dma_wait3A_357, %dma_wait3A_358] : memref<32x1000000xf32, #tpu.memory_space<hbm>> -> memref<32x128xf32, #tpu.memory_space<hbm>>
      %dma_wait3A_360 = arith.constant 0 : i32
      %dma_wait3A_361 = arith.constant 0 : i32
      %dma_wait3A_362 = tpu.memref_slice %arg12[%rem3A_335, %dma_wait3A_360, %dma_wait3A_361] : memref<4x32x128xf32, #tpu.memory_space<vmem>> -> memref<1x32x128xf32, #tpu.memory_space<vmem>>
      %dma_wait3A_363 = tpu.memref_squeeze %dma_wait3A_362 : memref<1x32x128xf32, #tpu.memory_space<vmem>> -> memref<32x128xf32, #tpu.memory_space<vmem>>
      %dma_wait3A_364 = arith.constant 0 : i32
      %dma_wait3A_365 = arith.constant 0 : i32
      %dma_wait3A_366 = tpu.memref_slice %arg5[%dma_wait3A_364, %dma_wait3A_365] : memref<32x1000000xf32, #tpu.memory_space<hbm>> -> memref<32x128xf32, #tpu.memory_space<hbm>>
      tpu.wait_dma2 semaphore(%arg16 : memref<!tpu.dma_semaphore, #tpu.memory_space<semaphore_mem>>) src(%dma_wait3A_366 : memref<32x128xf32, #tpu.memory_space<hbm>>) dst(%dma_wait3A_363 : memref<32x128xf32, #tpu.memory_space<vmem>>)
      %dma_wait3A_367 = arith.constant 0 : i32
      %dma_wait3A_368 = arith.constant 0 : i32
      %dma_wait3A_369 = tpu.memref_slice %arg13[%rem3A_335, %dma_wait3A_367, %dma_wait3A_368] : memref<4x32x128xf32, #tpu.memory_space<vmem>> -> memref<1x32x128xf32, #tpu.memory_space<vmem>>
      %dma_wait3A_370 = tpu.memref_squeeze %dma_wait3A_369 : memref<1x32x128xf32, #tpu.memory_space<vmem>> -> memref<32x128xf32, #tpu.memory_space<vmem>>
      %dma_wait3A_371 = arith.constant 0 : i32
      %dma_wait3A_372 = arith.constant 0 : i32
      %dma_wait3A_373 = tpu.memref_slice %arg6[%dma_wait3A_371, %dma_wait3A_372] : memref<32x1000000xf32, #tpu.memory_space<hbm>> -> memref<32x128xf32, #tpu.memory_space<hbm>>
      %dma_wait3A_374 = arith.constant 0 : i32
      %dma_wait3A_375 = arith.constant 0 : i32
      %dma_wait3A_376 = tpu.memref_slice %arg13[%rem3A_335, %dma_wait3A_374, %dma_wait3A_375] : memref<4x32x128xf32, #tpu.memory_space<vmem>> -> memref<1x32x128xf32, #tpu.memory_space<vmem>>
      %dma_wait3A_377 = tpu.memref_squeeze %dma_wait3A_376 : memref<1x32x128xf32, #tpu.memory_space<vmem>> -> memref<32x128xf32, #tpu.memory_space<vmem>>
      %dma_wait3A_378 = arith.constant 0 : i32
      %dma_wait3A_379 = arith.constant 0 : i32
      %dma_wait3A_380 = tpu.memref_slice %arg6[%dma_wait3A_378, %dma_wait3A_379] : memref<32x1000000xf32, #tpu.memory_space<hbm>> -> memref<32x128xf32, #tpu.memory_space<hbm>>
      tpu.wait_dma2 semaphore(%arg16 : memref<!tpu.dma_semaphore, #tpu.memory_space<semaphore_mem>>) src(%dma_wait3A_380 : memref<32x128xf32, #tpu.memory_space<hbm>>) dst(%dma_wait3A_377 : memref<32x128xf32, #tpu.memory_space<vmem>>)
      %dma_wait3A_381 = arith.constant 0 : i32
      %dma_wait3A_382 = arith.constant 0 : i32
      %dma_wait3A_383 = tpu.memref_slice %arg14[%rem3A_335, %dma_wait3A_381, %dma_wait3A_382] : memref<4x32x128xf32, #tpu.memory_space<vmem>> -> memref<1x32x128xf32, #tpu.memory_space<vmem>>
      %dma_wait3A_384 = tpu.memref_squeeze %dma_wait3A_383 : memref<1x32x128xf32, #tpu.memory_space<vmem>> -> memref<32x128xf32, #tpu.memory_space<vmem>>
      %dma_wait3A_385 = arith.constant 0 : i32
      %dma_wait3A_386 = arith.constant 0 : i32
      %dma_wait3A_387 = tpu.memref_slice %arg7[%dma_wait3A_385, %dma_wait3A_386] : memref<32x1000000xf32, #tpu.memory_space<hbm>> -> memref<32x128xf32, #tpu.memory_space<hbm>>
      %dma_wait3A_388 = arith.constant 0 : i32
      %dma_wait3A_389 = arith.constant 0 : i32
      %dma_wait3A_390 = tpu.memref_slice %arg14[%rem3A_335, %dma_wait3A_388, %dma_wait3A_389] : memref<4x32x128xf32, #tpu.memory_space<vmem>> -> memref<1x32x128xf32, #tpu.memory_space<vmem>>
      %dma_wait3A_391 = tpu.memref_squeeze %dma_wait3A_390 : memref<1x32x128xf32, #tpu.memory_space<vmem>> -> memref<32x128xf32, #tpu.memory_space<vmem>>
      %dma_wait3A_392 = arith.constant 0 : i32
      %dma_wait3A_393 = arith.constant 0 : i32
      %dma_wait3A_394 = tpu.memref_slice %arg7[%dma_wait3A_392, %dma_wait3A_393] : memref<32x1000000xf32, #tpu.memory_space<hbm>> -> memref<32x128xf32, #tpu.memory_space<hbm>>
      tpu.wait_dma2 semaphore(%arg16 : memref<!tpu.dma_semaphore, #tpu.memory_space<semaphore_mem>>) src(%dma_wait3A_394 : memref<32x128xf32, #tpu.memory_space<hbm>>) dst(%dma_wait3A_391 : memref<32x128xf32, #tpu.memory_space<vmem>>)
      %rem3A_395 = arith.constant 128 : i32
      %rem3A_396 = arith.remsi %add3A_334, %rem3A_395 : i32
      %and3A = arith.constant 127 : i32
      %and3A_397 = arith.andi %squeeze3A_337, %and3A : i32
      %broadcast_in_dim3A = vector.broadcast %and3A_397 : i32 to vector<16xi32>
      %gather3A = arith.constant 0 : i32
      %gather3A_398 = arith.constant 0 : i32
      %gather3A_399 = tpu.memref_slice %arg11[%rem3A_335, %gather3A, %gather3A_398] : memref<4x32x128xf32, #tpu.memory_space<vmem>> -> memref<1x32x128xf32, #tpu.memory_space<vmem>>
      %gather3A_400 = tpu.memref_squeeze %gather3A_399 : memref<1x32x128xf32, #tpu.memory_space<vmem>> -> memref<32x128xf32, #tpu.memory_space<vmem>>
      %gather3A_401 = tpu.vector_load_idx %gather3A_400[%add3A_5, %broadcast_in_dim3A] : memref<32x128xf32, #tpu.memory_space<vmem>>[vector<16xi32>, vector<16xi32>], vector<16xf32>,
      %swap3A = arith.index_cast %rem3A_396 : i32 to index
      %swap3A_402 = arith.constant 0 : index
      %swap3A_403 = tpu.vector_load %arg15[%swap3A, %swap3A_402] {strides = array<i32>} : memref<128x128xf32, #tpu.memory_space<vmem>>, vector<16xf32>,
      tpu.vector_store %arg15[%swap3A, %swap3A_402], %gather3A_401 {strides = array<i32>} : memref<128x128xf32, #tpu.memory_space<vmem>>, vector<16xf32>,
      %gather3A_404 = arith.constant 0 : i32
      %gather3A_405 = arith.constant 0 : i32
      %gather3A_406 = tpu.memref_slice %arg11[%rem3A_335, %gather3A_404, %gather3A_405] : memref<4x32x128xf32, #tpu.memory_space<vmem>> -> memref<1x32x128xf32, #tpu.memory_space<vmem>>
      %gather3A_407 = tpu.memref_squeeze %gather3A_406 : memref<1x32x128xf32, #tpu.memory_space<vmem>> -> memref<32x128xf32, #tpu.memory_space<vmem>>
      %gather3A_408 = tpu.vector_load_idx %gather3A_407[%add3A_9, %broadcast_in_dim3A] : memref<32x128xf32, #tpu.memory_space<vmem>>[vector<16xi32>, vector<16xi32>], vector<16xf32>,
      %swap3A_409 = arith.index_cast %rem3A_396 : i32 to index
      %swap3A_410 = arith.constant 16 : index
      %swap3A_411 = tpu.vector_load %arg15[%swap3A_409, %swap3A_410] {strides = array<i32>} : memref<128x128xf32, #tpu.memory_space<vmem>>, vector<16xf32>,
      tpu.vector_store %arg15[%swap3A_409, %swap3A_410], %gather3A_408 {strides = array<i32>} : memref<128x128xf32, #tpu.memory_space<vmem>>, vector<16xf32>,
      %and3A_412 = arith.constant 127 : i32
      %and3A_413 = arith.andi %squeeze3A_339, %and3A_412 : i32
      %broadcast_in_dim3A_414 = vector.broadcast %and3A_413 : i32 to vector<16xi32>
      %gather3A_415 = arith.constant 0 : i32
      %gather3A_416 = arith.constant 0 : i32
      %gather3A_417 = tpu.memref_slice %arg12[%rem3A_335, %gather3A_415, %gather3A_416] : memref<4x32x128xf32, #tpu.memory_space<vmem>> -> memref<1x32x128xf32, #tpu.memory_space<vmem>>
      %gather3A_418 = tpu.memref_squeeze %gather3A_417 : memref<1x32x128xf32, #tpu.memory_space<vmem>> -> memref<32x128xf32, #tpu.memory_space<vmem>>
      %gather3A_419 = tpu.vector_load_idx %gather3A_418[%add3A_5, %broadcast_in_dim3A_414] : memref<32x128xf32, #tpu.memory_space<vmem>>[vector<16xi32>, vector<16xi32>], vector<16xf32>,
      %swap3A_420 = arith.index_cast %rem3A_396 : i32 to index
      %swap3A_421 = arith.constant 32 : index
      %swap3A_422 = tpu.vector_load %arg15[%swap3A_420, %swap3A_421] {strides = array<i32>} : memref<128x128xf32, #tpu.memory_space<vmem>>, vector<16xf32>,
      tpu.vector_store %arg15[%swap3A_420, %swap3A_421], %gather3A_419 {strides = array<i32>} : memref<128x128xf32, #tpu.memory_space<vmem>>, vector<16xf32>,
      %gather3A_423 = arith.constant 0 : i32
      %gather3A_424 = arith.constant 0 : i32
      %gather3A_425 = tpu.memref_slice %arg12[%rem3A_335, %gather3A_423, %gather3A_424] : memref<4x32x128xf32, #tpu.memory_space<vmem>> -> memref<1x32x128xf32, #tpu.memory_space<vmem>>
      %gather3A_426 = tpu.memref_squeeze %gather3A_425 : memref<1x32x128xf32, #tpu.memory_space<vmem>> -> memref<32x128xf32, #tpu.memory_space<vmem>>
      %gather3A_427 = tpu.vector_load_idx %gather3A_426[%add3A_9, %broadcast_in_dim3A_414] : memref<32x128xf32, #tpu.memory_space<vmem>>[vector<16xi32>, vector<16xi32>], vector<16xf32>,
      %swap3A_428 = arith.index_cast %rem3A_396 : i32 to index
      %swap3A_429 = arith.constant 48 : index
      %swap3A_430 = tpu.vector_load %arg15[%swap3A_428, %swap3A_429] {strides = array<i32>} : memref<128x128xf32, #tpu.memory_space<vmem>>, vector<16xf32>,
      tpu.vector_store %arg15[%swap3A_428, %swap3A_429], %gather3A_427 {strides = array<i32>} : memref<128x128xf32, #tpu.memory_space<vmem>>, vector<16xf32>,
      %and3A_431 = arith.constant 127 : i32
      %and3A_432 = arith.andi %squeeze3A_337, %and3A_431 : i32
      %broadcast_in_dim3A_433 = vector.broadcast %and3A_432 : i32 to vector<16xi32>
      %gather3A_434 = arith.constant 0 : i32
      %gather3A_435 = arith.constant 0 : i32
      %gather3A_436 = tpu.memref_slice %arg13[%rem3A_335, %gather3A_434, %gather3A_435] : memref<4x32x128xf32, #tpu.memory_space<vmem>> -> memref<1x32x128xf32, #tpu.memory_space<vmem>>
      %gather3A_437 = tpu.memref_squeeze %gather3A_436 : memref<1x32x128xf32, #tpu.memory_space<vmem>> -> memref<32x128xf32, #tpu.memory_space<vmem>>
      %gather3A_438 = tpu.vector_load_idx %gather3A_437[%add3A_5, %broadcast_in_dim3A_433] : memref<32x128xf32, #tpu.memory_space<vmem>>[vector<16xi32>, vector<16xi32>], vector<16xf32>,
      %swap3A_439 = arith.index_cast %rem3A_396 : i32 to index
      %swap3A_440 = arith.constant 64 : index
      %swap3A_441 = tpu.vector_load %arg15[%swap3A_439, %swap3A_440] {strides = array<i32>} : memref<128x128xf32, #tpu.memory_space<vmem>>, vector<16xf32>,
      tpu.vector_store %arg15[%swap3A_439, %swap3A_440], %gather3A_438 {strides = array<i32>} : memref<128x128xf32, #tpu.memory_space<vmem>>, vector<16xf32>,
      %gather3A_442 = arith.constant 0 : i32
      %gather3A_443 = arith.constant 0 : i32
      %gather3A_444 = tpu.memref_slice %arg13[%rem3A_335, %gather3A_442, %gather3A_443] : memref<4x32x128xf32, #tpu.memory_space<vmem>> -> memref<1x32x128xf32, #tpu.memory_space<vmem>>
      %gather3A_445 = tpu.memref_squeeze %gather3A_444 : memref<1x32x128xf32, #tpu.memory_space<vmem>> -> memref<32x128xf32, #tpu.memory_space<vmem>>
      %gather3A_446 = tpu.vector_load_idx %gather3A_445[%add3A_9, %broadcast_in_dim3A_433] : memref<32x128xf32, #tpu.memory_space<vmem>>[vector<16xi32>, vector<16xi32>], vector<16xf32>,
      %swap3A_447 = arith.index_cast %rem3A_396 : i32 to index
      %swap3A_448 = arith.constant 80 : index
      %swap3A_449 = tpu.vector_load %arg15[%swap3A_447, %swap3A_448] {strides = array<i32>} : memref<128x128xf32, #tpu.memory_space<vmem>>, vector<16xf32>,
      tpu.vector_store %arg15[%swap3A_447, %swap3A_448], %gather3A_446 {strides = array<i32>} : memref<128x128xf32, #tpu.memory_space<vmem>>, vector<16xf32>,
      %and3A_450 = arith.constant 127 : i32
      %and3A_451 = arith.andi %squeeze3A_339, %and3A_450 : i32
      %broadcast_in_dim3A_452 = vector.broadcast %and3A_451 : i32 to vector<16xi32>
      %gather3A_453 = arith.constant 0 : i32
      %gather3A_454 = arith.constant 0 : i32
      %gather3A_455 = tpu.memref_slice %arg14[%rem3A_335, %gather3A_453, %gather3A_454] : memref<4x32x128xf32, #tpu.memory_space<vmem>> -> memref<1x32x128xf32, #tpu.memory_space<vmem>>
      %gather3A_456 = tpu.memref_squeeze %gather3A_455 : memref<1x32x128xf32, #tpu.memory_space<vmem>> -> memref<32x128xf32, #tpu.memory_space<vmem>>
      %gather3A_457 = tpu.vector_load_idx %gather3A_456[%add3A_5, %broadcast_in_dim3A_452] : memref<32x128xf32, #tpu.memory_space<vmem>>[vector<16xi32>, vector<16xi32>], vector<16xf32>,
      %swap3A_458 = arith.index_cast %rem3A_396 : i32 to index
      %swap3A_459 = arith.constant 96 : index
      %swap3A_460 = tpu.vector_load %arg15[%swap3A_458, %swap3A_459] {strides = array<i32>} : memref<128x128xf32, #tpu.memory_space<vmem>>, vector<16xf32>,
      tpu.vector_store %arg15[%swap3A_458, %swap3A_459], %gather3A_457 {strides = array<i32>} : memref<128x128xf32, #tpu.memory_space<vmem>>, vector<16xf32>,
      %gather3A_461 = arith.constant 0 : i32
      %gather3A_462 = arith.constant 0 : i32
      %gather3A_463 = tpu.memref_slice %arg14[%rem3A_335, %gather3A_461, %gather3A_462] : memref<4x32x128xf32, #tpu.memory_space<vmem>> -> memref<1x32x128xf32, #tpu.memory_space<vmem>>
      %gather3A_464 = tpu.memref_squeeze %gather3A_463 : memref<1x32x128xf32, #tpu.memory_space<vmem>> -> memref<32x128xf32, #tpu.memory_space<vmem>>
      %gather3A_465 = tpu.vector_load_idx %gather3A_464[%add3A_9, %broadcast_in_dim3A_452] : memref<32x128xf32, #tpu.memory_space<vmem>>[vector<16xi32>, vector<16xi32>], vector<16xf32>,
      %swap3A_466 = arith.index_cast %rem3A_396 : i32 to index
      %swap3A_467 = arith.constant 112 : index
      %swap3A_468 = tpu.vector_load %arg15[%swap3A_466, %swap3A_467] {strides = array<i32>} : memref<128x128xf32, #tpu.memory_space<vmem>>, vector<16xf32>,
      tpu.vector_store %arg15[%swap3A_466, %swap3A_467], %gather3A_465 {strides = array<i32>} : memref<128x128xf32, #tpu.memory_space<vmem>>, vector<16xf32>,
      %add3A_469 = arith.constant 4 : i32
      %add3A_470 = arith.addi %add3A_334, %add3A_469 : i32
      %rem3A_471 = arith.constant 4 : i32
      %rem3A_472 = arith.remsi %add3A_470, %rem3A_471 : i32
      %slice3A_473 = vector.extract_strided_slice %get3A_323 {offsets = [4], sizes = [1], strides = [1]} : vector<16xi32> to vector<1xi32>
      %squeeze3A_474 = vector.extract %slice3A_473[0] : i32 from vector<1xi32>
      %slice3A_475 = vector.extract_strided_slice %get3A_325 {offsets = [4], sizes = [1], strides = [1]} : vector<16xi32> to vector<1xi32>
      %squeeze3A_476 = vector.extract %slice3A_475[0] : i32 from vector<1xi32>
      %shift_right_logical3A_477 = arith.constant 7 : i32
      %shift_right_logical3A_478 = arith.shrui %squeeze3A_474, %shift_right_logical3A_477 : i32
      %shift_left3A_479 = arith.constant 7 : i32
      %shift_left3A_480 = arith.shli %shift_right_logical3A_478, %shift_left3A_479 : i32
      %multiple_of3A_481 = tpu.assume_multiple %shift_left3A_480, 128 : i32
      %dma_start3A_482 = arith.constant 0 : i32
      %dma_start3A_483 = arith.constant 0 : i32
      %dma_start3A_484 = tpu.memref_slice %arg11[%rem3A_472, %dma_start3A_482, %dma_start3A_483] : memref<4x32x128xf32, #tpu.memory_space<vmem>> -> memref<1x32x128xf32, #tpu.memory_space<vmem>>
      %dma_start3A_485 = tpu.memref_squeeze %dma_start3A_484 : memref<1x32x128xf32, #tpu.memory_space<vmem>> -> memref<32x128xf32, #tpu.memory_space<vmem>>
      %dma_start3A_486 = arith.constant 0 : i32
      %dma_start3A_487 = tpu.memref_slice %arg4[%dma_start3A_486, %multiple_of3A_481] : memref<32x1000000xf32, #tpu.memory_space<hbm>> -> memref<32x128xf32, #tpu.memory_space<hbm>>
      %dma_start3A_488 = arith.constant 0 : i32
      %dma_start3A_489 = arith.constant 0 : i32
      %dma_start3A_490 = tpu.memref_slice %arg11[%rem3A_472, %dma_start3A_488, %dma_start3A_489] : memref<4x32x128xf32, #tpu.memory_space<vmem>> -> memref<1x32x128xf32, #tpu.memory_space<vmem>>
      %dma_start3A_491 = tpu.memref_squeeze %dma_start3A_490 : memref<1x32x128xf32, #tpu.memory_space<vmem>> -> memref<32x128xf32, #tpu.memory_space<vmem>>
      %dma_start3A_492 = arith.constant 0 : i32
      %dma_start3A_493 = tpu.memref_slice %arg4[%dma_start3A_492, %multiple_of3A_481] : memref<32x1000000xf32, #tpu.memory_space<hbm>> -> memref<32x128xf32, #tpu.memory_space<hbm>>
      tpu.enqueue_dma source(%dma_start3A_493 : memref<32x128xf32, #tpu.memory_space<hbm>>) target(%dma_start3A_491 : memref<32x128xf32, #tpu.memory_space<vmem>>) target_semaphore(%arg16 : memref<!tpu.dma_semaphore, #tpu.memory_space<semaphore_mem>>)
      %shift_right_logical3A_494 = arith.constant 7 : i32
      %shift_right_logical3A_495 = arith.shrui %squeeze3A_476, %shift_right_logical3A_494 : i32
      %shift_left3A_496 = arith.constant 7 : i32
      %shift_left3A_497 = arith.shli %shift_right_logical3A_495, %shift_left3A_496 : i32
      %multiple_of3A_498 = tpu.assume_multiple %shift_left3A_497, 128 : i32
      %dma_start3A_499 = arith.constant 0 : i32
      %dma_start3A_500 = arith.constant 0 : i32
      %dma_start3A_501 = tpu.memref_slice %arg12[%rem3A_472, %dma_start3A_499, %dma_start3A_500] : memref<4x32x128xf32, #tpu.memory_space<vmem>> -> memref<1x32x128xf32, #tpu.memory_space<vmem>>
      %dma_start3A_502 = tpu.memref_squeeze %dma_start3A_501 : memref<1x32x128xf32, #tpu.memory_space<vmem>> -> memref<32x128xf32, #tpu.memory_space<vmem>>
      %dma_start3A_503 = arith.constant 0 : i32
      %dma_start3A_504 = tpu.memref_slice %arg5[%dma_start3A_503, %multiple_of3A_498] : memref<32x1000000xf32, #tpu.memory_space<hbm>> -> memref<32x128xf32, #tpu.memory_space<hbm>>
      %dma_start3A_505 = arith.constant 0 : i32
      %dma_start3A_506 = arith.constant 0 : i32
      %dma_start3A_507 = tpu.memref_slice %arg12[%rem3A_472, %dma_start3A_505, %dma_start3A_506] : memref<4x32x128xf32, #tpu.memory_space<vmem>> -> memref<1x32x128xf32, #tpu.memory_space<vmem>>
      %dma_start3A_508 = tpu.memref_squeeze %dma_start3A_507 : memref<1x32x128xf32, #tpu.memory_space<vmem>> -> memref<32x128xf32, #tpu.memory_space<vmem>>
      %dma_start3A_509 = arith.constant 0 : i32
      %dma_start3A_510 = tpu.memref_slice %arg5[%dma_start3A_509, %multiple_of3A_498] : memref<32x1000000xf32, #tpu.memory_space<hbm>> -> memref<32x128xf32, #tpu.memory_space<hbm>>
      tpu.enqueue_dma source(%dma_start3A_510 : memref<32x128xf32, #tpu.memory_space<hbm>>) target(%dma_start3A_508 : memref<32x128xf32, #tpu.memory_space<vmem>>) target_semaphore(%arg16 : memref<!tpu.dma_semaphore, #tpu.memory_space<semaphore_mem>>)
      %shift_right_logical3A_511 = arith.constant 7 : i32
      %shift_right_logical3A_512 = arith.shrui %squeeze3A_474, %shift_right_logical3A_511 : i32
      %shift_left3A_513 = arith.constant 7 : i32
      %shift_left3A_514 = arith.shli %shift_right_logical3A_512, %shift_left3A_513 : i32
      %multiple_of3A_515 = tpu.assume_multiple %shift_left3A_514, 128 : i32
      %dma_start3A_516 = arith.constant 0 : i32
      %dma_start3A_517 = arith.constant 0 : i32
      %dma_start3A_518 = tpu.memref_slice %arg13[%rem3A_472, %dma_start3A_516, %dma_start3A_517] : memref<4x32x128xf32, #tpu.memory_space<vmem>> -> memref<1x32x128xf32, #tpu.memory_space<vmem>>
      %dma_start3A_519 = tpu.memref_squeeze %dma_start3A_518 : memref<1x32x128xf32, #tpu.memory_space<vmem>> -> memref<32x128xf32, #tpu.memory_space<vmem>>
      %dma_start3A_520 = arith.constant 0 : i32
      %dma_start3A_521 = tpu.memref_slice %arg6[%dma_start3A_520, %multiple_of3A_515] : memref<32x1000000xf32, #tpu.memory_space<hbm>> -> memref<32x128xf32, #tpu.memory_space<hbm>>
      %dma_start3A_522 = arith.constant 0 : i32
      %dma_start3A_523 = arith.constant 0 : i32
      %dma_start3A_524 = tpu.memref_slice %arg13[%rem3A_472, %dma_start3A_522, %dma_start3A_523] : memref<4x32x128xf32, #tpu.memory_space<vmem>> -> memref<1x32x128xf32, #tpu.memory_space<vmem>>
      %dma_start3A_525 = tpu.memref_squeeze %dma_start3A_524 : memref<1x32x128xf32, #tpu.memory_space<vmem>> -> memref<32x128xf32, #tpu.memory_space<vmem>>
      %dma_start3A_526 = arith.constant 0 : i32
      %dma_start3A_527 = tpu.memref_slice %arg6[%dma_start3A_526, %multiple_of3A_515] : memref<32x1000000xf32, #tpu.memory_space<hbm>> -> memref<32x128xf32, #tpu.memory_space<hbm>>
      tpu.enqueue_dma source(%dma_start3A_527 : memref<32x128xf32, #tpu.memory_space<hbm>>) target(%dma_start3A_525 : memref<32x128xf32, #tpu.memory_space<vmem>>) target_semaphore(%arg16 : memref<!tpu.dma_semaphore, #tpu.memory_space<semaphore_mem>>)
      %shift_right_logical3A_528 = arith.constant 7 : i32
      %shift_right_logical3A_529 = arith.shrui %squeeze3A_476, %shift_right_logical3A_528 : i32
      %shift_left3A_530 = arith.constant 7 : i32
      %shift_left3A_531 = arith.shli %shift_right_logical3A_529, %shift_left3A_530 : i32
      %multiple_of3A_532 = tpu.assume_multiple %shift_left3A_531, 128 : i32
      %dma_start3A_533 = arith.constant 0 : i32
      %dma_start3A_534 = arith.constant 0 : i32
      %dma_start3A_535 = tpu.memref_slice %arg14[%rem3A_472, %dma_start3A_533, %dma_start3A_534] : memref<4x32x128xf32, #tpu.memory_space<vmem>> -> memref<1x32x128xf32, #tpu.memory_space<vmem>>
      %dma_start3A_536 = tpu.memref_squeeze %dma_start3A_535 : memref<1x32x128xf32, #tpu.memory_space<vmem>> -> memref<32x128xf32, #tpu.memory_space<vmem>>
      %dma_start3A_537 = arith.constant 0 : i32
      %dma_start3A_538 = tpu.memref_slice %arg7[%dma_start3A_537, %multiple_of3A_532] : memref<32x1000000xf32, #tpu.memory_space<hbm>> -> memref<32x128xf32, #tpu.memory_space<hbm>>
      %dma_start3A_539 = arith.constant 0 : i32
      %dma_start3A_540 = arith.constant 0 : i32
      %dma_start3A_541 = tpu.memref_slice %arg14[%rem3A_472, %dma_start3A_539, %dma_start3A_540] : memref<4x32x128xf32, #tpu.memory_space<vmem>> -> memref<1x32x128xf32, #tpu.memory_space<vmem>>
      %dma_start3A_542 = tpu.memref_squeeze %dma_start3A_541 : memref<1x32x128xf32, #tpu.memory_space<vmem>> -> memref<32x128xf32, #tpu.memory_space<vmem>>
      %dma_start3A_543 = arith.constant 0 : i32
      %dma_start3A_544 = tpu.memref_slice %arg7[%dma_start3A_543, %multiple_of3A_532] : memref<32x1000000xf32, #tpu.memory_space<hbm>> -> memref<32x128xf32, #tpu.memory_space<hbm>>
      tpu.enqueue_dma source(%dma_start3A_544 : memref<32x128xf32, #tpu.memory_space<hbm>>) target(%dma_start3A_542 : memref<32x128xf32, #tpu.memory_space<vmem>>) target_semaphore(%arg16 : memref<!tpu.dma_semaphore, #tpu.memory_space<semaphore_mem>>)
      %add3A_545 = arith.constant 1 : i32
      %add3A_546 = arith.addi %mul3A_321, %add3A_545 : i32
      %rem3A_547 = arith.constant 4 : i32
      %rem3A_548 = arith.remsi %add3A_546, %rem3A_547 : i32
      %slice3A_549 = vector.extract_strided_slice %get3A_323 {offsets = [1], sizes = [1], strides = [1]} : vector<16xi32> to vector<1xi32>
      %squeeze3A_550 = vector.extract %slice3A_549[0] : i32 from vector<1xi32>
      %slice3A_551 = vector.extract_strided_slice %get3A_325 {offsets = [1], sizes = [1], strides = [1]} : vector<16xi32> to vector<1xi32>
      %squeeze3A_552 = vector.extract %slice3A_551[0] : i32 from vector<1xi32>
      %dma_wait3A_553 = arith.constant 0 : i32
      %dma_wait3A_554 = arith.constant 0 : i32
      %dma_wait3A_555 = tpu.memref_slice %arg11[%rem3A_548, %dma_wait3A_553, %dma_wait3A_554] : memref<4x32x128xf32, #tpu.memory_space<vmem>> -> memref<1x32x128xf32, #tpu.memory_space<vmem>>
      %dma_wait3A_556 = tpu.memref_squeeze %dma_wait3A_555 : memref<1x32x128xf32, #tpu.memory_space<vmem>> -> memref<32x128xf32, #tpu.memory_space<vmem>>
      %dma_wait3A_557 = arith.constant 0 : i32
      %dma_wait3A_558 = arith.constant 0 : i32
      %dma_wait3A_559 = tpu.memref_slice %arg4[%dma_wait3A_557, %dma_wait3A_558] : memref<32x1000000xf32, #tpu.memory_space<hbm>> -> memref<32x128xf32, #tpu.memory_space<hbm>>
      %dma_wait3A_560 = arith.constant 0 : i32
      %dma_wait3A_561 = arith.constant 0 : i32
      %dma_wait3A_562 = tpu.memref_slice %arg11[%rem3A_548, %dma_wait3A_560, %dma_wait3A_561] : memref<4x32x128xf32, #tpu.memory_space<vmem>> -> memref<1x32x128xf32, #tpu.memory_space<vmem>>
      %dma_wait3A_563 = tpu.memref_squeeze %dma_wait3A_562 : memref<1x32x128xf32, #tpu.memory_space<vmem>> -> memref<32x128xf32, #tpu.memory_space<vmem>>
      %dma_wait3A_564 = arith.constant 0 : i32
      %dma_wait3A_565 = arith.constant 0 : i32
      %dma_wait3A_566 = tpu.memref_slice %arg4[%dma_wait3A_564, %dma_wait3A_565] : memref<32x1000000xf32, #tpu.memory_space<hbm>> -> memref<32x128xf32, #tpu.memory_space<hbm>>
      tpu.wait_dma2 semaphore(%arg16 : memref<!tpu.dma_semaphore, #tpu.memory_space<semaphore_mem>>) src(%dma_wait3A_566 : memref<32x128xf32, #tpu.memory_space<hbm>>) dst(%dma_wait3A_563 : memref<32x128xf32, #tpu.memory_space<vmem>>)
      %dma_wait3A_567 = arith.constant 0 : i32
      %dma_wait3A_568 = arith.constant 0 : i32
      %dma_wait3A_569 = tpu.memref_slice %arg12[%rem3A_548, %dma_wait3A_567, %dma_wait3A_568] : memref<4x32x128xf32, #tpu.memory_space<vmem>> -> memref<1x32x128xf32, #tpu.memory_space<vmem>>
      %dma_wait3A_570 = tpu.memref_squeeze %dma_wait3A_569 : memref<1x32x128xf32, #tpu.memory_space<vmem>> -> memref<32x128xf32, #tpu.memory_space<vmem>>
      %dma_wait3A_571 = arith.constant 0 : i32
      %dma_wait3A_572 = arith.constant 0 : i32
      %dma_wait3A_573 = tpu.memref_slice %arg5[%dma_wait3A_571, %dma_wait3A_572] : memref<32x1000000xf32, #tpu.memory_space<hbm>> -> memref<32x128xf32, #tpu.memory_space<hbm>>
      %dma_wait3A_574 = arith.constant 0 : i32
      %dma_wait3A_575 = arith.constant 0 : i32
      %dma_wait3A_576 = tpu.memref_slice %arg12[%rem3A_548, %dma_wait3A_574, %dma_wait3A_575] : memref<4x32x128xf32, #tpu.memory_space<vmem>> -> memref<1x32x128xf32, #tpu.memory_space<vmem>>
      %dma_wait3A_577 = tpu.memref_squeeze %dma_wait3A_576 : memref<1x32x128xf32, #tpu.memory_space<vmem>> -> memref<32x128xf32, #tpu.memory_space<vmem>>
      %dma_wait3A_578 = arith.constant 0 : i32
      %dma_wait3A_579 = arith.constant 0 : i32
      %dma_wait3A_580 = tpu.memref_slice %arg5[%dma_wait3A_578, %dma_wait3A_579] : memref<32x1000000xf32, #tpu.memory_space<hbm>> -> memref<32x128xf32, #tpu.memory_space<hbm>>
      tpu.wait_dma2 semaphore(%arg16 : memref<!tpu.dma_semaphore, #tpu.memory_space<semaphore_mem>>) src(%dma_wait3A_580 : memref<32x128xf32, #tpu.memory_space<hbm>>) dst(%dma_wait3A_577 : memref<32x128xf32, #tpu.memory_space<vmem>>)
      %dma_wait3A_581 = arith.constant 0 : i32
      %dma_wait3A_582 = arith.constant 0 : i32
      %dma_wait3A_583 = tpu.memref_slice %arg13[%rem3A_548, %dma_wait3A_581, %dma_wait3A_582] : memref<4x32x128xf32, #tpu.memory_space<vmem>> -> memref<1x32x128xf32, #tpu.memory_space<vmem>>
      %dma_wait3A_584 = tpu.memref_squeeze %dma_wait3A_583 : memref<1x32x128xf32, #tpu.memory_space<vmem>> -> memref<32x128xf32, #tpu.memory_space<vmem>>
      %dma_wait3A_585 = arith.constant 0 : i32
      %dma_wait3A_586 = arith.constant 0 : i32
      %dma_wait3A_587 = tpu.memref_slice %arg6[%dma_wait3A_585, %dma_wait3A_586] : memref<32x1000000xf32, #tpu.memory_space<hbm>> -> memref<32x128xf32, #tpu.memory_space<hbm>>
      %dma_wait3A_588 = arith.constant 0 : i32
      %dma_wait3A_589 = arith.constant 0 : i32
      %dma_wait3A_590 = tpu.memref_slice %arg13[%rem3A_548, %dma_wait3A_588, %dma_wait3A_589] : memref<4x32x128xf32, #tpu.memory_space<vmem>> -> memref<1x32x128xf32, #tpu.memory_space<vmem>>
      %dma_wait3A_591 = tpu.memref_squeeze %dma_wait3A_590 : memref<1x32x128xf32, #tpu.memory_space<vmem>> -> memref<32x128xf32, #tpu.memory_space<vmem>>
      %dma_wait3A_592 = arith.constant 0 : i32
      %dma_wait3A_593 = arith.constant 0 : i32
      %dma_wait3A_594 = tpu.memref_slice %arg6[%dma_wait3A_592, %dma_wait3A_593] : memref<32x1000000xf32, #tpu.memory_space<hbm>> -> memref<32x128xf32, #tpu.memory_space<hbm>>
      tpu.wait_dma2 semaphore(%arg16 : memref<!tpu.dma_semaphore, #tpu.memory_space<semaphore_mem>>) src(%dma_wait3A_594 : memref<32x128xf32, #tpu.memory_space<hbm>>) dst(%dma_wait3A_591 : memref<32x128xf32, #tpu.memory_space<vmem>>)
      %dma_wait3A_595 = arith.constant 0 : i32
      %dma_wait3A_596 = arith.constant 0 : i32
      %dma_wait3A_597 = tpu.memref_slice %arg14[%rem3A_548, %dma_wait3A_595, %dma_wait3A_596] : memref<4x32x128xf32, #tpu.memory_space<vmem>> -> memref<1x32x128xf32, #tpu.memory_space<vmem>>
      %dma_wait3A_598 = tpu.memref_squeeze %dma_wait3A_597 : memref<1x32x128xf32, #tpu.memory_space<vmem>> -> memref<32x128xf32, #tpu.memory_space<vmem>>
      %dma_wait3A_599 = arith.constant 0 : i32
      %dma_wait3A_600 = arith.constant 0 : i32
      %dma_wait3A_601 = tpu.memref_slice %arg7[%dma_wait3A_599, %dma_wait3A_600] : memref<32x1000000xf32, #tpu.memory_space<hbm>> -> memref<32x128xf32, #tpu.memory_space<hbm>>
      %dma_wait3A_602 = arith.constant 0 : i32
      %dma_wait3A_603 = arith.constant 0 : i32
      %dma_wait3A_604 = tpu.memref_slice %arg14[%rem3A_548, %dma_wait3A_602, %dma_wait3A_603] : memref<4x32x128xf32, #tpu.memory_space<vmem>> -> memref<1x32x128xf32, #tpu.memory_space<vmem>>
      %dma_wait3A_605 = tpu.memref_squeeze %dma_wait3A_604 : memref<1x32x128xf32, #tpu.memory_space<vmem>> -> memref<32x128xf32, #tpu.memory_space<vmem>>
      %dma_wait3A_606 = arith.constant 0 : i32
      %dma_wait3A_607 = arith.constant 0 : i32
      %dma_wait3A_608 = tpu.memref_slice %arg7[%dma_wait3A_606, %dma_wait3A_607] : memref<32x1000000xf32, #tpu.memory_space<hbm>> -> memref<32x128xf32, #tpu.memory_space<hbm>>
      tpu.wait_dma2 semaphore(%arg16 : memref<!tpu.dma_semaphore, #tpu.memory_space<semaphore_mem>>) src(%dma_wait3A_608 : memref<32x128xf32, #tpu.memory_space<hbm>>) dst(%dma_wait3A_605 : memref<32x128xf32, #tpu.memory_space<vmem>>)
      %rem3A_609 = arith.constant 128 : i32
      %rem3A_610 = arith.remsi %add3A_546, %rem3A_609 : i32
      %and3A_611 = arith.constant 127 : i32
      %and3A_612 = arith.andi %squeeze3A_550, %and3A_611 : i32
      %broadcast_in_dim3A_613 = vector.broadcast %and3A_612 : i32 to vector<16xi32>
      %gather3A_614 = arith.constant 0 : i32
      %gather3A_615 = arith.constant 0 : i32
      %gather3A_616 = tpu.memref_slice %arg11[%rem3A_548, %gather3A_614, %gather3A_615] : memref<4x32x128xf32, #tpu.memory_space<vmem>> -> memref<1x32x128xf32, #tpu.memory_space<vmem>>
      %gather3A_617 = tpu.memref_squeeze %gather3A_616 : memref<1x32x128xf32, #tpu.memory_space<vmem>> -> memref<32x128xf32, #tpu.memory_space<vmem>>
      %gather3A_618 = tpu.vector_load_idx %gather3A_617[%add3A_5, %broadcast_in_dim3A_613] : memref<32x128xf32, #tpu.memory_space<vmem>>[vector<16xi32>, vector<16xi32>], vector<16xf32>,
      %swap3A_619 = arith.index_cast %rem3A_610 : i32 to index
      %swap3A_620 = arith.constant 0 : index
      %swap3A_621 = tpu.vector_load %arg15[%swap3A_619, %swap3A_620] {strides = array<i32>} : memref<128x128xf32, #tpu.memory_space<vmem>>, vector<16xf32>,
      tpu.vector_store %arg15[%swap3A_619, %swap3A_620], %gather3A_618 {strides = array<i32>} : memref<128x128xf32, #tpu.memory_space<vmem>>, vector<16xf32>,
      %gather3A_622 = arith.constant 0 : i32
      %gather3A_623 = arith.constant 0 : i32
      %gather3A_624 = tpu.memref_slice %arg11[%rem3A_548, %gather3A_622, %gather3A_623] : memref<4x32x128xf32, #tpu.memory_space<vmem>> -> memref<1x32x128xf32, #tpu.memory_space<vmem>>
      %gather3A_625 = tpu.memref_squeeze %gather3A_624 : memref<1x32x128xf32, #tpu.memory_space<vmem>> -> memref<32x128xf32, #tpu.memory_space<vmem>>
      %gather3A_626 = tpu.vector_load_idx %gather3A_625[%add3A_9, %broadcast_in_dim3A_613] : memref<32x128xf32, #tpu.memory_space<vmem>>[vector<16xi32>, vector<16xi32>], vector<16xf32>,
      %swap3A_627 = arith.index_cast %rem3A_610 : i32 to index
      %swap3A_628 = arith.constant 16 : index
      %swap3A_629 = tpu.vector_load %arg15[%swap3A_627, %swap3A_628] {strides = array<i32>} : memref<128x128xf32, #tpu.memory_space<vmem>>, vector<16xf32>,
      tpu.vector_store %arg15[%swap3A_627, %swap3A_628], %gather3A_626 {strides = array<i32>} : memref<128x128xf32, #tpu.memory_space<vmem>>, vector<16xf32>,
      %and3A_630 = arith.constant 127 : i32
      %and3A_631 = arith.andi %squeeze3A_552, %and3A_630 : i32
      %broadcast_in_dim3A_632 = vector.broadcast %and3A_631 : i32 to vector<16xi32>
      %gather3A_633 = arith.constant 0 : i32
      %gather3A_634 = arith.constant 0 : i32
      %gather3A_635 = tpu.memref_slice %arg12[%rem3A_548, %gather3A_633, %gather3A_634] : memref<4x32x128xf32, #tpu.memory_space<vmem>> -> memref<1x32x128xf32, #tpu.memory_space<vmem>>
      %gather3A_636 = tpu.memref_squeeze %gather3A_635 : memref<1x32x128xf32, #tpu.memory_space<vmem>> -> memref<32x128xf32, #tpu.memory_space<vmem>>
      %gather3A_637 = tpu.vector_load_idx %gather3A_636[%add3A_5, %broadcast_in_dim3A_632] : memref<32x128xf32, #tpu.memory_space<vmem>>[vector<16xi32>, vector<16xi32>], vector<16xf32>,
      %swap3A_638 = arith.index_cast %rem3A_610 : i32 to index
      %swap3A_639 = arith.constant 32 : index
      %swap3A_640 = tpu.vector_load %arg15[%swap3A_638, %swap3A_639] {strides = array<i32>} : memref<128x128xf32, #tpu.memory_space<vmem>>, vector<16xf32>,
      tpu.vector_store %arg15[%swap3A_638, %swap3A_639], %gather3A_637 {strides = array<i32>} : memref<128x128xf32, #tpu.memory_space<vmem>>, vector<16xf32>,
      %gather3A_641 = arith.constant 0 : i32
      %gather3A_642 = arith.constant 0 : i32
      %gather3A_643 = tpu.memref_slice %arg12[%rem3A_548, %gather3A_641, %gather3A_642] : memref<4x32x128xf32, #tpu.memory_space<vmem>> -> memref<1x32x128xf32, #tpu.memory_space<vmem>>
      %gather3A_644 = tpu.memref_squeeze %gather3A_643 : memref<1x32x128xf32, #tpu.memory_space<vmem>> -> memref<32x128xf32, #tpu.memory_space<vmem>>
      %gather3A_645 = tpu.vector_load_idx %gather3A_644[%add3A_9, %broadcast_in_dim3A_632] : memref<32x128xf32, #tpu.memory_space<vmem>>[vector<16xi32>, vector<16xi32>], vector<16xf32>,
      %swap3A_646 = arith.index_cast %rem3A_610 : i32 to index
      %swap3A_647 = arith.constant 48 : index
      %swap3A_648 = tpu.vector_load %arg15[%swap3A_646, %swap3A_647] {strides = array<i32>} : memref<128x128xf32, #tpu.memory_space<vmem>>, vector<16xf32>,
      tpu.vector_store %arg15[%swap3A_646, %swap3A_647], %gather3A_645 {strides = array<i32>} : memref<128x128xf32, #tpu.memory_space<vmem>>, vector<16xf32>,
      %and3A_649 = arith.constant 127 : i32
      %and3A_650 = arith.andi %squeeze3A_550, %and3A_649 : i32
      %broadcast_in_dim3A_651 = vector.broadcast %and3A_650 : i32 to vector<16xi32>
      %gather3A_652 = arith.constant 0 : i32
      %gather3A_653 = arith.constant 0 : i32
      %gather3A_654 = tpu.memref_slice %arg13[%rem3A_548, %gather3A_652, %gather3A_653] : memref<4x32x128xf32, #tpu.memory_space<vmem>> -> memref<1x32x128xf32, #tpu.memory_space<vmem>>
      %gather3A_655 = tpu.memref_squeeze %gather3A_654 : memref<1x32x128xf32, #tpu.memory_space<vmem>> -> memref<32x128xf32, #tpu.memory_space<vmem>>
      %gather3A_656 = tpu.vector_load_idx %gather3A_655[%add3A_5, %broadcast_in_dim3A_651] : memref<32x128xf32, #tpu.memory_space<vmem>>[vector<16xi32>, vector<16xi32>], vector<16xf32>,
      %swap3A_657 = arith.index_cast %rem3A_610 : i32 to index
      %swap3A_658 = arith.constant 64 : index
      %swap3A_659 = tpu.vector_load %arg15[%swap3A_657, %swap3A_658] {strides = array<i32>} : memref<128x128xf32, #tpu.memory_space<vmem>>, vector<16xf32>,
      tpu.vector_store %arg15[%swap3A_657, %swap3A_658], %gather3A_656 {strides = array<i32>} : memref<128x128xf32, #tpu.memory_space<vmem>>, vector<16xf32>,
      %gather3A_660 = arith.constant 0 : i32
      %gather3A_661 = arith.constant 0 : i32
      %gather3A_662 = tpu.memref_slice %arg13[%rem3A_548, %gather3A_660, %gather3A_661] : memref<4x32x128xf32, #tpu.memory_space<vmem>> -> memref<1x32x128xf32, #tpu.memory_space<vmem>>
      %gather3A_663 = tpu.memref_squeeze %gather3A_662 : memref<1x32x128xf32, #tpu.memory_space<vmem>> -> memref<32x128xf32, #tpu.memory_space<vmem>>
      %gather3A_664 = tpu.vector_load_idx %gather3A_663[%add3A_9, %broadcast_in_dim3A_651] : memref<32x128xf32, #tpu.memory_space<vmem>>[vector<16xi32>, vector<16xi32>], vector<16xf32>,
      %swap3A_665 = arith.index_cast %rem3A_610 : i32 to index
      %swap3A_666 = arith.constant 80 : index
      %swap3A_667 = tpu.vector_load %arg15[%swap3A_665, %swap3A_666] {strides = array<i32>} : memref<128x128xf32, #tpu.memory_space<vmem>>, vector<16xf32>,
      tpu.vector_store %arg15[%swap3A_665, %swap3A_666], %gather3A_664 {strides = array<i32>} : memref<128x128xf32, #tpu.memory_space<vmem>>, vector<16xf32>,
      %and3A_668 = arith.constant 127 : i32
      %and3A_669 = arith.andi %squeeze3A_552, %and3A_668 : i32
      %broadcast_in_dim3A_670 = vector.broadcast %and3A_669 : i32 to vector<16xi32>
      %gather3A_671 = arith.constant 0 : i32
      %gather3A_672 = arith.constant 0 : i32
      %gather3A_673 = tpu.memref_slice %arg14[%rem3A_548, %gather3A_671, %gather3A_672] : memref<4x32x128xf32, #tpu.memory_space<vmem>> -> memref<1x32x128xf32, #tpu.memory_space<vmem>>
      %gather3A_674 = tpu.memref_squeeze %gather3A_673 : memref<1x32x128xf32, #tpu.memory_space<vmem>> -> memref<32x128xf32, #tpu.memory_space<vmem>>
      %gather3A_675 = tpu.vector_load_idx %gather3A_674[%add3A_5, %broadcast_in_dim3A_670] : memref<32x128xf32, #tpu.memory_space<vmem>>[vector<16xi32>, vector<16xi32>], vector<16xf32>,
      %swap3A_676 = arith.index_cast %rem3A_610 : i32 to index
      %swap3A_677 = arith.constant 96 : index
      %swap3A_678 = tpu.vector_load %arg15[%swap3A_676, %swap3A_677] {strides = array<i32>} : memref<128x128xf32, #tpu.memory_space<vmem>>, vector<16xf32>,
      tpu.vector_store %arg15[%swap3A_676, %swap3A_677], %gather3A_675 {strides = array<i32>} : memref<128x128xf32, #tpu.memory_space<vmem>>, vector<16xf32>,
      %gather3A_679 = arith.constant 0 : i32
      %gather3A_680 = arith.constant 0 : i32
      %gather3A_681 = tpu.memref_slice %arg14[%rem3A_548, %gather3A_679, %gather3A_680] : memref<4x32x128xf32, #tpu.memory_space<vmem>> -> memref<1x32x128xf32, #tpu.memory_space<vmem>>
      %gather3A_682 = tpu.memref_squeeze %gather3A_681 : memref<1x32x128xf32, #tpu.memory_space<vmem>> -> memref<32x128xf32, #tpu.memory_space<vmem>>
      %gather3A_683 = tpu.vector_load_idx %gather3A_682[%add3A_9, %broadcast_in_dim3A_670] : memref<32x128xf32, #tpu.memory_space<vmem>>[vector<16xi32>, vector<16xi32>], vector<16xf32>,
      %swap3A_684 = arith.index_cast %rem3A_610 : i32 to index
      %swap3A_685 = arith.constant 112 : index
      %swap3A_686 = tpu.vector_load %arg15[%swap3A_684, %swap3A_685] {strides = array<i32>} : memref<128x128xf32, #tpu.memory_space<vmem>>, vector<16xf32>,
      tpu.vector_store %arg15[%swap3A_684, %swap3A_685], %gather3A_683 {strides = array<i32>} : memref<128x128xf32, #tpu.memory_space<vmem>>, vector<16xf32>,
      %add3A_687 = arith.constant 4 : i32
      %add3A_688 = arith.addi %add3A_546, %add3A_687 : i32
      %rem3A_689 = arith.constant 4 : i32
      %rem3A_690 = arith.remsi %add3A_688, %rem3A_689 : i32
      %slice3A_691 = vector.extract_strided_slice %get3A_323 {offsets = [5], sizes = [1], strides = [1]} : vector<16xi32> to vector<1xi32>
      %squeeze3A_692 = vector.extract %slice3A_691[0] : i32 from vector<1xi32>
      %slice3A_693 = vector.extract_strided_slice %get3A_325 {offsets = [5], sizes = [1], strides = [1]} : vector<16xi32> to vector<1xi32>
      %squeeze3A_694 = vector.extract %slice3A_693[0] : i32 from vector<1xi32>
      %shift_right_logical3A_695 = arith.constant 7 : i32
      %shift_right_logical3A_696 = arith.shrui %squeeze3A_692, %shift_right_logical3A_695 : i32
      %shift_left3A_697 = arith.constant 7 : i32
      %shift_left3A_698 = arith.shli %shift_right_logical3A_696, %shift_left3A_697 : i32
      %multiple_of3A_699 = tpu.assume_multiple %shift_left3A_698, 128 : i32
      %dma_start3A_700 = arith.constant 0 : i32
      %dma_start3A_701 = arith.constant 0 : i32
      %dma_start3A_702 = tpu.memref_slice %arg11[%rem3A_690, %dma_start3A_700, %dma_start3A_701] : memref<4x32x128xf32, #tpu.memory_space<vmem>> -> memref<1x32x128xf32, #tpu.memory_space<vmem>>
      %dma_start3A_703 = tpu.memref_squeeze %dma_start3A_702 : memref<1x32x128xf32, #tpu.memory_space<vmem>> -> memref<32x128xf32, #tpu.memory_space<vmem>>
      %dma_start3A_704 = arith.constant 0 : i32
      %dma_start3A_705 = tpu.memref_slice %arg4[%dma_start3A_704, %multiple_of3A_699] : memref<32x1000000xf32, #tpu.memory_space<hbm>> -> memref<32x128xf32, #tpu.memory_space<hbm>>
      %dma_start3A_706 = arith.constant 0 : i32
      %dma_start3A_707 = arith.constant 0 : i32
      %dma_start3A_708 = tpu.memref_slice %arg11[%rem3A_690, %dma_start3A_706, %dma_start3A_707] : memref<4x32x128xf32, #tpu.memory_space<vmem>> -> memref<1x32x128xf32, #tpu.memory_space<vmem>>
      %dma_start3A_709 = tpu.memref_squeeze %dma_start3A_708 : memref<1x32x128xf32, #tpu.memory_space<vmem>> -> memref<32x128xf32, #tpu.memory_space<vmem>>
      %dma_start3A_710 = arith.constant 0 : i32
      %dma_start3A_711 = tpu.memref_slice %arg4[%dma_start3A_710, %multiple_of3A_699] : memref<32x1000000xf32, #tpu.memory_space<hbm>> -> memref<32x128xf32, #tpu.memory_space<hbm>>
      tpu.enqueue_dma source(%dma_start3A_711 : memref<32x128xf32, #tpu.memory_space<hbm>>) target(%dma_start3A_709 : memref<32x128xf32, #tpu.memory_space<vmem>>) target_semaphore(%arg16 : memref<!tpu.dma_semaphore, #tpu.memory_space<semaphore_mem>>)
      %shift_right_logical3A_712 = arith.constant 7 : i32
      %shift_right_logical3A_713 = arith.shrui %squeeze3A_694, %shift_right_logical3A_712 : i32
      %shift_left3A_714 = arith.constant 7 : i32
      %shift_left3A_715 = arith.shli %shift_right_logical3A_713, %shift_left3A_714 : i32
      %multiple_of3A_716 = tpu.assume_multiple %shift_left3A_715, 128 : i32
      %dma_start3A_717 = arith.constant 0 : i32
      %dma_start3A_718 = arith.constant 0 : i32
      %dma_start3A_719 = tpu.memref_slice %arg12[%rem3A_690, %dma_start3A_717, %dma_start3A_718] : memref<4x32x128xf32, #tpu.memory_space<vmem>> -> memref<1x32x128xf32, #tpu.memory_space<vmem>>
      %dma_start3A_720 = tpu.memref_squeeze %dma_start3A_719 : memref<1x32x128xf32, #tpu.memory_space<vmem>> -> memref<32x128xf32, #tpu.memory_space<vmem>>
      %dma_start3A_721 = arith.constant 0 : i32
      %dma_start3A_722 = tpu.memref_slice %arg5[%dma_start3A_721, %multiple_of3A_716] : memref<32x1000000xf32, #tpu.memory_space<hbm>> -> memref<32x128xf32, #tpu.memory_space<hbm>>
      %dma_start3A_723 = arith.constant 0 : i32
      %dma_start3A_724 = arith.constant 0 : i32
      %dma_start3A_725 = tpu.memref_slice %arg12[%rem3A_690, %dma_start3A_723, %dma_start3A_724] : memref<4x32x128xf32, #tpu.memory_space<vmem>> -> memref<1x32x128xf32, #tpu.memory_space<vmem>>
      %dma_start3A_726 = tpu.memref_squeeze %dma_start3A_725 : memref<1x32x128xf32, #tpu.memory_space<vmem>> -> memref<32x128xf32, #tpu.memory_space<vmem>>
      %dma_start3A_727 = arith.constant 0 : i32
      %dma_start3A_728 = tpu.memref_slice %arg5[%dma_start3A_727, %multiple_of3A_716] : memref<32x1000000xf32, #tpu.memory_space<hbm>> -> memref<32x128xf32, #tpu.memory_space<hbm>>
      tpu.enqueue_dma source(%dma_start3A_728 : memref<32x128xf32, #tpu.memory_space<hbm>>) target(%dma_start3A_726 : memref<32x128xf32, #tpu.memory_space<vmem>>) target_semaphore(%arg16 : memref<!tpu.dma_semaphore, #tpu.memory_space<semaphore_mem>>)
      %shift_right_logical3A_729 = arith.constant 7 : i32
      %shift_right_logical3A_730 = arith.shrui %squeeze3A_692, %shift_right_logical3A_729 : i32
      %shift_left3A_731 = arith.constant 7 : i32
      %shift_left3A_732 = arith.shli %shift_right_logical3A_730, %shift_left3A_731 : i32
      %multiple_of3A_733 = tpu.assume_multiple %shift_left3A_732, 128 : i32
      %dma_start3A_734 = arith.constant 0 : i32
      %dma_start3A_735 = arith.constant 0 : i32
      %dma_start3A_736 = tpu.memref_slice %arg13[%rem3A_690, %dma_start3A_734, %dma_start3A_735] : memref<4x32x128xf32, #tpu.memory_space<vmem>> -> memref<1x32x128xf32, #tpu.memory_space<vmem>>
      %dma_start3A_737 = tpu.memref_squeeze %dma_start3A_736 : memref<1x32x128xf32, #tpu.memory_space<vmem>> -> memref<32x128xf32, #tpu.memory_space<vmem>>
      %dma_start3A_738 = arith.constant 0 : i32
      %dma_start3A_739 = tpu.memref_slice %arg6[%dma_start3A_738, %multiple_of3A_733] : memref<32x1000000xf32, #tpu.memory_space<hbm>> -> memref<32x128xf32, #tpu.memory_space<hbm>>
      %dma_start3A_740 = arith.constant 0 : i32
      %dma_start3A_741 = arith.constant 0 : i32
      %dma_start3A_742 = tpu.memref_slice %arg13[%rem3A_690, %dma_start3A_740, %dma_start3A_741] : memref<4x32x128xf32, #tpu.memory_space<vmem>> -> memref<1x32x128xf32, #tpu.memory_space<vmem>>
      %dma_start3A_743 = tpu.memref_squeeze %dma_start3A_742 : memref<1x32x128xf32, #tpu.memory_space<vmem>> -> memref<32x128xf32, #tpu.memory_space<vmem>>
      %dma_start3A_744 = arith.constant 0 : i32
      %dma_start3A_745 = tpu.memref_slice %arg6[%dma_start3A_744, %multiple_of3A_733] : memref<32x1000000xf32, #tpu.memory_space<hbm>> -> memref<32x128xf32, #tpu.memory_space<hbm>>
      tpu.enqueue_dma source(%dma_start3A_745 : memref<32x128xf32, #tpu.memory_space<hbm>>) target(%dma_start3A_743 : memref<32x128xf32, #tpu.memory_space<vmem>>) target_semaphore(%arg16 : memref<!tpu.dma_semaphore, #tpu.memory_space<semaphore_mem>>)
      %shift_right_logical3A_746 = arith.constant 7 : i32
      %shift_right_logical3A_747 = arith.shrui %squeeze3A_694, %shift_right_logical3A_746 : i32
      %shift_left3A_748 = arith.constant 7 : i32
      %shift_left3A_749 = arith.shli %shift_right_logical3A_747, %shift_left3A_748 : i32
      %multiple_of3A_750 = tpu.assume_multiple %shift_left3A_749, 128 : i32
      %dma_start3A_751 = arith.constant 0 : i32
      %dma_start3A_752 = arith.constant 0 : i32
      %dma_start3A_753 = tpu.memref_slice %arg14[%rem3A_690, %dma_start3A_751, %dma_start3A_752] : memref<4x32x128xf32, #tpu.memory_space<vmem>> -> memref<1x32x128xf32, #tpu.memory_space<vmem>>
      %dma_start3A_754 = tpu.memref_squeeze %dma_start3A_753 : memref<1x32x128xf32, #tpu.memory_space<vmem>> -> memref<32x128xf32, #tpu.memory_space<vmem>>
      %dma_start3A_755 = arith.constant 0 : i32
      %dma_start3A_756 = tpu.memref_slice %arg7[%dma_start3A_755, %multiple_of3A_750] : memref<32x1000000xf32, #tpu.memory_space<hbm>> -> memref<32x128xf32, #tpu.memory_space<hbm>>
      %dma_start3A_757 = arith.constant 0 : i32
      %dma_start3A_758 = arith.constant 0 : i32
      %dma_start3A_759 = tpu.memref_slice %arg14[%rem3A_690, %dma_start3A_757, %dma_start3A_758] : memref<4x32x128xf32, #tpu.memory_space<vmem>> -> memref<1x32x128xf32, #tpu.memory_space<vmem>>
      %dma_start3A_760 = tpu.memref_squeeze %dma_start3A_759 : memref<1x32x128xf32, #tpu.memory_space<vmem>> -> memref<32x128xf32, #tpu.memory_space<vmem>>
      %dma_start3A_761 = arith.constant 0 : i32
      %dma_start3A_762 = tpu.memref_slice %arg7[%dma_start3A_761, %multiple_of3A_750] : memref<32x1000000xf32, #tpu.memory_space<hbm>> -> memref<32x128xf32, #tpu.memory_space<hbm>>
      tpu.enqueue_dma source(%dma_start3A_762 : memref<32x128xf32, #tpu.memory_space<hbm>>) target(%dma_start3A_760 : memref<32x128xf32, #tpu.memory_space<vmem>>) target_semaphore(%arg16 : memref<!tpu.dma_semaphore, #tpu.memory_space<semaphore_mem>>)
      %add3A_763 = arith.constant 2 : i32
      %add3A_764 = arith.addi %mul3A_321, %add3A_763 : i32
      %rem3A_765 = arith.constant 4 : i32
      %rem3A_766 = arith.remsi %add3A_764, %rem3A_765 : i32
      %slice3A_767 = vector.extract_strided_slice %get3A_323 {offsets = [2], sizes = [1], strides = [1]} : vector<16xi32> to vector<1xi32>
      %squeeze3A_768 = vector.extract %slice3A_767[0] : i32 from vector<1xi32>
      %slice3A_769 = vector.extract_strided_slice %get3A_325 {offsets = [2], sizes = [1], strides = [1]} : vector<16xi32> to vector<1xi32>
      %squeeze3A_770 = vector.extract %slice3A_769[0] : i32 from vector<1xi32>
      %dma_wait3A_771 = arith.constant 0 : i32
      %dma_wait3A_772 = arith.constant 0 : i32
      %dma_wait3A_773 = tpu.memref_slice %arg11[%rem3A_766, %dma_wait3A_771, %dma_wait3A_772] : memref<4x32x128xf32, #tpu.memory_space<vmem>> -> memref<1x32x128xf32, #tpu.memory_space<vmem>>
      %dma_wait3A_774 = tpu.memref_squeeze %dma_wait3A_773 : memref<1x32x128xf32, #tpu.memory_space<vmem>> -> memref<32x128xf32, #tpu.memory_space<vmem>>
      %dma_wait3A_775 = arith.constant 0 : i32
      %dma_wait3A_776 = arith.constant 0 : i32
      %dma_wait3A_777 = tpu.memref_slice %arg4[%dma_wait3A_775, %dma_wait3A_776] : memref<32x1000000xf32, #tpu.memory_space<hbm>> -> memref<32x128xf32, #tpu.memory_space<hbm>>
      %dma_wait3A_778 = arith.constant 0 : i32
      %dma_wait3A_779 = arith.constant 0 : i32
      %dma_wait3A_780 = tpu.memref_slice %arg11[%rem3A_766, %dma_wait3A_778, %dma_wait3A_779] : memref<4x32x128xf32, #tpu.memory_space<vmem>> -> memref<1x32x128xf32, #tpu.memory_space<vmem>>
      %dma_wait3A_781 = tpu.memref_squeeze %dma_wait3A_780 : memref<1x32x128xf32, #tpu.memory_space<vmem>> -> memref<32x128xf32, #tpu.memory_space<vmem>>
      %dma_wait3A_782 = arith.constant 0 : i32
      %dma_wait3A_783 = arith.constant 0 : i32
      %dma_wait3A_784 = tpu.memref_slice %arg4[%dma_wait3A_782, %dma_wait3A_783] : memref<32x1000000xf32, #tpu.memory_space<hbm>> -> memref<32x128xf32, #tpu.memory_space<hbm>>
      tpu.wait_dma2 semaphore(%arg16 : memref<!tpu.dma_semaphore, #tpu.memory_space<semaphore_mem>>) src(%dma_wait3A_784 : memref<32x128xf32, #tpu.memory_space<hbm>>) dst(%dma_wait3A_781 : memref<32x128xf32, #tpu.memory_space<vmem>>)
      %dma_wait3A_785 = arith.constant 0 : i32
      %dma_wait3A_786 = arith.constant 0 : i32
      %dma_wait3A_787 = tpu.memref_slice %arg12[%rem3A_766, %dma_wait3A_785, %dma_wait3A_786] : memref<4x32x128xf32, #tpu.memory_space<vmem>> -> memref<1x32x128xf32, #tpu.memory_space<vmem>>
      %dma_wait3A_788 = tpu.memref_squeeze %dma_wait3A_787 : memref<1x32x128xf32, #tpu.memory_space<vmem>> -> memref<32x128xf32, #tpu.memory_space<vmem>>
      %dma_wait3A_789 = arith.constant 0 : i32
      %dma_wait3A_790 = arith.constant 0 : i32
      %dma_wait3A_791 = tpu.memref_slice %arg5[%dma_wait3A_789, %dma_wait3A_790] : memref<32x1000000xf32, #tpu.memory_space<hbm>> -> memref<32x128xf32, #tpu.memory_space<hbm>>
      %dma_wait3A_792 = arith.constant 0 : i32
      %dma_wait3A_793 = arith.constant 0 : i32
      %dma_wait3A_794 = tpu.memref_slice %arg12[%rem3A_766, %dma_wait3A_792, %dma_wait3A_793] : memref<4x32x128xf32, #tpu.memory_space<vmem>> -> memref<1x32x128xf32, #tpu.memory_space<vmem>>
      %dma_wait3A_795 = tpu.memref_squeeze %dma_wait3A_794 : memref<1x32x128xf32, #tpu.memory_space<vmem>> -> memref<32x128xf32, #tpu.memory_space<vmem>>
      %dma_wait3A_796 = arith.constant 0 : i32
      %dma_wait3A_797 = arith.constant 0 : i32
      %dma_wait3A_798 = tpu.memref_slice %arg5[%dma_wait3A_796, %dma_wait3A_797] : memref<32x1000000xf32, #tpu.memory_space<hbm>> -> memref<32x128xf32, #tpu.memory_space<hbm>>
      tpu.wait_dma2 semaphore(%arg16 : memref<!tpu.dma_semaphore, #tpu.memory_space<semaphore_mem>>) src(%dma_wait3A_798 : memref<32x128xf32, #tpu.memory_space<hbm>>) dst(%dma_wait3A_795 : memref<32x128xf32, #tpu.memory_space<vmem>>)
      %dma_wait3A_799 = arith.constant 0 : i32
      %dma_wait3A_800 = arith.constant 0 : i32
      %dma_wait3A_801 = tpu.memref_slice %arg13[%rem3A_766, %dma_wait3A_799, %dma_wait3A_800] : memref<4x32x128xf32, #tpu.memory_space<vmem>> -> memref<1x32x128xf32, #tpu.memory_space<vmem>>
      %dma_wait3A_802 = tpu.memref_squeeze %dma_wait3A_801 : memref<1x32x128xf32, #tpu.memory_space<vmem>> -> memref<32x128xf32, #tpu.memory_space<vmem>>
      %dma_wait3A_803 = arith.constant 0 : i32
      %dma_wait3A_804 = arith.constant 0 : i32
      %dma_wait3A_805 = tpu.memref_slice %arg6[%dma_wait3A_803, %dma_wait3A_804] : memref<32x1000000xf32, #tpu.memory_space<hbm>> -> memref<32x128xf32, #tpu.memory_space<hbm>>
      %dma_wait3A_806 = arith.constant 0 : i32
      %dma_wait3A_807 = arith.constant 0 : i32
      %dma_wait3A_808 = tpu.memref_slice %arg13[%rem3A_766, %dma_wait3A_806, %dma_wait3A_807] : memref<4x32x128xf32, #tpu.memory_space<vmem>> -> memref<1x32x128xf32, #tpu.memory_space<vmem>>
      %dma_wait3A_809 = tpu.memref_squeeze %dma_wait3A_808 : memref<1x32x128xf32, #tpu.memory_space<vmem>> -> memref<32x128xf32, #tpu.memory_space<vmem>>
      %dma_wait3A_810 = arith.constant 0 : i32
      %dma_wait3A_811 = arith.constant 0 : i32
      %dma_wait3A_812 = tpu.memref_slice %arg6[%dma_wait3A_810, %dma_wait3A_811] : memref<32x1000000xf32, #tpu.memory_space<hbm>> -> memref<32x128xf32, #tpu.memory_space<hbm>>
      tpu.wait_dma2 semaphore(%arg16 : memref<!tpu.dma_semaphore, #tpu.memory_space<semaphore_mem>>) src(%dma_wait3A_812 : memref<32x128xf32, #tpu.memory_space<hbm>>) dst(%dma_wait3A_809 : memref<32x128xf32, #tpu.memory_space<vmem>>)
      %dma_wait3A_813 = arith.constant 0 : i32
      %dma_wait3A_814 = arith.constant 0 : i32
      %dma_wait3A_815 = tpu.memref_slice %arg14[%rem3A_766, %dma_wait3A_813, %dma_wait3A_814] : memref<4x32x128xf32, #tpu.memory_space<vmem>> -> memref<1x32x128xf32, #tpu.memory_space<vmem>>
      %dma_wait3A_816 = tpu.memref_squeeze %dma_wait3A_815 : memref<1x32x128xf32, #tpu.memory_space<vmem>> -> memref<32x128xf32, #tpu.memory_space<vmem>>
      %dma_wait3A_817 = arith.constant 0 : i32
      %dma_wait3A_818 = arith.constant 0 : i32
      %dma_wait3A_819 = tpu.memref_slice %arg7[%dma_wait3A_817, %dma_wait3A_818] : memref<32x1000000xf32, #tpu.memory_space<hbm>> -> memref<32x128xf32, #tpu.memory_space<hbm>>
      %dma_wait3A_820 = arith.constant 0 : i32
      %dma_wait3A_821 = arith.constant 0 : i32
      %dma_wait3A_822 = tpu.memref_slice %arg14[%rem3A_766, %dma_wait3A_820, %dma_wait3A_821] : memref<4x32x128xf32, #tpu.memory_space<vmem>> -> memref<1x32x128xf32, #tpu.memory_space<vmem>>
      %dma_wait3A_823 = tpu.memref_squeeze %dma_wait3A_822 : memref<1x32x128xf32, #tpu.memory_space<vmem>> -> memref<32x128xf32, #tpu.memory_space<vmem>>
      %dma_wait3A_824 = arith.constant 0 : i32
      %dma_wait3A_825 = arith.constant 0 : i32
      %dma_wait3A_826 = tpu.memref_slice %arg7[%dma_wait3A_824, %dma_wait3A_825] : memref<32x1000000xf32, #tpu.memory_space<hbm>> -> memref<32x128xf32, #tpu.memory_space<hbm>>
      tpu.wait_dma2 semaphore(%arg16 : memref<!tpu.dma_semaphore, #tpu.memory_space<semaphore_mem>>) src(%dma_wait3A_826 : memref<32x128xf32, #tpu.memory_space<hbm>>) dst(%dma_wait3A_823 : memref<32x128xf32, #tpu.memory_space<vmem>>)
      %rem3A_827 = arith.constant 128 : i32
      %rem3A_828 = arith.remsi %add3A_764, %rem3A_827 : i32
      %and3A_829 = arith.constant 127 : i32
      %and3A_830 = arith.andi %squeeze3A_768, %and3A_829 : i32
      %broadcast_in_dim3A_831 = vector.broadcast %and3A_830 : i32 to vector<16xi32>
      %gather3A_832 = arith.constant 0 : i32
      %gather3A_833 = arith.constant 0 : i32
      %gather3A_834 = tpu.memref_slice %arg11[%rem3A_766, %gather3A_832, %gather3A_833] : memref<4x32x128xf32, #tpu.memory_space<vmem>> -> memref<1x32x128xf32, #tpu.memory_space<vmem>>
      %gather3A_835 = tpu.memref_squeeze %gather3A_834 : memref<1x32x128xf32, #tpu.memory_space<vmem>> -> memref<32x128xf32, #tpu.memory_space<vmem>>
      %gather3A_836 = tpu.vector_load_idx %gather3A_835[%add3A_5, %broadcast_in_dim3A_831] : memref<32x128xf32, #tpu.memory_space<vmem>>[vector<16xi32>, vector<16xi32>], vector<16xf32>,
      %swap3A_837 = arith.index_cast %rem3A_828 : i32 to index
      %swap3A_838 = arith.constant 0 : index
      %swap3A_839 = tpu.vector_load %arg15[%swap3A_837, %swap3A_838] {strides = array<i32>} : memref<128x128xf32, #tpu.memory_space<vmem>>, vector<16xf32>,
      tpu.vector_store %arg15[%swap3A_837, %swap3A_838], %gather3A_836 {strides = array<i32>} : memref<128x128xf32, #tpu.memory_space<vmem>>, vector<16xf32>,
      %gather3A_840 = arith.constant 0 : i32
      %gather3A_841 = arith.constant 0 : i32
      %gather3A_842 = tpu.memref_slice %arg11[%rem3A_766, %gather3A_840, %gather3A_841] : memref<4x32x128xf32, #tpu.memory_space<vmem>> -> memref<1x32x128xf32, #tpu.memory_space<vmem>>
      %gather3A_843 = tpu.memref_squeeze %gather3A_842 : memref<1x32x128xf32, #tpu.memory_space<vmem>> -> memref<32x128xf32, #tpu.memory_space<vmem>>
      %gather3A_844 = tpu.vector_load_idx %gather3A_843[%add3A_9, %broadcast_in_dim3A_831] : memref<32x128xf32, #tpu.memory_space<vmem>>[vector<16xi32>, vector<16xi32>], vector<16xf32>,
      %swap3A_845 = arith.index_cast %rem3A_828 : i32 to index
      %swap3A_846 = arith.constant 16 : index
      %swap3A_847 = tpu.vector_load %arg15[%swap3A_845, %swap3A_846] {strides = array<i32>} : memref<128x128xf32, #tpu.memory_space<vmem>>, vector<16xf32>,
      tpu.vector_store %arg15[%swap3A_845, %swap3A_846], %gather3A_844 {strides = array<i32>} : memref<128x128xf32, #tpu.memory_space<vmem>>, vector<16xf32>,
      %and3A_848 = arith.constant 127 : i32
      %and3A_849 = arith.andi %squeeze3A_770, %and3A_848 : i32
      %broadcast_in_dim3A_850 = vector.broadcast %and3A_849 : i32 to vector<16xi32>
      %gather3A_851 = arith.constant 0 : i32
      %gather3A_852 = arith.constant 0 : i32
      %gather3A_853 = tpu.memref_slice %arg12[%rem3A_766, %gather3A_851, %gather3A_852] : memref<4x32x128xf32, #tpu.memory_space<vmem>> -> memref<1x32x128xf32, #tpu.memory_space<vmem>>
      %gather3A_854 = tpu.memref_squeeze %gather3A_853 : memref<1x32x128xf32, #tpu.memory_space<vmem>> -> memref<32x128xf32, #tpu.memory_space<vmem>>
      %gather3A_855 = tpu.vector_load_idx %gather3A_854[%add3A_5, %broadcast_in_dim3A_850] : memref<32x128xf32, #tpu.memory_space<vmem>>[vector<16xi32>, vector<16xi32>], vector<16xf32>,
      %swap3A_856 = arith.index_cast %rem3A_828 : i32 to index
      %swap3A_857 = arith.constant 32 : index
      %swap3A_858 = tpu.vector_load %arg15[%swap3A_856, %swap3A_857] {strides = array<i32>} : memref<128x128xf32, #tpu.memory_space<vmem>>, vector<16xf32>,
      tpu.vector_store %arg15[%swap3A_856, %swap3A_857], %gather3A_855 {strides = array<i32>} : memref<128x128xf32, #tpu.memory_space<vmem>>, vector<16xf32>,
      %gather3A_859 = arith.constant 0 : i32
      %gather3A_860 = arith.constant 0 : i32
      %gather3A_861 = tpu.memref_slice %arg12[%rem3A_766, %gather3A_859, %gather3A_860] : memref<4x32x128xf32, #tpu.memory_space<vmem>> -> memref<1x32x128xf32, #tpu.memory_space<vmem>>
      %gather3A_862 = tpu.memref_squeeze %gather3A_861 : memref<1x32x128xf32, #tpu.memory_space<vmem>> -> memref<32x128xf32, #tpu.memory_space<vmem>>
      %gather3A_863 = tpu.vector_load_idx %gather3A_862[%add3A_9, %broadcast_in_dim3A_850] : memref<32x128xf32, #tpu.memory_space<vmem>>[vector<16xi32>, vector<16xi32>], vector<16xf32>,
      %swap3A_864 = arith.index_cast %rem3A_828 : i32 to index
      %swap3A_865 = arith.constant 48 : index
      %swap3A_866 = tpu.vector_load %arg15[%swap3A_864, %swap3A_865] {strides = array<i32>} : memref<128x128xf32, #tpu.memory_space<vmem>>, vector<16xf32>,
      tpu.vector_store %arg15[%swap3A_864, %swap3A_865], %gather3A_863 {strides = array<i32>} : memref<128x128xf32, #tpu.memory_space<vmem>>, vector<16xf32>,
      %and3A_867 = arith.constant 127 : i32
      %and3A_868 = arith.andi %squeeze3A_768, %and3A_867 : i32
      %broadcast_in_dim3A_869 = vector.broadcast %and3A_868 : i32 to vector<16xi32>
      %gather3A_870 = arith.constant 0 : i32
      %gather3A_871 = arith.constant 0 : i32
      %gather3A_872 = tpu.memref_slice %arg13[%rem3A_766, %gather3A_870, %gather3A_871] : memref<4x32x128xf32, #tpu.memory_space<vmem>> -> memref<1x32x128xf32, #tpu.memory_space<vmem>>
      %gather3A_873 = tpu.memref_squeeze %gather3A_872 : memref<1x32x128xf32, #tpu.memory_space<vmem>> -> memref<32x128xf32, #tpu.memory_space<vmem>>
      %gather3A_874 = tpu.vector_load_idx %gather3A_873[%add3A_5, %broadcast_in_dim3A_869] : memref<32x128xf32, #tpu.memory_space<vmem>>[vector<16xi32>, vector<16xi32>], vector<16xf32>,
      %swap3A_875 = arith.index_cast %rem3A_828 : i32 to index
      %swap3A_876 = arith.constant 64 : index
      %swap3A_877 = tpu.vector_load %arg15[%swap3A_875, %swap3A_876] {strides = array<i32>} : memref<128x128xf32, #tpu.memory_space<vmem>>, vector<16xf32>,
      tpu.vector_store %arg15[%swap3A_875, %swap3A_876], %gather3A_874 {strides = array<i32>} : memref<128x128xf32, #tpu.memory_space<vmem>>, vector<16xf32>,
      %gather3A_878 = arith.constant 0 : i32
      %gather3A_879 = arith.constant 0 : i32
      %gather3A_880 = tpu.memref_slice %arg13[%rem3A_766, %gather3A_878, %gather3A_879] : memref<4x32x128xf32, #tpu.memory_space<vmem>> -> memref<1x32x128xf32, #tpu.memory_space<vmem>>
      %gather3A_881 = tpu.memref_squeeze %gather3A_880 : memref<1x32x128xf32, #tpu.memory_space<vmem>> -> memref<32x128xf32, #tpu.memory_space<vmem>>
      %gather3A_882 = tpu.vector_load_idx %gather3A_881[%add3A_9, %broadcast_in_dim3A_869] : memref<32x128xf32, #tpu.memory_space<vmem>>[vector<16xi32>, vector<16xi32>], vector<16xf32>,
      %swap3A_883 = arith.index_cast %rem3A_828 : i32 to index
      %swap3A_884 = arith.constant 80 : index
      %swap3A_885 = tpu.vector_load %arg15[%swap3A_883, %swap3A_884] {strides = array<i32>} : memref<128x128xf32, #tpu.memory_space<vmem>>, vector<16xf32>,
      tpu.vector_store %arg15[%swap3A_883, %swap3A_884], %gather3A_882 {strides = array<i32>} : memref<128x128xf32, #tpu.memory_space<vmem>>, vector<16xf32>,
      %and3A_886 = arith.constant 127 : i32
      %and3A_887 = arith.andi %squeeze3A_770, %and3A_886 : i32
      %broadcast_in_dim3A_888 = vector.broadcast %and3A_887 : i32 to vector<16xi32>
      %gather3A_889 = arith.constant 0 : i32
      %gather3A_890 = arith.constant 0 : i32
      %gather3A_891 = tpu.memref_slice %arg14[%rem3A_766, %gather3A_889, %gather3A_890] : memref<4x32x128xf32, #tpu.memory_space<vmem>> -> memref<1x32x128xf32, #tpu.memory_space<vmem>>
      %gather3A_892 = tpu.memref_squeeze %gather3A_891 : memref<1x32x128xf32, #tpu.memory_space<vmem>> -> memref<32x128xf32, #tpu.memory_space<vmem>>
      %gather3A_893 = tpu.vector_load_idx %gather3A_892[%add3A_5, %broadcast_in_dim3A_888] : memref<32x128xf32, #tpu.memory_space<vmem>>[vector<16xi32>, vector<16xi32>], vector<16xf32>,
      %swap3A_894 = arith.index_cast %rem3A_828 : i32 to index
      %swap3A_895 = arith.constant 96 : index
      %swap3A_896 = tpu.vector_load %arg15[%swap3A_894, %swap3A_895] {strides = array<i32>} : memref<128x128xf32, #tpu.memory_space<vmem>>, vector<16xf32>,
      tpu.vector_store %arg15[%swap3A_894, %swap3A_895], %gather3A_893 {strides = array<i32>} : memref<128x128xf32, #tpu.memory_space<vmem>>, vector<16xf32>,
      %gather3A_897 = arith.constant 0 : i32
      %gather3A_898 = arith.constant 0 : i32
      %gather3A_899 = tpu.memref_slice %arg14[%rem3A_766, %gather3A_897, %gather3A_898] : memref<4x32x128xf32, #tpu.memory_space<vmem>> -> memref<1x32x128xf32, #tpu.memory_space<vmem>>
      %gather3A_900 = tpu.memref_squeeze %gather3A_899 : memref<1x32x128xf32, #tpu.memory_space<vmem>> -> memref<32x128xf32, #tpu.memory_space<vmem>>
      %gather3A_901 = tpu.vector_load_idx %gather3A_900[%add3A_9, %broadcast_in_dim3A_888] : memref<32x128xf32, #tpu.memory_space<vmem>>[vector<16xi32>, vector<16xi32>], vector<16xf32>,
      %swap3A_902 = arith.index_cast %rem3A_828 : i32 to index
      %swap3A_903 = arith.constant 112 : index
      %swap3A_904 = tpu.vector_load %arg15[%swap3A_902, %swap3A_903] {strides = array<i32>} : memref<128x128xf32, #tpu.memory_space<vmem>>, vector<16xf32>,
      tpu.vector_store %arg15[%swap3A_902, %swap3A_903], %gather3A_901 {strides = array<i32>} : memref<128x128xf32, #tpu.memory_space<vmem>>, vector<16xf32>,
      %add3A_905 = arith.constant 4 : i32
      %add3A_906 = arith.addi %add3A_764, %add3A_905 : i32
      %rem3A_907 = arith.constant 4 : i32
      %rem3A_908 = arith.remsi %add3A_906, %rem3A_907 : i32
      %slice3A_909 = vector.extract_strided_slice %get3A_323 {offsets = [6], sizes = [1], strides = [1]} : vector<16xi32> to vector<1xi32>
      %squeeze3A_910 = vector.extract %slice3A_909[0] : i32 from vector<1xi32>
      %slice3A_911 = vector.extract_strided_slice %get3A_325 {offsets = [6], sizes = [1], strides = [1]} : vector<16xi32> to vector<1xi32>
      %squeeze3A_912 = vector.extract %slice3A_911[0] : i32 from vector<1xi32>
      %shift_right_logical3A_913 = arith.constant 7 : i32
      %shift_right_logical3A_914 = arith.shrui %squeeze3A_910, %shift_right_logical3A_913 : i32
      %shift_left3A_915 = arith.constant 7 : i32
      %shift_left3A_916 = arith.shli %shift_right_logical3A_914, %shift_left3A_915 : i32
      %multiple_of3A_917 = tpu.assume_multiple %shift_left3A_916, 128 : i32
      %dma_start3A_918 = arith.constant 0 : i32
      %dma_start3A_919 = arith.constant 0 : i32
      %dma_start3A_920 = tpu.memref_slice %arg11[%rem3A_908, %dma_start3A_918, %dma_start3A_919] : memref<4x32x128xf32, #tpu.memory_space<vmem>> -> memref<1x32x128xf32, #tpu.memory_space<vmem>>
      %dma_start3A_921 = tpu.memref_squeeze %dma_start3A_920 : memref<1x32x128xf32, #tpu.memory_space<vmem>> -> memref<32x128xf32, #tpu.memory_space<vmem>>
      %dma_start3A_922 = arith.constant 0 : i32
      %dma_start3A_923 = tpu.memref_slice %arg4[%dma_start3A_922, %multiple_of3A_917] : memref<32x1000000xf32, #tpu.memory_space<hbm>> -> memref<32x128xf32, #tpu.memory_space<hbm>>
      %dma_start3A_924 = arith.constant 0 : i32
      %dma_start3A_925 = arith.constant 0 : i32
      %dma_start3A_926 = tpu.memref_slice %arg11[%rem3A_908, %dma_start3A_924, %dma_start3A_925] : memref<4x32x128xf32, #tpu.memory_space<vmem>> -> memref<1x32x128xf32, #tpu.memory_space<vmem>>
      %dma_start3A_927 = tpu.memref_squeeze %dma_start3A_926 : memref<1x32x128xf32, #tpu.memory_space<vmem>> -> memref<32x128xf32, #tpu.memory_space<vmem>>
      %dma_start3A_928 = arith.constant 0 : i32
      %dma_start3A_929 = tpu.memref_slice %arg4[%dma_start3A_928, %multiple_of3A_917] : memref<32x1000000xf32, #tpu.memory_space<hbm>> -> memref<32x128xf32, #tpu.memory_space<hbm>>
      tpu.enqueue_dma source(%dma_start3A_929 : memref<32x128xf32, #tpu.memory_space<hbm>>) target(%dma_start3A_927 : memref<32x128xf32, #tpu.memory_space<vmem>>) target_semaphore(%arg16 : memref<!tpu.dma_semaphore, #tpu.memory_space<semaphore_mem>>)
      %shift_right_logical3A_930 = arith.constant 7 : i32
      %shift_right_logical3A_931 = arith.shrui %squeeze3A_912, %shift_right_logical3A_930 : i32
      %shift_left3A_932 = arith.constant 7 : i32
      %shift_left3A_933 = arith.shli %shift_right_logical3A_931, %shift_left3A_932 : i32
      %multiple_of3A_934 = tpu.assume_multiple %shift_left3A_933, 128 : i32
      %dma_start3A_935 = arith.constant 0 : i32
      %dma_start3A_936 = arith.constant 0 : i32
      %dma_start3A_937 = tpu.memref_slice %arg12[%rem3A_908, %dma_start3A_935, %dma_start3A_936] : memref<4x32x128xf32, #tpu.memory_space<vmem>> -> memref<1x32x128xf32, #tpu.memory_space<vmem>>
      %dma_start3A_938 = tpu.memref_squeeze %dma_start3A_937 : memref<1x32x128xf32, #tpu.memory_space<vmem>> -> memref<32x128xf32, #tpu.memory_space<vmem>>
      %dma_start3A_939 = arith.constant 0 : i32
      %dma_start3A_940 = tpu.memref_slice %arg5[%dma_start3A_939, %multiple_of3A_934] : memref<32x1000000xf32, #tpu.memory_space<hbm>> -> memref<32x128xf32, #tpu.memory_space<hbm>>
      %dma_start3A_941 = arith.constant 0 : i32
      %dma_start3A_942 = arith.constant 0 : i32
      %dma_start3A_943 = tpu.memref_slice %arg12[%rem3A_908, %dma_start3A_941, %dma_start3A_942] : memref<4x32x128xf32, #tpu.memory_space<vmem>> -> memref<1x32x128xf32, #tpu.memory_space<vmem>>
      %dma_start3A_944 = tpu.memref_squeeze %dma_start3A_943 : memref<1x32x128xf32, #tpu.memory_space<vmem>> -> memref<32x128xf32, #tpu.memory_space<vmem>>
      %dma_start3A_945 = arith.constant 0 : i32
      %dma_start3A_946 = tpu.memref_slice %arg5[%dma_start3A_945, %multiple_of3A_934] : memref<32x1000000xf32, #tpu.memory_space<hbm>> -> memref<32x128xf32, #tpu.memory_space<hbm>>
      tpu.enqueue_dma source(%dma_start3A_946 : memref<32x128xf32, #tpu.memory_space<hbm>>) target(%dma_start3A_944 : memref<32x128xf32, #tpu.memory_space<vmem>>) target_semaphore(%arg16 : memref<!tpu.dma_semaphore, #tpu.memory_space<semaphore_mem>>)
      %shift_right_logical3A_947 = arith.constant 7 : i32
      %shift_right_logical3A_948 = arith.shrui %squeeze3A_910, %shift_right_logical3A_947 : i32
      %shift_left3A_949 = arith.constant 7 : i32
      %shift_left3A_950 = arith.shli %shift_right_logical3A_948, %shift_left3A_949 : i32
      %multiple_of3A_951 = tpu.assume_multiple %shift_left3A_950, 128 : i32
      %dma_start3A_952 = arith.constant 0 : i32
      %dma_start3A_953 = arith.constant 0 : i32
      %dma_start3A_954 = tpu.memref_slice %arg13[%rem3A_908, %dma_start3A_952, %dma_start3A_953] : memref<4x32x128xf32, #tpu.memory_space<vmem>> -> memref<1x32x128xf32, #tpu.memory_space<vmem>>
      %dma_start3A_955 = tpu.memref_squeeze %dma_start3A_954 : memref<1x32x128xf32, #tpu.memory_space<vmem>> -> memref<32x128xf32, #tpu.memory_space<vmem>>
      %dma_start3A_956 = arith.constant 0 : i32
      %dma_start3A_957 = tpu.memref_slice %arg6[%dma_start3A_956, %multiple_of3A_951] : memref<32x1000000xf32, #tpu.memory_space<hbm>> -> memref<32x128xf32, #tpu.memory_space<hbm>>
      %dma_start3A_958 = arith.constant 0 : i32
      %dma_start3A_959 = arith.constant 0 : i32
      %dma_start3A_960 = tpu.memref_slice %arg13[%rem3A_908, %dma_start3A_958, %dma_start3A_959] : memref<4x32x128xf32, #tpu.memory_space<vmem>> -> memref<1x32x128xf32, #tpu.memory_space<vmem>>
      %dma_start3A_961 = tpu.memref_squeeze %dma_start3A_960 : memref<1x32x128xf32, #tpu.memory_space<vmem>> -> memref<32x128xf32, #tpu.memory_space<vmem>>
      %dma_start3A_962 = arith.constant 0 : i32
      %dma_start3A_963 = tpu.memref_slice %arg6[%dma_start3A_962, %multiple_of3A_951] : memref<32x1000000xf32, #tpu.memory_space<hbm>> -> memref<32x128xf32, #tpu.memory_space<hbm>>
      tpu.enqueue_dma source(%dma_start3A_963 : memref<32x128xf32, #tpu.memory_space<hbm>>) target(%dma_start3A_961 : memref<32x128xf32, #tpu.memory_space<vmem>>) target_semaphore(%arg16 : memref<!tpu.dma_semaphore, #tpu.memory_space<semaphore_mem>>)
      %shift_right_logical3A_964 = arith.constant 7 : i32
      %shift_right_logical3A_965 = arith.shrui %squeeze3A_912, %shift_right_logical3A_964 : i32
      %shift_left3A_966 = arith.constant 7 : i32
      %shift_left3A_967 = arith.shli %shift_right_logical3A_965, %shift_left3A_966 : i32
      %multiple_of3A_968 = tpu.assume_multiple %shift_left3A_967, 128 : i32
      %dma_start3A_969 = arith.constant 0 : i32
      %dma_start3A_970 = arith.constant 0 : i32
      %dma_start3A_971 = tpu.memref_slice %arg14[%rem3A_908, %dma_start3A_969, %dma_start3A_970] : memref<4x32x128xf32, #tpu.memory_space<vmem>> -> memref<1x32x128xf32, #tpu.memory_space<vmem>>
      %dma_start3A_972 = tpu.memref_squeeze %dma_start3A_971 : memref<1x32x128xf32, #tpu.memory_space<vmem>> -> memref<32x128xf32, #tpu.memory_space<vmem>>
      %dma_start3A_973 = arith.constant 0 : i32
      %dma_start3A_974 = tpu.memref_slice %arg7[%dma_start3A_973, %multiple_of3A_968] : memref<32x1000000xf32, #tpu.memory_space<hbm>> -> memref<32x128xf32, #tpu.memory_space<hbm>>
      %dma_start3A_975 = arith.constant 0 : i32
      %dma_start3A_976 = arith.constant 0 : i32
      %dma_start3A_977 = tpu.memref_slice %arg14[%rem3A_908, %dma_start3A_975, %dma_start3A_976] : memref<4x32x128xf32, #tpu.memory_space<vmem>> -> memref<1x32x128xf32, #tpu.memory_space<vmem>>
      %dma_start3A_978 = tpu.memref_squeeze %dma_start3A_977 : memref<1x32x128xf32, #tpu.memory_space<vmem>> -> memref<32x128xf32, #tpu.memory_space<vmem>>
      %dma_start3A_979 = arith.constant 0 : i32
      %dma_start3A_980 = tpu.memref_slice %arg7[%dma_start3A_979, %multiple_of3A_968] : memref<32x1000000xf32, #tpu.memory_space<hbm>> -> memref<32x128xf32, #tpu.memory_space<hbm>>
      tpu.enqueue_dma source(%dma_start3A_980 : memref<32x128xf32, #tpu.memory_space<hbm>>) target(%dma_start3A_978 : memref<32x128xf32, #tpu.memory_space<vmem>>) target_semaphore(%arg16 : memref<!tpu.dma_semaphore, #tpu.memory_space<semaphore_mem>>)
      %add3A_981 = arith.constant 3 : i32
      %add3A_982 = arith.addi %mul3A_321, %add3A_981 : i32
      %rem3A_983 = arith.constant 4 : i32
      %rem3A_984 = arith.remsi %add3A_982, %rem3A_983 : i32
      %slice3A_985 = vector.extract_strided_slice %get3A_323 {offsets = [3], sizes = [1], strides = [1]} : vector<16xi32> to vector<1xi32>
      %squeeze3A_986 = vector.extract %slice3A_985[0] : i32 from vector<1xi32>
      %slice3A_987 = vector.extract_strided_slice %get3A_325 {offsets = [3], sizes = [1], strides = [1]} : vector<16xi32> to vector<1xi32>
      %squeeze3A_988 = vector.extract %slice3A_987[0] : i32 from vector<1xi32>
      %dma_wait3A_989 = arith.constant 0 : i32
      %dma_wait3A_990 = arith.constant 0 : i32
      %dma_wait3A_991 = tpu.memref_slice %arg11[%rem3A_984, %dma_wait3A_989, %dma_wait3A_990] : memref<4x32x128xf32, #tpu.memory_space<vmem>> -> memref<1x32x128xf32, #tpu.memory_space<vmem>>
      %dma_wait3A_992 = tpu.memref_squeeze %dma_wait3A_991 : memref<1x32x128xf32, #tpu.memory_space<vmem>> -> memref<32x128xf32, #tpu.memory_space<vmem>>
      %dma_wait3A_993 = arith.constant 0 : i32
      %dma_wait3A_994 = arith.constant 0 : i32
      %dma_wait3A_995 = tpu.memref_slice %arg4[%dma_wait3A_993, %dma_wait3A_994] : memref<32x1000000xf32, #tpu.memory_space<hbm>> -> memref<32x128xf32, #tpu.memory_space<hbm>>
      %dma_wait3A_996 = arith.constant 0 : i32
      %dma_wait3A_997 = arith.constant 0 : i32
      %dma_wait3A_998 = tpu.memref_slice %arg11[%rem3A_984, %dma_wait3A_996, %dma_wait3A_997] : memref<4x32x128xf32, #tpu.memory_space<vmem>> -> memref<1x32x128xf32, #tpu.memory_space<vmem>>
      %dma_wait3A_999 = tpu.memref_squeeze %dma_wait3A_998 : memref<1x32x128xf32, #tpu.memory_space<vmem>> -> memref<32x128xf32, #tpu.memory_space<vmem>>
      %dma_wait3A_1000 = arith.constant 0 : i32
      %dma_wait3A_1001 = arith.constant 0 : i32
      %dma_wait3A_1002 = tpu.memref_slice %arg4[%dma_wait3A_1000, %dma_wait3A_1001] : memref<32x1000000xf32, #tpu.memory_space<hbm>> -> memref<32x128xf32, #tpu.memory_space<hbm>>
      tpu.wait_dma2 semaphore(%arg16 : memref<!tpu.dma_semaphore, #tpu.memory_space<semaphore_mem>>) src(%dma_wait3A_1002 : memref<32x128xf32, #tpu.memory_space<hbm>>) dst(%dma_wait3A_999 : memref<32x128xf32, #tpu.memory_space<vmem>>)
      %dma_wait3A_1003 = arith.constant 0 : i32
      %dma_wait3A_1004 = arith.constant 0 : i32
      %dma_wait3A_1005 = tpu.memref_slice %arg12[%rem3A_984, %dma_wait3A_1003, %dma_wait3A_1004] : memref<4x32x128xf32, #tpu.memory_space<vmem>> -> memref<1x32x128xf32, #tpu.memory_space<vmem>>
      %dma_wait3A_1006 = tpu.memref_squeeze %dma_wait3A_1005 : memref<1x32x128xf32, #tpu.memory_space<vmem>> -> memref<32x128xf32, #tpu.memory_space<vmem>>
      %dma_wait3A_1007 = arith.constant 0 : i32
      %dma_wait3A_1008 = arith.constant 0 : i32
      %dma_wait3A_1009 = tpu.memref_slice %arg5[%dma_wait3A_1007, %dma_wait3A_1008] : memref<32x1000000xf32, #tpu.memory_space<hbm>> -> memref<32x128xf32, #tpu.memory_space<hbm>>
      %dma_wait3A_1010 = arith.constant 0 : i32
      %dma_wait3A_1011 = arith.constant 0 : i32
      %dma_wait3A_1012 = tpu.memref_slice %arg12[%rem3A_984, %dma_wait3A_1010, %dma_wait3A_1011] : memref<4x32x128xf32, #tpu.memory_space<vmem>> -> memref<1x32x128xf32, #tpu.memory_space<vmem>>
      %dma_wait3A_1013 = tpu.memref_squeeze %dma_wait3A_1012 : memref<1x32x128xf32, #tpu.memory_space<vmem>> -> memref<32x128xf32, #tpu.memory_space<vmem>>
      %dma_wait3A_1014 = arith.constant 0 : i32
      %dma_wait3A_1015 = arith.constant 0 : i32
      %dma_wait3A_1016 = tpu.memref_slice %arg5[%dma_wait3A_1014, %dma_wait3A_1015] : memref<32x1000000xf32, #tpu.memory_space<hbm>> -> memref<32x128xf32, #tpu.memory_space<hbm>>
      tpu.wait_dma2 semaphore(%arg16 : memref<!tpu.dma_semaphore, #tpu.memory_space<semaphore_mem>>) src(%dma_wait3A_1016 : memref<32x128xf32, #tpu.memory_space<hbm>>) dst(%dma_wait3A_1013 : memref<32x128xf32, #tpu.memory_space<vmem>>)
      %dma_wait3A_1017 = arith.constant 0 : i32
      %dma_wait3A_1018 = arith.constant 0 : i32
      %dma_wait3A_1019 = tpu.memref_slice %arg13[%rem3A_984, %dma_wait3A_1017, %dma_wait3A_1018] : memref<4x32x128xf32, #tpu.memory_space<vmem>> -> memref<1x32x128xf32, #tpu.memory_space<vmem>>
      %dma_wait3A_1020 = tpu.memref_squeeze %dma_wait3A_1019 : memref<1x32x128xf32, #tpu.memory_space<vmem>> -> memref<32x128xf32, #tpu.memory_space<vmem>>
      %dma_wait3A_1021 = arith.constant 0 : i32
      %dma_wait3A_1022 = arith.constant 0 : i32
      %dma_wait3A_1023 = tpu.memref_slice %arg6[%dma_wait3A_1021, %dma_wait3A_1022] : memref<32x1000000xf32, #tpu.memory_space<hbm>> -> memref<32x128xf32, #tpu.memory_space<hbm>>
      %dma_wait3A_1024 = arith.constant 0 : i32
      %dma_wait3A_1025 = arith.constant 0 : i32
      %dma_wait3A_1026 = tpu.memref_slice %arg13[%rem3A_984, %dma_wait3A_1024, %dma_wait3A_1025] : memref<4x32x128xf32, #tpu.memory_space<vmem>> -> memref<1x32x128xf32, #tpu.memory_space<vmem>>
      %dma_wait3A_1027 = tpu.memref_squeeze %dma_wait3A_1026 : memref<1x32x128xf32, #tpu.memory_space<vmem>> -> memref<32x128xf32, #tpu.memory_space<vmem>>
      %dma_wait3A_1028 = arith.constant 0 : i32
      %dma_wait3A_1029 = arith.constant 0 : i32
      %dma_wait3A_1030 = tpu.memref_slice %arg6[%dma_wait3A_1028, %dma_wait3A_1029] : memref<32x1000000xf32, #tpu.memory_space<hbm>> -> memref<32x128xf32, #tpu.memory_space<hbm>>
      tpu.wait_dma2 semaphore(%arg16 : memref<!tpu.dma_semaphore, #tpu.memory_space<semaphore_mem>>) src(%dma_wait3A_1030 : memref<32x128xf32, #tpu.memory_space<hbm>>) dst(%dma_wait3A_1027 : memref<32x128xf32, #tpu.memory_space<vmem>>)
      %dma_wait3A_1031 = arith.constant 0 : i32
      %dma_wait3A_1032 = arith.constant 0 : i32
      %dma_wait3A_1033 = tpu.memref_slice %arg14[%rem3A_984, %dma_wait3A_1031, %dma_wait3A_1032] : memref<4x32x128xf32, #tpu.memory_space<vmem>> -> memref<1x32x128xf32, #tpu.memory_space<vmem>>
      %dma_wait3A_1034 = tpu.memref_squeeze %dma_wait3A_1033 : memref<1x32x128xf32, #tpu.memory_space<vmem>> -> memref<32x128xf32, #tpu.memory_space<vmem>>
      %dma_wait3A_1035 = arith.constant 0 : i32
      %dma_wait3A_1036 = arith.constant 0 : i32
      %dma_wait3A_1037 = tpu.memref_slice %arg7[%dma_wait3A_1035, %dma_wait3A_1036] : memref<32x1000000xf32, #tpu.memory_space<hbm>> -> memref<32x128xf32, #tpu.memory_space<hbm>>
      %dma_wait3A_1038 = arith.constant 0 : i32
      %dma_wait3A_1039 = arith.constant 0 : i32
      %dma_wait3A_1040 = tpu.memref_slice %arg14[%rem3A_984, %dma_wait3A_1038, %dma_wait3A_1039] : memref<4x32x128xf32, #tpu.memory_space<vmem>> -> memref<1x32x128xf32, #tpu.memory_space<vmem>>
      %dma_wait3A_1041 = tpu.memref_squeeze %dma_wait3A_1040 : memref<1x32x128xf32, #tpu.memory_space<vmem>> -> memref<32x128xf32, #tpu.memory_space<vmem>>
      %dma_wait3A_1042 = arith.constant 0 : i32
      %dma_wait3A_1043 = arith.constant 0 : i32
      %dma_wait3A_1044 = tpu.memref_slice %arg7[%dma_wait3A_1042, %dma_wait3A_1043] : memref<32x1000000xf32, #tpu.memory_space<hbm>> -> memref<32x128xf32, #tpu.memory_space<hbm>>
      tpu.wait_dma2 semaphore(%arg16 : memref<!tpu.dma_semaphore, #tpu.memory_space<semaphore_mem>>) src(%dma_wait3A_1044 : memref<32x128xf32, #tpu.memory_space<hbm>>) dst(%dma_wait3A_1041 : memref<32x128xf32, #tpu.memory_space<vmem>>)
      %rem3A_1045 = arith.constant 128 : i32
      %rem3A_1046 = arith.remsi %add3A_982, %rem3A_1045 : i32
      %and3A_1047 = arith.constant 127 : i32
      %and3A_1048 = arith.andi %squeeze3A_986, %and3A_1047 : i32
      %broadcast_in_dim3A_1049 = vector.broadcast %and3A_1048 : i32 to vector<16xi32>
      %gather3A_1050 = arith.constant 0 : i32
      %gather3A_1051 = arith.constant 0 : i32
      %gather3A_1052 = tpu.memref_slice %arg11[%rem3A_984, %gather3A_1050, %gather3A_1051] : memref<4x32x128xf32, #tpu.memory_space<vmem>> -> memref<1x32x128xf32, #tpu.memory_space<vmem>>
      %gather3A_1053 = tpu.memref_squeeze %gather3A_1052 : memref<1x32x128xf32, #tpu.memory_space<vmem>> -> memref<32x128xf32, #tpu.memory_space<vmem>>
      %gather3A_1054 = tpu.vector_load_idx %gather3A_1053[%add3A_5, %broadcast_in_dim3A_1049] : memref<32x128xf32, #tpu.memory_space<vmem>>[vector<16xi32>, vector<16xi32>], vector<16xf32>,
      %swap3A_1055 = arith.index_cast %rem3A_1046 : i32 to index
      %swap3A_1056 = arith.constant 0 : index
      %swap3A_1057 = tpu.vector_load %arg15[%swap3A_1055, %swap3A_1056] {strides = array<i32>} : memref<128x128xf32, #tpu.memory_space<vmem>>, vector<16xf32>,
      tpu.vector_store %arg15[%swap3A_1055, %swap3A_1056], %gather3A_1054 {strides = array<i32>} : memref<128x128xf32, #tpu.memory_space<vmem>>, vector<16xf32>,
      %gather3A_1058 = arith.constant 0 : i32
      %gather3A_1059 = arith.constant 0 : i32
      %gather3A_1060 = tpu.memref_slice %arg11[%rem3A_984, %gather3A_1058, %gather3A_1059] : memref<4x32x128xf32, #tpu.memory_space<vmem>> -> memref<1x32x128xf32, #tpu.memory_space<vmem>>
      %gather3A_1061 = tpu.memref_squeeze %gather3A_1060 : memref<1x32x128xf32, #tpu.memory_space<vmem>> -> memref<32x128xf32, #tpu.memory_space<vmem>>
      %gather3A_1062 = tpu.vector_load_idx %gather3A_1061[%add3A_9, %broadcast_in_dim3A_1049] : memref<32x128xf32, #tpu.memory_space<vmem>>[vector<16xi32>, vector<16xi32>], vector<16xf32>,
      %swap3A_1063 = arith.index_cast %rem3A_1046 : i32 to index
      %swap3A_1064 = arith.constant 16 : index
      %swap3A_1065 = tpu.vector_load %arg15[%swap3A_1063, %swap3A_1064] {strides = array<i32>} : memref<128x128xf32, #tpu.memory_space<vmem>>, vector<16xf32>,
      tpu.vector_store %arg15[%swap3A_1063, %swap3A_1064], %gather3A_1062 {strides = array<i32>} : memref<128x128xf32, #tpu.memory_space<vmem>>, vector<16xf32>,
      %and3A_1066 = arith.constant 127 : i32
      %and3A_1067 = arith.andi %squeeze3A_988, %and3A_1066 : i32
      %broadcast_in_dim3A_1068 = vector.broadcast %and3A_1067 : i32 to vector<16xi32>
      %gather3A_1069 = arith.constant 0 : i32
      %gather3A_1070 = arith.constant 0 : i32
      %gather3A_1071 = tpu.memref_slice %arg12[%rem3A_984, %gather3A_1069, %gather3A_1070] : memref<4x32x128xf32, #tpu.memory_space<vmem>> -> memref<1x32x128xf32, #tpu.memory_space<vmem>>
      %gather3A_1072 = tpu.memref_squeeze %gather3A_1071 : memref<1x32x128xf32, #tpu.memory_space<vmem>> -> memref<32x128xf32, #tpu.memory_space<vmem>>
      %gather3A_1073 = tpu.vector_load_idx %gather3A_1072[%add3A_5, %broadcast_in_dim3A_1068] : memref<32x128xf32, #tpu.memory_space<vmem>>[vector<16xi32>, vector<16xi32>], vector<16xf32>,
      %swap3A_1074 = arith.index_cast %rem3A_1046 : i32 to index
      %swap3A_1075 = arith.constant 32 : index
      %swap3A_1076 = tpu.vector_load %arg15[%swap3A_1074, %swap3A_1075] {strides = array<i32>} : memref<128x128xf32, #tpu.memory_space<vmem>>, vector<16xf32>,
      tpu.vector_store %arg15[%swap3A_1074, %swap3A_1075], %gather3A_1073 {strides = array<i32>} : memref<128x128xf32, #tpu.memory_space<vmem>>, vector<16xf32>,
      %gather3A_1077 = arith.constant 0 : i32
      %gather3A_1078 = arith.constant 0 : i32
      %gather3A_1079 = tpu.memref_slice %arg12[%rem3A_984, %gather3A_1077, %gather3A_1078] : memref<4x32x128xf32, #tpu.memory_space<vmem>> -> memref<1x32x128xf32, #tpu.memory_space<vmem>>
      %gather3A_1080 = tpu.memref_squeeze %gather3A_1079 : memref<1x32x128xf32, #tpu.memory_space<vmem>> -> memref<32x128xf32, #tpu.memory_space<vmem>>
      %gather3A_1081 = tpu.vector_load_idx %gather3A_1080[%add3A_9, %broadcast_in_dim3A_1068] : memref<32x128xf32, #tpu.memory_space<vmem>>[vector<16xi32>, vector<16xi32>], vector<16xf32>,
      %swap3A_1082 = arith.index_cast %rem3A_1046 : i32 to index
      %swap3A_1083 = arith.constant 48 : index
      %swap3A_1084 = tpu.vector_load %arg15[%swap3A_1082, %swap3A_1083] {strides = array<i32>} : memref<128x128xf32, #tpu.memory_space<vmem>>, vector<16xf32>,
      tpu.vector_store %arg15[%swap3A_1082, %swap3A_1083], %gather3A_1081 {strides = array<i32>} : memref<128x128xf32, #tpu.memory_space<vmem>>, vector<16xf32>,
      %and3A_1085 = arith.constant 127 : i32
      %and3A_1086 = arith.andi %squeeze3A_986, %and3A_1085 : i32
      %broadcast_in_dim3A_1087 = vector.broadcast %and3A_1086 : i32 to vector<16xi32>
      %gather3A_1088 = arith.constant 0 : i32
      %gather3A_1089 = arith.constant 0 : i32
      %gather3A_1090 = tpu.memref_slice %arg13[%rem3A_984, %gather3A_1088, %gather3A_1089] : memref<4x32x128xf32, #tpu.memory_space<vmem>> -> memref<1x32x128xf32, #tpu.memory_space<vmem>>
      %gather3A_1091 = tpu.memref_squeeze %gather3A_1090 : memref<1x32x128xf32, #tpu.memory_space<vmem>> -> memref<32x128xf32, #tpu.memory_space<vmem>>
      %gather3A_1092 = tpu.vector_load_idx %gather3A_1091[%add3A_5, %broadcast_in_dim3A_1087] : memref<32x128xf32, #tpu.memory_space<vmem>>[vector<16xi32>, vector<16xi32>], vector<16xf32>,
      %swap3A_1093 = arith.index_cast %rem3A_1046 : i32 to index
      %swap3A_1094 = arith.constant 64 : index
      %swap3A_1095 = tpu.vector_load %arg15[%swap3A_1093, %swap3A_1094] {strides = array<i32>} : memref<128x128xf32, #tpu.memory_space<vmem>>, vector<16xf32>,
      tpu.vector_store %arg15[%swap3A_1093, %swap3A_1094], %gather3A_1092 {strides = array<i32>} : memref<128x128xf32, #tpu.memory_space<vmem>>, vector<16xf32>,
      %gather3A_1096 = arith.constant 0 : i32
      %gather3A_1097 = arith.constant 0 : i32
      %gather3A_1098 = tpu.memref_slice %arg13[%rem3A_984, %gather3A_1096, %gather3A_1097] : memref<4x32x128xf32, #tpu.memory_space<vmem>> -> memref<1x32x128xf32, #tpu.memory_space<vmem>>
      %gather3A_1099 = tpu.memref_squeeze %gather3A_1098 : memref<1x32x128xf32, #tpu.memory_space<vmem>> -> memref<32x128xf32, #tpu.memory_space<vmem>>
      %gather3A_1100 = tpu.vector_load_idx %gather3A_1099[%add3A_9, %broadcast_in_dim3A_1087] : memref<32x128xf32, #tpu.memory_space<vmem>>[vector<16xi32>, vector<16xi32>], vector<16xf32>,
      %swap3A_1101 = arith.index_cast %rem3A_1046 : i32 to index
      %swap3A_1102 = arith.constant 80 : index
      %swap3A_1103 = tpu.vector_load %arg15[%swap3A_1101, %swap3A_1102] {strides = array<i32>} : memref<128x128xf32, #tpu.memory_space<vmem>>, vector<16xf32>,
      tpu.vector_store %arg15[%swap3A_1101, %swap3A_1102], %gather3A_1100 {strides = array<i32>} : memref<128x128xf32, #tpu.memory_space<vmem>>, vector<16xf32>,
      %and3A_1104 = arith.constant 127 : i32
      %and3A_1105 = arith.andi %squeeze3A_988, %and3A_1104 : i32
      %broadcast_in_dim3A_1106 = vector.broadcast %and3A_1105 : i32 to vector<16xi32>
      %gather3A_1107 = arith.constant 0 : i32
      %gather3A_1108 = arith.constant 0 : i32
      %gather3A_1109 = tpu.memref_slice %arg14[%rem3A_984, %gather3A_1107, %gather3A_1108] : memref<4x32x128xf32, #tpu.memory_space<vmem>> -> memref<1x32x128xf32, #tpu.memory_space<vmem>>
      %gather3A_1110 = tpu.memref_squeeze %gather3A_1109 : memref<1x32x128xf32, #tpu.memory_space<vmem>> -> memref<32x128xf32, #tpu.memory_space<vmem>>
      %gather3A_1111 = tpu.vector_load_idx %gather3A_1110[%add3A_5, %broadcast_in_dim3A_1106] : memref<32x128xf32, #tpu.memory_space<vmem>>[vector<16xi32>, vector<16xi32>], vector<16xf32>,
      %swap3A_1112 = arith.index_cast %rem3A_1046 : i32 to index
      %swap3A_1113 = arith.constant 96 : index
      %swap3A_1114 = tpu.vector_load %arg15[%swap3A_1112, %swap3A_1113] {strides = array<i32>} : memref<128x128xf32, #tpu.memory_space<vmem>>, vector<16xf32>,
      tpu.vector_store %arg15[%swap3A_1112, %swap3A_1113], %gather3A_1111 {strides = array<i32>} : memref<128x128xf32, #tpu.memory_space<vmem>>, vector<16xf32>,
      %gather3A_1115 = arith.constant 0 : i32
      %gather3A_1116 = arith.constant 0 : i32
      %gather3A_1117 = tpu.memref_slice %arg14[%rem3A_984, %gather3A_1115, %gather3A_1116] : memref<4x32x128xf32, #tpu.memory_space<vmem>> -> memref<1x32x128xf32, #tpu.memory_space<vmem>>
      %gather3A_1118 = tpu.memref_squeeze %gather3A_1117 : memref<1x32x128xf32, #tpu.memory_space<vmem>> -> memref<32x128xf32, #tpu.memory_space<vmem>>
      %gather3A_1119 = tpu.vector_load_idx %gather3A_1118[%add3A_9, %broadcast_in_dim3A_1106] : memref<32x128xf32, #tpu.memory_space<vmem>>[vector<16xi32>, vector<16xi32>], vector<16xf32>,
      %swap3A_1120 = arith.index_cast %rem3A_1046 : i32 to index
      %swap3A_1121 = arith.constant 112 : index
      %swap3A_1122 = tpu.vector_load %arg15[%swap3A_1120, %swap3A_1121] {strides = array<i32>} : memref<128x128xf32, #tpu.memory_space<vmem>>, vector<16xf32>,
      tpu.vector_store %arg15[%swap3A_1120, %swap3A_1121], %gather3A_1119 {strides = array<i32>} : memref<128x128xf32, #tpu.memory_space<vmem>>, vector<16xf32>,
      %add3A_1123 = arith.constant 4 : i32
      %add3A_1124 = arith.addi %add3A_982, %add3A_1123 : i32
      %rem3A_1125 = arith.constant 4 : i32
      %rem3A_1126 = arith.remsi %add3A_1124, %rem3A_1125 : i32
      %slice3A_1127 = vector.extract_strided_slice %get3A_323 {offsets = [7], sizes = [1], strides = [1]} : vector<16xi32> to vector<1xi32>
      %squeeze3A_1128 = vector.extract %slice3A_1127[0] : i32 from vector<1xi32>
      %slice3A_1129 = vector.extract_strided_slice %get3A_325 {offsets = [7], sizes = [1], strides = [1]} : vector<16xi32> to vector<1xi32>
      %squeeze3A_1130 = vector.extract %slice3A_1129[0] : i32 from vector<1xi32>
      %shift_right_logical3A_1131 = arith.constant 7 : i32
      %shift_right_logical3A_1132 = arith.shrui %squeeze3A_1128, %shift_right_logical3A_1131 : i32
      %shift_left3A_1133 = arith.constant 7 : i32
      %shift_left3A_1134 = arith.shli %shift_right_logical3A_1132, %shift_left3A_1133 : i32
      %multiple_of3A_1135 = tpu.assume_multiple %shift_left3A_1134, 128 : i32
      %dma_start3A_1136 = arith.constant 0 : i32
      %dma_start3A_1137 = arith.constant 0 : i32
      %dma_start3A_1138 = tpu.memref_slice %arg11[%rem3A_1126, %dma_start3A_1136, %dma_start3A_1137] : memref<4x32x128xf32, #tpu.memory_space<vmem>> -> memref<1x32x128xf32, #tpu.memory_space<vmem>>
      %dma_start3A_1139 = tpu.memref_squeeze %dma_start3A_1138 : memref<1x32x128xf32, #tpu.memory_space<vmem>> -> memref<32x128xf32, #tpu.memory_space<vmem>>
      %dma_start3A_1140 = arith.constant 0 : i32
      %dma_start3A_1141 = tpu.memref_slice %arg4[%dma_start3A_1140, %multiple_of3A_1135] : memref<32x1000000xf32, #tpu.memory_space<hbm>> -> memref<32x128xf32, #tpu.memory_space<hbm>>
      %dma_start3A_1142 = arith.constant 0 : i32
      %dma_start3A_1143 = arith.constant 0 : i32
      %dma_start3A_1144 = tpu.memref_slice %arg11[%rem3A_1126, %dma_start3A_1142, %dma_start3A_1143] : memref<4x32x128xf32, #tpu.memory_space<vmem>> -> memref<1x32x128xf32, #tpu.memory_space<vmem>>
      %dma_start3A_1145 = tpu.memref_squeeze %dma_start3A_1144 : memref<1x32x128xf32, #tpu.memory_space<vmem>> -> memref<32x128xf32, #tpu.memory_space<vmem>>
      %dma_start3A_1146 = arith.constant 0 : i32
      %dma_start3A_1147 = tpu.memref_slice %arg4[%dma_start3A_1146, %multiple_of3A_1135] : memref<32x1000000xf32, #tpu.memory_space<hbm>> -> memref<32x128xf32, #tpu.memory_space<hbm>>
      tpu.enqueue_dma source(%dma_start3A_1147 : memref<32x128xf32, #tpu.memory_space<hbm>>) target(%dma_start3A_1145 : memref<32x128xf32, #tpu.memory_space<vmem>>) target_semaphore(%arg16 : memref<!tpu.dma_semaphore, #tpu.memory_space<semaphore_mem>>)
      %shift_right_logical3A_1148 = arith.constant 7 : i32
      %shift_right_logical3A_1149 = arith.shrui %squeeze3A_1130, %shift_right_logical3A_1148 : i32
      %shift_left3A_1150 = arith.constant 7 : i32
      %shift_left3A_1151 = arith.shli %shift_right_logical3A_1149, %shift_left3A_1150 : i32
      %multiple_of3A_1152 = tpu.assume_multiple %shift_left3A_1151, 128 : i32
      %dma_start3A_1153 = arith.constant 0 : i32
      %dma_start3A_1154 = arith.constant 0 : i32
      %dma_start3A_1155 = tpu.memref_slice %arg12[%rem3A_1126, %dma_start3A_1153, %dma_start3A_1154] : memref<4x32x128xf32, #tpu.memory_space<vmem>> -> memref<1x32x128xf32, #tpu.memory_space<vmem>>
      %dma_start3A_1156 = tpu.memref_squeeze %dma_start3A_1155 : memref<1x32x128xf32, #tpu.memory_space<vmem>> -> memref<32x128xf32, #tpu.memory_space<vmem>>
      %dma_start3A_1157 = arith.constant 0 : i32
      %dma_start3A_1158 = tpu.memref_slice %arg5[%dma_start3A_1157, %multiple_of3A_1152] : memref<32x1000000xf32, #tpu.memory_space<hbm>> -> memref<32x128xf32, #tpu.memory_space<hbm>>
      %dma_start3A_1159 = arith.constant 0 : i32
      %dma_start3A_1160 = arith.constant 0 : i32
      %dma_start3A_1161 = tpu.memref_slice %arg12[%rem3A_1126, %dma_start3A_1159, %dma_start3A_1160] : memref<4x32x128xf32, #tpu.memory_space<vmem>> -> memref<1x32x128xf32, #tpu.memory_space<vmem>>
      %dma_start3A_1162 = tpu.memref_squeeze %dma_start3A_1161 : memref<1x32x128xf32, #tpu.memory_space<vmem>> -> memref<32x128xf32, #tpu.memory_space<vmem>>
      %dma_start3A_1163 = arith.constant 0 : i32
      %dma_start3A_1164 = tpu.memref_slice %arg5[%dma_start3A_1163, %multiple_of3A_1152] : memref<32x1000000xf32, #tpu.memory_space<hbm>> -> memref<32x128xf32, #tpu.memory_space<hbm>>
      tpu.enqueue_dma source(%dma_start3A_1164 : memref<32x128xf32, #tpu.memory_space<hbm>>) target(%dma_start3A_1162 : memref<32x128xf32, #tpu.memory_space<vmem>>) target_semaphore(%arg16 : memref<!tpu.dma_semaphore, #tpu.memory_space<semaphore_mem>>)
      %shift_right_logical3A_1165 = arith.constant 7 : i32
      %shift_right_logical3A_1166 = arith.shrui %squeeze3A_1128, %shift_right_logical3A_1165 : i32
      %shift_left3A_1167 = arith.constant 7 : i32
      %shift_left3A_1168 = arith.shli %shift_right_logical3A_1166, %shift_left3A_1167 : i32
      %multiple_of3A_1169 = tpu.assume_multiple %shift_left3A_1168, 128 : i32
      %dma_start3A_1170 = arith.constant 0 : i32
      %dma_start3A_1171 = arith.constant 0 : i32
      %dma_start3A_1172 = tpu.memref_slice %arg13[%rem3A_1126, %dma_start3A_1170, %dma_start3A_1171] : memref<4x32x128xf32, #tpu.memory_space<vmem>> -> memref<1x32x128xf32, #tpu.memory_space<vmem>>
      %dma_start3A_1173 = tpu.memref_squeeze %dma_start3A_1172 : memref<1x32x128xf32, #tpu.memory_space<vmem>> -> memref<32x128xf32, #tpu.memory_space<vmem>>
      %dma_start3A_1174 = arith.constant 0 : i32
      %dma_start3A_1175 = tpu.memref_slice %arg6[%dma_start3A_1174, %multiple_of3A_1169] : memref<32x1000000xf32, #tpu.memory_space<hbm>> -> memref<32x128xf32, #tpu.memory_space<hbm>>
      %dma_start3A_1176 = arith.constant 0 : i32
      %dma_start3A_1177 = arith.constant 0 : i32
      %dma_start3A_1178 = tpu.memref_slice %arg13[%rem3A_1126, %dma_start3A_1176, %dma_start3A_1177] : memref<4x32x128xf32, #tpu.memory_space<vmem>> -> memref<1x32x128xf32, #tpu.memory_space<vmem>>
      %dma_start3A_1179 = tpu.memref_squeeze %dma_start3A_1178 : memref<1x32x128xf32, #tpu.memory_space<vmem>> -> memref<32x128xf32, #tpu.memory_space<vmem>>
      %dma_start3A_1180 = arith.constant 0 : i32
      %dma_start3A_1181 = tpu.memref_slice %arg6[%dma_start3A_1180, %multiple_of3A_1169] : memref<32x1000000xf32, #tpu.memory_space<hbm>> -> memref<32x128xf32, #tpu.memory_space<hbm>>
      tpu.enqueue_dma source(%dma_start3A_1181 : memref<32x128xf32, #tpu.memory_space<hbm>>) target(%dma_start3A_1179 : memref<32x128xf32, #tpu.memory_space<vmem>>) target_semaphore(%arg16 : memref<!tpu.dma_semaphore, #tpu.memory_space<semaphore_mem>>)
      %shift_right_logical3A_1182 = arith.constant 7 : i32
      %shift_right_logical3A_1183 = arith.shrui %squeeze3A_1130, %shift_right_logical3A_1182 : i32
      %shift_left3A_1184 = arith.constant 7 : i32
      %shift_left3A_1185 = arith.shli %shift_right_logical3A_1183, %shift_left3A_1184 : i32
      %multiple_of3A_1186 = tpu.assume_multiple %shift_left3A_1185, 128 : i32
      %dma_start3A_1187 = arith.constant 0 : i32
      %dma_start3A_1188 = arith.constant 0 : i32
      %dma_start3A_1189 = tpu.memref_slice %arg14[%rem3A_1126, %dma_start3A_1187, %dma_start3A_1188] : memref<4x32x128xf32, #tpu.memory_space<vmem>> -> memref<1x32x128xf32, #tpu.memory_space<vmem>>
      %dma_start3A_1190 = tpu.memref_squeeze %dma_start3A_1189 : memref<1x32x128xf32, #tpu.memory_space<vmem>> -> memref<32x128xf32, #tpu.memory_space<vmem>>
      %dma_start3A_1191 = arith.constant 0 : i32
      %dma_start3A_1192 = tpu.memref_slice %arg7[%dma_start3A_1191, %multiple_of3A_1186] : memref<32x1000000xf32, #tpu.memory_space<hbm>> -> memref<32x128xf32, #tpu.memory_space<hbm>>
      %dma_start3A_1193 = arith.constant 0 : i32
      %dma_start3A_1194 = arith.constant 0 : i32
      %dma_start3A_1195 = tpu.memref_slice %arg14[%rem3A_1126, %dma_start3A_1193, %dma_start3A_1194] : memref<4x32x128xf32, #tpu.memory_space<vmem>> -> memref<1x32x128xf32, #tpu.memory_space<vmem>>
      %dma_start3A_1196 = tpu.memref_squeeze %dma_start3A_1195 : memref<1x32x128xf32, #tpu.memory_space<vmem>> -> memref<32x128xf32, #tpu.memory_space<vmem>>
      %dma_start3A_1197 = arith.constant 0 : i32
      %dma_start3A_1198 = tpu.memref_slice %arg7[%dma_start3A_1197, %multiple_of3A_1186] : memref<32x1000000xf32, #tpu.memory_space<hbm>> -> memref<32x128xf32, #tpu.memory_space<hbm>>
      tpu.enqueue_dma source(%dma_start3A_1198 : memref<32x128xf32, #tpu.memory_space<hbm>>) target(%dma_start3A_1196 : memref<32x128xf32, #tpu.memory_space<vmem>>) target_semaphore(%arg16 : memref<!tpu.dma_semaphore, #tpu.memory_space<semaphore_mem>>)
      %add3A_1199 = arith.constant 4 : i32
      %add3A_1200 = arith.addi %mul3A_321, %add3A_1199 : i32
      %rem3A_1201 = arith.constant 4 : i32
      %rem3A_1202 = arith.remsi %add3A_1200, %rem3A_1201 : i32
      %slice3A_1203 = vector.extract_strided_slice %get3A_323 {offsets = [4], sizes = [1], strides = [1]} : vector<16xi32> to vector<1xi32>
      %squeeze3A_1204 = vector.extract %slice3A_1203[0] : i32 from vector<1xi32>
      %slice3A_1205 = vector.extract_strided_slice %get3A_325 {offsets = [4], sizes = [1], strides = [1]} : vector<16xi32> to vector<1xi32>
      %squeeze3A_1206 = vector.extract %slice3A_1205[0] : i32 from vector<1xi32>
      %dma_wait3A_1207 = arith.constant 0 : i32
      %dma_wait3A_1208 = arith.constant 0 : i32
      %dma_wait3A_1209 = tpu.memref_slice %arg11[%rem3A_1202, %dma_wait3A_1207, %dma_wait3A_1208] : memref<4x32x128xf32, #tpu.memory_space<vmem>> -> memref<1x32x128xf32, #tpu.memory_space<vmem>>
      %dma_wait3A_1210 = tpu.memref_squeeze %dma_wait3A_1209 : memref<1x32x128xf32, #tpu.memory_space<vmem>> -> memref<32x128xf32, #tpu.memory_space<vmem>>
      %dma_wait3A_1211 = arith.constant 0 : i32
      %dma_wait3A_1212 = arith.constant 0 : i32
      %dma_wait3A_1213 = tpu.memref_slice %arg4[%dma_wait3A_1211, %dma_wait3A_1212] : memref<32x1000000xf32, #tpu.memory_space<hbm>> -> memref<32x128xf32, #tpu.memory_space<hbm>>
      %dma_wait3A_1214 = arith.constant 0 : i32
      %dma_wait3A_1215 = arith.constant 0 : i32
      %dma_wait3A_1216 = tpu.memref_slice %arg11[%rem3A_1202, %dma_wait3A_1214, %dma_wait3A_1215] : memref<4x32x128xf32, #tpu.memory_space<vmem>> -> memref<1x32x128xf32, #tpu.memory_space<vmem>>
      %dma_wait3A_1217 = tpu.memref_squeeze %dma_wait3A_1216 : memref<1x32x128xf32, #tpu.memory_space<vmem>> -> memref<32x128xf32, #tpu.memory_space<vmem>>
      %dma_wait3A_1218 = arith.constant 0 : i32
      %dma_wait3A_1219 = arith.constant 0 : i32
      %dma_wait3A_1220 = tpu.memref_slice %arg4[%dma_wait3A_1218, %dma_wait3A_1219] : memref<32x1000000xf32, #tpu.memory_space<hbm>> -> memref<32x128xf32, #tpu.memory_space<hbm>>
      tpu.wait_dma2 semaphore(%arg16 : memref<!tpu.dma_semaphore, #tpu.memory_space<semaphore_mem>>) src(%dma_wait3A_1220 : memref<32x128xf32, #tpu.memory_space<hbm>>) dst(%dma_wait3A_1217 : memref<32x128xf32, #tpu.memory_space<vmem>>)
      %dma_wait3A_1221 = arith.constant 0 : i32
      %dma_wait3A_1222 = arith.constant 0 : i32
      %dma_wait3A_1223 = tpu.memref_slice %arg12[%rem3A_1202, %dma_wait3A_1221, %dma_wait3A_1222] : memref<4x32x128xf32, #tpu.memory_space<vmem>> -> memref<1x32x128xf32, #tpu.memory_space<vmem>>
      %dma_wait3A_1224 = tpu.memref_squeeze %dma_wait3A_1223 : memref<1x32x128xf32, #tpu.memory_space<vmem>> -> memref<32x128xf32, #tpu.memory_space<vmem>>
      %dma_wait3A_1225 = arith.constant 0 : i32
      %dma_wait3A_1226 = arith.constant 0 : i32
      %dma_wait3A_1227 = tpu.memref_slice %arg5[%dma_wait3A_1225, %dma_wait3A_1226] : memref<32x1000000xf32, #tpu.memory_space<hbm>> -> memref<32x128xf32, #tpu.memory_space<hbm>>
      %dma_wait3A_1228 = arith.constant 0 : i32
      %dma_wait3A_1229 = arith.constant 0 : i32
      %dma_wait3A_1230 = tpu.memref_slice %arg12[%rem3A_1202, %dma_wait3A_1228, %dma_wait3A_1229] : memref<4x32x128xf32, #tpu.memory_space<vmem>> -> memref<1x32x128xf32, #tpu.memory_space<vmem>>
      %dma_wait3A_1231 = tpu.memref_squeeze %dma_wait3A_1230 : memref<1x32x128xf32, #tpu.memory_space<vmem>> -> memref<32x128xf32, #tpu.memory_space<vmem>>
      %dma_wait3A_1232 = arith.constant 0 : i32
      %dma_wait3A_1233 = arith.constant 0 : i32
      %dma_wait3A_1234 = tpu.memref_slice %arg5[%dma_wait3A_1232, %dma_wait3A_1233] : memref<32x1000000xf32, #tpu.memory_space<hbm>> -> memref<32x128xf32, #tpu.memory_space<hbm>>
      tpu.wait_dma2 semaphore(%arg16 : memref<!tpu.dma_semaphore, #tpu.memory_space<semaphore_mem>>) src(%dma_wait3A_1234 : memref<32x128xf32, #tpu.memory_space<hbm>>) dst(%dma_wait3A_1231 : memref<32x128xf32, #tpu.memory_space<vmem>>)
      %dma_wait3A_1235 = arith.constant 0 : i32
      %dma_wait3A_1236 = arith.constant 0 : i32
      %dma_wait3A_1237 = tpu.memref_slice %arg13[%rem3A_1202, %dma_wait3A_1235, %dma_wait3A_1236] : memref<4x32x128xf32, #tpu.memory_space<vmem>> -> memref<1x32x128xf32, #tpu.memory_space<vmem>>
      %dma_wait3A_1238 = tpu.memref_squeeze %dma_wait3A_1237 : memref<1x32x128xf32, #tpu.memory_space<vmem>> -> memref<32x128xf32, #tpu.memory_space<vmem>>
      %dma_wait3A_1239 = arith.constant 0 : i32
      %dma_wait3A_1240 = arith.constant 0 : i32
      %dma_wait3A_1241 = tpu.memref_slice %arg6[%dma_wait3A_1239, %dma_wait3A_1240] : memref<32x1000000xf32, #tpu.memory_space<hbm>> -> memref<32x128xf32, #tpu.memory_space<hbm>>
      %dma_wait3A_1242 = arith.constant 0 : i32
      %dma_wait3A_1243 = arith.constant 0 : i32
      %dma_wait3A_1244 = tpu.memref_slice %arg13[%rem3A_1202, %dma_wait3A_1242, %dma_wait3A_1243] : memref<4x32x128xf32, #tpu.memory_space<vmem>> -> memref<1x32x128xf32, #tpu.memory_space<vmem>>
      %dma_wait3A_1245 = tpu.memref_squeeze %dma_wait3A_1244 : memref<1x32x128xf32, #tpu.memory_space<vmem>> -> memref<32x128xf32, #tpu.memory_space<vmem>>
      %dma_wait3A_1246 = arith.constant 0 : i32
      %dma_wait3A_1247 = arith.constant 0 : i32
      %dma_wait3A_1248 = tpu.memref_slice %arg6[%dma_wait3A_1246, %dma_wait3A_1247] : memref<32x1000000xf32, #tpu.memory_space<hbm>> -> memref<32x128xf32, #tpu.memory_space<hbm>>
      tpu.wait_dma2 semaphore(%arg16 : memref<!tpu.dma_semaphore, #tpu.memory_space<semaphore_mem>>) src(%dma_wait3A_1248 : memref<32x128xf32, #tpu.memory_space<hbm>>) dst(%dma_wait3A_1245 : memref<32x128xf32, #tpu.memory_space<vmem>>)
      %dma_wait3A_1249 = arith.constant 0 : i32
      %dma_wait3A_1250 = arith.constant 0 : i32
      %dma_wait3A_1251 = tpu.memref_slice %arg14[%rem3A_1202, %dma_wait3A_1249, %dma_wait3A_1250] : memref<4x32x128xf32, #tpu.memory_space<vmem>> -> memref<1x32x128xf32, #tpu.memory_space<vmem>>
      %dma_wait3A_1252 = tpu.memref_squeeze %dma_wait3A_1251 : memref<1x32x128xf32, #tpu.memory_space<vmem>> -> memref<32x128xf32, #tpu.memory_space<vmem>>
      %dma_wait3A_1253 = arith.constant 0 : i32
      %dma_wait3A_1254 = arith.constant 0 : i32
      %dma_wait3A_1255 = tpu.memref_slice %arg7[%dma_wait3A_1253, %dma_wait3A_1254] : memref<32x1000000xf32, #tpu.memory_space<hbm>> -> memref<32x128xf32, #tpu.memory_space<hbm>>
      %dma_wait3A_1256 = arith.constant 0 : i32
      %dma_wait3A_1257 = arith.constant 0 : i32
      %dma_wait3A_1258 = tpu.memref_slice %arg14[%rem3A_1202, %dma_wait3A_1256, %dma_wait3A_1257] : memref<4x32x128xf32, #tpu.memory_space<vmem>> -> memref<1x32x128xf32, #tpu.memory_space<vmem>>
      %dma_wait3A_1259 = tpu.memref_squeeze %dma_wait3A_1258 : memref<1x32x128xf32, #tpu.memory_space<vmem>> -> memref<32x128xf32, #tpu.memory_space<vmem>>
      %dma_wait3A_1260 = arith.constant 0 : i32
      %dma_wait3A_1261 = arith.constant 0 : i32
      %dma_wait3A_1262 = tpu.memref_slice %arg7[%dma_wait3A_1260, %dma_wait3A_1261] : memref<32x1000000xf32, #tpu.memory_space<hbm>> -> memref<32x128xf32, #tpu.memory_space<hbm>>
      tpu.wait_dma2 semaphore(%arg16 : memref<!tpu.dma_semaphore, #tpu.memory_space<semaphore_mem>>) src(%dma_wait3A_1262 : memref<32x128xf32, #tpu.memory_space<hbm>>) dst(%dma_wait3A_1259 : memref<32x128xf32, #tpu.memory_space<vmem>>)
      %rem3A_1263 = arith.constant 128 : i32
      %rem3A_1264 = arith.remsi %add3A_1200, %rem3A_1263 : i32
      %and3A_1265 = arith.constant 127 : i32
      %and3A_1266 = arith.andi %squeeze3A_1204, %and3A_1265 : i32
      %broadcast_in_dim3A_1267 = vector.broadcast %and3A_1266 : i32 to vector<16xi32>
      %gather3A_1268 = arith.constant 0 : i32
      %gather3A_1269 = arith.constant 0 : i32
      %gather3A_1270 = tpu.memref_slice %arg11[%rem3A_1202, %gather3A_1268, %gather3A_1269] : memref<4x32x128xf32, #tpu.memory_space<vmem>> -> memref<1x32x128xf32, #tpu.memory_space<vmem>>
      %gather3A_1271 = tpu.memref_squeeze %gather3A_1270 : memref<1x32x128xf32, #tpu.memory_space<vmem>> -> memref<32x128xf32, #tpu.memory_space<vmem>>
      %gather3A_1272 = tpu.vector_load_idx %gather3A_1271[%add3A_5, %broadcast_in_dim3A_1267] : memref<32x128xf32, #tpu.memory_space<vmem>>[vector<16xi32>, vector<16xi32>], vector<16xf32>,
      %swap3A_1273 = arith.index_cast %rem3A_1264 : i32 to index
      %swap3A_1274 = arith.constant 0 : index
      %swap3A_1275 = tpu.vector_load %arg15[%swap3A_1273, %swap3A_1274] {strides = array<i32>} : memref<128x128xf32, #tpu.memory_space<vmem>>, vector<16xf32>,
      tpu.vector_store %arg15[%swap3A_1273, %swap3A_1274], %gather3A_1272 {strides = array<i32>} : memref<128x128xf32, #tpu.memory_space<vmem>>, vector<16xf32>,
      %gather3A_1276 = arith.constant 0 : i32
      %gather3A_1277 = arith.constant 0 : i32
      %gather3A_1278 = tpu.memref_slice %arg11[%rem3A_1202, %gather3A_1276, %gather3A_1277] : memref<4x32x128xf32, #tpu.memory_space<vmem>> -> memref<1x32x128xf32, #tpu.memory_space<vmem>>
      %gather3A_1279 = tpu.memref_squeeze %gather3A_1278 : memref<1x32x128xf32, #tpu.memory_space<vmem>> -> memref<32x128xf32, #tpu.memory_space<vmem>>
      %gather3A_1280 = tpu.vector_load_idx %gather3A_1279[%add3A_9, %broadcast_in_dim3A_1267] : memref<32x128xf32, #tpu.memory_space<vmem>>[vector<16xi32>, vector<16xi32>], vector<16xf32>,
      %swap3A_1281 = arith.index_cast %rem3A_1264 : i32 to index
      %swap3A_1282 = arith.constant 16 : index
      %swap3A_1283 = tpu.vector_load %arg15[%swap3A_1281, %swap3A_1282] {strides = array<i32>} : memref<128x128xf32, #tpu.memory_space<vmem>>, vector<16xf32>,
      tpu.vector_store %arg15[%swap3A_1281, %swap3A_1282], %gather3A_1280 {strides = array<i32>} : memref<128x128xf32, #tpu.memory_space<vmem>>, vector<16xf32>,
      %and3A_1284 = arith.constant 127 : i32
      %and3A_1285 = arith.andi %squeeze3A_1206, %and3A_1284 : i32
      %broadcast_in_dim3A_1286 = vector.broadcast %and3A_1285 : i32 to vector<16xi32>
      %gather3A_1287 = arith.constant 0 : i32
      %gather3A_1288 = arith.constant 0 : i32
      %gather3A_1289 = tpu.memref_slice %arg12[%rem3A_1202, %gather3A_1287, %gather3A_1288] : memref<4x32x128xf32, #tpu.memory_space<vmem>> -> memref<1x32x128xf32, #tpu.memory_space<vmem>>
      %gather3A_1290 = tpu.memref_squeeze %gather3A_1289 : memref<1x32x128xf32, #tpu.memory_space<vmem>> -> memref<32x128xf32, #tpu.memory_space<vmem>>
      %gather3A_1291 = tpu.vector_load_idx %gather3A_1290[%add3A_5, %broadcast_in_dim3A_1286] : memref<32x128xf32, #tpu.memory_space<vmem>>[vector<16xi32>, vector<16xi32>], vector<16xf32>,
      %swap3A_1292 = arith.index_cast %rem3A_1264 : i32 to index
      %swap3A_1293 = arith.constant 32 : index
      %swap3A_1294 = tpu.vector_load %arg15[%swap3A_1292, %swap3A_1293] {strides = array<i32>} : memref<128x128xf32, #tpu.memory_space<vmem>>, vector<16xf32>,
      tpu.vector_store %arg15[%swap3A_1292, %swap3A_1293], %gather3A_1291 {strides = array<i32>} : memref<128x128xf32, #tpu.memory_space<vmem>>, vector<16xf32>,
      %gather3A_1295 = arith.constant 0 : i32
      %gather3A_1296 = arith.constant 0 : i32
      %gather3A_1297 = tpu.memref_slice %arg12[%rem3A_1202, %gather3A_1295, %gather3A_1296] : memref<4x32x128xf32, #tpu.memory_space<vmem>> -> memref<1x32x128xf32, #tpu.memory_space<vmem>>
      %gather3A_1298 = tpu.memref_squeeze %gather3A_1297 : memref<1x32x128xf32, #tpu.memory_space<vmem>> -> memref<32x128xf32, #tpu.memory_space<vmem>>
      %gather3A_1299 = tpu.vector_load_idx %gather3A_1298[%add3A_9, %broadcast_in_dim3A_1286] : memref<32x128xf32, #tpu.memory_space<vmem>>[vector<16xi32>, vector<16xi32>], vector<16xf32>,
      %swap3A_1300 = arith.index_cast %rem3A_1264 : i32 to index
      %swap3A_1301 = arith.constant 48 : index
      %swap3A_1302 = tpu.vector_load %arg15[%swap3A_1300, %swap3A_1301] {strides = array<i32>} : memref<128x128xf32, #tpu.memory_space<vmem>>, vector<16xf32>,
      tpu.vector_store %arg15[%swap3A_1300, %swap3A_1301], %gather3A_1299 {strides = array<i32>} : memref<128x128xf32, #tpu.memory_space<vmem>>, vector<16xf32>,
      %and3A_1303 = arith.constant 127 : i32
      %and3A_1304 = arith.andi %squeeze3A_1204, %and3A_1303 : i32
      %broadcast_in_dim3A_1305 = vector.broadcast %and3A_1304 : i32 to vector<16xi32>
      %gather3A_1306 = arith.constant 0 : i32
      %gather3A_1307 = arith.constant 0 : i32
      %gather3A_1308 = tpu.memref_slice %arg13[%rem3A_1202, %gather3A_1306, %gather3A_1307] : memref<4x32x128xf32, #tpu.memory_space<vmem>> -> memref<1x32x128xf32, #tpu.memory_space<vmem>>
      %gather3A_1309 = tpu.memref_squeeze %gather3A_1308 : memref<1x32x128xf32, #tpu.memory_space<vmem>> -> memref<32x128xf32, #tpu.memory_space<vmem>>
      %gather3A_1310 = tpu.vector_load_idx %gather3A_1309[%add3A_5, %broadcast_in_dim3A_1305] : memref<32x128xf32, #tpu.memory_space<vmem>>[vector<16xi32>, vector<16xi32>], vector<16xf32>,
      %swap3A_1311 = arith.index_cast %rem3A_1264 : i32 to index
      %swap3A_1312 = arith.constant 64 : index
      %swap3A_1313 = tpu.vector_load %arg15[%swap3A_1311, %swap3A_1312] {strides = array<i32>} : memref<128x128xf32, #tpu.memory_space<vmem>>, vector<16xf32>,
      tpu.vector_store %arg15[%swap3A_1311, %swap3A_1312], %gather3A_1310 {strides = array<i32>} : memref<128x128xf32, #tpu.memory_space<vmem>>, vector<16xf32>,
      %gather3A_1314 = arith.constant 0 : i32
      %gather3A_1315 = arith.constant 0 : i32
      %gather3A_1316 = tpu.memref_slice %arg13[%rem3A_1202, %gather3A_1314, %gather3A_1315] : memref<4x32x128xf32, #tpu.memory_space<vmem>> -> memref<1x32x128xf32, #tpu.memory_space<vmem>>
      %gather3A_1317 = tpu.memref_squeeze %gather3A_1316 : memref<1x32x128xf32, #tpu.memory_space<vmem>> -> memref<32x128xf32, #tpu.memory_space<vmem>>
      %gather3A_1318 = tpu.vector_load_idx %gather3A_1317[%add3A_9, %broadcast_in_dim3A_1305] : memref<32x128xf32, #tpu.memory_space<vmem>>[vector<16xi32>, vector<16xi32>], vector<16xf32>,
      %swap3A_1319 = arith.index_cast %rem3A_1264 : i32 to index
      %swap3A_1320 = arith.constant 80 : index
      %swap3A_1321 = tpu.vector_load %arg15[%swap3A_1319, %swap3A_1320] {strides = array<i32>} : memref<128x128xf32, #tpu.memory_space<vmem>>, vector<16xf32>,
      tpu.vector_store %arg15[%swap3A_1319, %swap3A_1320], %gather3A_1318 {strides = array<i32>} : memref<128x128xf32, #tpu.memory_space<vmem>>, vector<16xf32>,
      %and3A_1322 = arith.constant 127 : i32
      %and3A_1323 = arith.andi %squeeze3A_1206, %and3A_1322 : i32
      %broadcast_in_dim3A_1324 = vector.broadcast %and3A_1323 : i32 to vector<16xi32>
      %gather3A_1325 = arith.constant 0 : i32
      %gather3A_1326 = arith.constant 0 : i32
      %gather3A_1327 = tpu.memref_slice %arg14[%rem3A_1202, %gather3A_1325, %gather3A_1326] : memref<4x32x128xf32, #tpu.memory_space<vmem>> -> memref<1x32x128xf32, #tpu.memory_space<vmem>>
      %gather3A_1328 = tpu.memref_squeeze %gather3A_1327 : memref<1x32x128xf32, #tpu.memory_space<vmem>> -> memref<32x128xf32, #tpu.memory_space<vmem>>
      %gather3A_1329 = tpu.vector_load_idx %gather3A_1328[%add3A_5, %broadcast_in_dim3A_1324] : memref<32x128xf32, #tpu.memory_space<vmem>>[vector<16xi32>, vector<16xi32>], vector<16xf32>,
      %swap3A_1330 = arith.index_cast %rem3A_1264 : i32 to index
      %swap3A_1331 = arith.constant 96 : index
      %swap3A_1332 = tpu.vector_load %arg15[%swap3A_1330, %swap3A_1331] {strides = array<i32>} : memref<128x128xf32, #tpu.memory_space<vmem>>, vector<16xf32>,
      tpu.vector_store %arg15[%swap3A_1330, %swap3A_1331], %gather3A_1329 {strides = array<i32>} : memref<128x128xf32, #tpu.memory_space<vmem>>, vector<16xf32>,
      %gather3A_1333 = arith.constant 0 : i32
      %gather3A_1334 = arith.constant 0 : i32
      %gather3A_1335 = tpu.memref_slice %arg14[%rem3A_1202, %gather3A_1333, %gather3A_1334] : memref<4x32x128xf32, #tpu.memory_space<vmem>> -> memref<1x32x128xf32, #tpu.memory_space<vmem>>
      %gather3A_1336 = tpu.memref_squeeze %gather3A_1335 : memref<1x32x128xf32, #tpu.memory_space<vmem>> -> memref<32x128xf32, #tpu.memory_space<vmem>>
      %gather3A_1337 = tpu.vector_load_idx %gather3A_1336[%add3A_9, %broadcast_in_dim3A_1324] : memref<32x128xf32, #tpu.memory_space<vmem>>[vector<16xi32>, vector<16xi32>], vector<16xf32>,
      %swap3A_1338 = arith.index_cast %rem3A_1264 : i32 to index
      %swap3A_1339 = arith.constant 112 : index
      %swap3A_1340 = tpu.vector_load %arg15[%swap3A_1338, %swap3A_1339] {strides = array<i32>} : memref<128x128xf32, #tpu.memory_space<vmem>>, vector<16xf32>,
      tpu.vector_store %arg15[%swap3A_1338, %swap3A_1339], %gather3A_1337 {strides = array<i32>} : memref<128x128xf32, #tpu.memory_space<vmem>>, vector<16xf32>,
      %add3A_1341 = arith.constant 4 : i32
      %add3A_1342 = arith.addi %add3A_1200, %add3A_1341 : i32
      %rem3A_1343 = arith.constant 4 : i32
      %rem3A_1344 = arith.remsi %add3A_1342, %rem3A_1343 : i32
      %slice3A_1345 = vector.extract_strided_slice %get3A_323 {offsets = [8], sizes = [1], strides = [1]} : vector<16xi32> to vector<1xi32>
      %squeeze3A_1346 = vector.extract %slice3A_1345[0] : i32 from vector<1xi32>
      %slice3A_1347 = vector.extract_strided_slice %get3A_325 {offsets = [8], sizes = [1], strides = [1]} : vector<16xi32> to vector<1xi32>
      %squeeze3A_1348 = vector.extract %slice3A_1347[0] : i32 from vector<1xi32>
      %shift_right_logical3A_1349 = arith.constant 7 : i32
      %shift_right_logical3A_1350 = arith.shrui %squeeze3A_1346, %shift_right_logical3A_1349 : i32
      %shift_left3A_1351 = arith.constant 7 : i32
      %shift_left3A_1352 = arith.shli %shift_right_logical3A_1350, %shift_left3A_1351 : i32
      %multiple_of3A_1353 = tpu.assume_multiple %shift_left3A_1352, 128 : i32
      %dma_start3A_1354 = arith.constant 0 : i32
      %dma_start3A_1355 = arith.constant 0 : i32
      %dma_start3A_1356 = tpu.memref_slice %arg11[%rem3A_1344, %dma_start3A_1354, %dma_start3A_1355] : memref<4x32x128xf32, #tpu.memory_space<vmem>> -> memref<1x32x128xf32, #tpu.memory_space<vmem>>
      %dma_start3A_1357 = tpu.memref_squeeze %dma_start3A_1356 : memref<1x32x128xf32, #tpu.memory_space<vmem>> -> memref<32x128xf32, #tpu.memory_space<vmem>>
      %dma_start3A_1358 = arith.constant 0 : i32
      %dma_start3A_1359 = tpu.memref_slice %arg4[%dma_start3A_1358, %multiple_of3A_1353] : memref<32x1000000xf32, #tpu.memory_space<hbm>> -> memref<32x128xf32, #tpu.memory_space<hbm>>
      %dma_start3A_1360 = arith.constant 0 : i32
      %dma_start3A_1361 = arith.constant 0 : i32
      %dma_start3A_1362 = tpu.memref_slice %arg11[%rem3A_1344, %dma_start3A_1360, %dma_start3A_1361] : memref<4x32x128xf32, #tpu.memory_space<vmem>> -> memref<1x32x128xf32, #tpu.memory_space<vmem>>
      %dma_start3A_1363 = tpu.memref_squeeze %dma_start3A_1362 : memref<1x32x128xf32, #tpu.memory_space<vmem>> -> memref<32x128xf32, #tpu.memory_space<vmem>>
      %dma_start3A_1364 = arith.constant 0 : i32
      %dma_start3A_1365 = tpu.memref_slice %arg4[%dma_start3A_1364, %multiple_of3A_1353] : memref<32x1000000xf32, #tpu.memory_space<hbm>> -> memref<32x128xf32, #tpu.memory_space<hbm>>
      tpu.enqueue_dma source(%dma_start3A_1365 : memref<32x128xf32, #tpu.memory_space<hbm>>) target(%dma_start3A_1363 : memref<32x128xf32, #tpu.memory_space<vmem>>) target_semaphore(%arg16 : memref<!tpu.dma_semaphore, #tpu.memory_space<semaphore_mem>>)
      %shift_right_logical3A_1366 = arith.constant 7 : i32
      %shift_right_logical3A_1367 = arith.shrui %squeeze3A_1348, %shift_right_logical3A_1366 : i32
      %shift_left3A_1368 = arith.constant 7 : i32
      %shift_left3A_1369 = arith.shli %shift_right_logical3A_1367, %shift_left3A_1368 : i32
      %multiple_of3A_1370 = tpu.assume_multiple %shift_left3A_1369, 128 : i32
      %dma_start3A_1371 = arith.constant 0 : i32
      %dma_start3A_1372 = arith.constant 0 : i32
      %dma_start3A_1373 = tpu.memref_slice %arg12[%rem3A_1344, %dma_start3A_1371, %dma_start3A_1372] : memref<4x32x128xf32, #tpu.memory_space<vmem>> -> memref<1x32x128xf32, #tpu.memory_space<vmem>>
      %dma_start3A_1374 = tpu.memref_squeeze %dma_start3A_1373 : memref<1x32x128xf32, #tpu.memory_space<vmem>> -> memref<32x128xf32, #tpu.memory_space<vmem>>
      %dma_start3A_1375 = arith.constant 0 : i32
      %dma_start3A_1376 = tpu.memref_slice %arg5[%dma_start3A_1375, %multiple_of3A_1370] : memref<32x1000000xf32, #tpu.memory_space<hbm>> -> memref<32x128xf32, #tpu.memory_space<hbm>>
      %dma_start3A_1377 = arith.constant 0 : i32
      %dma_start3A_1378 = arith.constant 0 : i32
      %dma_start3A_1379 = tpu.memref_slice %arg12[%rem3A_1344, %dma_start3A_1377, %dma_start3A_1378] : memref<4x32x128xf32, #tpu.memory_space<vmem>> -> memref<1x32x128xf32, #tpu.memory_space<vmem>>
      %dma_start3A_1380 = tpu.memref_squeeze %dma_start3A_1379 : memref<1x32x128xf32, #tpu.memory_space<vmem>> -> memref<32x128xf32, #tpu.memory_space<vmem>>
      %dma_start3A_1381 = arith.constant 0 : i32
      %dma_start3A_1382 = tpu.memref_slice %arg5[%dma_start3A_1381, %multiple_of3A_1370] : memref<32x1000000xf32, #tpu.memory_space<hbm>> -> memref<32x128xf32, #tpu.memory_space<hbm>>
      tpu.enqueue_dma source(%dma_start3A_1382 : memref<32x128xf32, #tpu.memory_space<hbm>>) target(%dma_start3A_1380 : memref<32x128xf32, #tpu.memory_space<vmem>>) target_semaphore(%arg16 : memref<!tpu.dma_semaphore, #tpu.memory_space<semaphore_mem>>)
      %shift_right_logical3A_1383 = arith.constant 7 : i32
      %shift_right_logical3A_1384 = arith.shrui %squeeze3A_1346, %shift_right_logical3A_1383 : i32
      %shift_left3A_1385 = arith.constant 7 : i32
      %shift_left3A_1386 = arith.shli %shift_right_logical3A_1384, %shift_left3A_1385 : i32
      %multiple_of3A_1387 = tpu.assume_multiple %shift_left3A_1386, 128 : i32
      %dma_start3A_1388 = arith.constant 0 : i32
      %dma_start3A_1389 = arith.constant 0 : i32
      %dma_start3A_1390 = tpu.memref_slice %arg13[%rem3A_1344, %dma_start3A_1388, %dma_start3A_1389] : memref<4x32x128xf32, #tpu.memory_space<vmem>> -> memref<1x32x128xf32, #tpu.memory_space<vmem>>
      %dma_start3A_1391 = tpu.memref_squeeze %dma_start3A_1390 : memref<1x32x128xf32, #tpu.memory_space<vmem>> -> memref<32x128xf32, #tpu.memory_space<vmem>>
      %dma_start3A_1392 = arith.constant 0 : i32
      %dma_start3A_1393 = tpu.memref_slice %arg6[%dma_start3A_1392, %multiple_of3A_1387] : memref<32x1000000xf32, #tpu.memory_space<hbm>> -> memref<32x128xf32, #tpu.memory_space<hbm>>
      %dma_start3A_1394 = arith.constant 0 : i32
      %dma_start3A_1395 = arith.constant 0 : i32
      %dma_start3A_1396 = tpu.memref_slice %arg13[%rem3A_1344, %dma_start3A_1394, %dma_start3A_1395] : memref<4x32x128xf32, #tpu.memory_space<vmem>> -> memref<1x32x128xf32, #tpu.memory_space<vmem>>
      %dma_start3A_1397 = tpu.memref_squeeze %dma_start3A_1396 : memref<1x32x128xf32, #tpu.memory_space<vmem>> -> memref<32x128xf32, #tpu.memory_space<vmem>>
      %dma_start3A_1398 = arith.constant 0 : i32
      %dma_start3A_1399 = tpu.memref_slice %arg6[%dma_start3A_1398, %multiple_of3A_1387] : memref<32x1000000xf32, #tpu.memory_space<hbm>> -> memref<32x128xf32, #tpu.memory_space<hbm>>
      tpu.enqueue_dma source(%dma_start3A_1399 : memref<32x128xf32, #tpu.memory_space<hbm>>) target(%dma_start3A_1397 : memref<32x128xf32, #tpu.memory_space<vmem>>) target_semaphore(%arg16 : memref<!tpu.dma_semaphore, #tpu.memory_space<semaphore_mem>>)
      %shift_right_logical3A_1400 = arith.constant 7 : i32
      %shift_right_logical3A_1401 = arith.shrui %squeeze3A_1348, %shift_right_logical3A_1400 : i32
      %shift_left3A_1402 = arith.constant 7 : i32
      %shift_left3A_1403 = arith.shli %shift_right_logical3A_1401, %shift_left3A_1402 : i32
      %multiple_of3A_1404 = tpu.assume_multiple %shift_left3A_1403, 128 : i32
      %dma_start3A_1405 = arith.constant 0 : i32
      %dma_start3A_1406 = arith.constant 0 : i32
      %dma_start3A_1407 = tpu.memref_slice %arg14[%rem3A_1344, %dma_start3A_1405, %dma_start3A_1406] : memref<4x32x128xf32, #tpu.memory_space<vmem>> -> memref<1x32x128xf32, #tpu.memory_space<vmem>>
      %dma_start3A_1408 = tpu.memref_squeeze %dma_start3A_1407 : memref<1x32x128xf32, #tpu.memory_space<vmem>> -> memref<32x128xf32, #tpu.memory_space<vmem>>
      %dma_start3A_1409 = arith.constant 0 : i32
      %dma_start3A_1410 = tpu.memref_slice %arg7[%dma_start3A_1409, %multiple_of3A_1404] : memref<32x1000000xf32, #tpu.memory_space<hbm>> -> memref<32x128xf32, #tpu.memory_space<hbm>>
      %dma_start3A_1411 = arith.constant 0 : i32
      %dma_start3A_1412 = arith.constant 0 : i32
      %dma_start3A_1413 = tpu.memref_slice %arg14[%rem3A_1344, %dma_start3A_1411, %dma_start3A_1412] : memref<4x32x128xf32, #tpu.memory_space<vmem>> -> memref<1x32x128xf32, #tpu.memory_space<vmem>>
      %dma_start3A_1414 = tpu.memref_squeeze %dma_start3A_1413 : memref<1x32x128xf32, #tpu.memory_space<vmem>> -> memref<32x128xf32, #tpu.memory_space<vmem>>
      %dma_start3A_1415 = arith.constant 0 : i32
      %dma_start3A_1416 = tpu.memref_slice %arg7[%dma_start3A_1415, %multiple_of3A_1404] : memref<32x1000000xf32, #tpu.memory_space<hbm>> -> memref<32x128xf32, #tpu.memory_space<hbm>>
      tpu.enqueue_dma source(%dma_start3A_1416 : memref<32x128xf32, #tpu.memory_space<hbm>>) target(%dma_start3A_1414 : memref<32x128xf32, #tpu.memory_space<vmem>>) target_semaphore(%arg16 : memref<!tpu.dma_semaphore, #tpu.memory_space<semaphore_mem>>)
      %add3A_1417 = arith.constant 5 : i32
      %add3A_1418 = arith.addi %mul3A_321, %add3A_1417 : i32
      %rem3A_1419 = arith.constant 4 : i32
      %rem3A_1420 = arith.remsi %add3A_1418, %rem3A_1419 : i32
      %slice3A_1421 = vector.extract_strided_slice %get3A_323 {offsets = [5], sizes = [1], strides = [1]} : vector<16xi32> to vector<1xi32>
      %squeeze3A_1422 = vector.extract %slice3A_1421[0] : i32 from vector<1xi32>
      %slice3A_1423 = vector.extract_strided_slice %get3A_325 {offsets = [5], sizes = [1], strides = [1]} : vector<16xi32> to vector<1xi32>
      %squeeze3A_1424 = vector.extract %slice3A_1423[0] : i32 from vector<1xi32>
      %dma_wait3A_1425 = arith.constant 0 : i32
      %dma_wait3A_1426 = arith.constant 0 : i32
      %dma_wait3A_1427 = tpu.memref_slice %arg11[%rem3A_1420, %dma_wait3A_1425, %dma_wait3A_1426] : memref<4x32x128xf32, #tpu.memory_space<vmem>> -> memref<1x32x128xf32, #tpu.memory_space<vmem>>
      %dma_wait3A_1428 = tpu.memref_squeeze %dma_wait3A_1427 : memref<1x32x128xf32, #tpu.memory_space<vmem>> -> memref<32x128xf32, #tpu.memory_space<vmem>>
      %dma_wait3A_1429 = arith.constant 0 : i32
      %dma_wait3A_1430 = arith.constant 0 : i32
      %dma_wait3A_1431 = tpu.memref_slice %arg4[%dma_wait3A_1429, %dma_wait3A_1430] : memref<32x1000000xf32, #tpu.memory_space<hbm>> -> memref<32x128xf32, #tpu.memory_space<hbm>>
      %dma_wait3A_1432 = arith.constant 0 : i32
      %dma_wait3A_1433 = arith.constant 0 : i32
      %dma_wait3A_1434 = tpu.memref_slice %arg11[%rem3A_1420, %dma_wait3A_1432, %dma_wait3A_1433] : memref<4x32x128xf32, #tpu.memory_space<vmem>> -> memref<1x32x128xf32, #tpu.memory_space<vmem>>
      %dma_wait3A_1435 = tpu.memref_squeeze %dma_wait3A_1434 : memref<1x32x128xf32, #tpu.memory_space<vmem>> -> memref<32x128xf32, #tpu.memory_space<vmem>>
      %dma_wait3A_1436 = arith.constant 0 : i32
      %dma_wait3A_1437 = arith.constant 0 : i32
      %dma_wait3A_1438 = tpu.memref_slice %arg4[%dma_wait3A_1436, %dma_wait3A_1437] : memref<32x1000000xf32, #tpu.memory_space<hbm>> -> memref<32x128xf32, #tpu.memory_space<hbm>>
      tpu.wait_dma2 semaphore(%arg16 : memref<!tpu.dma_semaphore, #tpu.memory_space<semaphore_mem>>) src(%dma_wait3A_1438 : memref<32x128xf32, #tpu.memory_space<hbm>>) dst(%dma_wait3A_1435 : memref<32x128xf32, #tpu.memory_space<vmem>>)
      %dma_wait3A_1439 = arith.constant 0 : i32
      %dma_wait3A_1440 = arith.constant 0 : i32
      %dma_wait3A_1441 = tpu.memref_slice %arg12[%rem3A_1420, %dma_wait3A_1439, %dma_wait3A_1440] : memref<4x32x128xf32, #tpu.memory_space<vmem>> -> memref<1x32x128xf32, #tpu.memory_space<vmem>>
      %dma_wait3A_1442 = tpu.memref_squeeze %dma_wait3A_1441 : memref<1x32x128xf32, #tpu.memory_space<vmem>> -> memref<32x128xf32, #tpu.memory_space<vmem>>
      %dma_wait3A_1443 = arith.constant 0 : i32
      %dma_wait3A_1444 = arith.constant 0 : i32
      %dma_wait3A_1445 = tpu.memref_slice %arg5[%dma_wait3A_1443, %dma_wait3A_1444] : memref<32x1000000xf32, #tpu.memory_space<hbm>> -> memref<32x128xf32, #tpu.memory_space<hbm>>
      %dma_wait3A_1446 = arith.constant 0 : i32
      %dma_wait3A_1447 = arith.constant 0 : i32
      %dma_wait3A_1448 = tpu.memref_slice %arg12[%rem3A_1420, %dma_wait3A_1446, %dma_wait3A_1447] : memref<4x32x128xf32, #tpu.memory_space<vmem>> -> memref<1x32x128xf32, #tpu.memory_space<vmem>>
      %dma_wait3A_1449 = tpu.memref_squeeze %dma_wait3A_1448 : memref<1x32x128xf32, #tpu.memory_space<vmem>> -> memref<32x128xf32, #tpu.memory_space<vmem>>
      %dma_wait3A_1450 = arith.constant 0 : i32
      %dma_wait3A_1451 = arith.constant 0 : i32
      %dma_wait3A_1452 = tpu.memref_slice %arg5[%dma_wait3A_1450, %dma_wait3A_1451] : memref<32x1000000xf32, #tpu.memory_space<hbm>> -> memref<32x128xf32, #tpu.memory_space<hbm>>
      tpu.wait_dma2 semaphore(%arg16 : memref<!tpu.dma_semaphore, #tpu.memory_space<semaphore_mem>>) src(%dma_wait3A_1452 : memref<32x128xf32, #tpu.memory_space<hbm>>) dst(%dma_wait3A_1449 : memref<32x128xf32, #tpu.memory_space<vmem>>)
      %dma_wait3A_1453 = arith.constant 0 : i32
      %dma_wait3A_1454 = arith.constant 0 : i32
      %dma_wait3A_1455 = tpu.memref_slice %arg13[%rem3A_1420, %dma_wait3A_1453, %dma_wait3A_1454] : memref<4x32x128xf32, #tpu.memory_space<vmem>> -> memref<1x32x128xf32, #tpu.memory_space<vmem>>
      %dma_wait3A_1456 = tpu.memref_squeeze %dma_wait3A_1455 : memref<1x32x128xf32, #tpu.memory_space<vmem>> -> memref<32x128xf32, #tpu.memory_space<vmem>>
      %dma_wait3A_1457 = arith.constant 0 : i32
      %dma_wait3A_1458 = arith.constant 0 : i32
      %dma_wait3A_1459 = tpu.memref_slice %arg6[%dma_wait3A_1457, %dma_wait3A_1458] : memref<32x1000000xf32, #tpu.memory_space<hbm>> -> memref<32x128xf32, #tpu.memory_space<hbm>>
      %dma_wait3A_1460 = arith.constant 0 : i32
      %dma_wait3A_1461 = arith.constant 0 : i32
      %dma_wait3A_1462 = tpu.memref_slice %arg13[%rem3A_1420, %dma_wait3A_1460, %dma_wait3A_1461] : memref<4x32x128xf32, #tpu.memory_space<vmem>> -> memref<1x32x128xf32, #tpu.memory_space<vmem>>
      %dma_wait3A_1463 = tpu.memref_squeeze %dma_wait3A_1462 : memref<1x32x128xf32, #tpu.memory_space<vmem>> -> memref<32x128xf32, #tpu.memory_space<vmem>>
      %dma_wait3A_1464 = arith.constant 0 : i32
      %dma_wait3A_1465 = arith.constant 0 : i32
      %dma_wait3A_1466 = tpu.memref_slice %arg6[%dma_wait3A_1464, %dma_wait3A_1465] : memref<32x1000000xf32, #tpu.memory_space<hbm>> -> memref<32x128xf32, #tpu.memory_space<hbm>>
      tpu.wait_dma2 semaphore(%arg16 : memref<!tpu.dma_semaphore, #tpu.memory_space<semaphore_mem>>) src(%dma_wait3A_1466 : memref<32x128xf32, #tpu.memory_space<hbm>>) dst(%dma_wait3A_1463 : memref<32x128xf32, #tpu.memory_space<vmem>>)
      %dma_wait3A_1467 = arith.constant 0 : i32
      %dma_wait3A_1468 = arith.constant 0 : i32
      %dma_wait3A_1469 = tpu.memref_slice %arg14[%rem3A_1420, %dma_wait3A_1467, %dma_wait3A_1468] : memref<4x32x128xf32, #tpu.memory_space<vmem>> -> memref<1x32x128xf32, #tpu.memory_space<vmem>>
      %dma_wait3A_1470 = tpu.memref_squeeze %dma_wait3A_1469 : memref<1x32x128xf32, #tpu.memory_space<vmem>> -> memref<32x128xf32, #tpu.memory_space<vmem>>
      %dma_wait3A_1471 = arith.constant 0 : i32
      %dma_wait3A_1472 = arith.constant 0 : i32
      %dma_wait3A_1473 = tpu.memref_slice %arg7[%dma_wait3A_1471, %dma_wait3A_1472] : memref<32x1000000xf32, #tpu.memory_space<hbm>> -> memref<32x128xf32, #tpu.memory_space<hbm>>
      %dma_wait3A_1474 = arith.constant 0 : i32
      %dma_wait3A_1475 = arith.constant 0 : i32
      %dma_wait3A_1476 = tpu.memref_slice %arg14[%rem3A_1420, %dma_wait3A_1474, %dma_wait3A_1475] : memref<4x32x128xf32, #tpu.memory_space<vmem>> -> memref<1x32x128xf32, #tpu.memory_space<vmem>>
      %dma_wait3A_1477 = tpu.memref_squeeze %dma_wait3A_1476 : memref<1x32x128xf32, #tpu.memory_space<vmem>> -> memref<32x128xf32, #tpu.memory_space<vmem>>
      %dma_wait3A_1478 = arith.constant 0 : i32
      %dma_wait3A_1479 = arith.constant 0 : i32
      %dma_wait3A_1480 = tpu.memref_slice %arg7[%dma_wait3A_1478, %dma_wait3A_1479] : memref<32x1000000xf32, #tpu.memory_space<hbm>> -> memref<32x128xf32, #tpu.memory_space<hbm>>
      tpu.wait_dma2 semaphore(%arg16 : memref<!tpu.dma_semaphore, #tpu.memory_space<semaphore_mem>>) src(%dma_wait3A_1480 : memref<32x128xf32, #tpu.memory_space<hbm>>) dst(%dma_wait3A_1477 : memref<32x128xf32, #tpu.memory_space<vmem>>)
      %rem3A_1481 = arith.constant 128 : i32
      %rem3A_1482 = arith.remsi %add3A_1418, %rem3A_1481 : i32
      %and3A_1483 = arith.constant 127 : i32
      %and3A_1484 = arith.andi %squeeze3A_1422, %and3A_1483 : i32
      %broadcast_in_dim3A_1485 = vector.broadcast %and3A_1484 : i32 to vector<16xi32>
      %gather3A_1486 = arith.constant 0 : i32
      %gather3A_1487 = arith.constant 0 : i32
      %gather3A_1488 = tpu.memref_slice %arg11[%rem3A_1420, %gather3A_1486, %gather3A_1487] : memref<4x32x128xf32, #tpu.memory_space<vmem>> -> memref<1x32x128xf32, #tpu.memory_space<vmem>>
      %gather3A_1489 = tpu.memref_squeeze %gather3A_1488 : memref<1x32x128xf32, #tpu.memory_space<vmem>> -> memref<32x128xf32, #tpu.memory_space<vmem>>
      %gather3A_1490 = tpu.vector_load_idx %gather3A_1489[%add3A_5, %broadcast_in_dim3A_1485] : memref<32x128xf32, #tpu.memory_space<vmem>>[vector<16xi32>, vector<16xi32>], vector<16xf32>,
      %swap3A_1491 = arith.index_cast %rem3A_1482 : i32 to index
      %swap3A_1492 = arith.constant 0 : index
      %swap3A_1493 = tpu.vector_load %arg15[%swap3A_1491, %swap3A_1492] {strides = array<i32>} : memref<128x128xf32, #tpu.memory_space<vmem>>, vector<16xf32>,
      tpu.vector_store %arg15[%swap3A_1491, %swap3A_1492], %gather3A_1490 {strides = array<i32>} : memref<128x128xf32, #tpu.memory_space<vmem>>, vector<16xf32>,
      %gather3A_1494 = arith.constant 0 : i32
      %gather3A_1495 = arith.constant 0 : i32
      %gather3A_1496 = tpu.memref_slice %arg11[%rem3A_1420, %gather3A_1494, %gather3A_1495] : memref<4x32x128xf32, #tpu.memory_space<vmem>> -> memref<1x32x128xf32, #tpu.memory_space<vmem>>
      %gather3A_1497 = tpu.memref_squeeze %gather3A_1496 : memref<1x32x128xf32, #tpu.memory_space<vmem>> -> memref<32x128xf32, #tpu.memory_space<vmem>>
      %gather3A_1498 = tpu.vector_load_idx %gather3A_1497[%add3A_9, %broadcast_in_dim3A_1485] : memref<32x128xf32, #tpu.memory_space<vmem>>[vector<16xi32>, vector<16xi32>], vector<16xf32>,
      %swap3A_1499 = arith.index_cast %rem3A_1482 : i32 to index
      %swap3A_1500 = arith.constant 16 : index
      %swap3A_1501 = tpu.vector_load %arg15[%swap3A_1499, %swap3A_1500] {strides = array<i32>} : memref<128x128xf32, #tpu.memory_space<vmem>>, vector<16xf32>,
      tpu.vector_store %arg15[%swap3A_1499, %swap3A_1500], %gather3A_1498 {strides = array<i32>} : memref<128x128xf32, #tpu.memory_space<vmem>>, vector<16xf32>,
      %and3A_1502 = arith.constant 127 : i32
      %and3A_1503 = arith.andi %squeeze3A_1424, %and3A_1502 : i32
      %broadcast_in_dim3A_1504 = vector.broadcast %and3A_1503 : i32 to vector<16xi32>
      %gather3A_1505 = arith.constant 0 : i32
      %gather3A_1506 = arith.constant 0 : i32
      %gather3A_1507 = tpu.memref_slice %arg12[%rem3A_1420, %gather3A_1505, %gather3A_1506] : memref<4x32x128xf32, #tpu.memory_space<vmem>> -> memref<1x32x128xf32, #tpu.memory_space<vmem>>
      %gather3A_1508 = tpu.memref_squeeze %gather3A_1507 : memref<1x32x128xf32, #tpu.memory_space<vmem>> -> memref<32x128xf32, #tpu.memory_space<vmem>>
      %gather3A_1509 = tpu.vector_load_idx %gather3A_1508[%add3A_5, %broadcast_in_dim3A_1504] : memref<32x128xf32, #tpu.memory_space<vmem>>[vector<16xi32>, vector<16xi32>], vector<16xf32>,
      %swap3A_1510 = arith.index_cast %rem3A_1482 : i32 to index
      %swap3A_1511 = arith.constant 32 : index
      %swap3A_1512 = tpu.vector_load %arg15[%swap3A_1510, %swap3A_1511] {strides = array<i32>} : memref<128x128xf32, #tpu.memory_space<vmem>>, vector<16xf32>,
      tpu.vector_store %arg15[%swap3A_1510, %swap3A_1511], %gather3A_1509 {strides = array<i32>} : memref<128x128xf32, #tpu.memory_space<vmem>>, vector<16xf32>,
      %gather3A_1513 = arith.constant 0 : i32
      %gather3A_1514 = arith.constant 0 : i32
      %gather3A_1515 = tpu.memref_slice %arg12[%rem3A_1420, %gather3A_1513, %gather3A_1514] : memref<4x32x128xf32, #tpu.memory_space<vmem>> -> memref<1x32x128xf32, #tpu.memory_space<vmem>>
      %gather3A_1516 = tpu.memref_squeeze %gather3A_1515 : memref<1x32x128xf32, #tpu.memory_space<vmem>> -> memref<32x128xf32, #tpu.memory_space<vmem>>
      %gather3A_1517 = tpu.vector_load_idx %gather3A_1516[%add3A_9, %broadcast_in_dim3A_1504] : memref<32x128xf32, #tpu.memory_space<vmem>>[vector<16xi32>, vector<16xi32>], vector<16xf32>,
      %swap3A_1518 = arith.index_cast %rem3A_1482 : i32 to index
      %swap3A_1519 = arith.constant 48 : index
      %swap3A_1520 = tpu.vector_load %arg15[%swap3A_1518, %swap3A_1519] {strides = array<i32>} : memref<128x128xf32, #tpu.memory_space<vmem>>, vector<16xf32>,
      tpu.vector_store %arg15[%swap3A_1518, %swap3A_1519], %gather3A_1517 {strides = array<i32>} : memref<128x128xf32, #tpu.memory_space<vmem>>, vector<16xf32>,
      %and3A_1521 = arith.constant 127 : i32
      %and3A_1522 = arith.andi %squeeze3A_1422, %and3A_1521 : i32
      %broadcast_in_dim3A_1523 = vector.broadcast %and3A_1522 : i32 to vector<16xi32>
      %gather3A_1524 = arith.constant 0 : i32
      %gather3A_1525 = arith.constant 0 : i32
      %gather3A_1526 = tpu.memref_slice %arg13[%rem3A_1420, %gather3A_1524, %gather3A_1525] : memref<4x32x128xf32, #tpu.memory_space<vmem>> -> memref<1x32x128xf32, #tpu.memory_space<vmem>>
      %gather3A_1527 = tpu.memref_squeeze %gather3A_1526 : memref<1x32x128xf32, #tpu.memory_space<vmem>> -> memref<32x128xf32, #tpu.memory_space<vmem>>
      %gather3A_1528 = tpu.vector_load_idx %gather3A_1527[%add3A_5, %broadcast_in_dim3A_1523] : memref<32x128xf32, #tpu.memory_space<vmem>>[vector<16xi32>, vector<16xi32>], vector<16xf32>,
      %swap3A_1529 = arith.index_cast %rem3A_1482 : i32 to index
      %swap3A_1530 = arith.constant 64 : index
      %swap3A_1531 = tpu.vector_load %arg15[%swap3A_1529, %swap3A_1530] {strides = array<i32>} : memref<128x128xf32, #tpu.memory_space<vmem>>, vector<16xf32>,
      tpu.vector_store %arg15[%swap3A_1529, %swap3A_1530], %gather3A_1528 {strides = array<i32>} : memref<128x128xf32, #tpu.memory_space<vmem>>, vector<16xf32>,
      %gather3A_1532 = arith.constant 0 : i32
      %gather3A_1533 = arith.constant 0 : i32
      %gather3A_1534 = tpu.memref_slice %arg13[%rem3A_1420, %gather3A_1532, %gather3A_1533] : memref<4x32x128xf32, #tpu.memory_space<vmem>> -> memref<1x32x128xf32, #tpu.memory_space<vmem>>
      %gather3A_1535 = tpu.memref_squeeze %gather3A_1534 : memref<1x32x128xf32, #tpu.memory_space<vmem>> -> memref<32x128xf32, #tpu.memory_space<vmem>>
      %gather3A_1536 = tpu.vector_load_idx %gather3A_1535[%add3A_9, %broadcast_in_dim3A_1523] : memref<32x128xf32, #tpu.memory_space<vmem>>[vector<16xi32>, vector<16xi32>], vector<16xf32>,
      %swap3A_1537 = arith.index_cast %rem3A_1482 : i32 to index
      %swap3A_1538 = arith.constant 80 : index
      %swap3A_1539 = tpu.vector_load %arg15[%swap3A_1537, %swap3A_1538] {strides = array<i32>} : memref<128x128xf32, #tpu.memory_space<vmem>>, vector<16xf32>,
      tpu.vector_store %arg15[%swap3A_1537, %swap3A_1538], %gather3A_1536 {strides = array<i32>} : memref<128x128xf32, #tpu.memory_space<vmem>>, vector<16xf32>,
      %and3A_1540 = arith.constant 127 : i32
      %and3A_1541 = arith.andi %squeeze3A_1424, %and3A_1540 : i32
      %broadcast_in_dim3A_1542 = vector.broadcast %and3A_1541 : i32 to vector<16xi32>
      %gather3A_1543 = arith.constant 0 : i32
      %gather3A_1544 = arith.constant 0 : i32
      %gather3A_1545 = tpu.memref_slice %arg14[%rem3A_1420, %gather3A_1543, %gather3A_1544] : memref<4x32x128xf32, #tpu.memory_space<vmem>> -> memref<1x32x128xf32, #tpu.memory_space<vmem>>
      %gather3A_1546 = tpu.memref_squeeze %gather3A_1545 : memref<1x32x128xf32, #tpu.memory_space<vmem>> -> memref<32x128xf32, #tpu.memory_space<vmem>>
      %gather3A_1547 = tpu.vector_load_idx %gather3A_1546[%add3A_5, %broadcast_in_dim3A_1542] : memref<32x128xf32, #tpu.memory_space<vmem>>[vector<16xi32>, vector<16xi32>], vector<16xf32>,
      %swap3A_1548 = arith.index_cast %rem3A_1482 : i32 to index
      %swap3A_1549 = arith.constant 96 : index
      %swap3A_1550 = tpu.vector_load %arg15[%swap3A_1548, %swap3A_1549] {strides = array<i32>} : memref<128x128xf32, #tpu.memory_space<vmem>>, vector<16xf32>,
      tpu.vector_store %arg15[%swap3A_1548, %swap3A_1549], %gather3A_1547 {strides = array<i32>} : memref<128x128xf32, #tpu.memory_space<vmem>>, vector<16xf32>,
      %gather3A_1551 = arith.constant 0 : i32
      %gather3A_1552 = arith.constant 0 : i32
      %gather3A_1553 = tpu.memref_slice %arg14[%rem3A_1420, %gather3A_1551, %gather3A_1552] : memref<4x32x128xf32, #tpu.memory_space<vmem>> -> memref<1x32x128xf32, #tpu.memory_space<vmem>>
      %gather3A_1554 = tpu.memref_squeeze %gather3A_1553 : memref<1x32x128xf32, #tpu.memory_space<vmem>> -> memref<32x128xf32, #tpu.memory_space<vmem>>
      %gather3A_1555 = tpu.vector_load_idx %gather3A_1554[%add3A_9, %broadcast_in_dim3A_1542] : memref<32x128xf32, #tpu.memory_space<vmem>>[vector<16xi32>, vector<16xi32>], vector<16xf32>,
      %swap3A_1556 = arith.index_cast %rem3A_1482 : i32 to index
      %swap3A_1557 = arith.constant 112 : index
      %swap3A_1558 = tpu.vector_load %arg15[%swap3A_1556, %swap3A_1557] {strides = array<i32>} : memref<128x128xf32, #tpu.memory_space<vmem>>, vector<16xf32>,
      tpu.vector_store %arg15[%swap3A_1556, %swap3A_1557], %gather3A_1555 {strides = array<i32>} : memref<128x128xf32, #tpu.memory_space<vmem>>, vector<16xf32>,
      %add3A_1559 = arith.constant 4 : i32
      %add3A_1560 = arith.addi %add3A_1418, %add3A_1559 : i32
      %rem3A_1561 = arith.constant 4 : i32
      %rem3A_1562 = arith.remsi %add3A_1560, %rem3A_1561 : i32
      %slice3A_1563 = vector.extract_strided_slice %get3A_323 {offsets = [9], sizes = [1], strides = [1]} : vector<16xi32> to vector<1xi32>
      %squeeze3A_1564 = vector.extract %slice3A_1563[0] : i32 from vector<1xi32>
      %slice3A_1565 = vector.extract_strided_slice %get3A_325 {offsets = [9], sizes = [1], strides = [1]} : vector<16xi32> to vector<1xi32>
      %squeeze3A_1566 = vector.extract %slice3A_1565[0] : i32 from vector<1xi32>
      %shift_right_logical3A_1567 = arith.constant 7 : i32
      %shift_right_logical3A_1568 = arith.shrui %squeeze3A_1564, %shift_right_logical3A_1567 : i32
      %shift_left3A_1569 = arith.constant 7 : i32
      %shift_left3A_1570 = arith.shli %shift_right_logical3A_1568, %shift_left3A_1569 : i32
      %multiple_of3A_1571 = tpu.assume_multiple %shift_left3A_1570, 128 : i32
      %dma_start3A_1572 = arith.constant 0 : i32
      %dma_start3A_1573 = arith.constant 0 : i32
      %dma_start3A_1574 = tpu.memref_slice %arg11[%rem3A_1562, %dma_start3A_1572, %dma_start3A_1573] : memref<4x32x128xf32, #tpu.memory_space<vmem>> -> memref<1x32x128xf32, #tpu.memory_space<vmem>>
      %dma_start3A_1575 = tpu.memref_squeeze %dma_start3A_1574 : memref<1x32x128xf32, #tpu.memory_space<vmem>> -> memref<32x128xf32, #tpu.memory_space<vmem>>
      %dma_start3A_1576 = arith.constant 0 : i32
      %dma_start3A_1577 = tpu.memref_slice %arg4[%dma_start3A_1576, %multiple_of3A_1571] : memref<32x1000000xf32, #tpu.memory_space<hbm>> -> memref<32x128xf32, #tpu.memory_space<hbm>>
      %dma_start3A_1578 = arith.constant 0 : i32
      %dma_start3A_1579 = arith.constant 0 : i32
      %dma_start3A_1580 = tpu.memref_slice %arg11[%rem3A_1562, %dma_start3A_1578, %dma_start3A_1579] : memref<4x32x128xf32, #tpu.memory_space<vmem>> -> memref<1x32x128xf32, #tpu.memory_space<vmem>>
      %dma_start3A_1581 = tpu.memref_squeeze %dma_start3A_1580 : memref<1x32x128xf32, #tpu.memory_space<vmem>> -> memref<32x128xf32, #tpu.memory_space<vmem>>
      %dma_start3A_1582 = arith.constant 0 : i32
      %dma_start3A_1583 = tpu.memref_slice %arg4[%dma_start3A_1582, %multiple_of3A_1571] : memref<32x1000000xf32, #tpu.memory_space<hbm>> -> memref<32x128xf32, #tpu.memory_space<hbm>>
      tpu.enqueue_dma source(%dma_start3A_1583 : memref<32x128xf32, #tpu.memory_space<hbm>>) target(%dma_start3A_1581 : memref<32x128xf32, #tpu.memory_space<vmem>>) target_semaphore(%arg16 : memref<!tpu.dma_semaphore, #tpu.memory_space<semaphore_mem>>)
      %shift_right_logical3A_1584 = arith.constant 7 : i32
      %shift_right_logical3A_1585 = arith.shrui %squeeze3A_1566, %shift_right_logical3A_1584 : i32
      %shift_left3A_1586 = arith.constant 7 : i32
      %shift_left3A_1587 = arith.shli %shift_right_logical3A_1585, %shift_left3A_1586 : i32
      %multiple_of3A_1588 = tpu.assume_multiple %shift_left3A_1587, 128 : i32
      %dma_start3A_1589 = arith.constant 0 : i32
      %dma_start3A_1590 = arith.constant 0 : i32
      %dma_start3A_1591 = tpu.memref_slice %arg12[%rem3A_1562, %dma_start3A_1589, %dma_start3A_1590] : memref<4x32x128xf32, #tpu.memory_space<vmem>> -> memref<1x32x128xf32, #tpu.memory_space<vmem>>
      %dma_start3A_1592 = tpu.memref_squeeze %dma_start3A_1591 : memref<1x32x128xf32, #tpu.memory_space<vmem>> -> memref<32x128xf32, #tpu.memory_space<vmem>>
      %dma_start3A_1593 = arith.constant 0 : i32
      %dma_start3A_1594 = tpu.memref_slice %arg5[%dma_start3A_1593, %multiple_of3A_1588] : memref<32x1000000xf32, #tpu.memory_space<hbm>> -> memref<32x128xf32, #tpu.memory_space<hbm>>
      %dma_start3A_1595 = arith.constant 0 : i32
      %dma_start3A_1596 = arith.constant 0 : i32
      %dma_start3A_1597 = tpu.memref_slice %arg12[%rem3A_1562, %dma_start3A_1595, %dma_start3A_1596] : memref<4x32x128xf32, #tpu.memory_space<vmem>> -> memref<1x32x128xf32, #tpu.memory_space<vmem>>
      %dma_start3A_1598 = tpu.memref_squeeze %dma_start3A_1597 : memref<1x32x128xf32, #tpu.memory_space<vmem>> -> memref<32x128xf32, #tpu.memory_space<vmem>>
      %dma_start3A_1599 = arith.constant 0 : i32
      %dma_start3A_1600 = tpu.memref_slice %arg5[%dma_start3A_1599, %multiple_of3A_1588] : memref<32x1000000xf32, #tpu.memory_space<hbm>> -> memref<32x128xf32, #tpu.memory_space<hbm>>
      tpu.enqueue_dma source(%dma_start3A_1600 : memref<32x128xf32, #tpu.memory_space<hbm>>) target(%dma_start3A_1598 : memref<32x128xf32, #tpu.memory_space<vmem>>) target_semaphore(%arg16 : memref<!tpu.dma_semaphore, #tpu.memory_space<semaphore_mem>>)
      %shift_right_logical3A_1601 = arith.constant 7 : i32
      %shift_right_logical3A_1602 = arith.shrui %squeeze3A_1564, %shift_right_logical3A_1601 : i32
      %shift_left3A_1603 = arith.constant 7 : i32
      %shift_left3A_1604 = arith.shli %shift_right_logical3A_1602, %shift_left3A_1603 : i32
      %multiple_of3A_1605 = tpu.assume_multiple %shift_left3A_1604, 128 : i32
      %dma_start3A_1606 = arith.constant 0 : i32
      %dma_start3A_1607 = arith.constant 0 : i32
      %dma_start3A_1608 = tpu.memref_slice %arg13[%rem3A_1562, %dma_start3A_1606, %dma_start3A_1607] : memref<4x32x128xf32, #tpu.memory_space<vmem>> -> memref<1x32x128xf32, #tpu.memory_space<vmem>>
      %dma_start3A_1609 = tpu.memref_squeeze %dma_start3A_1608 : memref<1x32x128xf32, #tpu.memory_space<vmem>> -> memref<32x128xf32, #tpu.memory_space<vmem>>
      %dma_start3A_1610 = arith.constant 0 : i32
      %dma_start3A_1611 = tpu.memref_slice %arg6[%dma_start3A_1610, %multiple_of3A_1605] : memref<32x1000000xf32, #tpu.memory_space<hbm>> -> memref<32x128xf32, #tpu.memory_space<hbm>>
      %dma_start3A_1612 = arith.constant 0 : i32
      %dma_start3A_1613 = arith.constant 0 : i32
      %dma_start3A_1614 = tpu.memref_slice %arg13[%rem3A_1562, %dma_start3A_1612, %dma_start3A_1613] : memref<4x32x128xf32, #tpu.memory_space<vmem>> -> memref<1x32x128xf32, #tpu.memory_space<vmem>>
      %dma_start3A_1615 = tpu.memref_squeeze %dma_start3A_1614 : memref<1x32x128xf32, #tpu.memory_space<vmem>> -> memref<32x128xf32, #tpu.memory_space<vmem>>
      %dma_start3A_1616 = arith.constant 0 : i32
      %dma_start3A_1617 = tpu.memref_slice %arg6[%dma_start3A_1616, %multiple_of3A_1605] : memref<32x1000000xf32, #tpu.memory_space<hbm>> -> memref<32x128xf32, #tpu.memory_space<hbm>>
      tpu.enqueue_dma source(%dma_start3A_1617 : memref<32x128xf32, #tpu.memory_space<hbm>>) target(%dma_start3A_1615 : memref<32x128xf32, #tpu.memory_space<vmem>>) target_semaphore(%arg16 : memref<!tpu.dma_semaphore, #tpu.memory_space<semaphore_mem>>)
      %shift_right_logical3A_1618 = arith.constant 7 : i32
      %shift_right_logical3A_1619 = arith.shrui %squeeze3A_1566, %shift_right_logical3A_1618 : i32
      %shift_left3A_1620 = arith.constant 7 : i32
      %shift_left3A_1621 = arith.shli %shift_right_logical3A_1619, %shift_left3A_1620 : i32
      %multiple_of3A_1622 = tpu.assume_multiple %shift_left3A_1621, 128 : i32
      %dma_start3A_1623 = arith.constant 0 : i32
      %dma_start3A_1624 = arith.constant 0 : i32
      %dma_start3A_1625 = tpu.memref_slice %arg14[%rem3A_1562, %dma_start3A_1623, %dma_start3A_1624] : memref<4x32x128xf32, #tpu.memory_space<vmem>> -> memref<1x32x128xf32, #tpu.memory_space<vmem>>
      %dma_start3A_1626 = tpu.memref_squeeze %dma_start3A_1625 : memref<1x32x128xf32, #tpu.memory_space<vmem>> -> memref<32x128xf32, #tpu.memory_space<vmem>>
      %dma_start3A_1627 = arith.constant 0 : i32
      %dma_start3A_1628 = tpu.memref_slice %arg7[%dma_start3A_1627, %multiple_of3A_1622] : memref<32x1000000xf32, #tpu.memory_space<hbm>> -> memref<32x128xf32, #tpu.memory_space<hbm>>
      %dma_start3A_1629 = arith.constant 0 : i32
      %dma_start3A_1630 = arith.constant 0 : i32
      %dma_start3A_1631 = tpu.memref_slice %arg14[%rem3A_1562, %dma_start3A_1629, %dma_start3A_1630] : memref<4x32x128xf32, #tpu.memory_space<vmem>> -> memref<1x32x128xf32, #tpu.memory_space<vmem>>
      %dma_start3A_1632 = tpu.memref_squeeze %dma_start3A_1631 : memref<1x32x128xf32, #tpu.memory_space<vmem>> -> memref<32x128xf32, #tpu.memory_space<vmem>>
      %dma_start3A_1633 = arith.constant 0 : i32
      %dma_start3A_1634 = tpu.memref_slice %arg7[%dma_start3A_1633, %multiple_of3A_1622] : memref<32x1000000xf32, #tpu.memory_space<hbm>> -> memref<32x128xf32, #tpu.memory_space<hbm>>
      tpu.enqueue_dma source(%dma_start3A_1634 : memref<32x128xf32, #tpu.memory_space<hbm>>) target(%dma_start3A_1632 : memref<32x128xf32, #tpu.memory_space<vmem>>) target_semaphore(%arg16 : memref<!tpu.dma_semaphore, #tpu.memory_space<semaphore_mem>>)
      %add3A_1635 = arith.constant 6 : i32
      %add3A_1636 = arith.addi %mul3A_321, %add3A_1635 : i32
      %rem3A_1637 = arith.constant 4 : i32
      %rem3A_1638 = arith.remsi %add3A_1636, %rem3A_1637 : i32
      %slice3A_1639 = vector.extract_strided_slice %get3A_323 {offsets = [6], sizes = [1], strides = [1]} : vector<16xi32> to vector<1xi32>
      %squeeze3A_1640 = vector.extract %slice3A_1639[0] : i32 from vector<1xi32>
      %slice3A_1641 = vector.extract_strided_slice %get3A_325 {offsets = [6], sizes = [1], strides = [1]} : vector<16xi32> to vector<1xi32>
      %squeeze3A_1642 = vector.extract %slice3A_1641[0] : i32 from vector<1xi32>
      %dma_wait3A_1643 = arith.constant 0 : i32
      %dma_wait3A_1644 = arith.constant 0 : i32
      %dma_wait3A_1645 = tpu.memref_slice %arg11[%rem3A_1638, %dma_wait3A_1643, %dma_wait3A_1644] : memref<4x32x128xf32, #tpu.memory_space<vmem>> -> memref<1x32x128xf32, #tpu.memory_space<vmem>>
      %dma_wait3A_1646 = tpu.memref_squeeze %dma_wait3A_1645 : memref<1x32x128xf32, #tpu.memory_space<vmem>> -> memref<32x128xf32, #tpu.memory_space<vmem>>
      %dma_wait3A_1647 = arith.constant 0 : i32
      %dma_wait3A_1648 = arith.constant 0 : i32
      %dma_wait3A_1649 = tpu.memref_slice %arg4[%dma_wait3A_1647, %dma_wait3A_1648] : memref<32x1000000xf32, #tpu.memory_space<hbm>> -> memref<32x128xf32, #tpu.memory_space<hbm>>
      %dma_wait3A_1650 = arith.constant 0 : i32
      %dma_wait3A_1651 = arith.constant 0 : i32
      %dma_wait3A_1652 = tpu.memref_slice %arg11[%rem3A_1638, %dma_wait3A_1650, %dma_wait3A_1651] : memref<4x32x128xf32, #tpu.memory_space<vmem>> -> memref<1x32x128xf32, #tpu.memory_space<vmem>>
      %dma_wait3A_1653 = tpu.memref_squeeze %dma_wait3A_1652 : memref<1x32x128xf32, #tpu.memory_space<vmem>> -> memref<32x128xf32, #tpu.memory_space<vmem>>
      %dma_wait3A_1654 = arith.constant 0 : i32
      %dma_wait3A_1655 = arith.constant 0 : i32
      %dma_wait3A_1656 = tpu.memref_slice %arg4[%dma_wait3A_1654, %dma_wait3A_1655] : memref<32x1000000xf32, #tpu.memory_space<hbm>> -> memref<32x128xf32, #tpu.memory_space<hbm>>
      tpu.wait_dma2 semaphore(%arg16 : memref<!tpu.dma_semaphore, #tpu.memory_space<semaphore_mem>>) src(%dma_wait3A_1656 : memref<32x128xf32, #tpu.memory_space<hbm>>) dst(%dma_wait3A_1653 : memref<32x128xf32, #tpu.memory_space<vmem>>)
      %dma_wait3A_1657 = arith.constant 0 : i32
      %dma_wait3A_1658 = arith.constant 0 : i32
      %dma_wait3A_1659 = tpu.memref_slice %arg12[%rem3A_1638, %dma_wait3A_1657, %dma_wait3A_1658] : memref<4x32x128xf32, #tpu.memory_space<vmem>> -> memref<1x32x128xf32, #tpu.memory_space<vmem>>
      %dma_wait3A_1660 = tpu.memref_squeeze %dma_wait3A_1659 : memref<1x32x128xf32, #tpu.memory_space<vmem>> -> memref<32x128xf32, #tpu.memory_space<vmem>>
      %dma_wait3A_1661 = arith.constant 0 : i32
      %dma_wait3A_1662 = arith.constant 0 : i32
      %dma_wait3A_1663 = tpu.memref_slice %arg5[%dma_wait3A_1661, %dma_wait3A_1662] : memref<32x1000000xf32, #tpu.memory_space<hbm>> -> memref<32x128xf32, #tpu.memory_space<hbm>>
      %dma_wait3A_1664 = arith.constant 0 : i32
      %dma_wait3A_1665 = arith.constant 0 : i32
      %dma_wait3A_1666 = tpu.memref_slice %arg12[%rem3A_1638, %dma_wait3A_1664, %dma_wait3A_1665] : memref<4x32x128xf32, #tpu.memory_space<vmem>> -> memref<1x32x128xf32, #tpu.memory_space<vmem>>
      %dma_wait3A_1667 = tpu.memref_squeeze %dma_wait3A_1666 : memref<1x32x128xf32, #tpu.memory_space<vmem>> -> memref<32x128xf32, #tpu.memory_space<vmem>>
      %dma_wait3A_1668 = arith.constant 0 : i32
      %dma_wait3A_1669 = arith.constant 0 : i32
      %dma_wait3A_1670 = tpu.memref_slice %arg5[%dma_wait3A_1668, %dma_wait3A_1669] : memref<32x1000000xf32, #tpu.memory_space<hbm>> -> memref<32x128xf32, #tpu.memory_space<hbm>>
      tpu.wait_dma2 semaphore(%arg16 : memref<!tpu.dma_semaphore, #tpu.memory_space<semaphore_mem>>) src(%dma_wait3A_1670 : memref<32x128xf32, #tpu.memory_space<hbm>>) dst(%dma_wait3A_1667 : memref<32x128xf32, #tpu.memory_space<vmem>>)
      %dma_wait3A_1671 = arith.constant 0 : i32
      %dma_wait3A_1672 = arith.constant 0 : i32
      %dma_wait3A_1673 = tpu.memref_slice %arg13[%rem3A_1638, %dma_wait3A_1671, %dma_wait3A_1672] : memref<4x32x128xf32, #tpu.memory_space<vmem>> -> memref<1x32x128xf32, #tpu.memory_space<vmem>>
      %dma_wait3A_1674 = tpu.memref_squeeze %dma_wait3A_1673 : memref<1x32x128xf32, #tpu.memory_space<vmem>> -> memref<32x128xf32, #tpu.memory_space<vmem>>
      %dma_wait3A_1675 = arith.constant 0 : i32
      %dma_wait3A_1676 = arith.constant 0 : i32
      %dma_wait3A_1677 = tpu.memref_slice %arg6[%dma_wait3A_1675, %dma_wait3A_1676] : memref<32x1000000xf32, #tpu.memory_space<hbm>> -> memref<32x128xf32, #tpu.memory_space<hbm>>
      %dma_wait3A_1678 = arith.constant 0 : i32
      %dma_wait3A_1679 = arith.constant 0 : i32
      %dma_wait3A_1680 = tpu.memref_slice %arg13[%rem3A_1638, %dma_wait3A_1678, %dma_wait3A_1679] : memref<4x32x128xf32, #tpu.memory_space<vmem>> -> memref<1x32x128xf32, #tpu.memory_space<vmem>>
      %dma_wait3A_1681 = tpu.memref_squeeze %dma_wait3A_1680 : memref<1x32x128xf32, #tpu.memory_space<vmem>> -> memref<32x128xf32, #tpu.memory_space<vmem>>
      %dma_wait3A_1682 = arith.constant 0 : i32
      %dma_wait3A_1683 = arith.constant 0 : i32
      %dma_wait3A_1684 = tpu.memref_slice %arg6[%dma_wait3A_1682, %dma_wait3A_1683] : memref<32x1000000xf32, #tpu.memory_space<hbm>> -> memref<32x128xf32, #tpu.memory_space<hbm>>
      tpu.wait_dma2 semaphore(%arg16 : memref<!tpu.dma_semaphore, #tpu.memory_space<semaphore_mem>>) src(%dma_wait3A_1684 : memref<32x128xf32, #tpu.memory_space<hbm>>) dst(%dma_wait3A_1681 : memref<32x128xf32, #tpu.memory_space<vmem>>)
      %dma_wait3A_1685 = arith.constant 0 : i32
      %dma_wait3A_1686 = arith.constant 0 : i32
      %dma_wait3A_1687 = tpu.memref_slice %arg14[%rem3A_1638, %dma_wait3A_1685, %dma_wait3A_1686] : memref<4x32x128xf32, #tpu.memory_space<vmem>> -> memref<1x32x128xf32, #tpu.memory_space<vmem>>
      %dma_wait3A_1688 = tpu.memref_squeeze %dma_wait3A_1687 : memref<1x32x128xf32, #tpu.memory_space<vmem>> -> memref<32x128xf32, #tpu.memory_space<vmem>>
      %dma_wait3A_1689 = arith.constant 0 : i32
      %dma_wait3A_1690 = arith.constant 0 : i32
      %dma_wait3A_1691 = tpu.memref_slice %arg7[%dma_wait3A_1689, %dma_wait3A_1690] : memref<32x1000000xf32, #tpu.memory_space<hbm>> -> memref<32x128xf32, #tpu.memory_space<hbm>>
      %dma_wait3A_1692 = arith.constant 0 : i32
      %dma_wait3A_1693 = arith.constant 0 : i32
      %dma_wait3A_1694 = tpu.memref_slice %arg14[%rem3A_1638, %dma_wait3A_1692, %dma_wait3A_1693] : memref<4x32x128xf32, #tpu.memory_space<vmem>> -> memref<1x32x128xf32, #tpu.memory_space<vmem>>
      %dma_wait3A_1695 = tpu.memref_squeeze %dma_wait3A_1694 : memref<1x32x128xf32, #tpu.memory_space<vmem>> -> memref<32x128xf32, #tpu.memory_space<vmem>>
      %dma_wait3A_1696 = arith.constant 0 : i32
      %dma_wait3A_1697 = arith.constant 0 : i32
      %dma_wait3A_1698 = tpu.memref_slice %arg7[%dma_wait3A_1696, %dma_wait3A_1697] : memref<32x1000000xf32, #tpu.memory_space<hbm>> -> memref<32x128xf32, #tpu.memory_space<hbm>>
      tpu.wait_dma2 semaphore(%arg16 : memref<!tpu.dma_semaphore, #tpu.memory_space<semaphore_mem>>) src(%dma_wait3A_1698 : memref<32x128xf32, #tpu.memory_space<hbm>>) dst(%dma_wait3A_1695 : memref<32x128xf32, #tpu.memory_space<vmem>>)
      %rem3A_1699 = arith.constant 128 : i32
      %rem3A_1700 = arith.remsi %add3A_1636, %rem3A_1699 : i32
      %and3A_1701 = arith.constant 127 : i32
      %and3A_1702 = arith.andi %squeeze3A_1640, %and3A_1701 : i32
      %broadcast_in_dim3A_1703 = vector.broadcast %and3A_1702 : i32 to vector<16xi32>
      %gather3A_1704 = arith.constant 0 : i32
      %gather3A_1705 = arith.constant 0 : i32
      %gather3A_1706 = tpu.memref_slice %arg11[%rem3A_1638, %gather3A_1704, %gather3A_1705] : memref<4x32x128xf32, #tpu.memory_space<vmem>> -> memref<1x32x128xf32, #tpu.memory_space<vmem>>
      %gather3A_1707 = tpu.memref_squeeze %gather3A_1706 : memref<1x32x128xf32, #tpu.memory_space<vmem>> -> memref<32x128xf32, #tpu.memory_space<vmem>>
      %gather3A_1708 = tpu.vector_load_idx %gather3A_1707[%add3A_5, %broadcast_in_dim3A_1703] : memref<32x128xf32, #tpu.memory_space<vmem>>[vector<16xi32>, vector<16xi32>], vector<16xf32>,
      %swap3A_1709 = arith.index_cast %rem3A_1700 : i32 to index
      %swap3A_1710 = arith.constant 0 : index
      %swap3A_1711 = tpu.vector_load %arg15[%swap3A_1709, %swap3A_1710] {strides = array<i32>} : memref<128x128xf32, #tpu.memory_space<vmem>>, vector<16xf32>,
      tpu.vector_store %arg15[%swap3A_1709, %swap3A_1710], %gather3A_1708 {strides = array<i32>} : memref<128x128xf32, #tpu.memory_space<vmem>>, vector<16xf32>,
      %gather3A_1712 = arith.constant 0 : i32
      %gather3A_1713 = arith.constant 0 : i32
      %gather3A_1714 = tpu.memref_slice %arg11[%rem3A_1638, %gather3A_1712, %gather3A_1713] : memref<4x32x128xf32, #tpu.memory_space<vmem>> -> memref<1x32x128xf32, #tpu.memory_space<vmem>>
      %gather3A_1715 = tpu.memref_squeeze %gather3A_1714 : memref<1x32x128xf32, #tpu.memory_space<vmem>> -> memref<32x128xf32, #tpu.memory_space<vmem>>
      %gather3A_1716 = tpu.vector_load_idx %gather3A_1715[%add3A_9, %broadcast_in_dim3A_1703] : memref<32x128xf32, #tpu.memory_space<vmem>>[vector<16xi32>, vector<16xi32>], vector<16xf32>,
      %swap3A_1717 = arith.index_cast %rem3A_1700 : i32 to index
      %swap3A_1718 = arith.constant 16 : index
      %swap3A_1719 = tpu.vector_load %arg15[%swap3A_1717, %swap3A_1718] {strides = array<i32>} : memref<128x128xf32, #tpu.memory_space<vmem>>, vector<16xf32>,
      tpu.vector_store %arg15[%swap3A_1717, %swap3A_1718], %gather3A_1716 {strides = array<i32>} : memref<128x128xf32, #tpu.memory_space<vmem>>, vector<16xf32>,
      %and3A_1720 = arith.constant 127 : i32
      %and3A_1721 = arith.andi %squeeze3A_1642, %and3A_1720 : i32
      %broadcast_in_dim3A_1722 = vector.broadcast %and3A_1721 : i32 to vector<16xi32>
      %gather3A_1723 = arith.constant 0 : i32
      %gather3A_1724 = arith.constant 0 : i32
      %gather3A_1725 = tpu.memref_slice %arg12[%rem3A_1638, %gather3A_1723, %gather3A_1724] : memref<4x32x128xf32, #tpu.memory_space<vmem>> -> memref<1x32x128xf32, #tpu.memory_space<vmem>>
      %gather3A_1726 = tpu.memref_squeeze %gather3A_1725 : memref<1x32x128xf32, #tpu.memory_space<vmem>> -> memref<32x128xf32, #tpu.memory_space<vmem>>
      %gather3A_1727 = tpu.vector_load_idx %gather3A_1726[%add3A_5, %broadcast_in_dim3A_1722] : memref<32x128xf32, #tpu.memory_space<vmem>>[vector<16xi32>, vector<16xi32>], vector<16xf32>,
      %swap3A_1728 = arith.index_cast %rem3A_1700 : i32 to index
      %swap3A_1729 = arith.constant 32 : index
      %swap3A_1730 = tpu.vector_load %arg15[%swap3A_1728, %swap3A_1729] {strides = array<i32>} : memref<128x128xf32, #tpu.memory_space<vmem>>, vector<16xf32>,
      tpu.vector_store %arg15[%swap3A_1728, %swap3A_1729], %gather3A_1727 {strides = array<i32>} : memref<128x128xf32, #tpu.memory_space<vmem>>, vector<16xf32>,
      %gather3A_1731 = arith.constant 0 : i32
      %gather3A_1732 = arith.constant 0 : i32
      %gather3A_1733 = tpu.memref_slice %arg12[%rem3A_1638, %gather3A_1731, %gather3A_1732] : memref<4x32x128xf32, #tpu.memory_space<vmem>> -> memref<1x32x128xf32, #tpu.memory_space<vmem>>
      %gather3A_1734 = tpu.memref_squeeze %gather3A_1733 : memref<1x32x128xf32, #tpu.memory_space<vmem>> -> memref<32x128xf32, #tpu.memory_space<vmem>>
      %gather3A_1735 = tpu.vector_load_idx %gather3A_1734[%add3A_9, %broadcast_in_dim3A_1722] : memref<32x128xf32, #tpu.memory_space<vmem>>[vector<16xi32>, vector<16xi32>], vector<16xf32>,
      %swap3A_1736 = arith.index_cast %rem3A_1700 : i32 to index
      %swap3A_1737 = arith.constant 48 : index
      %swap3A_1738 = tpu.vector_load %arg15[%swap3A_1736, %swap3A_1737] {strides = array<i32>} : memref<128x128xf32, #tpu.memory_space<vmem>>, vector<16xf32>,
      tpu.vector_store %arg15[%swap3A_1736, %swap3A_1737], %gather3A_1735 {strides = array<i32>} : memref<128x128xf32, #tpu.memory_space<vmem>>, vector<16xf32>,
      %and3A_1739 = arith.constant 127 : i32
      %and3A_1740 = arith.andi %squeeze3A_1640, %and3A_1739 : i32
      %broadcast_in_dim3A_1741 = vector.broadcast %and3A_1740 : i32 to vector<16xi32>
      %gather3A_1742 = arith.constant 0 : i32
      %gather3A_1743 = arith.constant 0 : i32
      %gather3A_1744 = tpu.memref_slice %arg13[%rem3A_1638, %gather3A_1742, %gather3A_1743] : memref<4x32x128xf32, #tpu.memory_space<vmem>> -> memref<1x32x128xf32, #tpu.memory_space<vmem>>
      %gather3A_1745 = tpu.memref_squeeze %gather3A_1744 : memref<1x32x128xf32, #tpu.memory_space<vmem>> -> memref<32x128xf32, #tpu.memory_space<vmem>>
      %gather3A_1746 = tpu.vector_load_idx %gather3A_1745[%add3A_5, %broadcast_in_dim3A_1741] : memref<32x128xf32, #tpu.memory_space<vmem>>[vector<16xi32>, vector<16xi32>], vector<16xf32>,
      %swap3A_1747 = arith.index_cast %rem3A_1700 : i32 to index
      %swap3A_1748 = arith.constant 64 : index
      %swap3A_1749 = tpu.vector_load %arg15[%swap3A_1747, %swap3A_1748] {strides = array<i32>} : memref<128x128xf32, #tpu.memory_space<vmem>>, vector<16xf32>,
      tpu.vector_store %arg15[%swap3A_1747, %swap3A_1748], %gather3A_1746 {strides = array<i32>} : memref<128x128xf32, #tpu.memory_space<vmem>>, vector<16xf32>,
      %gather3A_1750 = arith.constant 0 : i32
      %gather3A_1751 = arith.constant 0 : i32
      %gather3A_1752 = tpu.memref_slice %arg13[%rem3A_1638, %gather3A_1750, %gather3A_1751] : memref<4x32x128xf32, #tpu.memory_space<vmem>> -> memref<1x32x128xf32, #tpu.memory_space<vmem>>
      %gather3A_1753 = tpu.memref_squeeze %gather3A_1752 : memref<1x32x128xf32, #tpu.memory_space<vmem>> -> memref<32x128xf32, #tpu.memory_space<vmem>>
      %gather3A_1754 = tpu.vector_load_idx %gather3A_1753[%add3A_9, %broadcast_in_dim3A_1741] : memref<32x128xf32, #tpu.memory_space<vmem>>[vector<16xi32>, vector<16xi32>], vector<16xf32>,
      %swap3A_1755 = arith.index_cast %rem3A_1700 : i32 to index
      %swap3A_1756 = arith.constant 80 : index
      %swap3A_1757 = tpu.vector_load %arg15[%swap3A_1755, %swap3A_1756] {strides = array<i32>} : memref<128x128xf32, #tpu.memory_space<vmem>>, vector<16xf32>,
      tpu.vector_store %arg15[%swap3A_1755, %swap3A_1756], %gather3A_1754 {strides = array<i32>} : memref<128x128xf32, #tpu.memory_space<vmem>>, vector<16xf32>,
      %and3A_1758 = arith.constant 127 : i32
      %and3A_1759 = arith.andi %squeeze3A_1642, %and3A_1758 : i32
      %broadcast_in_dim3A_1760 = vector.broadcast %and3A_1759 : i32 to vector<16xi32>
      %gather3A_1761 = arith.constant 0 : i32
      %gather3A_1762 = arith.constant 0 : i32
      %gather3A_1763 = tpu.memref_slice %arg14[%rem3A_1638, %gather3A_1761, %gather3A_1762] : memref<4x32x128xf32, #tpu.memory_space<vmem>> -> memref<1x32x128xf32, #tpu.memory_space<vmem>>
      %gather3A_1764 = tpu.memref_squeeze %gather3A_1763 : memref<1x32x128xf32, #tpu.memory_space<vmem>> -> memref<32x128xf32, #tpu.memory_space<vmem>>
      %gather3A_1765 = tpu.vector_load_idx %gather3A_1764[%add3A_5, %broadcast_in_dim3A_1760] : memref<32x128xf32, #tpu.memory_space<vmem>>[vector<16xi32>, vector<16xi32>], vector<16xf32>,
      %swap3A_1766 = arith.index_cast %rem3A_1700 : i32 to index
      %swap3A_1767 = arith.constant 96 : index
      %swap3A_1768 = tpu.vector_load %arg15[%swap3A_1766, %swap3A_1767] {strides = array<i32>} : memref<128x128xf32, #tpu.memory_space<vmem>>, vector<16xf32>,
      tpu.vector_store %arg15[%swap3A_1766, %swap3A_1767], %gather3A_1765 {strides = array<i32>} : memref<128x128xf32, #tpu.memory_space<vmem>>, vector<16xf32>,
      %gather3A_1769 = arith.constant 0 : i32
      %gather3A_1770 = arith.constant 0 : i32
      %gather3A_1771 = tpu.memref_slice %arg14[%rem3A_1638, %gather3A_1769, %gather3A_1770] : memref<4x32x128xf32, #tpu.memory_space<vmem>> -> memref<1x32x128xf32, #tpu.memory_space<vmem>>
      %gather3A_1772 = tpu.memref_squeeze %gather3A_1771 : memref<1x32x128xf32, #tpu.memory_space<vmem>> -> memref<32x128xf32, #tpu.memory_space<vmem>>
      %gather3A_1773 = tpu.vector_load_idx %gather3A_1772[%add3A_9, %broadcast_in_dim3A_1760] : memref<32x128xf32, #tpu.memory_space<vmem>>[vector<16xi32>, vector<16xi32>], vector<16xf32>,
      %swap3A_1774 = arith.index_cast %rem3A_1700 : i32 to index
      %swap3A_1775 = arith.constant 112 : index
      %swap3A_1776 = tpu.vector_load %arg15[%swap3A_1774, %swap3A_1775] {strides = array<i32>} : memref<128x128xf32, #tpu.memory_space<vmem>>, vector<16xf32>,
      tpu.vector_store %arg15[%swap3A_1774, %swap3A_1775], %gather3A_1773 {strides = array<i32>} : memref<128x128xf32, #tpu.memory_space<vmem>>, vector<16xf32>,
      %add3A_1777 = arith.constant 4 : i32
      %add3A_1778 = arith.addi %add3A_1636, %add3A_1777 : i32
      %rem3A_1779 = arith.constant 4 : i32
      %rem3A_1780 = arith.remsi %add3A_1778, %rem3A_1779 : i32
      %slice3A_1781 = vector.extract_strided_slice %get3A_323 {offsets = [10], sizes = [1], strides = [1]} : vector<16xi32> to vector<1xi32>
      %squeeze3A_1782 = vector.extract %slice3A_1781[0] : i32 from vector<1xi32>
      %slice3A_1783 = vector.extract_strided_slice %get3A_325 {offsets = [10], sizes = [1], strides = [1]} : vector<16xi32> to vector<1xi32>
      %squeeze3A_1784 = vector.extract %slice3A_1783[0] : i32 from vector<1xi32>
      %shift_right_logical3A_1785 = arith.constant 7 : i32
      %shift_right_logical3A_1786 = arith.shrui %squeeze3A_1782, %shift_right_logical3A_1785 : i32
      %shift_left3A_1787 = arith.constant 7 : i32
      %shift_left3A_1788 = arith.shli %shift_right_logical3A_1786, %shift_left3A_1787 : i32
      %multiple_of3A_1789 = tpu.assume_multiple %shift_left3A_1788, 128 : i32
      %dma_start3A_1790 = arith.constant 0 : i32
      %dma_start3A_1791 = arith.constant 0 : i32
      %dma_start3A_1792 = tpu.memref_slice %arg11[%rem3A_1780, %dma_start3A_1790, %dma_start3A_1791] : memref<4x32x128xf32, #tpu.memory_space<vmem>> -> memref<1x32x128xf32, #tpu.memory_space<vmem>>
      %dma_start3A_1793 = tpu.memref_squeeze %dma_start3A_1792 : memref<1x32x128xf32, #tpu.memory_space<vmem>> -> memref<32x128xf32, #tpu.memory_space<vmem>>
      %dma_start3A_1794 = arith.constant 0 : i32
      %dma_start3A_1795 = tpu.memref_slice %arg4[%dma_start3A_1794, %multiple_of3A_1789] : memref<32x1000000xf32, #tpu.memory_space<hbm>> -> memref<32x128xf32, #tpu.memory_space<hbm>>
      %dma_start3A_1796 = arith.constant 0 : i32
      %dma_start3A_1797 = arith.constant 0 : i32
      %dma_start3A_1798 = tpu.memref_slice %arg11[%rem3A_1780, %dma_start3A_1796, %dma_start3A_1797] : memref<4x32x128xf32, #tpu.memory_space<vmem>> -> memref<1x32x128xf32, #tpu.memory_space<vmem>>
      %dma_start3A_1799 = tpu.memref_squeeze %dma_start3A_1798 : memref<1x32x128xf32, #tpu.memory_space<vmem>> -> memref<32x128xf32, #tpu.memory_space<vmem>>
      %dma_start3A_1800 = arith.constant 0 : i32
      %dma_start3A_1801 = tpu.memref_slice %arg4[%dma_start3A_1800, %multiple_of3A_1789] : memref<32x1000000xf32, #tpu.memory_space<hbm>> -> memref<32x128xf32, #tpu.memory_space<hbm>>
      tpu.enqueue_dma source(%dma_start3A_1801 : memref<32x128xf32, #tpu.memory_space<hbm>>) target(%dma_start3A_1799 : memref<32x128xf32, #tpu.memory_space<vmem>>) target_semaphore(%arg16 : memref<!tpu.dma_semaphore, #tpu.memory_space<semaphore_mem>>)
      %shift_right_logical3A_1802 = arith.constant 7 : i32
      %shift_right_logical3A_1803 = arith.shrui %squeeze3A_1784, %shift_right_logical3A_1802 : i32
      %shift_left3A_1804 = arith.constant 7 : i32
      %shift_left3A_1805 = arith.shli %shift_right_logical3A_1803, %shift_left3A_1804 : i32
      %multiple_of3A_1806 = tpu.assume_multiple %shift_left3A_1805, 128 : i32
      %dma_start3A_1807 = arith.constant 0 : i32
      %dma_start3A_1808 = arith.constant 0 : i32
      %dma_start3A_1809 = tpu.memref_slice %arg12[%rem3A_1780, %dma_start3A_1807, %dma_start3A_1808] : memref<4x32x128xf32, #tpu.memory_space<vmem>> -> memref<1x32x128xf32, #tpu.memory_space<vmem>>
      %dma_start3A_1810 = tpu.memref_squeeze %dma_start3A_1809 : memref<1x32x128xf32, #tpu.memory_space<vmem>> -> memref<32x128xf32, #tpu.memory_space<vmem>>
      %dma_start3A_1811 = arith.constant 0 : i32
      %dma_start3A_1812 = tpu.memref_slice %arg5[%dma_start3A_1811, %multiple_of3A_1806] : memref<32x1000000xf32, #tpu.memory_space<hbm>> -> memref<32x128xf32, #tpu.memory_space<hbm>>
      %dma_start3A_1813 = arith.constant 0 : i32
      %dma_start3A_1814 = arith.constant 0 : i32
      %dma_start3A_1815 = tpu.memref_slice %arg12[%rem3A_1780, %dma_start3A_1813, %dma_start3A_1814] : memref<4x32x128xf32, #tpu.memory_space<vmem>> -> memref<1x32x128xf32, #tpu.memory_space<vmem>>
      %dma_start3A_1816 = tpu.memref_squeeze %dma_start3A_1815 : memref<1x32x128xf32, #tpu.memory_space<vmem>> -> memref<32x128xf32, #tpu.memory_space<vmem>>
      %dma_start3A_1817 = arith.constant 0 : i32
      %dma_start3A_1818 = tpu.memref_slice %arg5[%dma_start3A_1817, %multiple_of3A_1806] : memref<32x1000000xf32, #tpu.memory_space<hbm>> -> memref<32x128xf32, #tpu.memory_space<hbm>>
      tpu.enqueue_dma source(%dma_start3A_1818 : memref<32x128xf32, #tpu.memory_space<hbm>>) target(%dma_start3A_1816 : memref<32x128xf32, #tpu.memory_space<vmem>>) target_semaphore(%arg16 : memref<!tpu.dma_semaphore, #tpu.memory_space<semaphore_mem>>)
      %shift_right_logical3A_1819 = arith.constant 7 : i32
      %shift_right_logical3A_1820 = arith.shrui %squeeze3A_1782, %shift_right_logical3A_1819 : i32
      %shift_left3A_1821 = arith.constant 7 : i32
      %shift_left3A_1822 = arith.shli %shift_right_logical3A_1820, %shift_left3A_1821 : i32
      %multiple_of3A_1823 = tpu.assume_multiple %shift_left3A_1822, 128 : i32
      %dma_start3A_1824 = arith.constant 0 : i32
      %dma_start3A_1825 = arith.constant 0 : i32
      %dma_start3A_1826 = tpu.memref_slice %arg13[%rem3A_1780, %dma_start3A_1824, %dma_start3A_1825] : memref<4x32x128xf32, #tpu.memory_space<vmem>> -> memref<1x32x128xf32, #tpu.memory_space<vmem>>
      %dma_start3A_1827 = tpu.memref_squeeze %dma_start3A_1826 : memref<1x32x128xf32, #tpu.memory_space<vmem>> -> memref<32x128xf32, #tpu.memory_space<vmem>>
      %dma_start3A_1828 = arith.constant 0 : i32
      %dma_start3A_1829 = tpu.memref_slice %arg6[%dma_start3A_1828, %multiple_of3A_1823] : memref<32x1000000xf32, #tpu.memory_space<hbm>> -> memref<32x128xf32, #tpu.memory_space<hbm>>
      %dma_start3A_1830 = arith.constant 0 : i32
      %dma_start3A_1831 = arith.constant 0 : i32
      %dma_start3A_1832 = tpu.memref_slice %arg13[%rem3A_1780, %dma_start3A_1830, %dma_start3A_1831] : memref<4x32x128xf32, #tpu.memory_space<vmem>> -> memref<1x32x128xf32, #tpu.memory_space<vmem>>
      %dma_start3A_1833 = tpu.memref_squeeze %dma_start3A_1832 : memref<1x32x128xf32, #tpu.memory_space<vmem>> -> memref<32x128xf32, #tpu.memory_space<vmem>>
      %dma_start3A_1834 = arith.constant 0 : i32
      %dma_start3A_1835 = tpu.memref_slice %arg6[%dma_start3A_1834, %multiple_of3A_1823] : memref<32x1000000xf32, #tpu.memory_space<hbm>> -> memref<32x128xf32, #tpu.memory_space<hbm>>
      tpu.enqueue_dma source(%dma_start3A_1835 : memref<32x128xf32, #tpu.memory_space<hbm>>) target(%dma_start3A_1833 : memref<32x128xf32, #tpu.memory_space<vmem>>) target_semaphore(%arg16 : memref<!tpu.dma_semaphore, #tpu.memory_space<semaphore_mem>>)
      %shift_right_logical3A_1836 = arith.constant 7 : i32
      %shift_right_logical3A_1837 = arith.shrui %squeeze3A_1784, %shift_right_logical3A_1836 : i32
      %shift_left3A_1838 = arith.constant 7 : i32
      %shift_left3A_1839 = arith.shli %shift_right_logical3A_1837, %shift_left3A_1838 : i32
      %multiple_of3A_1840 = tpu.assume_multiple %shift_left3A_1839, 128 : i32
      %dma_start3A_1841 = arith.constant 0 : i32
      %dma_start3A_1842 = arith.constant 0 : i32
      %dma_start3A_1843 = tpu.memref_slice %arg14[%rem3A_1780, %dma_start3A_1841, %dma_start3A_1842] : memref<4x32x128xf32, #tpu.memory_space<vmem>> -> memref<1x32x128xf32, #tpu.memory_space<vmem>>
      %dma_start3A_1844 = tpu.memref_squeeze %dma_start3A_1843 : memref<1x32x128xf32, #tpu.memory_space<vmem>> -> memref<32x128xf32, #tpu.memory_space<vmem>>
      %dma_start3A_1845 = arith.constant 0 : i32
      %dma_start3A_1846 = tpu.memref_slice %arg7[%dma_start3A_1845, %multiple_of3A_1840] : memref<32x1000000xf32, #tpu.memory_space<hbm>> -> memref<32x128xf32, #tpu.memory_space<hbm>>
      %dma_start3A_1847 = arith.constant 0 : i32
      %dma_start3A_1848 = arith.constant 0 : i32
      %dma_start3A_1849 = tpu.memref_slice %arg14[%rem3A_1780, %dma_start3A_1847, %dma_start3A_1848] : memref<4x32x128xf32, #tpu.memory_space<vmem>> -> memref<1x32x128xf32, #tpu.memory_space<vmem>>
      %dma_start3A_1850 = tpu.memref_squeeze %dma_start3A_1849 : memref<1x32x128xf32, #tpu.memory_space<vmem>> -> memref<32x128xf32, #tpu.memory_space<vmem>>
      %dma_start3A_1851 = arith.constant 0 : i32
      %dma_start3A_1852 = tpu.memref_slice %arg7[%dma_start3A_1851, %multiple_of3A_1840] : memref<32x1000000xf32, #tpu.memory_space<hbm>> -> memref<32x128xf32, #tpu.memory_space<hbm>>
      tpu.enqueue_dma source(%dma_start3A_1852 : memref<32x128xf32, #tpu.memory_space<hbm>>) target(%dma_start3A_1850 : memref<32x128xf32, #tpu.memory_space<vmem>>) target_semaphore(%arg16 : memref<!tpu.dma_semaphore, #tpu.memory_space<semaphore_mem>>)
      %add3A_1853 = arith.constant 7 : i32
      %add3A_1854 = arith.addi %mul3A_321, %add3A_1853 : i32
      %rem3A_1855 = arith.constant 4 : i32
      %rem3A_1856 = arith.remsi %add3A_1854, %rem3A_1855 : i32
      %slice3A_1857 = vector.extract_strided_slice %get3A_323 {offsets = [7], sizes = [1], strides = [1]} : vector<16xi32> to vector<1xi32>
      %squeeze3A_1858 = vector.extract %slice3A_1857[0] : i32 from vector<1xi32>
      %slice3A_1859 = vector.extract_strided_slice %get3A_325 {offsets = [7], sizes = [1], strides = [1]} : vector<16xi32> to vector<1xi32>
      %squeeze3A_1860 = vector.extract %slice3A_1859[0] : i32 from vector<1xi32>
      %dma_wait3A_1861 = arith.constant 0 : i32
      %dma_wait3A_1862 = arith.constant 0 : i32
      %dma_wait3A_1863 = tpu.memref_slice %arg11[%rem3A_1856, %dma_wait3A_1861, %dma_wait3A_1862] : memref<4x32x128xf32, #tpu.memory_space<vmem>> -> memref<1x32x128xf32, #tpu.memory_space<vmem>>
      %dma_wait3A_1864 = tpu.memref_squeeze %dma_wait3A_1863 : memref<1x32x128xf32, #tpu.memory_space<vmem>> -> memref<32x128xf32, #tpu.memory_space<vmem>>
      %dma_wait3A_1865 = arith.constant 0 : i32
      %dma_wait3A_1866 = arith.constant 0 : i32
      %dma_wait3A_1867 = tpu.memref_slice %arg4[%dma_wait3A_1865, %dma_wait3A_1866] : memref<32x1000000xf32, #tpu.memory_space<hbm>> -> memref<32x128xf32, #tpu.memory_space<hbm>>
      %dma_wait3A_1868 = arith.constant 0 : i32
      %dma_wait3A_1869 = arith.constant 0 : i32
      %dma_wait3A_1870 = tpu.memref_slice %arg11[%rem3A_1856, %dma_wait3A_1868, %dma_wait3A_1869] : memref<4x32x128xf32, #tpu.memory_space<vmem>> -> memref<1x32x128xf32, #tpu.memory_space<vmem>>
      %dma_wait3A_1871 = tpu.memref_squeeze %dma_wait3A_1870 : memref<1x32x128xf32, #tpu.memory_space<vmem>> -> memref<32x128xf32, #tpu.memory_space<vmem>>
      %dma_wait3A_1872 = arith.constant 0 : i32
      %dma_wait3A_1873 = arith.constant 0 : i32
      %dma_wait3A_1874 = tpu.memref_slice %arg4[%dma_wait3A_1872, %dma_wait3A_1873] : memref<32x1000000xf32, #tpu.memory_space<hbm>> -> memref<32x128xf32, #tpu.memory_space<hbm>>
      tpu.wait_dma2 semaphore(%arg16 : memref<!tpu.dma_semaphore, #tpu.memory_space<semaphore_mem>>) src(%dma_wait3A_1874 : memref<32x128xf32, #tpu.memory_space<hbm>>) dst(%dma_wait3A_1871 : memref<32x128xf32, #tpu.memory_space<vmem>>)
      %dma_wait3A_1875 = arith.constant 0 : i32
      %dma_wait3A_1876 = arith.constant 0 : i32
      %dma_wait3A_1877 = tpu.memref_slice %arg12[%rem3A_1856, %dma_wait3A_1875, %dma_wait3A_1876] : memref<4x32x128xf32, #tpu.memory_space<vmem>> -> memref<1x32x128xf32, #tpu.memory_space<vmem>>
      %dma_wait3A_1878 = tpu.memref_squeeze %dma_wait3A_1877 : memref<1x32x128xf32, #tpu.memory_space<vmem>> -> memref<32x128xf32, #tpu.memory_space<vmem>>
      %dma_wait3A_1879 = arith.constant 0 : i32
      %dma_wait3A_1880 = arith.constant 0 : i32
      %dma_wait3A_1881 = tpu.memref_slice %arg5[%dma_wait3A_1879, %dma_wait3A_1880] : memref<32x1000000xf32, #tpu.memory_space<hbm>> -> memref<32x128xf32, #tpu.memory_space<hbm>>
      %dma_wait3A_1882 = arith.constant 0 : i32
      %dma_wait3A_1883 = arith.constant 0 : i32
      %dma_wait3A_1884 = tpu.memref_slice %arg12[%rem3A_1856, %dma_wait3A_1882, %dma_wait3A_1883] : memref<4x32x128xf32, #tpu.memory_space<vmem>> -> memref<1x32x128xf32, #tpu.memory_space<vmem>>
      %dma_wait3A_1885 = tpu.memref_squeeze %dma_wait3A_1884 : memref<1x32x128xf32, #tpu.memory_space<vmem>> -> memref<32x128xf32, #tpu.memory_space<vmem>>
      %dma_wait3A_1886 = arith.constant 0 : i32
      %dma_wait3A_1887 = arith.constant 0 : i32
      %dma_wait3A_1888 = tpu.memref_slice %arg5[%dma_wait3A_1886, %dma_wait3A_1887] : memref<32x1000000xf32, #tpu.memory_space<hbm>> -> memref<32x128xf32, #tpu.memory_space<hbm>>
      tpu.wait_dma2 semaphore(%arg16 : memref<!tpu.dma_semaphore, #tpu.memory_space<semaphore_mem>>) src(%dma_wait3A_1888 : memref<32x128xf32, #tpu.memory_space<hbm>>) dst(%dma_wait3A_1885 : memref<32x128xf32, #tpu.memory_space<vmem>>)
      %dma_wait3A_1889 = arith.constant 0 : i32
      %dma_wait3A_1890 = arith.constant 0 : i32
      %dma_wait3A_1891 = tpu.memref_slice %arg13[%rem3A_1856, %dma_wait3A_1889, %dma_wait3A_1890] : memref<4x32x128xf32, #tpu.memory_space<vmem>> -> memref<1x32x128xf32, #tpu.memory_space<vmem>>
      %dma_wait3A_1892 = tpu.memref_squeeze %dma_wait3A_1891 : memref<1x32x128xf32, #tpu.memory_space<vmem>> -> memref<32x128xf32, #tpu.memory_space<vmem>>
      %dma_wait3A_1893 = arith.constant 0 : i32
      %dma_wait3A_1894 = arith.constant 0 : i32
      %dma_wait3A_1895 = tpu.memref_slice %arg6[%dma_wait3A_1893, %dma_wait3A_1894] : memref<32x1000000xf32, #tpu.memory_space<hbm>> -> memref<32x128xf32, #tpu.memory_space<hbm>>
      %dma_wait3A_1896 = arith.constant 0 : i32
      %dma_wait3A_1897 = arith.constant 0 : i32
      %dma_wait3A_1898 = tpu.memref_slice %arg13[%rem3A_1856, %dma_wait3A_1896, %dma_wait3A_1897] : memref<4x32x128xf32, #tpu.memory_space<vmem>> -> memref<1x32x128xf32, #tpu.memory_space<vmem>>
      %dma_wait3A_1899 = tpu.memref_squeeze %dma_wait3A_1898 : memref<1x32x128xf32, #tpu.memory_space<vmem>> -> memref<32x128xf32, #tpu.memory_space<vmem>>
      %dma_wait3A_1900 = arith.constant 0 : i32
      %dma_wait3A_1901 = arith.constant 0 : i32
      %dma_wait3A_1902 = tpu.memref_slice %arg6[%dma_wait3A_1900, %dma_wait3A_1901] : memref<32x1000000xf32, #tpu.memory_space<hbm>> -> memref<32x128xf32, #tpu.memory_space<hbm>>
      tpu.wait_dma2 semaphore(%arg16 : memref<!tpu.dma_semaphore, #tpu.memory_space<semaphore_mem>>) src(%dma_wait3A_1902 : memref<32x128xf32, #tpu.memory_space<hbm>>) dst(%dma_wait3A_1899 : memref<32x128xf32, #tpu.memory_space<vmem>>)
      %dma_wait3A_1903 = arith.constant 0 : i32
      %dma_wait3A_1904 = arith.constant 0 : i32
      %dma_wait3A_1905 = tpu.memref_slice %arg14[%rem3A_1856, %dma_wait3A_1903, %dma_wait3A_1904] : memref<4x32x128xf32, #tpu.memory_space<vmem>> -> memref<1x32x128xf32, #tpu.memory_space<vmem>>
      %dma_wait3A_1906 = tpu.memref_squeeze %dma_wait3A_1905 : memref<1x32x128xf32, #tpu.memory_space<vmem>> -> memref<32x128xf32, #tpu.memory_space<vmem>>
      %dma_wait3A_1907 = arith.constant 0 : i32
      %dma_wait3A_1908 = arith.constant 0 : i32
      %dma_wait3A_1909 = tpu.memref_slice %arg7[%dma_wait3A_1907, %dma_wait3A_1908] : memref<32x1000000xf32, #tpu.memory_space<hbm>> -> memref<32x128xf32, #tpu.memory_space<hbm>>
      %dma_wait3A_1910 = arith.constant 0 : i32
      %dma_wait3A_1911 = arith.constant 0 : i32
      %dma_wait3A_1912 = tpu.memref_slice %arg14[%rem3A_1856, %dma_wait3A_1910, %dma_wait3A_1911] : memref<4x32x128xf32, #tpu.memory_space<vmem>> -> memref<1x32x128xf32, #tpu.memory_space<vmem>>
      %dma_wait3A_1913 = tpu.memref_squeeze %dma_wait3A_1912 : memref<1x32x128xf32, #tpu.memory_space<vmem>> -> memref<32x128xf32, #tpu.memory_space<vmem>>
      %dma_wait3A_1914 = arith.constant 0 : i32
      %dma_wait3A_1915 = arith.constant 0 : i32
      %dma_wait3A_1916 = tpu.memref_slice %arg7[%dma_wait3A_1914, %dma_wait3A_1915] : memref<32x1000000xf32, #tpu.memory_space<hbm>> -> memref<32x128xf32, #tpu.memory_space<hbm>>
      tpu.wait_dma2 semaphore(%arg16 : memref<!tpu.dma_semaphore, #tpu.memory_space<semaphore_mem>>) src(%dma_wait3A_1916 : memref<32x128xf32, #tpu.memory_space<hbm>>) dst(%dma_wait3A_1913 : memref<32x128xf32, #tpu.memory_space<vmem>>)
      %rem3A_1917 = arith.constant 128 : i32
      %rem3A_1918 = arith.remsi %add3A_1854, %rem3A_1917 : i32
      %and3A_1919 = arith.constant 127 : i32
      %and3A_1920 = arith.andi %squeeze3A_1858, %and3A_1919 : i32
      %broadcast_in_dim3A_1921 = vector.broadcast %and3A_1920 : i32 to vector<16xi32>
      %gather3A_1922 = arith.constant 0 : i32
      %gather3A_1923 = arith.constant 0 : i32
      %gather3A_1924 = tpu.memref_slice %arg11[%rem3A_1856, %gather3A_1922, %gather3A_1923] : memref<4x32x128xf32, #tpu.memory_space<vmem>> -> memref<1x32x128xf32, #tpu.memory_space<vmem>>
      %gather3A_1925 = tpu.memref_squeeze %gather3A_1924 : memref<1x32x128xf32, #tpu.memory_space<vmem>> -> memref<32x128xf32, #tpu.memory_space<vmem>>
      %gather3A_1926 = tpu.vector_load_idx %gather3A_1925[%add3A_5, %broadcast_in_dim3A_1921] : memref<32x128xf32, #tpu.memory_space<vmem>>[vector<16xi32>, vector<16xi32>], vector<16xf32>,
      %swap3A_1927 = arith.index_cast %rem3A_1918 : i32 to index
      %swap3A_1928 = arith.constant 0 : index
      %swap3A_1929 = tpu.vector_load %arg15[%swap3A_1927, %swap3A_1928] {strides = array<i32>} : memref<128x128xf32, #tpu.memory_space<vmem>>, vector<16xf32>,
      tpu.vector_store %arg15[%swap3A_1927, %swap3A_1928], %gather3A_1926 {strides = array<i32>} : memref<128x128xf32, #tpu.memory_space<vmem>>, vector<16xf32>,
      %gather3A_1930 = arith.constant 0 : i32
      %gather3A_1931 = arith.constant 0 : i32
      %gather3A_1932 = tpu.memref_slice %arg11[%rem3A_1856, %gather3A_1930, %gather3A_1931] : memref<4x32x128xf32, #tpu.memory_space<vmem>> -> memref<1x32x128xf32, #tpu.memory_space<vmem>>
      %gather3A_1933 = tpu.memref_squeeze %gather3A_1932 : memref<1x32x128xf32, #tpu.memory_space<vmem>> -> memref<32x128xf32, #tpu.memory_space<vmem>>
      %gather3A_1934 = tpu.vector_load_idx %gather3A_1933[%add3A_9, %broadcast_in_dim3A_1921] : memref<32x128xf32, #tpu.memory_space<vmem>>[vector<16xi32>, vector<16xi32>], vector<16xf32>,
      %swap3A_1935 = arith.index_cast %rem3A_1918 : i32 to index
      %swap3A_1936 = arith.constant 16 : index
      %swap3A_1937 = tpu.vector_load %arg15[%swap3A_1935, %swap3A_1936] {strides = array<i32>} : memref<128x128xf32, #tpu.memory_space<vmem>>, vector<16xf32>,
      tpu.vector_store %arg15[%swap3A_1935, %swap3A_1936], %gather3A_1934 {strides = array<i32>} : memref<128x128xf32, #tpu.memory_space<vmem>>, vector<16xf32>,
      %and3A_1938 = arith.constant 127 : i32
      %and3A_1939 = arith.andi %squeeze3A_1860, %and3A_1938 : i32
      %broadcast_in_dim3A_1940 = vector.broadcast %and3A_1939 : i32 to vector<16xi32>
      %gather3A_1941 = arith.constant 0 : i32
      %gather3A_1942 = arith.constant 0 : i32
      %gather3A_1943 = tpu.memref_slice %arg12[%rem3A_1856, %gather3A_1941, %gather3A_1942] : memref<4x32x128xf32, #tpu.memory_space<vmem>> -> memref<1x32x128xf32, #tpu.memory_space<vmem>>
      %gather3A_1944 = tpu.memref_squeeze %gather3A_1943 : memref<1x32x128xf32, #tpu.memory_space<vmem>> -> memref<32x128xf32, #tpu.memory_space<vmem>>
      %gather3A_1945 = tpu.vector_load_idx %gather3A_1944[%add3A_5, %broadcast_in_dim3A_1940] : memref<32x128xf32, #tpu.memory_space<vmem>>[vector<16xi32>, vector<16xi32>], vector<16xf32>,
      %swap3A_1946 = arith.index_cast %rem3A_1918 : i32 to index
      %swap3A_1947 = arith.constant 32 : index
      %swap3A_1948 = tpu.vector_load %arg15[%swap3A_1946, %swap3A_1947] {strides = array<i32>} : memref<128x128xf32, #tpu.memory_space<vmem>>, vector<16xf32>,
      tpu.vector_store %arg15[%swap3A_1946, %swap3A_1947], %gather3A_1945 {strides = array<i32>} : memref<128x128xf32, #tpu.memory_space<vmem>>, vector<16xf32>,
      %gather3A_1949 = arith.constant 0 : i32
      %gather3A_1950 = arith.constant 0 : i32
      %gather3A_1951 = tpu.memref_slice %arg12[%rem3A_1856, %gather3A_1949, %gather3A_1950] : memref<4x32x128xf32, #tpu.memory_space<vmem>> -> memref<1x32x128xf32, #tpu.memory_space<vmem>>
      %gather3A_1952 = tpu.memref_squeeze %gather3A_1951 : memref<1x32x128xf32, #tpu.memory_space<vmem>> -> memref<32x128xf32, #tpu.memory_space<vmem>>
      %gather3A_1953 = tpu.vector_load_idx %gather3A_1952[%add3A_9, %broadcast_in_dim3A_1940] : memref<32x128xf32, #tpu.memory_space<vmem>>[vector<16xi32>, vector<16xi32>], vector<16xf32>,
      %swap3A_1954 = arith.index_cast %rem3A_1918 : i32 to index
      %swap3A_1955 = arith.constant 48 : index
      %swap3A_1956 = tpu.vector_load %arg15[%swap3A_1954, %swap3A_1955] {strides = array<i32>} : memref<128x128xf32, #tpu.memory_space<vmem>>, vector<16xf32>,
      tpu.vector_store %arg15[%swap3A_1954, %swap3A_1955], %gather3A_1953 {strides = array<i32>} : memref<128x128xf32, #tpu.memory_space<vmem>>, vector<16xf32>,
      %and3A_1957 = arith.constant 127 : i32
      %and3A_1958 = arith.andi %squeeze3A_1858, %and3A_1957 : i32
      %broadcast_in_dim3A_1959 = vector.broadcast %and3A_1958 : i32 to vector<16xi32>
      %gather3A_1960 = arith.constant 0 : i32
      %gather3A_1961 = arith.constant 0 : i32
      %gather3A_1962 = tpu.memref_slice %arg13[%rem3A_1856, %gather3A_1960, %gather3A_1961] : memref<4x32x128xf32, #tpu.memory_space<vmem>> -> memref<1x32x128xf32, #tpu.memory_space<vmem>>
      %gather3A_1963 = tpu.memref_squeeze %gather3A_1962 : memref<1x32x128xf32, #tpu.memory_space<vmem>> -> memref<32x128xf32, #tpu.memory_space<vmem>>
      %gather3A_1964 = tpu.vector_load_idx %gather3A_1963[%add3A_5, %broadcast_in_dim3A_1959] : memref<32x128xf32, #tpu.memory_space<vmem>>[vector<16xi32>, vector<16xi32>], vector<16xf32>,
      %swap3A_1965 = arith.index_cast %rem3A_1918 : i32 to index
      %swap3A_1966 = arith.constant 64 : index
      %swap3A_1967 = tpu.vector_load %arg15[%swap3A_1965, %swap3A_1966] {strides = array<i32>} : memref<128x128xf32, #tpu.memory_space<vmem>>, vector<16xf32>,
      tpu.vector_store %arg15[%swap3A_1965, %swap3A_1966], %gather3A_1964 {strides = array<i32>} : memref<128x128xf32, #tpu.memory_space<vmem>>, vector<16xf32>,
      %gather3A_1968 = arith.constant 0 : i32
      %gather3A_1969 = arith.constant 0 : i32
      %gather3A_1970 = tpu.memref_slice %arg13[%rem3A_1856, %gather3A_1968, %gather3A_1969] : memref<4x32x128xf32, #tpu.memory_space<vmem>> -> memref<1x32x128xf32, #tpu.memory_space<vmem>>
      %gather3A_1971 = tpu.memref_squeeze %gather3A_1970 : memref<1x32x128xf32, #tpu.memory_space<vmem>> -> memref<32x128xf32, #tpu.memory_space<vmem>>
      %gather3A_1972 = tpu.vector_load_idx %gather3A_1971[%add3A_9, %broadcast_in_dim3A_1959] : memref<32x128xf32, #tpu.memory_space<vmem>>[vector<16xi32>, vector<16xi32>], vector<16xf32>,
      %swap3A_1973 = arith.index_cast %rem3A_1918 : i32 to index
      %swap3A_1974 = arith.constant 80 : index
      %swap3A_1975 = tpu.vector_load %arg15[%swap3A_1973, %swap3A_1974] {strides = array<i32>} : memref<128x128xf32, #tpu.memory_space<vmem>>, vector<16xf32>,
      tpu.vector_store %arg15[%swap3A_1973, %swap3A_1974], %gather3A_1972 {strides = array<i32>} : memref<128x128xf32, #tpu.memory_space<vmem>>, vector<16xf32>,
      %and3A_1976 = arith.constant 127 : i32
      %and3A_1977 = arith.andi %squeeze3A_1860, %and3A_1976 : i32
      %broadcast_in_dim3A_1978 = vector.broadcast %and3A_1977 : i32 to vector<16xi32>
      %gather3A_1979 = arith.constant 0 : i32
      %gather3A_1980 = arith.constant 0 : i32
      %gather3A_1981 = tpu.memref_slice %arg14[%rem3A_1856, %gather3A_1979, %gather3A_1980] : memref<4x32x128xf32, #tpu.memory_space<vmem>> -> memref<1x32x128xf32, #tpu.memory_space<vmem>>
      %gather3A_1982 = tpu.memref_squeeze %gather3A_1981 : memref<1x32x128xf32, #tpu.memory_space<vmem>> -> memref<32x128xf32, #tpu.memory_space<vmem>>
      %gather3A_1983 = tpu.vector_load_idx %gather3A_1982[%add3A_5, %broadcast_in_dim3A_1978] : memref<32x128xf32, #tpu.memory_space<vmem>>[vector<16xi32>, vector<16xi32>], vector<16xf32>,
      %swap3A_1984 = arith.index_cast %rem3A_1918 : i32 to index
      %swap3A_1985 = arith.constant 96 : index
      %swap3A_1986 = tpu.vector_load %arg15[%swap3A_1984, %swap3A_1985] {strides = array<i32>} : memref<128x128xf32, #tpu.memory_space<vmem>>, vector<16xf32>,
      tpu.vector_store %arg15[%swap3A_1984, %swap3A_1985], %gather3A_1983 {strides = array<i32>} : memref<128x128xf32, #tpu.memory_space<vmem>>, vector<16xf32>,
      %gather3A_1987 = arith.constant 0 : i32
      %gather3A_1988 = arith.constant 0 : i32
      %gather3A_1989 = tpu.memref_slice %arg14[%rem3A_1856, %gather3A_1987, %gather3A_1988] : memref<4x32x128xf32, #tpu.memory_space<vmem>> -> memref<1x32x128xf32, #tpu.memory_space<vmem>>
      %gather3A_1990 = tpu.memref_squeeze %gather3A_1989 : memref<1x32x128xf32, #tpu.memory_space<vmem>> -> memref<32x128xf32, #tpu.memory_space<vmem>>
      %gather3A_1991 = tpu.vector_load_idx %gather3A_1990[%add3A_9, %broadcast_in_dim3A_1978] : memref<32x128xf32, #tpu.memory_space<vmem>>[vector<16xi32>, vector<16xi32>], vector<16xf32>,
      %swap3A_1992 = arith.index_cast %rem3A_1918 : i32 to index
      %swap3A_1993 = arith.constant 112 : index
      %swap3A_1994 = tpu.vector_load %arg15[%swap3A_1992, %swap3A_1993] {strides = array<i32>} : memref<128x128xf32, #tpu.memory_space<vmem>>, vector<16xf32>,
      tpu.vector_store %arg15[%swap3A_1992, %swap3A_1993], %gather3A_1991 {strides = array<i32>} : memref<128x128xf32, #tpu.memory_space<vmem>>, vector<16xf32>,
      %add3A_1995 = arith.constant 4 : i32
      %add3A_1996 = arith.addi %add3A_1854, %add3A_1995 : i32
      %rem3A_1997 = arith.constant 4 : i32
      %rem3A_1998 = arith.remsi %add3A_1996, %rem3A_1997 : i32
      %slice3A_1999 = vector.extract_strided_slice %get3A_323 {offsets = [11], sizes = [1], strides = [1]} : vector<16xi32> to vector<1xi32>
      %squeeze3A_2000 = vector.extract %slice3A_1999[0] : i32 from vector<1xi32>
      %slice3A_2001 = vector.extract_strided_slice %get3A_325 {offsets = [11], sizes = [1], strides = [1]} : vector<16xi32> to vector<1xi32>
      %squeeze3A_2002 = vector.extract %slice3A_2001[0] : i32 from vector<1xi32>
      %shift_right_logical3A_2003 = arith.constant 7 : i32
      %shift_right_logical3A_2004 = arith.shrui %squeeze3A_2000, %shift_right_logical3A_2003 : i32
      %shift_left3A_2005 = arith.constant 7 : i32
      %shift_left3A_2006 = arith.shli %shift_right_logical3A_2004, %shift_left3A_2005 : i32
      %multiple_of3A_2007 = tpu.assume_multiple %shift_left3A_2006, 128 : i32
      %dma_start3A_2008 = arith.constant 0 : i32
      %dma_start3A_2009 = arith.constant 0 : i32
      %dma_start3A_2010 = tpu.memref_slice %arg11[%rem3A_1998, %dma_start3A_2008, %dma_start3A_2009] : memref<4x32x128xf32, #tpu.memory_space<vmem>> -> memref<1x32x128xf32, #tpu.memory_space<vmem>>
      %dma_start3A_2011 = tpu.memref_squeeze %dma_start3A_2010 : memref<1x32x128xf32, #tpu.memory_space<vmem>> -> memref<32x128xf32, #tpu.memory_space<vmem>>
      %dma_start3A_2012 = arith.constant 0 : i32
      %dma_start3A_2013 = tpu.memref_slice %arg4[%dma_start3A_2012, %multiple_of3A_2007] : memref<32x1000000xf32, #tpu.memory_space<hbm>> -> memref<32x128xf32, #tpu.memory_space<hbm>>
      %dma_start3A_2014 = arith.constant 0 : i32
      %dma_start3A_2015 = arith.constant 0 : i32
      %dma_start3A_2016 = tpu.memref_slice %arg11[%rem3A_1998, %dma_start3A_2014, %dma_start3A_2015] : memref<4x32x128xf32, #tpu.memory_space<vmem>> -> memref<1x32x128xf32, #tpu.memory_space<vmem>>
      %dma_start3A_2017 = tpu.memref_squeeze %dma_start3A_2016 : memref<1x32x128xf32, #tpu.memory_space<vmem>> -> memref<32x128xf32, #tpu.memory_space<vmem>>
      %dma_start3A_2018 = arith.constant 0 : i32
      %dma_start3A_2019 = tpu.memref_slice %arg4[%dma_start3A_2018, %multiple_of3A_2007] : memref<32x1000000xf32, #tpu.memory_space<hbm>> -> memref<32x128xf32, #tpu.memory_space<hbm>>
      tpu.enqueue_dma source(%dma_start3A_2019 : memref<32x128xf32, #tpu.memory_space<hbm>>) target(%dma_start3A_2017 : memref<32x128xf32, #tpu.memory_space<vmem>>) target_semaphore(%arg16 : memref<!tpu.dma_semaphore, #tpu.memory_space<semaphore_mem>>)
      %shift_right_logical3A_2020 = arith.constant 7 : i32
      %shift_right_logical3A_2021 = arith.shrui %squeeze3A_2002, %shift_right_logical3A_2020 : i32
      %shift_left3A_2022 = arith.constant 7 : i32
      %shift_left3A_2023 = arith.shli %shift_right_logical3A_2021, %shift_left3A_2022 : i32
      %multiple_of3A_2024 = tpu.assume_multiple %shift_left3A_2023, 128 : i32
      %dma_start3A_2025 = arith.constant 0 : i32
      %dma_start3A_2026 = arith.constant 0 : i32
      %dma_start3A_2027 = tpu.memref_slice %arg12[%rem3A_1998, %dma_start3A_2025, %dma_start3A_2026] : memref<4x32x128xf32, #tpu.memory_space<vmem>> -> memref<1x32x128xf32, #tpu.memory_space<vmem>>
      %dma_start3A_2028 = tpu.memref_squeeze %dma_start3A_2027 : memref<1x32x128xf32, #tpu.memory_space<vmem>> -> memref<32x128xf32, #tpu.memory_space<vmem>>
      %dma_start3A_2029 = arith.constant 0 : i32
      %dma_start3A_2030 = tpu.memref_slice %arg5[%dma_start3A_2029, %multiple_of3A_2024] : memref<32x1000000xf32, #tpu.memory_space<hbm>> -> memref<32x128xf32, #tpu.memory_space<hbm>>
      %dma_start3A_2031 = arith.constant 0 : i32
      %dma_start3A_2032 = arith.constant 0 : i32
      %dma_start3A_2033 = tpu.memref_slice %arg12[%rem3A_1998, %dma_start3A_2031, %dma_start3A_2032] : memref<4x32x128xf32, #tpu.memory_space<vmem>> -> memref<1x32x128xf32, #tpu.memory_space<vmem>>
      %dma_start3A_2034 = tpu.memref_squeeze %dma_start3A_2033 : memref<1x32x128xf32, #tpu.memory_space<vmem>> -> memref<32x128xf32, #tpu.memory_space<vmem>>
      %dma_start3A_2035 = arith.constant 0 : i32
      %dma_start3A_2036 = tpu.memref_slice %arg5[%dma_start3A_2035, %multiple_of3A_2024] : memref<32x1000000xf32, #tpu.memory_space<hbm>> -> memref<32x128xf32, #tpu.memory_space<hbm>>
      tpu.enqueue_dma source(%dma_start3A_2036 : memref<32x128xf32, #tpu.memory_space<hbm>>) target(%dma_start3A_2034 : memref<32x128xf32, #tpu.memory_space<vmem>>) target_semaphore(%arg16 : memref<!tpu.dma_semaphore, #tpu.memory_space<semaphore_mem>>)
      %shift_right_logical3A_2037 = arith.constant 7 : i32
      %shift_right_logical3A_2038 = arith.shrui %squeeze3A_2000, %shift_right_logical3A_2037 : i32
      %shift_left3A_2039 = arith.constant 7 : i32
      %shift_left3A_2040 = arith.shli %shift_right_logical3A_2038, %shift_left3A_2039 : i32
      %multiple_of3A_2041 = tpu.assume_multiple %shift_left3A_2040, 128 : i32
      %dma_start3A_2042 = arith.constant 0 : i32
      %dma_start3A_2043 = arith.constant 0 : i32
      %dma_start3A_2044 = tpu.memref_slice %arg13[%rem3A_1998, %dma_start3A_2042, %dma_start3A_2043] : memref<4x32x128xf32, #tpu.memory_space<vmem>> -> memref<1x32x128xf32, #tpu.memory_space<vmem>>
      %dma_start3A_2045 = tpu.memref_squeeze %dma_start3A_2044 : memref<1x32x128xf32, #tpu.memory_space<vmem>> -> memref<32x128xf32, #tpu.memory_space<vmem>>
      %dma_start3A_2046 = arith.constant 0 : i32
      %dma_start3A_2047 = tpu.memref_slice %arg6[%dma_start3A_2046, %multiple_of3A_2041] : memref<32x1000000xf32, #tpu.memory_space<hbm>> -> memref<32x128xf32, #tpu.memory_space<hbm>>
      %dma_start3A_2048 = arith.constant 0 : i32
      %dma_start3A_2049 = arith.constant 0 : i32
      %dma_start3A_2050 = tpu.memref_slice %arg13[%rem3A_1998, %dma_start3A_2048, %dma_start3A_2049] : memref<4x32x128xf32, #tpu.memory_space<vmem>> -> memref<1x32x128xf32, #tpu.memory_space<vmem>>
      %dma_start3A_2051 = tpu.memref_squeeze %dma_start3A_2050 : memref<1x32x128xf32, #tpu.memory_space<vmem>> -> memref<32x128xf32, #tpu.memory_space<vmem>>
      %dma_start3A_2052 = arith.constant 0 : i32
      %dma_start3A_2053 = tpu.memref_slice %arg6[%dma_start3A_2052, %multiple_of3A_2041] : memref<32x1000000xf32, #tpu.memory_space<hbm>> -> memref<32x128xf32, #tpu.memory_space<hbm>>
      tpu.enqueue_dma source(%dma_start3A_2053 : memref<32x128xf32, #tpu.memory_space<hbm>>) target(%dma_start3A_2051 : memref<32x128xf32, #tpu.memory_space<vmem>>) target_semaphore(%arg16 : memref<!tpu.dma_semaphore, #tpu.memory_space<semaphore_mem>>)
      %shift_right_logical3A_2054 = arith.constant 7 : i32
      %shift_right_logical3A_2055 = arith.shrui %squeeze3A_2002, %shift_right_logical3A_2054 : i32
      %shift_left3A_2056 = arith.constant 7 : i32
      %shift_left3A_2057 = arith.shli %shift_right_logical3A_2055, %shift_left3A_2056 : i32
      %multiple_of3A_2058 = tpu.assume_multiple %shift_left3A_2057, 128 : i32
      %dma_start3A_2059 = arith.constant 0 : i32
      %dma_start3A_2060 = arith.constant 0 : i32
      %dma_start3A_2061 = tpu.memref_slice %arg14[%rem3A_1998, %dma_start3A_2059, %dma_start3A_2060] : memref<4x32x128xf32, #tpu.memory_space<vmem>> -> memref<1x32x128xf32, #tpu.memory_space<vmem>>
      %dma_start3A_2062 = tpu.memref_squeeze %dma_start3A_2061 : memref<1x32x128xf32, #tpu.memory_space<vmem>> -> memref<32x128xf32, #tpu.memory_space<vmem>>
      %dma_start3A_2063 = arith.constant 0 : i32
      %dma_start3A_2064 = tpu.memref_slice %arg7[%dma_start3A_2063, %multiple_of3A_2058] : memref<32x1000000xf32, #tpu.memory_space<hbm>> -> memref<32x128xf32, #tpu.memory_space<hbm>>
      %dma_start3A_2065 = arith.constant 0 : i32
      %dma_start3A_2066 = arith.constant 0 : i32
      %dma_start3A_2067 = tpu.memref_slice %arg14[%rem3A_1998, %dma_start3A_2065, %dma_start3A_2066] : memref<4x32x128xf32, #tpu.memory_space<vmem>> -> memref<1x32x128xf32, #tpu.memory_space<vmem>>
      %dma_start3A_2068 = tpu.memref_squeeze %dma_start3A_2067 : memref<1x32x128xf32, #tpu.memory_space<vmem>> -> memref<32x128xf32, #tpu.memory_space<vmem>>
      %dma_start3A_2069 = arith.constant 0 : i32
      %dma_start3A_2070 = tpu.memref_slice %arg7[%dma_start3A_2069, %multiple_of3A_2058] : memref<32x1000000xf32, #tpu.memory_space<hbm>> -> memref<32x128xf32, #tpu.memory_space<hbm>>
      tpu.enqueue_dma source(%dma_start3A_2070 : memref<32x128xf32, #tpu.memory_space<hbm>>) target(%dma_start3A_2068 : memref<32x128xf32, #tpu.memory_space<vmem>>) target_semaphore(%arg16 : memref<!tpu.dma_semaphore, #tpu.memory_space<semaphore_mem>>)
      %add3A_2071 = arith.constant 8 : i32
      %add3A_2072 = arith.addi %mul3A_321, %add3A_2071 : i32
      %rem3A_2073 = arith.constant 4 : i32
      %rem3A_2074 = arith.remsi %add3A_2072, %rem3A_2073 : i32
      %slice3A_2075 = vector.extract_strided_slice %get3A_323 {offsets = [8], sizes = [1], strides = [1]} : vector<16xi32> to vector<1xi32>
      %squeeze3A_2076 = vector.extract %slice3A_2075[0] : i32 from vector<1xi32>
      %slice3A_2077 = vector.extract_strided_slice %get3A_325 {offsets = [8], sizes = [1], strides = [1]} : vector<16xi32> to vector<1xi32>
      %squeeze3A_2078 = vector.extract %slice3A_2077[0] : i32 from vector<1xi32>
      %dma_wait3A_2079 = arith.constant 0 : i32
      %dma_wait3A_2080 = arith.constant 0 : i32
      %dma_wait3A_2081 = tpu.memref_slice %arg11[%rem3A_2074, %dma_wait3A_2079, %dma_wait3A_2080] : memref<4x32x128xf32, #tpu.memory_space<vmem>> -> memref<1x32x128xf32, #tpu.memory_space<vmem>>
      %dma_wait3A_2082 = tpu.memref_squeeze %dma_wait3A_2081 : memref<1x32x128xf32, #tpu.memory_space<vmem>> -> memref<32x128xf32, #tpu.memory_space<vmem>>
      %dma_wait3A_2083 = arith.constant 0 : i32
      %dma_wait3A_2084 = arith.constant 0 : i32
      %dma_wait3A_2085 = tpu.memref_slice %arg4[%dma_wait3A_2083, %dma_wait3A_2084] : memref<32x1000000xf32, #tpu.memory_space<hbm>> -> memref<32x128xf32, #tpu.memory_space<hbm>>
      %dma_wait3A_2086 = arith.constant 0 : i32
      %dma_wait3A_2087 = arith.constant 0 : i32
      %dma_wait3A_2088 = tpu.memref_slice %arg11[%rem3A_2074, %dma_wait3A_2086, %dma_wait3A_2087] : memref<4x32x128xf32, #tpu.memory_space<vmem>> -> memref<1x32x128xf32, #tpu.memory_space<vmem>>
      %dma_wait3A_2089 = tpu.memref_squeeze %dma_wait3A_2088 : memref<1x32x128xf32, #tpu.memory_space<vmem>> -> memref<32x128xf32, #tpu.memory_space<vmem>>
      %dma_wait3A_2090 = arith.constant 0 : i32
      %dma_wait3A_2091 = arith.constant 0 : i32
      %dma_wait3A_2092 = tpu.memref_slice %arg4[%dma_wait3A_2090, %dma_wait3A_2091] : memref<32x1000000xf32, #tpu.memory_space<hbm>> -> memref<32x128xf32, #tpu.memory_space<hbm>>
      tpu.wait_dma2 semaphore(%arg16 : memref<!tpu.dma_semaphore, #tpu.memory_space<semaphore_mem>>) src(%dma_wait3A_2092 : memref<32x128xf32, #tpu.memory_space<hbm>>) dst(%dma_wait3A_2089 : memref<32x128xf32, #tpu.memory_space<vmem>>)
      %dma_wait3A_2093 = arith.constant 0 : i32
      %dma_wait3A_2094 = arith.constant 0 : i32
      %dma_wait3A_2095 = tpu.memref_slice %arg12[%rem3A_2074, %dma_wait3A_2093, %dma_wait3A_2094] : memref<4x32x128xf32, #tpu.memory_space<vmem>> -> memref<1x32x128xf32, #tpu.memory_space<vmem>>
      %dma_wait3A_2096 = tpu.memref_squeeze %dma_wait3A_2095 : memref<1x32x128xf32, #tpu.memory_space<vmem>> -> memref<32x128xf32, #tpu.memory_space<vmem>>
      %dma_wait3A_2097 = arith.constant 0 : i32
      %dma_wait3A_2098 = arith.constant 0 : i32
      %dma_wait3A_2099 = tpu.memref_slice %arg5[%dma_wait3A_2097, %dma_wait3A_2098] : memref<32x1000000xf32, #tpu.memory_space<hbm>> -> memref<32x128xf32, #tpu.memory_space<hbm>>
      %dma_wait3A_2100 = arith.constant 0 : i32
      %dma_wait3A_2101 = arith.constant 0 : i32
      %dma_wait3A_2102 = tpu.memref_slice %arg12[%rem3A_2074, %dma_wait3A_2100, %dma_wait3A_2101] : memref<4x32x128xf32, #tpu.memory_space<vmem>> -> memref<1x32x128xf32, #tpu.memory_space<vmem>>
      %dma_wait3A_2103 = tpu.memref_squeeze %dma_wait3A_2102 : memref<1x32x128xf32, #tpu.memory_space<vmem>> -> memref<32x128xf32, #tpu.memory_space<vmem>>
      %dma_wait3A_2104 = arith.constant 0 : i32
      %dma_wait3A_2105 = arith.constant 0 : i32
      %dma_wait3A_2106 = tpu.memref_slice %arg5[%dma_wait3A_2104, %dma_wait3A_2105] : memref<32x1000000xf32, #tpu.memory_space<hbm>> -> memref<32x128xf32, #tpu.memory_space<hbm>>
      tpu.wait_dma2 semaphore(%arg16 : memref<!tpu.dma_semaphore, #tpu.memory_space<semaphore_mem>>) src(%dma_wait3A_2106 : memref<32x128xf32, #tpu.memory_space<hbm>>) dst(%dma_wait3A_2103 : memref<32x128xf32, #tpu.memory_space<vmem>>)
      %dma_wait3A_2107 = arith.constant 0 : i32
      %dma_wait3A_2108 = arith.constant 0 : i32
      %dma_wait3A_2109 = tpu.memref_slice %arg13[%rem3A_2074, %dma_wait3A_2107, %dma_wait3A_2108] : memref<4x32x128xf32, #tpu.memory_space<vmem>> -> memref<1x32x128xf32, #tpu.memory_space<vmem>>
      %dma_wait3A_2110 = tpu.memref_squeeze %dma_wait3A_2109 : memref<1x32x128xf32, #tpu.memory_space<vmem>> -> memref<32x128xf32, #tpu.memory_space<vmem>>
      %dma_wait3A_2111 = arith.constant 0 : i32
      %dma_wait3A_2112 = arith.constant 0 : i32
      %dma_wait3A_2113 = tpu.memref_slice %arg6[%dma_wait3A_2111, %dma_wait3A_2112] : memref<32x1000000xf32, #tpu.memory_space<hbm>> -> memref<32x128xf32, #tpu.memory_space<hbm>>
      %dma_wait3A_2114 = arith.constant 0 : i32
      %dma_wait3A_2115 = arith.constant 0 : i32
      %dma_wait3A_2116 = tpu.memref_slice %arg13[%rem3A_2074, %dma_wait3A_2114, %dma_wait3A_2115] : memref<4x32x128xf32, #tpu.memory_space<vmem>> -> memref<1x32x128xf32, #tpu.memory_space<vmem>>
      %dma_wait3A_2117 = tpu.memref_squeeze %dma_wait3A_2116 : memref<1x32x128xf32, #tpu.memory_space<vmem>> -> memref<32x128xf32, #tpu.memory_space<vmem>>
      %dma_wait3A_2118 = arith.constant 0 : i32
      %dma_wait3A_2119 = arith.constant 0 : i32
      %dma_wait3A_2120 = tpu.memref_slice %arg6[%dma_wait3A_2118, %dma_wait3A_2119] : memref<32x1000000xf32, #tpu.memory_space<hbm>> -> memref<32x128xf32, #tpu.memory_space<hbm>>
      tpu.wait_dma2 semaphore(%arg16 : memref<!tpu.dma_semaphore, #tpu.memory_space<semaphore_mem>>) src(%dma_wait3A_2120 : memref<32x128xf32, #tpu.memory_space<hbm>>) dst(%dma_wait3A_2117 : memref<32x128xf32, #tpu.memory_space<vmem>>)
      %dma_wait3A_2121 = arith.constant 0 : i32
      %dma_wait3A_2122 = arith.constant 0 : i32
      %dma_wait3A_2123 = tpu.memref_slice %arg14[%rem3A_2074, %dma_wait3A_2121, %dma_wait3A_2122] : memref<4x32x128xf32, #tpu.memory_space<vmem>> -> memref<1x32x128xf32, #tpu.memory_space<vmem>>
      %dma_wait3A_2124 = tpu.memref_squeeze %dma_wait3A_2123 : memref<1x32x128xf32, #tpu.memory_space<vmem>> -> memref<32x128xf32, #tpu.memory_space<vmem>>
      %dma_wait3A_2125 = arith.constant 0 : i32
      %dma_wait3A_2126 = arith.constant 0 : i32
      %dma_wait3A_2127 = tpu.memref_slice %arg7[%dma_wait3A_2125, %dma_wait3A_2126] : memref<32x1000000xf32, #tpu.memory_space<hbm>> -> memref<32x128xf32, #tpu.memory_space<hbm>>
      %dma_wait3A_2128 = arith.constant 0 : i32
      %dma_wait3A_2129 = arith.constant 0 : i32
      %dma_wait3A_2130 = tpu.memref_slice %arg14[%rem3A_2074, %dma_wait3A_2128, %dma_wait3A_2129] : memref<4x32x128xf32, #tpu.memory_space<vmem>> -> memref<1x32x128xf32, #tpu.memory_space<vmem>>
      %dma_wait3A_2131 = tpu.memref_squeeze %dma_wait3A_2130 : memref<1x32x128xf32, #tpu.memory_space<vmem>> -> memref<32x128xf32, #tpu.memory_space<vmem>>
      %dma_wait3A_2132 = arith.constant 0 : i32
      %dma_wait3A_2133 = arith.constant 0 : i32
      %dma_wait3A_2134 = tpu.memref_slice %arg7[%dma_wait3A_2132, %dma_wait3A_2133] : memref<32x1000000xf32, #tpu.memory_space<hbm>> -> memref<32x128xf32, #tpu.memory_space<hbm>>
      tpu.wait_dma2 semaphore(%arg16 : memref<!tpu.dma_semaphore, #tpu.memory_space<semaphore_mem>>) src(%dma_wait3A_2134 : memref<32x128xf32, #tpu.memory_space<hbm>>) dst(%dma_wait3A_2131 : memref<32x128xf32, #tpu.memory_space<vmem>>)
      %rem3A_2135 = arith.constant 128 : i32
      %rem3A_2136 = arith.remsi %add3A_2072, %rem3A_2135 : i32
      %and3A_2137 = arith.constant 127 : i32
      %and3A_2138 = arith.andi %squeeze3A_2076, %and3A_2137 : i32
      %broadcast_in_dim3A_2139 = vector.broadcast %and3A_2138 : i32 to vector<16xi32>
      %gather3A_2140 = arith.constant 0 : i32
      %gather3A_2141 = arith.constant 0 : i32
      %gather3A_2142 = tpu.memref_slice %arg11[%rem3A_2074, %gather3A_2140, %gather3A_2141] : memref<4x32x128xf32, #tpu.memory_space<vmem>> -> memref<1x32x128xf32, #tpu.memory_space<vmem>>
      %gather3A_2143 = tpu.memref_squeeze %gather3A_2142 : memref<1x32x128xf32, #tpu.memory_space<vmem>> -> memref<32x128xf32, #tpu.memory_space<vmem>>
      %gather3A_2144 = tpu.vector_load_idx %gather3A_2143[%add3A_5, %broadcast_in_dim3A_2139] : memref<32x128xf32, #tpu.memory_space<vmem>>[vector<16xi32>, vector<16xi32>], vector<16xf32>,
      %swap3A_2145 = arith.index_cast %rem3A_2136 : i32 to index
      %swap3A_2146 = arith.constant 0 : index
      %swap3A_2147 = tpu.vector_load %arg15[%swap3A_2145, %swap3A_2146] {strides = array<i32>} : memref<128x128xf32, #tpu.memory_space<vmem>>, vector<16xf32>,
      tpu.vector_store %arg15[%swap3A_2145, %swap3A_2146], %gather3A_2144 {strides = array<i32>} : memref<128x128xf32, #tpu.memory_space<vmem>>, vector<16xf32>,
      %gather3A_2148 = arith.constant 0 : i32
      %gather3A_2149 = arith.constant 0 : i32
      %gather3A_2150 = tpu.memref_slice %arg11[%rem3A_2074, %gather3A_2148, %gather3A_2149] : memref<4x32x128xf32, #tpu.memory_space<vmem>> -> memref<1x32x128xf32, #tpu.memory_space<vmem>>
      %gather3A_2151 = tpu.memref_squeeze %gather3A_2150 : memref<1x32x128xf32, #tpu.memory_space<vmem>> -> memref<32x128xf32, #tpu.memory_space<vmem>>
      %gather3A_2152 = tpu.vector_load_idx %gather3A_2151[%add3A_9, %broadcast_in_dim3A_2139] : memref<32x128xf32, #tpu.memory_space<vmem>>[vector<16xi32>, vector<16xi32>], vector<16xf32>,
      %swap3A_2153 = arith.index_cast %rem3A_2136 : i32 to index
      %swap3A_2154 = arith.constant 16 : index
      %swap3A_2155 = tpu.vector_load %arg15[%swap3A_2153, %swap3A_2154] {strides = array<i32>} : memref<128x128xf32, #tpu.memory_space<vmem>>, vector<16xf32>,
      tpu.vector_store %arg15[%swap3A_2153, %swap3A_2154], %gather3A_2152 {strides = array<i32>} : memref<128x128xf32, #tpu.memory_space<vmem>>, vector<16xf32>,
      %and3A_2156 = arith.constant 127 : i32
      %and3A_2157 = arith.andi %squeeze3A_2078, %and3A_2156 : i32
      %broadcast_in_dim3A_2158 = vector.broadcast %and3A_2157 : i32 to vector<16xi32>
      %gather3A_2159 = arith.constant 0 : i32
      %gather3A_2160 = arith.constant 0 : i32
      %gather3A_2161 = tpu.memref_slice %arg12[%rem3A_2074, %gather3A_2159, %gather3A_2160] : memref<4x32x128xf32, #tpu.memory_space<vmem>> -> memref<1x32x128xf32, #tpu.memory_space<vmem>>
      %gather3A_2162 = tpu.memref_squeeze %gather3A_2161 : memref<1x32x128xf32, #tpu.memory_space<vmem>> -> memref<32x128xf32, #tpu.memory_space<vmem>>
      %gather3A_2163 = tpu.vector_load_idx %gather3A_2162[%add3A_5, %broadcast_in_dim3A_2158] : memref<32x128xf32, #tpu.memory_space<vmem>>[vector<16xi32>, vector<16xi32>], vector<16xf32>,
      %swap3A_2164 = arith.index_cast %rem3A_2136 : i32 to index
      %swap3A_2165 = arith.constant 32 : index
      %swap3A_2166 = tpu.vector_load %arg15[%swap3A_2164, %swap3A_2165] {strides = array<i32>} : memref<128x128xf32, #tpu.memory_space<vmem>>, vector<16xf32>,
      tpu.vector_store %arg15[%swap3A_2164, %swap3A_2165], %gather3A_2163 {strides = array<i32>} : memref<128x128xf32, #tpu.memory_space<vmem>>, vector<16xf32>,
      %gather3A_2167 = arith.constant 0 : i32
      %gather3A_2168 = arith.constant 0 : i32
      %gather3A_2169 = tpu.memref_slice %arg12[%rem3A_2074, %gather3A_2167, %gather3A_2168] : memref<4x32x128xf32, #tpu.memory_space<vmem>> -> memref<1x32x128xf32, #tpu.memory_space<vmem>>
      %gather3A_2170 = tpu.memref_squeeze %gather3A_2169 : memref<1x32x128xf32, #tpu.memory_space<vmem>> -> memref<32x128xf32, #tpu.memory_space<vmem>>
      %gather3A_2171 = tpu.vector_load_idx %gather3A_2170[%add3A_9, %broadcast_in_dim3A_2158] : memref<32x128xf32, #tpu.memory_space<vmem>>[vector<16xi32>, vector<16xi32>], vector<16xf32>,
      %swap3A_2172 = arith.index_cast %rem3A_2136 : i32 to index
      %swap3A_2173 = arith.constant 48 : index
      %swap3A_2174 = tpu.vector_load %arg15[%swap3A_2172, %swap3A_2173] {strides = array<i32>} : memref<128x128xf32, #tpu.memory_space<vmem>>, vector<16xf32>,
      tpu.vector_store %arg15[%swap3A_2172, %swap3A_2173], %gather3A_2171 {strides = array<i32>} : memref<128x128xf32, #tpu.memory_space<vmem>>, vector<16xf32>,
      %and3A_2175 = arith.constant 127 : i32
      %and3A_2176 = arith.andi %squeeze3A_2076, %and3A_2175 : i32
      %broadcast_in_dim3A_2177 = vector.broadcast %and3A_2176 : i32 to vector<16xi32>
      %gather3A_2178 = arith.constant 0 : i32
      %gather3A_2179 = arith.constant 0 : i32
      %gather3A_2180 = tpu.memref_slice %arg13[%rem3A_2074, %gather3A_2178, %gather3A_2179] : memref<4x32x128xf32, #tpu.memory_space<vmem>> -> memref<1x32x128xf32, #tpu.memory_space<vmem>>
      %gather3A_2181 = tpu.memref_squeeze %gather3A_2180 : memref<1x32x128xf32, #tpu.memory_space<vmem>> -> memref<32x128xf32, #tpu.memory_space<vmem>>
      %gather3A_2182 = tpu.vector_load_idx %gather3A_2181[%add3A_5, %broadcast_in_dim3A_2177] : memref<32x128xf32, #tpu.memory_space<vmem>>[vector<16xi32>, vector<16xi32>], vector<16xf32>,
      %swap3A_2183 = arith.index_cast %rem3A_2136 : i32 to index
      %swap3A_2184 = arith.constant 64 : index
      %swap3A_2185 = tpu.vector_load %arg15[%swap3A_2183, %swap3A_2184] {strides = array<i32>} : memref<128x128xf32, #tpu.memory_space<vmem>>, vector<16xf32>,
      tpu.vector_store %arg15[%swap3A_2183, %swap3A_2184], %gather3A_2182 {strides = array<i32>} : memref<128x128xf32, #tpu.memory_space<vmem>>, vector<16xf32>,
      %gather3A_2186 = arith.constant 0 : i32
      %gather3A_2187 = arith.constant 0 : i32
      %gather3A_2188 = tpu.memref_slice %arg13[%rem3A_2074, %gather3A_2186, %gather3A_2187] : memref<4x32x128xf32, #tpu.memory_space<vmem>> -> memref<1x32x128xf32, #tpu.memory_space<vmem>>
      %gather3A_2189 = tpu.memref_squeeze %gather3A_2188 : memref<1x32x128xf32, #tpu.memory_space<vmem>> -> memref<32x128xf32, #tpu.memory_space<vmem>>
      %gather3A_2190 = tpu.vector_load_idx %gather3A_2189[%add3A_9, %broadcast_in_dim3A_2177] : memref<32x128xf32, #tpu.memory_space<vmem>>[vector<16xi32>, vector<16xi32>], vector<16xf32>,
      %swap3A_2191 = arith.index_cast %rem3A_2136 : i32 to index
      %swap3A_2192 = arith.constant 80 : index
      %swap3A_2193 = tpu.vector_load %arg15[%swap3A_2191, %swap3A_2192] {strides = array<i32>} : memref<128x128xf32, #tpu.memory_space<vmem>>, vector<16xf32>,
      tpu.vector_store %arg15[%swap3A_2191, %swap3A_2192], %gather3A_2190 {strides = array<i32>} : memref<128x128xf32, #tpu.memory_space<vmem>>, vector<16xf32>,
      %and3A_2194 = arith.constant 127 : i32
      %and3A_2195 = arith.andi %squeeze3A_2078, %and3A_2194 : i32
      %broadcast_in_dim3A_2196 = vector.broadcast %and3A_2195 : i32 to vector<16xi32>
      %gather3A_2197 = arith.constant 0 : i32
      %gather3A_2198 = arith.constant 0 : i32
      %gather3A_2199 = tpu.memref_slice %arg14[%rem3A_2074, %gather3A_2197, %gather3A_2198] : memref<4x32x128xf32, #tpu.memory_space<vmem>> -> memref<1x32x128xf32, #tpu.memory_space<vmem>>
      %gather3A_2200 = tpu.memref_squeeze %gather3A_2199 : memref<1x32x128xf32, #tpu.memory_space<vmem>> -> memref<32x128xf32, #tpu.memory_space<vmem>>
      %gather3A_2201 = tpu.vector_load_idx %gather3A_2200[%add3A_5, %broadcast_in_dim3A_2196] : memref<32x128xf32, #tpu.memory_space<vmem>>[vector<16xi32>, vector<16xi32>], vector<16xf32>,
      %swap3A_2202 = arith.index_cast %rem3A_2136 : i32 to index
      %swap3A_2203 = arith.constant 96 : index
      %swap3A_2204 = tpu.vector_load %arg15[%swap3A_2202, %swap3A_2203] {strides = array<i32>} : memref<128x128xf32, #tpu.memory_space<vmem>>, vector<16xf32>,
      tpu.vector_store %arg15[%swap3A_2202, %swap3A_2203], %gather3A_2201 {strides = array<i32>} : memref<128x128xf32, #tpu.memory_space<vmem>>, vector<16xf32>,
      %gather3A_2205 = arith.constant 0 : i32
      %gather3A_2206 = arith.constant 0 : i32
      %gather3A_2207 = tpu.memref_slice %arg14[%rem3A_2074, %gather3A_2205, %gather3A_2206] : memref<4x32x128xf32, #tpu.memory_space<vmem>> -> memref<1x32x128xf32, #tpu.memory_space<vmem>>
      %gather3A_2208 = tpu.memref_squeeze %gather3A_2207 : memref<1x32x128xf32, #tpu.memory_space<vmem>> -> memref<32x128xf32, #tpu.memory_space<vmem>>
      %gather3A_2209 = tpu.vector_load_idx %gather3A_2208[%add3A_9, %broadcast_in_dim3A_2196] : memref<32x128xf32, #tpu.memory_space<vmem>>[vector<16xi32>, vector<16xi32>], vector<16xf32>,
      %swap3A_2210 = arith.index_cast %rem3A_2136 : i32 to index
      %swap3A_2211 = arith.constant 112 : index
      %swap3A_2212 = tpu.vector_load %arg15[%swap3A_2210, %swap3A_2211] {strides = array<i32>} : memref<128x128xf32, #tpu.memory_space<vmem>>, vector<16xf32>,
      tpu.vector_store %arg15[%swap3A_2210, %swap3A_2211], %gather3A_2209 {strides = array<i32>} : memref<128x128xf32, #tpu.memory_space<vmem>>, vector<16xf32>,
      %add3A_2213 = arith.constant 4 : i32
      %add3A_2214 = arith.addi %add3A_2072, %add3A_2213 : i32
      %rem3A_2215 = arith.constant 4 : i32
      %rem3A_2216 = arith.remsi %add3A_2214, %rem3A_2215 : i32
      %slice3A_2217 = vector.extract_strided_slice %get3A_323 {offsets = [12], sizes = [1], strides = [1]} : vector<16xi32> to vector<1xi32>
      %squeeze3A_2218 = vector.extract %slice3A_2217[0] : i32 from vector<1xi32>
      %slice3A_2219 = vector.extract_strided_slice %get3A_325 {offsets = [12], sizes = [1], strides = [1]} : vector<16xi32> to vector<1xi32>
      %squeeze3A_2220 = vector.extract %slice3A_2219[0] : i32 from vector<1xi32>
      %shift_right_logical3A_2221 = arith.constant 7 : i32
      %shift_right_logical3A_2222 = arith.shrui %squeeze3A_2218, %shift_right_logical3A_2221 : i32
      %shift_left3A_2223 = arith.constant 7 : i32
      %shift_left3A_2224 = arith.shli %shift_right_logical3A_2222, %shift_left3A_2223 : i32
      %multiple_of3A_2225 = tpu.assume_multiple %shift_left3A_2224, 128 : i32
      %dma_start3A_2226 = arith.constant 0 : i32
      %dma_start3A_2227 = arith.constant 0 : i32
      %dma_start3A_2228 = tpu.memref_slice %arg11[%rem3A_2216, %dma_start3A_2226, %dma_start3A_2227] : memref<4x32x128xf32, #tpu.memory_space<vmem>> -> memref<1x32x128xf32, #tpu.memory_space<vmem>>
      %dma_start3A_2229 = tpu.memref_squeeze %dma_start3A_2228 : memref<1x32x128xf32, #tpu.memory_space<vmem>> -> memref<32x128xf32, #tpu.memory_space<vmem>>
      %dma_start3A_2230 = arith.constant 0 : i32
      %dma_start3A_2231 = tpu.memref_slice %arg4[%dma_start3A_2230, %multiple_of3A_2225] : memref<32x1000000xf32, #tpu.memory_space<hbm>> -> memref<32x128xf32, #tpu.memory_space<hbm>>
      %dma_start3A_2232 = arith.constant 0 : i32
      %dma_start3A_2233 = arith.constant 0 : i32
      %dma_start3A_2234 = tpu.memref_slice %arg11[%rem3A_2216, %dma_start3A_2232, %dma_start3A_2233] : memref<4x32x128xf32, #tpu.memory_space<vmem>> -> memref<1x32x128xf32, #tpu.memory_space<vmem>>
      %dma_start3A_2235 = tpu.memref_squeeze %dma_start3A_2234 : memref<1x32x128xf32, #tpu.memory_space<vmem>> -> memref<32x128xf32, #tpu.memory_space<vmem>>
      %dma_start3A_2236 = arith.constant 0 : i32
      %dma_start3A_2237 = tpu.memref_slice %arg4[%dma_start3A_2236, %multiple_of3A_2225] : memref<32x1000000xf32, #tpu.memory_space<hbm>> -> memref<32x128xf32, #tpu.memory_space<hbm>>
      tpu.enqueue_dma source(%dma_start3A_2237 : memref<32x128xf32, #tpu.memory_space<hbm>>) target(%dma_start3A_2235 : memref<32x128xf32, #tpu.memory_space<vmem>>) target_semaphore(%arg16 : memref<!tpu.dma_semaphore, #tpu.memory_space<semaphore_mem>>)
      %shift_right_logical3A_2238 = arith.constant 7 : i32
      %shift_right_logical3A_2239 = arith.shrui %squeeze3A_2220, %shift_right_logical3A_2238 : i32
      %shift_left3A_2240 = arith.constant 7 : i32
      %shift_left3A_2241 = arith.shli %shift_right_logical3A_2239, %shift_left3A_2240 : i32
      %multiple_of3A_2242 = tpu.assume_multiple %shift_left3A_2241, 128 : i32
      %dma_start3A_2243 = arith.constant 0 : i32
      %dma_start3A_2244 = arith.constant 0 : i32
      %dma_start3A_2245 = tpu.memref_slice %arg12[%rem3A_2216, %dma_start3A_2243, %dma_start3A_2244] : memref<4x32x128xf32, #tpu.memory_space<vmem>> -> memref<1x32x128xf32, #tpu.memory_space<vmem>>
      %dma_start3A_2246 = tpu.memref_squeeze %dma_start3A_2245 : memref<1x32x128xf32, #tpu.memory_space<vmem>> -> memref<32x128xf32, #tpu.memory_space<vmem>>
      %dma_start3A_2247 = arith.constant 0 : i32
      %dma_start3A_2248 = tpu.memref_slice %arg5[%dma_start3A_2247, %multiple_of3A_2242] : memref<32x1000000xf32, #tpu.memory_space<hbm>> -> memref<32x128xf32, #tpu.memory_space<hbm>>
      %dma_start3A_2249 = arith.constant 0 : i32
      %dma_start3A_2250 = arith.constant 0 : i32
      %dma_start3A_2251 = tpu.memref_slice %arg12[%rem3A_2216, %dma_start3A_2249, %dma_start3A_2250] : memref<4x32x128xf32, #tpu.memory_space<vmem>> -> memref<1x32x128xf32, #tpu.memory_space<vmem>>
      %dma_start3A_2252 = tpu.memref_squeeze %dma_start3A_2251 : memref<1x32x128xf32, #tpu.memory_space<vmem>> -> memref<32x128xf32, #tpu.memory_space<vmem>>
      %dma_start3A_2253 = arith.constant 0 : i32
      %dma_start3A_2254 = tpu.memref_slice %arg5[%dma_start3A_2253, %multiple_of3A_2242] : memref<32x1000000xf32, #tpu.memory_space<hbm>> -> memref<32x128xf32, #tpu.memory_space<hbm>>
      tpu.enqueue_dma source(%dma_start3A_2254 : memref<32x128xf32, #tpu.memory_space<hbm>>) target(%dma_start3A_2252 : memref<32x128xf32, #tpu.memory_space<vmem>>) target_semaphore(%arg16 : memref<!tpu.dma_semaphore, #tpu.memory_space<semaphore_mem>>)
      %shift_right_logical3A_2255 = arith.constant 7 : i32
      %shift_right_logical3A_2256 = arith.shrui %squeeze3A_2218, %shift_right_logical3A_2255 : i32
      %shift_left3A_2257 = arith.constant 7 : i32
      %shift_left3A_2258 = arith.shli %shift_right_logical3A_2256, %shift_left3A_2257 : i32
      %multiple_of3A_2259 = tpu.assume_multiple %shift_left3A_2258, 128 : i32
      %dma_start3A_2260 = arith.constant 0 : i32
      %dma_start3A_2261 = arith.constant 0 : i32
      %dma_start3A_2262 = tpu.memref_slice %arg13[%rem3A_2216, %dma_start3A_2260, %dma_start3A_2261] : memref<4x32x128xf32, #tpu.memory_space<vmem>> -> memref<1x32x128xf32, #tpu.memory_space<vmem>>
      %dma_start3A_2263 = tpu.memref_squeeze %dma_start3A_2262 : memref<1x32x128xf32, #tpu.memory_space<vmem>> -> memref<32x128xf32, #tpu.memory_space<vmem>>
      %dma_start3A_2264 = arith.constant 0 : i32
      %dma_start3A_2265 = tpu.memref_slice %arg6[%dma_start3A_2264, %multiple_of3A_2259] : memref<32x1000000xf32, #tpu.memory_space<hbm>> -> memref<32x128xf32, #tpu.memory_space<hbm>>
      %dma_start3A_2266 = arith.constant 0 : i32
      %dma_start3A_2267 = arith.constant 0 : i32
      %dma_start3A_2268 = tpu.memref_slice %arg13[%rem3A_2216, %dma_start3A_2266, %dma_start3A_2267] : memref<4x32x128xf32, #tpu.memory_space<vmem>> -> memref<1x32x128xf32, #tpu.memory_space<vmem>>
      %dma_start3A_2269 = tpu.memref_squeeze %dma_start3A_2268 : memref<1x32x128xf32, #tpu.memory_space<vmem>> -> memref<32x128xf32, #tpu.memory_space<vmem>>
      %dma_start3A_2270 = arith.constant 0 : i32
      %dma_start3A_2271 = tpu.memref_slice %arg6[%dma_start3A_2270, %multiple_of3A_2259] : memref<32x1000000xf32, #tpu.memory_space<hbm>> -> memref<32x128xf32, #tpu.memory_space<hbm>>
      tpu.enqueue_dma source(%dma_start3A_2271 : memref<32x128xf32, #tpu.memory_space<hbm>>) target(%dma_start3A_2269 : memref<32x128xf32, #tpu.memory_space<vmem>>) target_semaphore(%arg16 : memref<!tpu.dma_semaphore, #tpu.memory_space<semaphore_mem>>)
      %shift_right_logical3A_2272 = arith.constant 7 : i32
      %shift_right_logical3A_2273 = arith.shrui %squeeze3A_2220, %shift_right_logical3A_2272 : i32
      %shift_left3A_2274 = arith.constant 7 : i32
      %shift_left3A_2275 = arith.shli %shift_right_logical3A_2273, %shift_left3A_2274 : i32
      %multiple_of3A_2276 = tpu.assume_multiple %shift_left3A_2275, 128 : i32
      %dma_start3A_2277 = arith.constant 0 : i32
      %dma_start3A_2278 = arith.constant 0 : i32
      %dma_start3A_2279 = tpu.memref_slice %arg14[%rem3A_2216, %dma_start3A_2277, %dma_start3A_2278] : memref<4x32x128xf32, #tpu.memory_space<vmem>> -> memref<1x32x128xf32, #tpu.memory_space<vmem>>
      %dma_start3A_2280 = tpu.memref_squeeze %dma_start3A_2279 : memref<1x32x128xf32, #tpu.memory_space<vmem>> -> memref<32x128xf32, #tpu.memory_space<vmem>>
      %dma_start3A_2281 = arith.constant 0 : i32
      %dma_start3A_2282 = tpu.memref_slice %arg7[%dma_start3A_2281, %multiple_of3A_2276] : memref<32x1000000xf32, #tpu.memory_space<hbm>> -> memref<32x128xf32, #tpu.memory_space<hbm>>
      %dma_start3A_2283 = arith.constant 0 : i32
      %dma_start3A_2284 = arith.constant 0 : i32
      %dma_start3A_2285 = tpu.memref_slice %arg14[%rem3A_2216, %dma_start3A_2283, %dma_start3A_2284] : memref<4x32x128xf32, #tpu.memory_space<vmem>> -> memref<1x32x128xf32, #tpu.memory_space<vmem>>
      %dma_start3A_2286 = tpu.memref_squeeze %dma_start3A_2285 : memref<1x32x128xf32, #tpu.memory_space<vmem>> -> memref<32x128xf32, #tpu.memory_space<vmem>>
      %dma_start3A_2287 = arith.constant 0 : i32
      %dma_start3A_2288 = tpu.memref_slice %arg7[%dma_start3A_2287, %multiple_of3A_2276] : memref<32x1000000xf32, #tpu.memory_space<hbm>> -> memref<32x128xf32, #tpu.memory_space<hbm>>
      tpu.enqueue_dma source(%dma_start3A_2288 : memref<32x128xf32, #tpu.memory_space<hbm>>) target(%dma_start3A_2286 : memref<32x128xf32, #tpu.memory_space<vmem>>) target_semaphore(%arg16 : memref<!tpu.dma_semaphore, #tpu.memory_space<semaphore_mem>>)
      %add3A_2289 = arith.constant 9 : i32
      %add3A_2290 = arith.addi %mul3A_321, %add3A_2289 : i32
      %rem3A_2291 = arith.constant 4 : i32
      %rem3A_2292 = arith.remsi %add3A_2290, %rem3A_2291 : i32
      %slice3A_2293 = vector.extract_strided_slice %get3A_323 {offsets = [9], sizes = [1], strides = [1]} : vector<16xi32> to vector<1xi32>
      %squeeze3A_2294 = vector.extract %slice3A_2293[0] : i32 from vector<1xi32>
      %slice3A_2295 = vector.extract_strided_slice %get3A_325 {offsets = [9], sizes = [1], strides = [1]} : vector<16xi32> to vector<1xi32>
      %squeeze3A_2296 = vector.extract %slice3A_2295[0] : i32 from vector<1xi32>
      %dma_wait3A_2297 = arith.constant 0 : i32
      %dma_wait3A_2298 = arith.constant 0 : i32
      %dma_wait3A_2299 = tpu.memref_slice %arg11[%rem3A_2292, %dma_wait3A_2297, %dma_wait3A_2298] : memref<4x32x128xf32, #tpu.memory_space<vmem>> -> memref<1x32x128xf32, #tpu.memory_space<vmem>>
      %dma_wait3A_2300 = tpu.memref_squeeze %dma_wait3A_2299 : memref<1x32x128xf32, #tpu.memory_space<vmem>> -> memref<32x128xf32, #tpu.memory_space<vmem>>
      %dma_wait3A_2301 = arith.constant 0 : i32
      %dma_wait3A_2302 = arith.constant 0 : i32
      %dma_wait3A_2303 = tpu.memref_slice %arg4[%dma_wait3A_2301, %dma_wait3A_2302] : memref<32x1000000xf32, #tpu.memory_space<hbm>> -> memref<32x128xf32, #tpu.memory_space<hbm>>
      %dma_wait3A_2304 = arith.constant 0 : i32
      %dma_wait3A_2305 = arith.constant 0 : i32
      %dma_wait3A_2306 = tpu.memref_slice %arg11[%rem3A_2292, %dma_wait3A_2304, %dma_wait3A_2305] : memref<4x32x128xf32, #tpu.memory_space<vmem>> -> memref<1x32x128xf32, #tpu.memory_space<vmem>>
      %dma_wait3A_2307 = tpu.memref_squeeze %dma_wait3A_2306 : memref<1x32x128xf32, #tpu.memory_space<vmem>> -> memref<32x128xf32, #tpu.memory_space<vmem>>
      %dma_wait3A_2308 = arith.constant 0 : i32
      %dma_wait3A_2309 = arith.constant 0 : i32
      %dma_wait3A_2310 = tpu.memref_slice %arg4[%dma_wait3A_2308, %dma_wait3A_2309] : memref<32x1000000xf32, #tpu.memory_space<hbm>> -> memref<32x128xf32, #tpu.memory_space<hbm>>
      tpu.wait_dma2 semaphore(%arg16 : memref<!tpu.dma_semaphore, #tpu.memory_space<semaphore_mem>>) src(%dma_wait3A_2310 : memref<32x128xf32, #tpu.memory_space<hbm>>) dst(%dma_wait3A_2307 : memref<32x128xf32, #tpu.memory_space<vmem>>)
      %dma_wait3A_2311 = arith.constant 0 : i32
      %dma_wait3A_2312 = arith.constant 0 : i32
      %dma_wait3A_2313 = tpu.memref_slice %arg12[%rem3A_2292, %dma_wait3A_2311, %dma_wait3A_2312] : memref<4x32x128xf32, #tpu.memory_space<vmem>> -> memref<1x32x128xf32, #tpu.memory_space<vmem>>
      %dma_wait3A_2314 = tpu.memref_squeeze %dma_wait3A_2313 : memref<1x32x128xf32, #tpu.memory_space<vmem>> -> memref<32x128xf32, #tpu.memory_space<vmem>>
      %dma_wait3A_2315 = arith.constant 0 : i32
      %dma_wait3A_2316 = arith.constant 0 : i32
      %dma_wait3A_2317 = tpu.memref_slice %arg5[%dma_wait3A_2315, %dma_wait3A_2316] : memref<32x1000000xf32, #tpu.memory_space<hbm>> -> memref<32x128xf32, #tpu.memory_space<hbm>>
      %dma_wait3A_2318 = arith.constant 0 : i32
      %dma_wait3A_2319 = arith.constant 0 : i32
      %dma_wait3A_2320 = tpu.memref_slice %arg12[%rem3A_2292, %dma_wait3A_2318, %dma_wait3A_2319] : memref<4x32x128xf32, #tpu.memory_space<vmem>> -> memref<1x32x128xf32, #tpu.memory_space<vmem>>
      %dma_wait3A_2321 = tpu.memref_squeeze %dma_wait3A_2320 : memref<1x32x128xf32, #tpu.memory_space<vmem>> -> memref<32x128xf32, #tpu.memory_space<vmem>>
      %dma_wait3A_2322 = arith.constant 0 : i32
      %dma_wait3A_2323 = arith.constant 0 : i32
      %dma_wait3A_2324 = tpu.memref_slice %arg5[%dma_wait3A_2322, %dma_wait3A_2323] : memref<32x1000000xf32, #tpu.memory_space<hbm>> -> memref<32x128xf32, #tpu.memory_space<hbm>>
      tpu.wait_dma2 semaphore(%arg16 : memref<!tpu.dma_semaphore, #tpu.memory_space<semaphore_mem>>) src(%dma_wait3A_2324 : memref<32x128xf32, #tpu.memory_space<hbm>>) dst(%dma_wait3A_2321 : memref<32x128xf32, #tpu.memory_space<vmem>>)
      %dma_wait3A_2325 = arith.constant 0 : i32
      %dma_wait3A_2326 = arith.constant 0 : i32
      %dma_wait3A_2327 = tpu.memref_slice %arg13[%rem3A_2292, %dma_wait3A_2325, %dma_wait3A_2326] : memref<4x32x128xf32, #tpu.memory_space<vmem>> -> memref<1x32x128xf32, #tpu.memory_space<vmem>>
      %dma_wait3A_2328 = tpu.memref_squeeze %dma_wait3A_2327 : memref<1x32x128xf32, #tpu.memory_space<vmem>> -> memref<32x128xf32, #tpu.memory_space<vmem>>
      %dma_wait3A_2329 = arith.constant 0 : i32
      %dma_wait3A_2330 = arith.constant 0 : i32
      %dma_wait3A_2331 = tpu.memref_slice %arg6[%dma_wait3A_2329, %dma_wait3A_2330] : memref<32x1000000xf32, #tpu.memory_space<hbm>> -> memref<32x128xf32, #tpu.memory_space<hbm>>
      %dma_wait3A_2332 = arith.constant 0 : i32
      %dma_wait3A_2333 = arith.constant 0 : i32
      %dma_wait3A_2334 = tpu.memref_slice %arg13[%rem3A_2292, %dma_wait3A_2332, %dma_wait3A_2333] : memref<4x32x128xf32, #tpu.memory_space<vmem>> -> memref<1x32x128xf32, #tpu.memory_space<vmem>>
      %dma_wait3A_2335 = tpu.memref_squeeze %dma_wait3A_2334 : memref<1x32x128xf32, #tpu.memory_space<vmem>> -> memref<32x128xf32, #tpu.memory_space<vmem>>
      %dma_wait3A_2336 = arith.constant 0 : i32
      %dma_wait3A_2337 = arith.constant 0 : i32
      %dma_wait3A_2338 = tpu.memref_slice %arg6[%dma_wait3A_2336, %dma_wait3A_2337] : memref<32x1000000xf32, #tpu.memory_space<hbm>> -> memref<32x128xf32, #tpu.memory_space<hbm>>
      tpu.wait_dma2 semaphore(%arg16 : memref<!tpu.dma_semaphore, #tpu.memory_space<semaphore_mem>>) src(%dma_wait3A_2338 : memref<32x128xf32, #tpu.memory_space<hbm>>) dst(%dma_wait3A_2335 : memref<32x128xf32, #tpu.memory_space<vmem>>)
      %dma_wait3A_2339 = arith.constant 0 : i32
      %dma_wait3A_2340 = arith.constant 0 : i32
      %dma_wait3A_2341 = tpu.memref_slice %arg14[%rem3A_2292, %dma_wait3A_2339, %dma_wait3A_2340] : memref<4x32x128xf32, #tpu.memory_space<vmem>> -> memref<1x32x128xf32, #tpu.memory_space<vmem>>
      %dma_wait3A_2342 = tpu.memref_squeeze %dma_wait3A_2341 : memref<1x32x128xf32, #tpu.memory_space<vmem>> -> memref<32x128xf32, #tpu.memory_space<vmem>>
      %dma_wait3A_2343 = arith.constant 0 : i32
      %dma_wait3A_2344 = arith.constant 0 : i32
      %dma_wait3A_2345 = tpu.memref_slice %arg7[%dma_wait3A_2343, %dma_wait3A_2344] : memref<32x1000000xf32, #tpu.memory_space<hbm>> -> memref<32x128xf32, #tpu.memory_space<hbm>>
      %dma_wait3A_2346 = arith.constant 0 : i32
      %dma_wait3A_2347 = arith.constant 0 : i32
      %dma_wait3A_2348 = tpu.memref_slice %arg14[%rem3A_2292, %dma_wait3A_2346, %dma_wait3A_2347] : memref<4x32x128xf32, #tpu.memory_space<vmem>> -> memref<1x32x128xf32, #tpu.memory_space<vmem>>
      %dma_wait3A_2349 = tpu.memref_squeeze %dma_wait3A_2348 : memref<1x32x128xf32, #tpu.memory_space<vmem>> -> memref<32x128xf32, #tpu.memory_space<vmem>>
      %dma_wait3A_2350 = arith.constant 0 : i32
      %dma_wait3A_2351 = arith.constant 0 : i32
      %dma_wait3A_2352 = tpu.memref_slice %arg7[%dma_wait3A_2350, %dma_wait3A_2351] : memref<32x1000000xf32, #tpu.memory_space<hbm>> -> memref<32x128xf32, #tpu.memory_space<hbm>>
      tpu.wait_dma2 semaphore(%arg16 : memref<!tpu.dma_semaphore, #tpu.memory_space<semaphore_mem>>) src(%dma_wait3A_2352 : memref<32x128xf32, #tpu.memory_space<hbm>>) dst(%dma_wait3A_2349 : memref<32x128xf32, #tpu.memory_space<vmem>>)
      %rem3A_2353 = arith.constant 128 : i32
      %rem3A_2354 = arith.remsi %add3A_2290, %rem3A_2353 : i32
      %and3A_2355 = arith.constant 127 : i32
      %and3A_2356 = arith.andi %squeeze3A_2294, %and3A_2355 : i32
      %broadcast_in_dim3A_2357 = vector.broadcast %and3A_2356 : i32 to vector<16xi32>
      %gather3A_2358 = arith.constant 0 : i32
      %gather3A_2359 = arith.constant 0 : i32
      %gather3A_2360 = tpu.memref_slice %arg11[%rem3A_2292, %gather3A_2358, %gather3A_2359] : memref<4x32x128xf32, #tpu.memory_space<vmem>> -> memref<1x32x128xf32, #tpu.memory_space<vmem>>
      %gather3A_2361 = tpu.memref_squeeze %gather3A_2360 : memref<1x32x128xf32, #tpu.memory_space<vmem>> -> memref<32x128xf32, #tpu.memory_space<vmem>>
      %gather3A_2362 = tpu.vector_load_idx %gather3A_2361[%add3A_5, %broadcast_in_dim3A_2357] : memref<32x128xf32, #tpu.memory_space<vmem>>[vector<16xi32>, vector<16xi32>], vector<16xf32>,
      %swap3A_2363 = arith.index_cast %rem3A_2354 : i32 to index
      %swap3A_2364 = arith.constant 0 : index
      %swap3A_2365 = tpu.vector_load %arg15[%swap3A_2363, %swap3A_2364] {strides = array<i32>} : memref<128x128xf32, #tpu.memory_space<vmem>>, vector<16xf32>,
      tpu.vector_store %arg15[%swap3A_2363, %swap3A_2364], %gather3A_2362 {strides = array<i32>} : memref<128x128xf32, #tpu.memory_space<vmem>>, vector<16xf32>,
      %gather3A_2366 = arith.constant 0 : i32
      %gather3A_2367 = arith.constant 0 : i32
      %gather3A_2368 = tpu.memref_slice %arg11[%rem3A_2292, %gather3A_2366, %gather3A_2367] : memref<4x32x128xf32, #tpu.memory_space<vmem>> -> memref<1x32x128xf32, #tpu.memory_space<vmem>>
      %gather3A_2369 = tpu.memref_squeeze %gather3A_2368 : memref<1x32x128xf32, #tpu.memory_space<vmem>> -> memref<32x128xf32, #tpu.memory_space<vmem>>
      %gather3A_2370 = tpu.vector_load_idx %gather3A_2369[%add3A_9, %broadcast_in_dim3A_2357] : memref<32x128xf32, #tpu.memory_space<vmem>>[vector<16xi32>, vector<16xi32>], vector<16xf32>,
      %swap3A_2371 = arith.index_cast %rem3A_2354 : i32 to index
      %swap3A_2372 = arith.constant 16 : index
      %swap3A_2373 = tpu.vector_load %arg15[%swap3A_2371, %swap3A_2372] {strides = array<i32>} : memref<128x128xf32, #tpu.memory_space<vmem>>, vector<16xf32>,
      tpu.vector_store %arg15[%swap3A_2371, %swap3A_2372], %gather3A_2370 {strides = array<i32>} : memref<128x128xf32, #tpu.memory_space<vmem>>, vector<16xf32>,
      %and3A_2374 = arith.constant 127 : i32
      %and3A_2375 = arith.andi %squeeze3A_2296, %and3A_2374 : i32
      %broadcast_in_dim3A_2376 = vector.broadcast %and3A_2375 : i32 to vector<16xi32>
      %gather3A_2377 = arith.constant 0 : i32
      %gather3A_2378 = arith.constant 0 : i32
      %gather3A_2379 = tpu.memref_slice %arg12[%rem3A_2292, %gather3A_2377, %gather3A_2378] : memref<4x32x128xf32, #tpu.memory_space<vmem>> -> memref<1x32x128xf32, #tpu.memory_space<vmem>>
      %gather3A_2380 = tpu.memref_squeeze %gather3A_2379 : memref<1x32x128xf32, #tpu.memory_space<vmem>> -> memref<32x128xf32, #tpu.memory_space<vmem>>
      %gather3A_2381 = tpu.vector_load_idx %gather3A_2380[%add3A_5, %broadcast_in_dim3A_2376] : memref<32x128xf32, #tpu.memory_space<vmem>>[vector<16xi32>, vector<16xi32>], vector<16xf32>,
      %swap3A_2382 = arith.index_cast %rem3A_2354 : i32 to index
      %swap3A_2383 = arith.constant 32 : index
      %swap3A_2384 = tpu.vector_load %arg15[%swap3A_2382, %swap3A_2383] {strides = array<i32>} : memref<128x128xf32, #tpu.memory_space<vmem>>, vector<16xf32>,
      tpu.vector_store %arg15[%swap3A_2382, %swap3A_2383], %gather3A_2381 {strides = array<i32>} : memref<128x128xf32, #tpu.memory_space<vmem>>, vector<16xf32>,
      %gather3A_2385 = arith.constant 0 : i32
      %gather3A_2386 = arith.constant 0 : i32
      %gather3A_2387 = tpu.memref_slice %arg12[%rem3A_2292, %gather3A_2385, %gather3A_2386] : memref<4x32x128xf32, #tpu.memory_space<vmem>> -> memref<1x32x128xf32, #tpu.memory_space<vmem>>
      %gather3A_2388 = tpu.memref_squeeze %gather3A_2387 : memref<1x32x128xf32, #tpu.memory_space<vmem>> -> memref<32x128xf32, #tpu.memory_space<vmem>>
      %gather3A_2389 = tpu.vector_load_idx %gather3A_2388[%add3A_9, %broadcast_in_dim3A_2376] : memref<32x128xf32, #tpu.memory_space<vmem>>[vector<16xi32>, vector<16xi32>], vector<16xf32>,
      %swap3A_2390 = arith.index_cast %rem3A_2354 : i32 to index
      %swap3A_2391 = arith.constant 48 : index
      %swap3A_2392 = tpu.vector_load %arg15[%swap3A_2390, %swap3A_2391] {strides = array<i32>} : memref<128x128xf32, #tpu.memory_space<vmem>>, vector<16xf32>,
      tpu.vector_store %arg15[%swap3A_2390, %swap3A_2391], %gather3A_2389 {strides = array<i32>} : memref<128x128xf32, #tpu.memory_space<vmem>>, vector<16xf32>,
      %and3A_2393 = arith.constant 127 : i32
      %and3A_2394 = arith.andi %squeeze3A_2294, %and3A_2393 : i32
      %broadcast_in_dim3A_2395 = vector.broadcast %and3A_2394 : i32 to vector<16xi32>
      %gather3A_2396 = arith.constant 0 : i32
      %gather3A_2397 = arith.constant 0 : i32
      %gather3A_2398 = tpu.memref_slice %arg13[%rem3A_2292, %gather3A_2396, %gather3A_2397] : memref<4x32x128xf32, #tpu.memory_space<vmem>> -> memref<1x32x128xf32, #tpu.memory_space<vmem>>
      %gather3A_2399 = tpu.memref_squeeze %gather3A_2398 : memref<1x32x128xf32, #tpu.memory_space<vmem>> -> memref<32x128xf32, #tpu.memory_space<vmem>>
      %gather3A_2400 = tpu.vector_load_idx %gather3A_2399[%add3A_5, %broadcast_in_dim3A_2395] : memref<32x128xf32, #tpu.memory_space<vmem>>[vector<16xi32>, vector<16xi32>], vector<16xf32>,
      %swap3A_2401 = arith.index_cast %rem3A_2354 : i32 to index
      %swap3A_2402 = arith.constant 64 : index
      %swap3A_2403 = tpu.vector_load %arg15[%swap3A_2401, %swap3A_2402] {strides = array<i32>} : memref<128x128xf32, #tpu.memory_space<vmem>>, vector<16xf32>,
      tpu.vector_store %arg15[%swap3A_2401, %swap3A_2402], %gather3A_2400 {strides = array<i32>} : memref<128x128xf32, #tpu.memory_space<vmem>>, vector<16xf32>,
      %gather3A_2404 = arith.constant 0 : i32
      %gather3A_2405 = arith.constant 0 : i32
      %gather3A_2406 = tpu.memref_slice %arg13[%rem3A_2292, %gather3A_2404, %gather3A_2405] : memref<4x32x128xf32, #tpu.memory_space<vmem>> -> memref<1x32x128xf32, #tpu.memory_space<vmem>>
      %gather3A_2407 = tpu.memref_squeeze %gather3A_2406 : memref<1x32x128xf32, #tpu.memory_space<vmem>> -> memref<32x128xf32, #tpu.memory_space<vmem>>
      %gather3A_2408 = tpu.vector_load_idx %gather3A_2407[%add3A_9, %broadcast_in_dim3A_2395] : memref<32x128xf32, #tpu.memory_space<vmem>>[vector<16xi32>, vector<16xi32>], vector<16xf32>,
      %swap3A_2409 = arith.index_cast %rem3A_2354 : i32 to index
      %swap3A_2410 = arith.constant 80 : index
      %swap3A_2411 = tpu.vector_load %arg15[%swap3A_2409, %swap3A_2410] {strides = array<i32>} : memref<128x128xf32, #tpu.memory_space<vmem>>, vector<16xf32>,
      tpu.vector_store %arg15[%swap3A_2409, %swap3A_2410], %gather3A_2408 {strides = array<i32>} : memref<128x128xf32, #tpu.memory_space<vmem>>, vector<16xf32>,
      %and3A_2412 = arith.constant 127 : i32
      %and3A_2413 = arith.andi %squeeze3A_2296, %and3A_2412 : i32
      %broadcast_in_dim3A_2414 = vector.broadcast %and3A_2413 : i32 to vector<16xi32>
      %gather3A_2415 = arith.constant 0 : i32
      %gather3A_2416 = arith.constant 0 : i32
      %gather3A_2417 = tpu.memref_slice %arg14[%rem3A_2292, %gather3A_2415, %gather3A_2416] : memref<4x32x128xf32, #tpu.memory_space<vmem>> -> memref<1x32x128xf32, #tpu.memory_space<vmem>>
      %gather3A_2418 = tpu.memref_squeeze %gather3A_2417 : memref<1x32x128xf32, #tpu.memory_space<vmem>> -> memref<32x128xf32, #tpu.memory_space<vmem>>
      %gather3A_2419 = tpu.vector_load_idx %gather3A_2418[%add3A_5, %broadcast_in_dim3A_2414] : memref<32x128xf32, #tpu.memory_space<vmem>>[vector<16xi32>, vector<16xi32>], vector<16xf32>,
      %swap3A_2420 = arith.index_cast %rem3A_2354 : i32 to index
      %swap3A_2421 = arith.constant 96 : index
      %swap3A_2422 = tpu.vector_load %arg15[%swap3A_2420, %swap3A_2421] {strides = array<i32>} : memref<128x128xf32, #tpu.memory_space<vmem>>, vector<16xf32>,
      tpu.vector_store %arg15[%swap3A_2420, %swap3A_2421], %gather3A_2419 {strides = array<i32>} : memref<128x128xf32, #tpu.memory_space<vmem>>, vector<16xf32>,
      %gather3A_2423 = arith.constant 0 : i32
      %gather3A_2424 = arith.constant 0 : i32
      %gather3A_2425 = tpu.memref_slice %arg14[%rem3A_2292, %gather3A_2423, %gather3A_2424] : memref<4x32x128xf32, #tpu.memory_space<vmem>> -> memref<1x32x128xf32, #tpu.memory_space<vmem>>
      %gather3A_2426 = tpu.memref_squeeze %gather3A_2425 : memref<1x32x128xf32, #tpu.memory_space<vmem>> -> memref<32x128xf32, #tpu.memory_space<vmem>>
      %gather3A_2427 = tpu.vector_load_idx %gather3A_2426[%add3A_9, %broadcast_in_dim3A_2414] : memref<32x128xf32, #tpu.memory_space<vmem>>[vector<16xi32>, vector<16xi32>], vector<16xf32>,
      %swap3A_2428 = arith.index_cast %rem3A_2354 : i32 to index
      %swap3A_2429 = arith.constant 112 : index
      %swap3A_2430 = tpu.vector_load %arg15[%swap3A_2428, %swap3A_2429] {strides = array<i32>} : memref<128x128xf32, #tpu.memory_space<vmem>>, vector<16xf32>,
      tpu.vector_store %arg15[%swap3A_2428, %swap3A_2429], %gather3A_2427 {strides = array<i32>} : memref<128x128xf32, #tpu.memory_space<vmem>>, vector<16xf32>,
      %add3A_2431 = arith.constant 4 : i32
      %add3A_2432 = arith.addi %add3A_2290, %add3A_2431 : i32
      %rem3A_2433 = arith.constant 4 : i32
      %rem3A_2434 = arith.remsi %add3A_2432, %rem3A_2433 : i32
      %slice3A_2435 = vector.extract_strided_slice %get3A_323 {offsets = [13], sizes = [1], strides = [1]} : vector<16xi32> to vector<1xi32>
      %squeeze3A_2436 = vector.extract %slice3A_2435[0] : i32 from vector<1xi32>
      %slice3A_2437 = vector.extract_strided_slice %get3A_325 {offsets = [13], sizes = [1], strides = [1]} : vector<16xi32> to vector<1xi32>
      %squeeze3A_2438 = vector.extract %slice3A_2437[0] : i32 from vector<1xi32>
      %shift_right_logical3A_2439 = arith.constant 7 : i32
      %shift_right_logical3A_2440 = arith.shrui %squeeze3A_2436, %shift_right_logical3A_2439 : i32
      %shift_left3A_2441 = arith.constant 7 : i32
      %shift_left3A_2442 = arith.shli %shift_right_logical3A_2440, %shift_left3A_2441 : i32
      %multiple_of3A_2443 = tpu.assume_multiple %shift_left3A_2442, 128 : i32
      %dma_start3A_2444 = arith.constant 0 : i32
      %dma_start3A_2445 = arith.constant 0 : i32
      %dma_start3A_2446 = tpu.memref_slice %arg11[%rem3A_2434, %dma_start3A_2444, %dma_start3A_2445] : memref<4x32x128xf32, #tpu.memory_space<vmem>> -> memref<1x32x128xf32, #tpu.memory_space<vmem>>
      %dma_start3A_2447 = tpu.memref_squeeze %dma_start3A_2446 : memref<1x32x128xf32, #tpu.memory_space<vmem>> -> memref<32x128xf32, #tpu.memory_space<vmem>>
      %dma_start3A_2448 = arith.constant 0 : i32
      %dma_start3A_2449 = tpu.memref_slice %arg4[%dma_start3A_2448, %multiple_of3A_2443] : memref<32x1000000xf32, #tpu.memory_space<hbm>> -> memref<32x128xf32, #tpu.memory_space<hbm>>
      %dma_start3A_2450 = arith.constant 0 : i32
      %dma_start3A_2451 = arith.constant 0 : i32
      %dma_start3A_2452 = tpu.memref_slice %arg11[%rem3A_2434, %dma_start3A_2450, %dma_start3A_2451] : memref<4x32x128xf32, #tpu.memory_space<vmem>> -> memref<1x32x128xf32, #tpu.memory_space<vmem>>
      %dma_start3A_2453 = tpu.memref_squeeze %dma_start3A_2452 : memref<1x32x128xf32, #tpu.memory_space<vmem>> -> memref<32x128xf32, #tpu.memory_space<vmem>>
      %dma_start3A_2454 = arith.constant 0 : i32
      %dma_start3A_2455 = tpu.memref_slice %arg4[%dma_start3A_2454, %multiple_of3A_2443] : memref<32x1000000xf32, #tpu.memory_space<hbm>> -> memref<32x128xf32, #tpu.memory_space<hbm>>
      tpu.enqueue_dma source(%dma_start3A_2455 : memref<32x128xf32, #tpu.memory_space<hbm>>) target(%dma_start3A_2453 : memref<32x128xf32, #tpu.memory_space<vmem>>) target_semaphore(%arg16 : memref<!tpu.dma_semaphore, #tpu.memory_space<semaphore_mem>>)
      %shift_right_logical3A_2456 = arith.constant 7 : i32
      %shift_right_logical3A_2457 = arith.shrui %squeeze3A_2438, %shift_right_logical3A_2456 : i32
      %shift_left3A_2458 = arith.constant 7 : i32
      %shift_left3A_2459 = arith.shli %shift_right_logical3A_2457, %shift_left3A_2458 : i32
      %multiple_of3A_2460 = tpu.assume_multiple %shift_left3A_2459, 128 : i32
      %dma_start3A_2461 = arith.constant 0 : i32
      %dma_start3A_2462 = arith.constant 0 : i32
      %dma_start3A_2463 = tpu.memref_slice %arg12[%rem3A_2434, %dma_start3A_2461, %dma_start3A_2462] : memref<4x32x128xf32, #tpu.memory_space<vmem>> -> memref<1x32x128xf32, #tpu.memory_space<vmem>>
      %dma_start3A_2464 = tpu.memref_squeeze %dma_start3A_2463 : memref<1x32x128xf32, #tpu.memory_space<vmem>> -> memref<32x128xf32, #tpu.memory_space<vmem>>
      %dma_start3A_2465 = arith.constant 0 : i32
      %dma_start3A_2466 = tpu.memref_slice %arg5[%dma_start3A_2465, %multiple_of3A_2460] : memref<32x1000000xf32, #tpu.memory_space<hbm>> -> memref<32x128xf32, #tpu.memory_space<hbm>>
      %dma_start3A_2467 = arith.constant 0 : i32
      %dma_start3A_2468 = arith.constant 0 : i32
      %dma_start3A_2469 = tpu.memref_slice %arg12[%rem3A_2434, %dma_start3A_2467, %dma_start3A_2468] : memref<4x32x128xf32, #tpu.memory_space<vmem>> -> memref<1x32x128xf32, #tpu.memory_space<vmem>>
      %dma_start3A_2470 = tpu.memref_squeeze %dma_start3A_2469 : memref<1x32x128xf32, #tpu.memory_space<vmem>> -> memref<32x128xf32, #tpu.memory_space<vmem>>
      %dma_start3A_2471 = arith.constant 0 : i32
      %dma_start3A_2472 = tpu.memref_slice %arg5[%dma_start3A_2471, %multiple_of3A_2460] : memref<32x1000000xf32, #tpu.memory_space<hbm>> -> memref<32x128xf32, #tpu.memory_space<hbm>>
      tpu.enqueue_dma source(%dma_start3A_2472 : memref<32x128xf32, #tpu.memory_space<hbm>>) target(%dma_start3A_2470 : memref<32x128xf32, #tpu.memory_space<vmem>>) target_semaphore(%arg16 : memref<!tpu.dma_semaphore, #tpu.memory_space<semaphore_mem>>)
      %shift_right_logical3A_2473 = arith.constant 7 : i32
      %shift_right_logical3A_2474 = arith.shrui %squeeze3A_2436, %shift_right_logical3A_2473 : i32
      %shift_left3A_2475 = arith.constant 7 : i32
      %shift_left3A_2476 = arith.shli %shift_right_logical3A_2474, %shift_left3A_2475 : i32
      %multiple_of3A_2477 = tpu.assume_multiple %shift_left3A_2476, 128 : i32
      %dma_start3A_2478 = arith.constant 0 : i32
      %dma_start3A_2479 = arith.constant 0 : i32
      %dma_start3A_2480 = tpu.memref_slice %arg13[%rem3A_2434, %dma_start3A_2478, %dma_start3A_2479] : memref<4x32x128xf32, #tpu.memory_space<vmem>> -> memref<1x32x128xf32, #tpu.memory_space<vmem>>
      %dma_start3A_2481 = tpu.memref_squeeze %dma_start3A_2480 : memref<1x32x128xf32, #tpu.memory_space<vmem>> -> memref<32x128xf32, #tpu.memory_space<vmem>>
      %dma_start3A_2482 = arith.constant 0 : i32
      %dma_start3A_2483 = tpu.memref_slice %arg6[%dma_start3A_2482, %multiple_of3A_2477] : memref<32x1000000xf32, #tpu.memory_space<hbm>> -> memref<32x128xf32, #tpu.memory_space<hbm>>
      %dma_start3A_2484 = arith.constant 0 : i32
      %dma_start3A_2485 = arith.constant 0 : i32
      %dma_start3A_2486 = tpu.memref_slice %arg13[%rem3A_2434, %dma_start3A_2484, %dma_start3A_2485] : memref<4x32x128xf32, #tpu.memory_space<vmem>> -> memref<1x32x128xf32, #tpu.memory_space<vmem>>
      %dma_start3A_2487 = tpu.memref_squeeze %dma_start3A_2486 : memref<1x32x128xf32, #tpu.memory_space<vmem>> -> memref<32x128xf32, #tpu.memory_space<vmem>>
      %dma_start3A_2488 = arith.constant 0 : i32
      %dma_start3A_2489 = tpu.memref_slice %arg6[%dma_start3A_2488, %multiple_of3A_2477] : memref<32x1000000xf32, #tpu.memory_space<hbm>> -> memref<32x128xf32, #tpu.memory_space<hbm>>
      tpu.enqueue_dma source(%dma_start3A_2489 : memref<32x128xf32, #tpu.memory_space<hbm>>) target(%dma_start3A_2487 : memref<32x128xf32, #tpu.memory_space<vmem>>) target_semaphore(%arg16 : memref<!tpu.dma_semaphore, #tpu.memory_space<semaphore_mem>>)
      %shift_right_logical3A_2490 = arith.constant 7 : i32
      %shift_right_logical3A_2491 = arith.shrui %squeeze3A_2438, %shift_right_logical3A_2490 : i32
      %shift_left3A_2492 = arith.constant 7 : i32
      %shift_left3A_2493 = arith.shli %shift_right_logical3A_2491, %shift_left3A_2492 : i32
      %multiple_of3A_2494 = tpu.assume_multiple %shift_left3A_2493, 128 : i32
      %dma_start3A_2495 = arith.constant 0 : i32
      %dma_start3A_2496 = arith.constant 0 : i32
      %dma_start3A_2497 = tpu.memref_slice %arg14[%rem3A_2434, %dma_start3A_2495, %dma_start3A_2496] : memref<4x32x128xf32, #tpu.memory_space<vmem>> -> memref<1x32x128xf32, #tpu.memory_space<vmem>>
      %dma_start3A_2498 = tpu.memref_squeeze %dma_start3A_2497 : memref<1x32x128xf32, #tpu.memory_space<vmem>> -> memref<32x128xf32, #tpu.memory_space<vmem>>
      %dma_start3A_2499 = arith.constant 0 : i32
      %dma_start3A_2500 = tpu.memref_slice %arg7[%dma_start3A_2499, %multiple_of3A_2494] : memref<32x1000000xf32, #tpu.memory_space<hbm>> -> memref<32x128xf32, #tpu.memory_space<hbm>>
      %dma_start3A_2501 = arith.constant 0 : i32
      %dma_start3A_2502 = arith.constant 0 : i32
      %dma_start3A_2503 = tpu.memref_slice %arg14[%rem3A_2434, %dma_start3A_2501, %dma_start3A_2502] : memref<4x32x128xf32, #tpu.memory_space<vmem>> -> memref<1x32x128xf32, #tpu.memory_space<vmem>>
      %dma_start3A_2504 = tpu.memref_squeeze %dma_start3A_2503 : memref<1x32x128xf32, #tpu.memory_space<vmem>> -> memref<32x128xf32, #tpu.memory_space<vmem>>
      %dma_start3A_2505 = arith.constant 0 : i32
      %dma_start3A_2506 = tpu.memref_slice %arg7[%dma_start3A_2505, %multiple_of3A_2494] : memref<32x1000000xf32, #tpu.memory_space<hbm>> -> memref<32x128xf32, #tpu.memory_space<hbm>>
      tpu.enqueue_dma source(%dma_start3A_2506 : memref<32x128xf32, #tpu.memory_space<hbm>>) target(%dma_start3A_2504 : memref<32x128xf32, #tpu.memory_space<vmem>>) target_semaphore(%arg16 : memref<!tpu.dma_semaphore, #tpu.memory_space<semaphore_mem>>)
      %add3A_2507 = arith.constant 10 : i32
      %add3A_2508 = arith.addi %mul3A_321, %add3A_2507 : i32
      %rem3A_2509 = arith.constant 4 : i32
      %rem3A_2510 = arith.remsi %add3A_2508, %rem3A_2509 : i32
      %slice3A_2511 = vector.extract_strided_slice %get3A_323 {offsets = [10], sizes = [1], strides = [1]} : vector<16xi32> to vector<1xi32>
      %squeeze3A_2512 = vector.extract %slice3A_2511[0] : i32 from vector<1xi32>
      %slice3A_2513 = vector.extract_strided_slice %get3A_325 {offsets = [10], sizes = [1], strides = [1]} : vector<16xi32> to vector<1xi32>
      %squeeze3A_2514 = vector.extract %slice3A_2513[0] : i32 from vector<1xi32>
      %dma_wait3A_2515 = arith.constant 0 : i32
      %dma_wait3A_2516 = arith.constant 0 : i32
      %dma_wait3A_2517 = tpu.memref_slice %arg11[%rem3A_2510, %dma_wait3A_2515, %dma_wait3A_2516] : memref<4x32x128xf32, #tpu.memory_space<vmem>> -> memref<1x32x128xf32, #tpu.memory_space<vmem>>
      %dma_wait3A_2518 = tpu.memref_squeeze %dma_wait3A_2517 : memref<1x32x128xf32, #tpu.memory_space<vmem>> -> memref<32x128xf32, #tpu.memory_space<vmem>>
      %dma_wait3A_2519 = arith.constant 0 : i32
      %dma_wait3A_2520 = arith.constant 0 : i32
      %dma_wait3A_2521 = tpu.memref_slice %arg4[%dma_wait3A_2519, %dma_wait3A_2520] : memref<32x1000000xf32, #tpu.memory_space<hbm>> -> memref<32x128xf32, #tpu.memory_space<hbm>>
      %dma_wait3A_2522 = arith.constant 0 : i32
      %dma_wait3A_2523 = arith.constant 0 : i32
      %dma_wait3A_2524 = tpu.memref_slice %arg11[%rem3A_2510, %dma_wait3A_2522, %dma_wait3A_2523] : memref<4x32x128xf32, #tpu.memory_space<vmem>> -> memref<1x32x128xf32, #tpu.memory_space<vmem>>
      %dma_wait3A_2525 = tpu.memref_squeeze %dma_wait3A_2524 : memref<1x32x128xf32, #tpu.memory_space<vmem>> -> memref<32x128xf32, #tpu.memory_space<vmem>>
      %dma_wait3A_2526 = arith.constant 0 : i32
      %dma_wait3A_2527 = arith.constant 0 : i32
      %dma_wait3A_2528 = tpu.memref_slice %arg4[%dma_wait3A_2526, %dma_wait3A_2527] : memref<32x1000000xf32, #tpu.memory_space<hbm>> -> memref<32x128xf32, #tpu.memory_space<hbm>>
      tpu.wait_dma2 semaphore(%arg16 : memref<!tpu.dma_semaphore, #tpu.memory_space<semaphore_mem>>) src(%dma_wait3A_2528 : memref<32x128xf32, #tpu.memory_space<hbm>>) dst(%dma_wait3A_2525 : memref<32x128xf32, #tpu.memory_space<vmem>>)
      %dma_wait3A_2529 = arith.constant 0 : i32
      %dma_wait3A_2530 = arith.constant 0 : i32
      %dma_wait3A_2531 = tpu.memref_slice %arg12[%rem3A_2510, %dma_wait3A_2529, %dma_wait3A_2530] : memref<4x32x128xf32, #tpu.memory_space<vmem>> -> memref<1x32x128xf32, #tpu.memory_space<vmem>>
      %dma_wait3A_2532 = tpu.memref_squeeze %dma_wait3A_2531 : memref<1x32x128xf32, #tpu.memory_space<vmem>> -> memref<32x128xf32, #tpu.memory_space<vmem>>
      %dma_wait3A_2533 = arith.constant 0 : i32
      %dma_wait3A_2534 = arith.constant 0 : i32
      %dma_wait3A_2535 = tpu.memref_slice %arg5[%dma_wait3A_2533, %dma_wait3A_2534] : memref<32x1000000xf32, #tpu.memory_space<hbm>> -> memref<32x128xf32, #tpu.memory_space<hbm>>
      %dma_wait3A_2536 = arith.constant 0 : i32
      %dma_wait3A_2537 = arith.constant 0 : i32
      %dma_wait3A_2538 = tpu.memref_slice %arg12[%rem3A_2510, %dma_wait3A_2536, %dma_wait3A_2537] : memref<4x32x128xf32, #tpu.memory_space<vmem>> -> memref<1x32x128xf32, #tpu.memory_space<vmem>>
      %dma_wait3A_2539 = tpu.memref_squeeze %dma_wait3A_2538 : memref<1x32x128xf32, #tpu.memory_space<vmem>> -> memref<32x128xf32, #tpu.memory_space<vmem>>
      %dma_wait3A_2540 = arith.constant 0 : i32
      %dma_wait3A_2541 = arith.constant 0 : i32
      %dma_wait3A_2542 = tpu.memref_slice %arg5[%dma_wait3A_2540, %dma_wait3A_2541] : memref<32x1000000xf32, #tpu.memory_space<hbm>> -> memref<32x128xf32, #tpu.memory_space<hbm>>
      tpu.wait_dma2 semaphore(%arg16 : memref<!tpu.dma_semaphore, #tpu.memory_space<semaphore_mem>>) src(%dma_wait3A_2542 : memref<32x128xf32, #tpu.memory_space<hbm>>) dst(%dma_wait3A_2539 : memref<32x128xf32, #tpu.memory_space<vmem>>)
      %dma_wait3A_2543 = arith.constant 0 : i32
      %dma_wait3A_2544 = arith.constant 0 : i32
      %dma_wait3A_2545 = tpu.memref_slice %arg13[%rem3A_2510, %dma_wait3A_2543, %dma_wait3A_2544] : memref<4x32x128xf32, #tpu.memory_space<vmem>> -> memref<1x32x128xf32, #tpu.memory_space<vmem>>
      %dma_wait3A_2546 = tpu.memref_squeeze %dma_wait3A_2545 : memref<1x32x128xf32, #tpu.memory_space<vmem>> -> memref<32x128xf32, #tpu.memory_space<vmem>>
      %dma_wait3A_2547 = arith.constant 0 : i32
      %dma_wait3A_2548 = arith.constant 0 : i32
      %dma_wait3A_2549 = tpu.memref_slice %arg6[%dma_wait3A_2547, %dma_wait3A_2548] : memref<32x1000000xf32, #tpu.memory_space<hbm>> -> memref<32x128xf32, #tpu.memory_space<hbm>>
      %dma_wait3A_2550 = arith.constant 0 : i32
      %dma_wait3A_2551 = arith.constant 0 : i32
      %dma_wait3A_2552 = tpu.memref_slice %arg13[%rem3A_2510, %dma_wait3A_2550, %dma_wait3A_2551] : memref<4x32x128xf32, #tpu.memory_space<vmem>> -> memref<1x32x128xf32, #tpu.memory_space<vmem>>
      %dma_wait3A_2553 = tpu.memref_squeeze %dma_wait3A_2552 : memref<1x32x128xf32, #tpu.memory_space<vmem>> -> memref<32x128xf32, #tpu.memory_space<vmem>>
      %dma_wait3A_2554 = arith.constant 0 : i32
      %dma_wait3A_2555 = arith.constant 0 : i32
      %dma_wait3A_2556 = tpu.memref_slice %arg6[%dma_wait3A_2554, %dma_wait3A_2555] : memref<32x1000000xf32, #tpu.memory_space<hbm>> -> memref<32x128xf32, #tpu.memory_space<hbm>>
      tpu.wait_dma2 semaphore(%arg16 : memref<!tpu.dma_semaphore, #tpu.memory_space<semaphore_mem>>) src(%dma_wait3A_2556 : memref<32x128xf32, #tpu.memory_space<hbm>>) dst(%dma_wait3A_2553 : memref<32x128xf32, #tpu.memory_space<vmem>>)
      %dma_wait3A_2557 = arith.constant 0 : i32
      %dma_wait3A_2558 = arith.constant 0 : i32
      %dma_wait3A_2559 = tpu.memref_slice %arg14[%rem3A_2510, %dma_wait3A_2557, %dma_wait3A_2558] : memref<4x32x128xf32, #tpu.memory_space<vmem>> -> memref<1x32x128xf32, #tpu.memory_space<vmem>>
      %dma_wait3A_2560 = tpu.memref_squeeze %dma_wait3A_2559 : memref<1x32x128xf32, #tpu.memory_space<vmem>> -> memref<32x128xf32, #tpu.memory_space<vmem>>
      %dma_wait3A_2561 = arith.constant 0 : i32
      %dma_wait3A_2562 = arith.constant 0 : i32
      %dma_wait3A_2563 = tpu.memref_slice %arg7[%dma_wait3A_2561, %dma_wait3A_2562] : memref<32x1000000xf32, #tpu.memory_space<hbm>> -> memref<32x128xf32, #tpu.memory_space<hbm>>
      %dma_wait3A_2564 = arith.constant 0 : i32
      %dma_wait3A_2565 = arith.constant 0 : i32
      %dma_wait3A_2566 = tpu.memref_slice %arg14[%rem3A_2510, %dma_wait3A_2564, %dma_wait3A_2565] : memref<4x32x128xf32, #tpu.memory_space<vmem>> -> memref<1x32x128xf32, #tpu.memory_space<vmem>>
      %dma_wait3A_2567 = tpu.memref_squeeze %dma_wait3A_2566 : memref<1x32x128xf32, #tpu.memory_space<vmem>> -> memref<32x128xf32, #tpu.memory_space<vmem>>
      %dma_wait3A_2568 = arith.constant 0 : i32
      %dma_wait3A_2569 = arith.constant 0 : i32
      %dma_wait3A_2570 = tpu.memref_slice %arg7[%dma_wait3A_2568, %dma_wait3A_2569] : memref<32x1000000xf32, #tpu.memory_space<hbm>> -> memref<32x128xf32, #tpu.memory_space<hbm>>
      tpu.wait_dma2 semaphore(%arg16 : memref<!tpu.dma_semaphore, #tpu.memory_space<semaphore_mem>>) src(%dma_wait3A_2570 : memref<32x128xf32, #tpu.memory_space<hbm>>) dst(%dma_wait3A_2567 : memref<32x128xf32, #tpu.memory_space<vmem>>)
      %rem3A_2571 = arith.constant 128 : i32
      %rem3A_2572 = arith.remsi %add3A_2508, %rem3A_2571 : i32
      %and3A_2573 = arith.constant 127 : i32
      %and3A_2574 = arith.andi %squeeze3A_2512, %and3A_2573 : i32
      %broadcast_in_dim3A_2575 = vector.broadcast %and3A_2574 : i32 to vector<16xi32>
      %gather3A_2576 = arith.constant 0 : i32
      %gather3A_2577 = arith.constant 0 : i32
      %gather3A_2578 = tpu.memref_slice %arg11[%rem3A_2510, %gather3A_2576, %gather3A_2577] : memref<4x32x128xf32, #tpu.memory_space<vmem>> -> memref<1x32x128xf32, #tpu.memory_space<vmem>>
      %gather3A_2579 = tpu.memref_squeeze %gather3A_2578 : memref<1x32x128xf32, #tpu.memory_space<vmem>> -> memref<32x128xf32, #tpu.memory_space<vmem>>
      %gather3A_2580 = tpu.vector_load_idx %gather3A_2579[%add3A_5, %broadcast_in_dim3A_2575] : memref<32x128xf32, #tpu.memory_space<vmem>>[vector<16xi32>, vector<16xi32>], vector<16xf32>,
      %swap3A_2581 = arith.index_cast %rem3A_2572 : i32 to index
      %swap3A_2582 = arith.constant 0 : index
      %swap3A_2583 = tpu.vector_load %arg15[%swap3A_2581, %swap3A_2582] {strides = array<i32>} : memref<128x128xf32, #tpu.memory_space<vmem>>, vector<16xf32>,
      tpu.vector_store %arg15[%swap3A_2581, %swap3A_2582], %gather3A_2580 {strides = array<i32>} : memref<128x128xf32, #tpu.memory_space<vmem>>, vector<16xf32>,
      %gather3A_2584 = arith.constant 0 : i32
      %gather3A_2585 = arith.constant 0 : i32
      %gather3A_2586 = tpu.memref_slice %arg11[%rem3A_2510, %gather3A_2584, %gather3A_2585] : memref<4x32x128xf32, #tpu.memory_space<vmem>> -> memref<1x32x128xf32, #tpu.memory_space<vmem>>
      %gather3A_2587 = tpu.memref_squeeze %gather3A_2586 : memref<1x32x128xf32, #tpu.memory_space<vmem>> -> memref<32x128xf32, #tpu.memory_space<vmem>>
      %gather3A_2588 = tpu.vector_load_idx %gather3A_2587[%add3A_9, %broadcast_in_dim3A_2575] : memref<32x128xf32, #tpu.memory_space<vmem>>[vector<16xi32>, vector<16xi32>], vector<16xf32>,
      %swap3A_2589 = arith.index_cast %rem3A_2572 : i32 to index
      %swap3A_2590 = arith.constant 16 : index
      %swap3A_2591 = tpu.vector_load %arg15[%swap3A_2589, %swap3A_2590] {strides = array<i32>} : memref<128x128xf32, #tpu.memory_space<vmem>>, vector<16xf32>,
      tpu.vector_store %arg15[%swap3A_2589, %swap3A_2590], %gather3A_2588 {strides = array<i32>} : memref<128x128xf32, #tpu.memory_space<vmem>>, vector<16xf32>,
      %and3A_2592 = arith.constant 127 : i32
      %and3A_2593 = arith.andi %squeeze3A_2514, %and3A_2592 : i32
      %broadcast_in_dim3A_2594 = vector.broadcast %and3A_2593 : i32 to vector<16xi32>
      %gather3A_2595 = arith.constant 0 : i32
      %gather3A_2596 = arith.constant 0 : i32
      %gather3A_2597 = tpu.memref_slice %arg12[%rem3A_2510, %gather3A_2595, %gather3A_2596] : memref<4x32x128xf32, #tpu.memory_space<vmem>> -> memref<1x32x128xf32, #tpu.memory_space<vmem>>
      %gather3A_2598 = tpu.memref_squeeze %gather3A_2597 : memref<1x32x128xf32, #tpu.memory_space<vmem>> -> memref<32x128xf32, #tpu.memory_space<vmem>>
      %gather3A_2599 = tpu.vector_load_idx %gather3A_2598[%add3A_5, %broadcast_in_dim3A_2594] : memref<32x128xf32, #tpu.memory_space<vmem>>[vector<16xi32>, vector<16xi32>], vector<16xf32>,
      %swap3A_2600 = arith.index_cast %rem3A_2572 : i32 to index
      %swap3A_2601 = arith.constant 32 : index
      %swap3A_2602 = tpu.vector_load %arg15[%swap3A_2600, %swap3A_2601] {strides = array<i32>} : memref<128x128xf32, #tpu.memory_space<vmem>>, vector<16xf32>,
      tpu.vector_store %arg15[%swap3A_2600, %swap3A_2601], %gather3A_2599 {strides = array<i32>} : memref<128x128xf32, #tpu.memory_space<vmem>>, vector<16xf32>,
      %gather3A_2603 = arith.constant 0 : i32
      %gather3A_2604 = arith.constant 0 : i32
      %gather3A_2605 = tpu.memref_slice %arg12[%rem3A_2510, %gather3A_2603, %gather3A_2604] : memref<4x32x128xf32, #tpu.memory_space<vmem>> -> memref<1x32x128xf32, #tpu.memory_space<vmem>>
      %gather3A_2606 = tpu.memref_squeeze %gather3A_2605 : memref<1x32x128xf32, #tpu.memory_space<vmem>> -> memref<32x128xf32, #tpu.memory_space<vmem>>
      %gather3A_2607 = tpu.vector_load_idx %gather3A_2606[%add3A_9, %broadcast_in_dim3A_2594] : memref<32x128xf32, #tpu.memory_space<vmem>>[vector<16xi32>, vector<16xi32>], vector<16xf32>,
      %swap3A_2608 = arith.index_cast %rem3A_2572 : i32 to index
      %swap3A_2609 = arith.constant 48 : index
      %swap3A_2610 = tpu.vector_load %arg15[%swap3A_2608, %swap3A_2609] {strides = array<i32>} : memref<128x128xf32, #tpu.memory_space<vmem>>, vector<16xf32>,
      tpu.vector_store %arg15[%swap3A_2608, %swap3A_2609], %gather3A_2607 {strides = array<i32>} : memref<128x128xf32, #tpu.memory_space<vmem>>, vector<16xf32>,
      %and3A_2611 = arith.constant 127 : i32
      %and3A_2612 = arith.andi %squeeze3A_2512, %and3A_2611 : i32
      %broadcast_in_dim3A_2613 = vector.broadcast %and3A_2612 : i32 to vector<16xi32>
      %gather3A_2614 = arith.constant 0 : i32
      %gather3A_2615 = arith.constant 0 : i32
      %gather3A_2616 = tpu.memref_slice %arg13[%rem3A_2510, %gather3A_2614, %gather3A_2615] : memref<4x32x128xf32, #tpu.memory_space<vmem>> -> memref<1x32x128xf32, #tpu.memory_space<vmem>>
      %gather3A_2617 = tpu.memref_squeeze %gather3A_2616 : memref<1x32x128xf32, #tpu.memory_space<vmem>> -> memref<32x128xf32, #tpu.memory_space<vmem>>
      %gather3A_2618 = tpu.vector_load_idx %gather3A_2617[%add3A_5, %broadcast_in_dim3A_2613] : memref<32x128xf32, #tpu.memory_space<vmem>>[vector<16xi32>, vector<16xi32>], vector<16xf32>,
      %swap3A_2619 = arith.index_cast %rem3A_2572 : i32 to index
      %swap3A_2620 = arith.constant 64 : index
      %swap3A_2621 = tpu.vector_load %arg15[%swap3A_2619, %swap3A_2620] {strides = array<i32>} : memref<128x128xf32, #tpu.memory_space<vmem>>, vector<16xf32>,
      tpu.vector_store %arg15[%swap3A_2619, %swap3A_2620], %gather3A_2618 {strides = array<i32>} : memref<128x128xf32, #tpu.memory_space<vmem>>, vector<16xf32>,
      %gather3A_2622 = arith.constant 0 : i32
      %gather3A_2623 = arith.constant 0 : i32
      %gather3A_2624 = tpu.memref_slice %arg13[%rem3A_2510, %gather3A_2622, %gather3A_2623] : memref<4x32x128xf32, #tpu.memory_space<vmem>> -> memref<1x32x128xf32, #tpu.memory_space<vmem>>
      %gather3A_2625 = tpu.memref_squeeze %gather3A_2624 : memref<1x32x128xf32, #tpu.memory_space<vmem>> -> memref<32x128xf32, #tpu.memory_space<vmem>>
      %gather3A_2626 = tpu.vector_load_idx %gather3A_2625[%add3A_9, %broadcast_in_dim3A_2613] : memref<32x128xf32, #tpu.memory_space<vmem>>[vector<16xi32>, vector<16xi32>], vector<16xf32>,
      %swap3A_2627 = arith.index_cast %rem3A_2572 : i32 to index
      %swap3A_2628 = arith.constant 80 : index
      %swap3A_2629 = tpu.vector_load %arg15[%swap3A_2627, %swap3A_2628] {strides = array<i32>} : memref<128x128xf32, #tpu.memory_space<vmem>>, vector<16xf32>,
      tpu.vector_store %arg15[%swap3A_2627, %swap3A_2628], %gather3A_2626 {strides = array<i32>} : memref<128x128xf32, #tpu.memory_space<vmem>>, vector<16xf32>,
      %and3A_2630 = arith.constant 127 : i32
      %and3A_2631 = arith.andi %squeeze3A_2514, %and3A_2630 : i32
      %broadcast_in_dim3A_2632 = vector.broadcast %and3A_2631 : i32 to vector<16xi32>
      %gather3A_2633 = arith.constant 0 : i32
      %gather3A_2634 = arith.constant 0 : i32
      %gather3A_2635 = tpu.memref_slice %arg14[%rem3A_2510, %gather3A_2633, %gather3A_2634] : memref<4x32x128xf32, #tpu.memory_space<vmem>> -> memref<1x32x128xf32, #tpu.memory_space<vmem>>
      %gather3A_2636 = tpu.memref_squeeze %gather3A_2635 : memref<1x32x128xf32, #tpu.memory_space<vmem>> -> memref<32x128xf32, #tpu.memory_space<vmem>>
      %gather3A_2637 = tpu.vector_load_idx %gather3A_2636[%add3A_5, %broadcast_in_dim3A_2632] : memref<32x128xf32, #tpu.memory_space<vmem>>[vector<16xi32>, vector<16xi32>], vector<16xf32>,
      %swap3A_2638 = arith.index_cast %rem3A_2572 : i32 to index
      %swap3A_2639 = arith.constant 96 : index
      %swap3A_2640 = tpu.vector_load %arg15[%swap3A_2638, %swap3A_2639] {strides = array<i32>} : memref<128x128xf32, #tpu.memory_space<vmem>>, vector<16xf32>,
      tpu.vector_store %arg15[%swap3A_2638, %swap3A_2639], %gather3A_2637 {strides = array<i32>} : memref<128x128xf32, #tpu.memory_space<vmem>>, vector<16xf32>,
      %gather3A_2641 = arith.constant 0 : i32
      %gather3A_2642 = arith.constant 0 : i32
      %gather3A_2643 = tpu.memref_slice %arg14[%rem3A_2510, %gather3A_2641, %gather3A_2642] : memref<4x32x128xf32, #tpu.memory_space<vmem>> -> memref<1x32x128xf32, #tpu.memory_space<vmem>>
      %gather3A_2644 = tpu.memref_squeeze %gather3A_2643 : memref<1x32x128xf32, #tpu.memory_space<vmem>> -> memref<32x128xf32, #tpu.memory_space<vmem>>
      %gather3A_2645 = tpu.vector_load_idx %gather3A_2644[%add3A_9, %broadcast_in_dim3A_2632] : memref<32x128xf32, #tpu.memory_space<vmem>>[vector<16xi32>, vector<16xi32>], vector<16xf32>,
      %swap3A_2646 = arith.index_cast %rem3A_2572 : i32 to index
      %swap3A_2647 = arith.constant 112 : index
      %swap3A_2648 = tpu.vector_load %arg15[%swap3A_2646, %swap3A_2647] {strides = array<i32>} : memref<128x128xf32, #tpu.memory_space<vmem>>, vector<16xf32>,
      tpu.vector_store %arg15[%swap3A_2646, %swap3A_2647], %gather3A_2645 {strides = array<i32>} : memref<128x128xf32, #tpu.memory_space<vmem>>, vector<16xf32>,
      %add3A_2649 = arith.constant 4 : i32
      %add3A_2650 = arith.addi %add3A_2508, %add3A_2649 : i32
      %rem3A_2651 = arith.constant 4 : i32
      %rem3A_2652 = arith.remsi %add3A_2650, %rem3A_2651 : i32
      %slice3A_2653 = vector.extract_strided_slice %get3A_323 {offsets = [14], sizes = [1], strides = [1]} : vector<16xi32> to vector<1xi32>
      %squeeze3A_2654 = vector.extract %slice3A_2653[0] : i32 from vector<1xi32>
      %slice3A_2655 = vector.extract_strided_slice %get3A_325 {offsets = [14], sizes = [1], strides = [1]} : vector<16xi32> to vector<1xi32>
      %squeeze3A_2656 = vector.extract %slice3A_2655[0] : i32 from vector<1xi32>
      %shift_right_logical3A_2657 = arith.constant 7 : i32
      %shift_right_logical3A_2658 = arith.shrui %squeeze3A_2654, %shift_right_logical3A_2657 : i32
      %shift_left3A_2659 = arith.constant 7 : i32
      %shift_left3A_2660 = arith.shli %shift_right_logical3A_2658, %shift_left3A_2659 : i32
      %multiple_of3A_2661 = tpu.assume_multiple %shift_left3A_2660, 128 : i32
      %dma_start3A_2662 = arith.constant 0 : i32
      %dma_start3A_2663 = arith.constant 0 : i32
      %dma_start3A_2664 = tpu.memref_slice %arg11[%rem3A_2652, %dma_start3A_2662, %dma_start3A_2663] : memref<4x32x128xf32, #tpu.memory_space<vmem>> -> memref<1x32x128xf32, #tpu.memory_space<vmem>>
      %dma_start3A_2665 = tpu.memref_squeeze %dma_start3A_2664 : memref<1x32x128xf32, #tpu.memory_space<vmem>> -> memref<32x128xf32, #tpu.memory_space<vmem>>
      %dma_start3A_2666 = arith.constant 0 : i32
      %dma_start3A_2667 = tpu.memref_slice %arg4[%dma_start3A_2666, %multiple_of3A_2661] : memref<32x1000000xf32, #tpu.memory_space<hbm>> -> memref<32x128xf32, #tpu.memory_space<hbm>>
      %dma_start3A_2668 = arith.constant 0 : i32
      %dma_start3A_2669 = arith.constant 0 : i32
      %dma_start3A_2670 = tpu.memref_slice %arg11[%rem3A_2652, %dma_start3A_2668, %dma_start3A_2669] : memref<4x32x128xf32, #tpu.memory_space<vmem>> -> memref<1x32x128xf32, #tpu.memory_space<vmem>>
      %dma_start3A_2671 = tpu.memref_squeeze %dma_start3A_2670 : memref<1x32x128xf32, #tpu.memory_space<vmem>> -> memref<32x128xf32, #tpu.memory_space<vmem>>
      %dma_start3A_2672 = arith.constant 0 : i32
      %dma_start3A_2673 = tpu.memref_slice %arg4[%dma_start3A_2672, %multiple_of3A_2661] : memref<32x1000000xf32, #tpu.memory_space<hbm>> -> memref<32x128xf32, #tpu.memory_space<hbm>>
      tpu.enqueue_dma source(%dma_start3A_2673 : memref<32x128xf32, #tpu.memory_space<hbm>>) target(%dma_start3A_2671 : memref<32x128xf32, #tpu.memory_space<vmem>>) target_semaphore(%arg16 : memref<!tpu.dma_semaphore, #tpu.memory_space<semaphore_mem>>)
      %shift_right_logical3A_2674 = arith.constant 7 : i32
      %shift_right_logical3A_2675 = arith.shrui %squeeze3A_2656, %shift_right_logical3A_2674 : i32
      %shift_left3A_2676 = arith.constant 7 : i32
      %shift_left3A_2677 = arith.shli %shift_right_logical3A_2675, %shift_left3A_2676 : i32
      %multiple_of3A_2678 = tpu.assume_multiple %shift_left3A_2677, 128 : i32
      %dma_start3A_2679 = arith.constant 0 : i32
      %dma_start3A_2680 = arith.constant 0 : i32
      %dma_start3A_2681 = tpu.memref_slice %arg12[%rem3A_2652, %dma_start3A_2679, %dma_start3A_2680] : memref<4x32x128xf32, #tpu.memory_space<vmem>> -> memref<1x32x128xf32, #tpu.memory_space<vmem>>
      %dma_start3A_2682 = tpu.memref_squeeze %dma_start3A_2681 : memref<1x32x128xf32, #tpu.memory_space<vmem>> -> memref<32x128xf32, #tpu.memory_space<vmem>>
      %dma_start3A_2683 = arith.constant 0 : i32
      %dma_start3A_2684 = tpu.memref_slice %arg5[%dma_start3A_2683, %multiple_of3A_2678] : memref<32x1000000xf32, #tpu.memory_space<hbm>> -> memref<32x128xf32, #tpu.memory_space<hbm>>
      %dma_start3A_2685 = arith.constant 0 : i32
      %dma_start3A_2686 = arith.constant 0 : i32
      %dma_start3A_2687 = tpu.memref_slice %arg12[%rem3A_2652, %dma_start3A_2685, %dma_start3A_2686] : memref<4x32x128xf32, #tpu.memory_space<vmem>> -> memref<1x32x128xf32, #tpu.memory_space<vmem>>
      %dma_start3A_2688 = tpu.memref_squeeze %dma_start3A_2687 : memref<1x32x128xf32, #tpu.memory_space<vmem>> -> memref<32x128xf32, #tpu.memory_space<vmem>>
      %dma_start3A_2689 = arith.constant 0 : i32
      %dma_start3A_2690 = tpu.memref_slice %arg5[%dma_start3A_2689, %multiple_of3A_2678] : memref<32x1000000xf32, #tpu.memory_space<hbm>> -> memref<32x128xf32, #tpu.memory_space<hbm>>
      tpu.enqueue_dma source(%dma_start3A_2690 : memref<32x128xf32, #tpu.memory_space<hbm>>) target(%dma_start3A_2688 : memref<32x128xf32, #tpu.memory_space<vmem>>) target_semaphore(%arg16 : memref<!tpu.dma_semaphore, #tpu.memory_space<semaphore_mem>>)
      %shift_right_logical3A_2691 = arith.constant 7 : i32
      %shift_right_logical3A_2692 = arith.shrui %squeeze3A_2654, %shift_right_logical3A_2691 : i32
      %shift_left3A_2693 = arith.constant 7 : i32
      %shift_left3A_2694 = arith.shli %shift_right_logical3A_2692, %shift_left3A_2693 : i32
      %multiple_of3A_2695 = tpu.assume_multiple %shift_left3A_2694, 128 : i32
      %dma_start3A_2696 = arith.constant 0 : i32
      %dma_start3A_2697 = arith.constant 0 : i32
      %dma_start3A_2698 = tpu.memref_slice %arg13[%rem3A_2652, %dma_start3A_2696, %dma_start3A_2697] : memref<4x32x128xf32, #tpu.memory_space<vmem>> -> memref<1x32x128xf32, #tpu.memory_space<vmem>>
      %dma_start3A_2699 = tpu.memref_squeeze %dma_start3A_2698 : memref<1x32x128xf32, #tpu.memory_space<vmem>> -> memref<32x128xf32, #tpu.memory_space<vmem>>
      %dma_start3A_2700 = arith.constant 0 : i32
      %dma_start3A_2701 = tpu.memref_slice %arg6[%dma_start3A_2700, %multiple_of3A_2695] : memref<32x1000000xf32, #tpu.memory_space<hbm>> -> memref<32x128xf32, #tpu.memory_space<hbm>>
      %dma_start3A_2702 = arith.constant 0 : i32
      %dma_start3A_2703 = arith.constant 0 : i32
      %dma_start3A_2704 = tpu.memref_slice %arg13[%rem3A_2652, %dma_start3A_2702, %dma_start3A_2703] : memref<4x32x128xf32, #tpu.memory_space<vmem>> -> memref<1x32x128xf32, #tpu.memory_space<vmem>>
      %dma_start3A_2705 = tpu.memref_squeeze %dma_start3A_2704 : memref<1x32x128xf32, #tpu.memory_space<vmem>> -> memref<32x128xf32, #tpu.memory_space<vmem>>
      %dma_start3A_2706 = arith.constant 0 : i32
      %dma_start3A_2707 = tpu.memref_slice %arg6[%dma_start3A_2706, %multiple_of3A_2695] : memref<32x1000000xf32, #tpu.memory_space<hbm>> -> memref<32x128xf32, #tpu.memory_space<hbm>>
      tpu.enqueue_dma source(%dma_start3A_2707 : memref<32x128xf32, #tpu.memory_space<hbm>>) target(%dma_start3A_2705 : memref<32x128xf32, #tpu.memory_space<vmem>>) target_semaphore(%arg16 : memref<!tpu.dma_semaphore, #tpu.memory_space<semaphore_mem>>)
      %shift_right_logical3A_2708 = arith.constant 7 : i32
      %shift_right_logical3A_2709 = arith.shrui %squeeze3A_2656, %shift_right_logical3A_2708 : i32
      %shift_left3A_2710 = arith.constant 7 : i32
      %shift_left3A_2711 = arith.shli %shift_right_logical3A_2709, %shift_left3A_2710 : i32
      %multiple_of3A_2712 = tpu.assume_multiple %shift_left3A_2711, 128 : i32
      %dma_start3A_2713 = arith.constant 0 : i32
      %dma_start3A_2714 = arith.constant 0 : i32
      %dma_start3A_2715 = tpu.memref_slice %arg14[%rem3A_2652, %dma_start3A_2713, %dma_start3A_2714] : memref<4x32x128xf32, #tpu.memory_space<vmem>> -> memref<1x32x128xf32, #tpu.memory_space<vmem>>
      %dma_start3A_2716 = tpu.memref_squeeze %dma_start3A_2715 : memref<1x32x128xf32, #tpu.memory_space<vmem>> -> memref<32x128xf32, #tpu.memory_space<vmem>>
      %dma_start3A_2717 = arith.constant 0 : i32
      %dma_start3A_2718 = tpu.memref_slice %arg7[%dma_start3A_2717, %multiple_of3A_2712] : memref<32x1000000xf32, #tpu.memory_space<hbm>> -> memref<32x128xf32, #tpu.memory_space<hbm>>
      %dma_start3A_2719 = arith.constant 0 : i32
      %dma_start3A_2720 = arith.constant 0 : i32
      %dma_start3A_2721 = tpu.memref_slice %arg14[%rem3A_2652, %dma_start3A_2719, %dma_start3A_2720] : memref<4x32x128xf32, #tpu.memory_space<vmem>> -> memref<1x32x128xf32, #tpu.memory_space<vmem>>
      %dma_start3A_2722 = tpu.memref_squeeze %dma_start3A_2721 : memref<1x32x128xf32, #tpu.memory_space<vmem>> -> memref<32x128xf32, #tpu.memory_space<vmem>>
      %dma_start3A_2723 = arith.constant 0 : i32
      %dma_start3A_2724 = tpu.memref_slice %arg7[%dma_start3A_2723, %multiple_of3A_2712] : memref<32x1000000xf32, #tpu.memory_space<hbm>> -> memref<32x128xf32, #tpu.memory_space<hbm>>
      tpu.enqueue_dma source(%dma_start3A_2724 : memref<32x128xf32, #tpu.memory_space<hbm>>) target(%dma_start3A_2722 : memref<32x128xf32, #tpu.memory_space<vmem>>) target_semaphore(%arg16 : memref<!tpu.dma_semaphore, #tpu.memory_space<semaphore_mem>>)
      %add3A_2725 = arith.constant 11 : i32
      %add3A_2726 = arith.addi %mul3A_321, %add3A_2725 : i32
      %rem3A_2727 = arith.constant 4 : i32
      %rem3A_2728 = arith.remsi %add3A_2726, %rem3A_2727 : i32
      %slice3A_2729 = vector.extract_strided_slice %get3A_323 {offsets = [11], sizes = [1], strides = [1]} : vector<16xi32> to vector<1xi32>
      %squeeze3A_2730 = vector.extract %slice3A_2729[0] : i32 from vector<1xi32>
      %slice3A_2731 = vector.extract_strided_slice %get3A_325 {offsets = [11], sizes = [1], strides = [1]} : vector<16xi32> to vector<1xi32>
      %squeeze3A_2732 = vector.extract %slice3A_2731[0] : i32 from vector<1xi32>
      %dma_wait3A_2733 = arith.constant 0 : i32
      %dma_wait3A_2734 = arith.constant 0 : i32
      %dma_wait3A_2735 = tpu.memref_slice %arg11[%rem3A_2728, %dma_wait3A_2733, %dma_wait3A_2734] : memref<4x32x128xf32, #tpu.memory_space<vmem>> -> memref<1x32x128xf32, #tpu.memory_space<vmem>>
      %dma_wait3A_2736 = tpu.memref_squeeze %dma_wait3A_2735 : memref<1x32x128xf32, #tpu.memory_space<vmem>> -> memref<32x128xf32, #tpu.memory_space<vmem>>
      %dma_wait3A_2737 = arith.constant 0 : i32
      %dma_wait3A_2738 = arith.constant 0 : i32
      %dma_wait3A_2739 = tpu.memref_slice %arg4[%dma_wait3A_2737, %dma_wait3A_2738] : memref<32x1000000xf32, #tpu.memory_space<hbm>> -> memref<32x128xf32, #tpu.memory_space<hbm>>
      %dma_wait3A_2740 = arith.constant 0 : i32
      %dma_wait3A_2741 = arith.constant 0 : i32
      %dma_wait3A_2742 = tpu.memref_slice %arg11[%rem3A_2728, %dma_wait3A_2740, %dma_wait3A_2741] : memref<4x32x128xf32, #tpu.memory_space<vmem>> -> memref<1x32x128xf32, #tpu.memory_space<vmem>>
      %dma_wait3A_2743 = tpu.memref_squeeze %dma_wait3A_2742 : memref<1x32x128xf32, #tpu.memory_space<vmem>> -> memref<32x128xf32, #tpu.memory_space<vmem>>
      %dma_wait3A_2744 = arith.constant 0 : i32
      %dma_wait3A_2745 = arith.constant 0 : i32
      %dma_wait3A_2746 = tpu.memref_slice %arg4[%dma_wait3A_2744, %dma_wait3A_2745] : memref<32x1000000xf32, #tpu.memory_space<hbm>> -> memref<32x128xf32, #tpu.memory_space<hbm>>
      tpu.wait_dma2 semaphore(%arg16 : memref<!tpu.dma_semaphore, #tpu.memory_space<semaphore_mem>>) src(%dma_wait3A_2746 : memref<32x128xf32, #tpu.memory_space<hbm>>) dst(%dma_wait3A_2743 : memref<32x128xf32, #tpu.memory_space<vmem>>)
      %dma_wait3A_2747 = arith.constant 0 : i32
      %dma_wait3A_2748 = arith.constant 0 : i32
      %dma_wait3A_2749 = tpu.memref_slice %arg12[%rem3A_2728, %dma_wait3A_2747, %dma_wait3A_2748] : memref<4x32x128xf32, #tpu.memory_space<vmem>> -> memref<1x32x128xf32, #tpu.memory_space<vmem>>
      %dma_wait3A_2750 = tpu.memref_squeeze %dma_wait3A_2749 : memref<1x32x128xf32, #tpu.memory_space<vmem>> -> memref<32x128xf32, #tpu.memory_space<vmem>>
      %dma_wait3A_2751 = arith.constant 0 : i32
      %dma_wait3A_2752 = arith.constant 0 : i32
      %dma_wait3A_2753 = tpu.memref_slice %arg5[%dma_wait3A_2751, %dma_wait3A_2752] : memref<32x1000000xf32, #tpu.memory_space<hbm>> -> memref<32x128xf32, #tpu.memory_space<hbm>>
      %dma_wait3A_2754 = arith.constant 0 : i32
      %dma_wait3A_2755 = arith.constant 0 : i32
      %dma_wait3A_2756 = tpu.memref_slice %arg12[%rem3A_2728, %dma_wait3A_2754, %dma_wait3A_2755] : memref<4x32x128xf32, #tpu.memory_space<vmem>> -> memref<1x32x128xf32, #tpu.memory_space<vmem>>
      %dma_wait3A_2757 = tpu.memref_squeeze %dma_wait3A_2756 : memref<1x32x128xf32, #tpu.memory_space<vmem>> -> memref<32x128xf32, #tpu.memory_space<vmem>>
      %dma_wait3A_2758 = arith.constant 0 : i32
      %dma_wait3A_2759 = arith.constant 0 : i32
      %dma_wait3A_2760 = tpu.memref_slice %arg5[%dma_wait3A_2758, %dma_wait3A_2759] : memref<32x1000000xf32, #tpu.memory_space<hbm>> -> memref<32x128xf32, #tpu.memory_space<hbm>>
      tpu.wait_dma2 semaphore(%arg16 : memref<!tpu.dma_semaphore, #tpu.memory_space<semaphore_mem>>) src(%dma_wait3A_2760 : memref<32x128xf32, #tpu.memory_space<hbm>>) dst(%dma_wait3A_2757 : memref<32x128xf32, #tpu.memory_space<vmem>>)
      %dma_wait3A_2761 = arith.constant 0 : i32
      %dma_wait3A_2762 = arith.constant 0 : i32
      %dma_wait3A_2763 = tpu.memref_slice %arg13[%rem3A_2728, %dma_wait3A_2761, %dma_wait3A_2762] : memref<4x32x128xf32, #tpu.memory_space<vmem>> -> memref<1x32x128xf32, #tpu.memory_space<vmem>>
      %dma_wait3A_2764 = tpu.memref_squeeze %dma_wait3A_2763 : memref<1x32x128xf32, #tpu.memory_space<vmem>> -> memref<32x128xf32, #tpu.memory_space<vmem>>
      %dma_wait3A_2765 = arith.constant 0 : i32
      %dma_wait3A_2766 = arith.constant 0 : i32
      %dma_wait3A_2767 = tpu.memref_slice %arg6[%dma_wait3A_2765, %dma_wait3A_2766] : memref<32x1000000xf32, #tpu.memory_space<hbm>> -> memref<32x128xf32, #tpu.memory_space<hbm>>
      %dma_wait3A_2768 = arith.constant 0 : i32
      %dma_wait3A_2769 = arith.constant 0 : i32
      %dma_wait3A_2770 = tpu.memref_slice %arg13[%rem3A_2728, %dma_wait3A_2768, %dma_wait3A_2769] : memref<4x32x128xf32, #tpu.memory_space<vmem>> -> memref<1x32x128xf32, #tpu.memory_space<vmem>>
      %dma_wait3A_2771 = tpu.memref_squeeze %dma_wait3A_2770 : memref<1x32x128xf32, #tpu.memory_space<vmem>> -> memref<32x128xf32, #tpu.memory_space<vmem>>
      %dma_wait3A_2772 = arith.constant 0 : i32
      %dma_wait3A_2773 = arith.constant 0 : i32
      %dma_wait3A_2774 = tpu.memref_slice %arg6[%dma_wait3A_2772, %dma_wait3A_2773] : memref<32x1000000xf32, #tpu.memory_space<hbm>> -> memref<32x128xf32, #tpu.memory_space<hbm>>
      tpu.wait_dma2 semaphore(%arg16 : memref<!tpu.dma_semaphore, #tpu.memory_space<semaphore_mem>>) src(%dma_wait3A_2774 : memref<32x128xf32, #tpu.memory_space<hbm>>) dst(%dma_wait3A_2771 : memref<32x128xf32, #tpu.memory_space<vmem>>)
      %dma_wait3A_2775 = arith.constant 0 : i32
      %dma_wait3A_2776 = arith.constant 0 : i32
      %dma_wait3A_2777 = tpu.memref_slice %arg14[%rem3A_2728, %dma_wait3A_2775, %dma_wait3A_2776] : memref<4x32x128xf32, #tpu.memory_space<vmem>> -> memref<1x32x128xf32, #tpu.memory_space<vmem>>
      %dma_wait3A_2778 = tpu.memref_squeeze %dma_wait3A_2777 : memref<1x32x128xf32, #tpu.memory_space<vmem>> -> memref<32x128xf32, #tpu.memory_space<vmem>>
      %dma_wait3A_2779 = arith.constant 0 : i32
      %dma_wait3A_2780 = arith.constant 0 : i32
      %dma_wait3A_2781 = tpu.memref_slice %arg7[%dma_wait3A_2779, %dma_wait3A_2780] : memref<32x1000000xf32, #tpu.memory_space<hbm>> -> memref<32x128xf32, #tpu.memory_space<hbm>>
      %dma_wait3A_2782 = arith.constant 0 : i32
      %dma_wait3A_2783 = arith.constant 0 : i32
      %dma_wait3A_2784 = tpu.memref_slice %arg14[%rem3A_2728, %dma_wait3A_2782, %dma_wait3A_2783] : memref<4x32x128xf32, #tpu.memory_space<vmem>> -> memref<1x32x128xf32, #tpu.memory_space<vmem>>
      %dma_wait3A_2785 = tpu.memref_squeeze %dma_wait3A_2784 : memref<1x32x128xf32, #tpu.memory_space<vmem>> -> memref<32x128xf32, #tpu.memory_space<vmem>>
      %dma_wait3A_2786 = arith.constant 0 : i32
      %dma_wait3A_2787 = arith.constant 0 : i32
      %dma_wait3A_2788 = tpu.memref_slice %arg7[%dma_wait3A_2786, %dma_wait3A_2787] : memref<32x1000000xf32, #tpu.memory_space<hbm>> -> memref<32x128xf32, #tpu.memory_space<hbm>>
      tpu.wait_dma2 semaphore(%arg16 : memref<!tpu.dma_semaphore, #tpu.memory_space<semaphore_mem>>) src(%dma_wait3A_2788 : memref<32x128xf32, #tpu.memory_space<hbm>>) dst(%dma_wait3A_2785 : memref<32x128xf32, #tpu.memory_space<vmem>>)
      %rem3A_2789 = arith.constant 128 : i32
      %rem3A_2790 = arith.remsi %add3A_2726, %rem3A_2789 : i32
      %and3A_2791 = arith.constant 127 : i32
      %and3A_2792 = arith.andi %squeeze3A_2730, %and3A_2791 : i32
      %broadcast_in_dim3A_2793 = vector.broadcast %and3A_2792 : i32 to vector<16xi32>
      %gather3A_2794 = arith.constant 0 : i32
      %gather3A_2795 = arith.constant 0 : i32
      %gather3A_2796 = tpu.memref_slice %arg11[%rem3A_2728, %gather3A_2794, %gather3A_2795] : memref<4x32x128xf32, #tpu.memory_space<vmem>> -> memref<1x32x128xf32, #tpu.memory_space<vmem>>
      %gather3A_2797 = tpu.memref_squeeze %gather3A_2796 : memref<1x32x128xf32, #tpu.memory_space<vmem>> -> memref<32x128xf32, #tpu.memory_space<vmem>>
      %gather3A_2798 = tpu.vector_load_idx %gather3A_2797[%add3A_5, %broadcast_in_dim3A_2793] : memref<32x128xf32, #tpu.memory_space<vmem>>[vector<16xi32>, vector<16xi32>], vector<16xf32>,
      %swap3A_2799 = arith.index_cast %rem3A_2790 : i32 to index
      %swap3A_2800 = arith.constant 0 : index
      %swap3A_2801 = tpu.vector_load %arg15[%swap3A_2799, %swap3A_2800] {strides = array<i32>} : memref<128x128xf32, #tpu.memory_space<vmem>>, vector<16xf32>,
      tpu.vector_store %arg15[%swap3A_2799, %swap3A_2800], %gather3A_2798 {strides = array<i32>} : memref<128x128xf32, #tpu.memory_space<vmem>>, vector<16xf32>,
      %gather3A_2802 = arith.constant 0 : i32
      %gather3A_2803 = arith.constant 0 : i32
      %gather3A_2804 = tpu.memref_slice %arg11[%rem3A_2728, %gather3A_2802, %gather3A_2803] : memref<4x32x128xf32, #tpu.memory_space<vmem>> -> memref<1x32x128xf32, #tpu.memory_space<vmem>>
      %gather3A_2805 = tpu.memref_squeeze %gather3A_2804 : memref<1x32x128xf32, #tpu.memory_space<vmem>> -> memref<32x128xf32, #tpu.memory_space<vmem>>
      %gather3A_2806 = tpu.vector_load_idx %gather3A_2805[%add3A_9, %broadcast_in_dim3A_2793] : memref<32x128xf32, #tpu.memory_space<vmem>>[vector<16xi32>, vector<16xi32>], vector<16xf32>,
      %swap3A_2807 = arith.index_cast %rem3A_2790 : i32 to index
      %swap3A_2808 = arith.constant 16 : index
      %swap3A_2809 = tpu.vector_load %arg15[%swap3A_2807, %swap3A_2808] {strides = array<i32>} : memref<128x128xf32, #tpu.memory_space<vmem>>, vector<16xf32>,
      tpu.vector_store %arg15[%swap3A_2807, %swap3A_2808], %gather3A_2806 {strides = array<i32>} : memref<128x128xf32, #tpu.memory_space<vmem>>, vector<16xf32>,
      %and3A_2810 = arith.constant 127 : i32
      %and3A_2811 = arith.andi %squeeze3A_2732, %and3A_2810 : i32
      %broadcast_in_dim3A_2812 = vector.broadcast %and3A_2811 : i32 to vector<16xi32>
      %gather3A_2813 = arith.constant 0 : i32
      %gather3A_2814 = arith.constant 0 : i32
      %gather3A_2815 = tpu.memref_slice %arg12[%rem3A_2728, %gather3A_2813, %gather3A_2814] : memref<4x32x128xf32, #tpu.memory_space<vmem>> -> memref<1x32x128xf32, #tpu.memory_space<vmem>>
      %gather3A_2816 = tpu.memref_squeeze %gather3A_2815 : memref<1x32x128xf32, #tpu.memory_space<vmem>> -> memref<32x128xf32, #tpu.memory_space<vmem>>
      %gather3A_2817 = tpu.vector_load_idx %gather3A_2816[%add3A_5, %broadcast_in_dim3A_2812] : memref<32x128xf32, #tpu.memory_space<vmem>>[vector<16xi32>, vector<16xi32>], vector<16xf32>,
      %swap3A_2818 = arith.index_cast %rem3A_2790 : i32 to index
      %swap3A_2819 = arith.constant 32 : index
      %swap3A_2820 = tpu.vector_load %arg15[%swap3A_2818, %swap3A_2819] {strides = array<i32>} : memref<128x128xf32, #tpu.memory_space<vmem>>, vector<16xf32>,
      tpu.vector_store %arg15[%swap3A_2818, %swap3A_2819], %gather3A_2817 {strides = array<i32>} : memref<128x128xf32, #tpu.memory_space<vmem>>, vector<16xf32>,
      %gather3A_2821 = arith.constant 0 : i32
      %gather3A_2822 = arith.constant 0 : i32
      %gather3A_2823 = tpu.memref_slice %arg12[%rem3A_2728, %gather3A_2821, %gather3A_2822] : memref<4x32x128xf32, #tpu.memory_space<vmem>> -> memref<1x32x128xf32, #tpu.memory_space<vmem>>
      %gather3A_2824 = tpu.memref_squeeze %gather3A_2823 : memref<1x32x128xf32, #tpu.memory_space<vmem>> -> memref<32x128xf32, #tpu.memory_space<vmem>>
      %gather3A_2825 = tpu.vector_load_idx %gather3A_2824[%add3A_9, %broadcast_in_dim3A_2812] : memref<32x128xf32, #tpu.memory_space<vmem>>[vector<16xi32>, vector<16xi32>], vector<16xf32>,
      %swap3A_2826 = arith.index_cast %rem3A_2790 : i32 to index
      %swap3A_2827 = arith.constant 48 : index
      %swap3A_2828 = tpu.vector_load %arg15[%swap3A_2826, %swap3A_2827] {strides = array<i32>} : memref<128x128xf32, #tpu.memory_space<vmem>>, vector<16xf32>,
      tpu.vector_store %arg15[%swap3A_2826, %swap3A_2827], %gather3A_2825 {strides = array<i32>} : memref<128x128xf32, #tpu.memory_space<vmem>>, vector<16xf32>,
      %and3A_2829 = arith.constant 127 : i32
      %and3A_2830 = arith.andi %squeeze3A_2730, %and3A_2829 : i32
      %broadcast_in_dim3A_2831 = vector.broadcast %and3A_2830 : i32 to vector<16xi32>
      %gather3A_2832 = arith.constant 0 : i32
      %gather3A_2833 = arith.constant 0 : i32
      %gather3A_2834 = tpu.memref_slice %arg13[%rem3A_2728, %gather3A_2832, %gather3A_2833] : memref<4x32x128xf32, #tpu.memory_space<vmem>> -> memref<1x32x128xf32, #tpu.memory_space<vmem>>
      %gather3A_2835 = tpu.memref_squeeze %gather3A_2834 : memref<1x32x128xf32, #tpu.memory_space<vmem>> -> memref<32x128xf32, #tpu.memory_space<vmem>>
      %gather3A_2836 = tpu.vector_load_idx %gather3A_2835[%add3A_5, %broadcast_in_dim3A_2831] : memref<32x128xf32, #tpu.memory_space<vmem>>[vector<16xi32>, vector<16xi32>], vector<16xf32>,
      %swap3A_2837 = arith.index_cast %rem3A_2790 : i32 to index
      %swap3A_2838 = arith.constant 64 : index
      %swap3A_2839 = tpu.vector_load %arg15[%swap3A_2837, %swap3A_2838] {strides = array<i32>} : memref<128x128xf32, #tpu.memory_space<vmem>>, vector<16xf32>,
      tpu.vector_store %arg15[%swap3A_2837, %swap3A_2838], %gather3A_2836 {strides = array<i32>} : memref<128x128xf32, #tpu.memory_space<vmem>>, vector<16xf32>,
      %gather3A_2840 = arith.constant 0 : i32
      %gather3A_2841 = arith.constant 0 : i32
      %gather3A_2842 = tpu.memref_slice %arg13[%rem3A_2728, %gather3A_2840, %gather3A_2841] : memref<4x32x128xf32, #tpu.memory_space<vmem>> -> memref<1x32x128xf32, #tpu.memory_space<vmem>>
      %gather3A_2843 = tpu.memref_squeeze %gather3A_2842 : memref<1x32x128xf32, #tpu.memory_space<vmem>> -> memref<32x128xf32, #tpu.memory_space<vmem>>
      %gather3A_2844 = tpu.vector_load_idx %gather3A_2843[%add3A_9, %broadcast_in_dim3A_2831] : memref<32x128xf32, #tpu.memory_space<vmem>>[vector<16xi32>, vector<16xi32>], vector<16xf32>,
      %swap3A_2845 = arith.index_cast %rem3A_2790 : i32 to index
      %swap3A_2846 = arith.constant 80 : index
      %swap3A_2847 = tpu.vector_load %arg15[%swap3A_2845, %swap3A_2846] {strides = array<i32>} : memref<128x128xf32, #tpu.memory_space<vmem>>, vector<16xf32>,
      tpu.vector_store %arg15[%swap3A_2845, %swap3A_2846], %gather3A_2844 {strides = array<i32>} : memref<128x128xf32, #tpu.memory_space<vmem>>, vector<16xf32>,
      %and3A_2848 = arith.constant 127 : i32
      %and3A_2849 = arith.andi %squeeze3A_2732, %and3A_2848 : i32
      %broadcast_in_dim3A_2850 = vector.broadcast %and3A_2849 : i32 to vector<16xi32>
      %gather3A_2851 = arith.constant 0 : i32
      %gather3A_2852 = arith.constant 0 : i32
      %gather3A_2853 = tpu.memref_slice %arg14[%rem3A_2728, %gather3A_2851, %gather3A_2852] : memref<4x32x128xf32, #tpu.memory_space<vmem>> -> memref<1x32x128xf32, #tpu.memory_space<vmem>>
      %gather3A_2854 = tpu.memref_squeeze %gather3A_2853 : memref<1x32x128xf32, #tpu.memory_space<vmem>> -> memref<32x128xf32, #tpu.memory_space<vmem>>
      %gather3A_2855 = tpu.vector_load_idx %gather3A_2854[%add3A_5, %broadcast_in_dim3A_2850] : memref<32x128xf32, #tpu.memory_space<vmem>>[vector<16xi32>, vector<16xi32>], vector<16xf32>,
      %swap3A_2856 = arith.index_cast %rem3A_2790 : i32 to index
      %swap3A_2857 = arith.constant 96 : index
      %swap3A_2858 = tpu.vector_load %arg15[%swap3A_2856, %swap3A_2857] {strides = array<i32>} : memref<128x128xf32, #tpu.memory_space<vmem>>, vector<16xf32>,
      tpu.vector_store %arg15[%swap3A_2856, %swap3A_2857], %gather3A_2855 {strides = array<i32>} : memref<128x128xf32, #tpu.memory_space<vmem>>, vector<16xf32>,
      %gather3A_2859 = arith.constant 0 : i32
      %gather3A_2860 = arith.constant 0 : i32
      %gather3A_2861 = tpu.memref_slice %arg14[%rem3A_2728, %gather3A_2859, %gather3A_2860] : memref<4x32x128xf32, #tpu.memory_space<vmem>> -> memref<1x32x128xf32, #tpu.memory_space<vmem>>
      %gather3A_2862 = tpu.memref_squeeze %gather3A_2861 : memref<1x32x128xf32, #tpu.memory_space<vmem>> -> memref<32x128xf32, #tpu.memory_space<vmem>>
      %gather3A_2863 = tpu.vector_load_idx %gather3A_2862[%add3A_9, %broadcast_in_dim3A_2850] : memref<32x128xf32, #tpu.memory_space<vmem>>[vector<16xi32>, vector<16xi32>], vector<16xf32>,
      %swap3A_2864 = arith.index_cast %rem3A_2790 : i32 to index
      %swap3A_2865 = arith.constant 112 : index
      %swap3A_2866 = tpu.vector_load %arg15[%swap3A_2864, %swap3A_2865] {strides = array<i32>} : memref<128x128xf32, #tpu.memory_space<vmem>>, vector<16xf32>,
      tpu.vector_store %arg15[%swap3A_2864, %swap3A_2865], %gather3A_2863 {strides = array<i32>} : memref<128x128xf32, #tpu.memory_space<vmem>>, vector<16xf32>,
      %add3A_2867 = arith.constant 4 : i32
      %add3A_2868 = arith.addi %add3A_2726, %add3A_2867 : i32
      %rem3A_2869 = arith.constant 4 : i32
      %rem3A_2870 = arith.remsi %add3A_2868, %rem3A_2869 : i32
      %slice3A_2871 = vector.extract_strided_slice %get3A_323 {offsets = [15], sizes = [1], strides = [1]} : vector<16xi32> to vector<1xi32>
      %squeeze3A_2872 = vector.extract %slice3A_2871[0] : i32 from vector<1xi32>
      %slice3A_2873 = vector.extract_strided_slice %get3A_325 {offsets = [15], sizes = [1], strides = [1]} : vector<16xi32> to vector<1xi32>
      %squeeze3A_2874 = vector.extract %slice3A_2873[0] : i32 from vector<1xi32>
      %shift_right_logical3A_2875 = arith.constant 7 : i32
      %shift_right_logical3A_2876 = arith.shrui %squeeze3A_2872, %shift_right_logical3A_2875 : i32
      %shift_left3A_2877 = arith.constant 7 : i32
      %shift_left3A_2878 = arith.shli %shift_right_logical3A_2876, %shift_left3A_2877 : i32
      %multiple_of3A_2879 = tpu.assume_multiple %shift_left3A_2878, 128 : i32
      %dma_start3A_2880 = arith.constant 0 : i32
      %dma_start3A_2881 = arith.constant 0 : i32
      %dma_start3A_2882 = tpu.memref_slice %arg11[%rem3A_2870, %dma_start3A_2880, %dma_start3A_2881] : memref<4x32x128xf32, #tpu.memory_space<vmem>> -> memref<1x32x128xf32, #tpu.memory_space<vmem>>
      %dma_start3A_2883 = tpu.memref_squeeze %dma_start3A_2882 : memref<1x32x128xf32, #tpu.memory_space<vmem>> -> memref<32x128xf32, #tpu.memory_space<vmem>>
      %dma_start3A_2884 = arith.constant 0 : i32
      %dma_start3A_2885 = tpu.memref_slice %arg4[%dma_start3A_2884, %multiple_of3A_2879] : memref<32x1000000xf32, #tpu.memory_space<hbm>> -> memref<32x128xf32, #tpu.memory_space<hbm>>
      %dma_start3A_2886 = arith.constant 0 : i32
      %dma_start3A_2887 = arith.constant 0 : i32
      %dma_start3A_2888 = tpu.memref_slice %arg11[%rem3A_2870, %dma_start3A_2886, %dma_start3A_2887] : memref<4x32x128xf32, #tpu.memory_space<vmem>> -> memref<1x32x128xf32, #tpu.memory_space<vmem>>
      %dma_start3A_2889 = tpu.memref_squeeze %dma_start3A_2888 : memref<1x32x128xf32, #tpu.memory_space<vmem>> -> memref<32x128xf32, #tpu.memory_space<vmem>>
      %dma_start3A_2890 = arith.constant 0 : i32
      %dma_start3A_2891 = tpu.memref_slice %arg4[%dma_start3A_2890, %multiple_of3A_2879] : memref<32x1000000xf32, #tpu.memory_space<hbm>> -> memref<32x128xf32, #tpu.memory_space<hbm>>
      tpu.enqueue_dma source(%dma_start3A_2891 : memref<32x128xf32, #tpu.memory_space<hbm>>) target(%dma_start3A_2889 : memref<32x128xf32, #tpu.memory_space<vmem>>) target_semaphore(%arg16 : memref<!tpu.dma_semaphore, #tpu.memory_space<semaphore_mem>>)
      %shift_right_logical3A_2892 = arith.constant 7 : i32
      %shift_right_logical3A_2893 = arith.shrui %squeeze3A_2874, %shift_right_logical3A_2892 : i32
      %shift_left3A_2894 = arith.constant 7 : i32
      %shift_left3A_2895 = arith.shli %shift_right_logical3A_2893, %shift_left3A_2894 : i32
      %multiple_of3A_2896 = tpu.assume_multiple %shift_left3A_2895, 128 : i32
      %dma_start3A_2897 = arith.constant 0 : i32
      %dma_start3A_2898 = arith.constant 0 : i32
      %dma_start3A_2899 = tpu.memref_slice %arg12[%rem3A_2870, %dma_start3A_2897, %dma_start3A_2898] : memref<4x32x128xf32, #tpu.memory_space<vmem>> -> memref<1x32x128xf32, #tpu.memory_space<vmem>>
      %dma_start3A_2900 = tpu.memref_squeeze %dma_start3A_2899 : memref<1x32x128xf32, #tpu.memory_space<vmem>> -> memref<32x128xf32, #tpu.memory_space<vmem>>
      %dma_start3A_2901 = arith.constant 0 : i32
      %dma_start3A_2902 = tpu.memref_slice %arg5[%dma_start3A_2901, %multiple_of3A_2896] : memref<32x1000000xf32, #tpu.memory_space<hbm>> -> memref<32x128xf32, #tpu.memory_space<hbm>>
      %dma_start3A_2903 = arith.constant 0 : i32
      %dma_start3A_2904 = arith.constant 0 : i32
      %dma_start3A_2905 = tpu.memref_slice %arg12[%rem3A_2870, %dma_start3A_2903, %dma_start3A_2904] : memref<4x32x128xf32, #tpu.memory_space<vmem>> -> memref<1x32x128xf32, #tpu.memory_space<vmem>>
      %dma_start3A_2906 = tpu.memref_squeeze %dma_start3A_2905 : memref<1x32x128xf32, #tpu.memory_space<vmem>> -> memref<32x128xf32, #tpu.memory_space<vmem>>
      %dma_start3A_2907 = arith.constant 0 : i32
      %dma_start3A_2908 = tpu.memref_slice %arg5[%dma_start3A_2907, %multiple_of3A_2896] : memref<32x1000000xf32, #tpu.memory_space<hbm>> -> memref<32x128xf32, #tpu.memory_space<hbm>>
      tpu.enqueue_dma source(%dma_start3A_2908 : memref<32x128xf32, #tpu.memory_space<hbm>>) target(%dma_start3A_2906 : memref<32x128xf32, #tpu.memory_space<vmem>>) target_semaphore(%arg16 : memref<!tpu.dma_semaphore, #tpu.memory_space<semaphore_mem>>)
      %shift_right_logical3A_2909 = arith.constant 7 : i32
      %shift_right_logical3A_2910 = arith.shrui %squeeze3A_2872, %shift_right_logical3A_2909 : i32
      %shift_left3A_2911 = arith.constant 7 : i32
      %shift_left3A_2912 = arith.shli %shift_right_logical3A_2910, %shift_left3A_2911 : i32
      %multiple_of3A_2913 = tpu.assume_multiple %shift_left3A_2912, 128 : i32
      %dma_start3A_2914 = arith.constant 0 : i32
      %dma_start3A_2915 = arith.constant 0 : i32
      %dma_start3A_2916 = tpu.memref_slice %arg13[%rem3A_2870, %dma_start3A_2914, %dma_start3A_2915] : memref<4x32x128xf32, #tpu.memory_space<vmem>> -> memref<1x32x128xf32, #tpu.memory_space<vmem>>
      %dma_start3A_2917 = tpu.memref_squeeze %dma_start3A_2916 : memref<1x32x128xf32, #tpu.memory_space<vmem>> -> memref<32x128xf32, #tpu.memory_space<vmem>>
      %dma_start3A_2918 = arith.constant 0 : i32
      %dma_start3A_2919 = tpu.memref_slice %arg6[%dma_start3A_2918, %multiple_of3A_2913] : memref<32x1000000xf32, #tpu.memory_space<hbm>> -> memref<32x128xf32, #tpu.memory_space<hbm>>
      %dma_start3A_2920 = arith.constant 0 : i32
      %dma_start3A_2921 = arith.constant 0 : i32
      %dma_start3A_2922 = tpu.memref_slice %arg13[%rem3A_2870, %dma_start3A_2920, %dma_start3A_2921] : memref<4x32x128xf32, #tpu.memory_space<vmem>> -> memref<1x32x128xf32, #tpu.memory_space<vmem>>
      %dma_start3A_2923 = tpu.memref_squeeze %dma_start3A_2922 : memref<1x32x128xf32, #tpu.memory_space<vmem>> -> memref<32x128xf32, #tpu.memory_space<vmem>>
      %dma_start3A_2924 = arith.constant 0 : i32
      %dma_start3A_2925 = tpu.memref_slice %arg6[%dma_start3A_2924, %multiple_of3A_2913] : memref<32x1000000xf32, #tpu.memory_space<hbm>> -> memref<32x128xf32, #tpu.memory_space<hbm>>
      tpu.enqueue_dma source(%dma_start3A_2925 : memref<32x128xf32, #tpu.memory_space<hbm>>) target(%dma_start3A_2923 : memref<32x128xf32, #tpu.memory_space<vmem>>) target_semaphore(%arg16 : memref<!tpu.dma_semaphore, #tpu.memory_space<semaphore_mem>>)
      %shift_right_logical3A_2926 = arith.constant 7 : i32
      %shift_right_logical3A_2927 = arith.shrui %squeeze3A_2874, %shift_right_logical3A_2926 : i32
      %shift_left3A_2928 = arith.constant 7 : i32
      %shift_left3A_2929 = arith.shli %shift_right_logical3A_2927, %shift_left3A_2928 : i32
      %multiple_of3A_2930 = tpu.assume_multiple %shift_left3A_2929, 128 : i32
      %dma_start3A_2931 = arith.constant 0 : i32
      %dma_start3A_2932 = arith.constant 0 : i32
      %dma_start3A_2933 = tpu.memref_slice %arg14[%rem3A_2870, %dma_start3A_2931, %dma_start3A_2932] : memref<4x32x128xf32, #tpu.memory_space<vmem>> -> memref<1x32x128xf32, #tpu.memory_space<vmem>>
      %dma_start3A_2934 = tpu.memref_squeeze %dma_start3A_2933 : memref<1x32x128xf32, #tpu.memory_space<vmem>> -> memref<32x128xf32, #tpu.memory_space<vmem>>
      %dma_start3A_2935 = arith.constant 0 : i32
      %dma_start3A_2936 = tpu.memref_slice %arg7[%dma_start3A_2935, %multiple_of3A_2930] : memref<32x1000000xf32, #tpu.memory_space<hbm>> -> memref<32x128xf32, #tpu.memory_space<hbm>>
      %dma_start3A_2937 = arith.constant 0 : i32
      %dma_start3A_2938 = arith.constant 0 : i32
      %dma_start3A_2939 = tpu.memref_slice %arg14[%rem3A_2870, %dma_start3A_2937, %dma_start3A_2938] : memref<4x32x128xf32, #tpu.memory_space<vmem>> -> memref<1x32x128xf32, #tpu.memory_space<vmem>>
      %dma_start3A_2940 = tpu.memref_squeeze %dma_start3A_2939 : memref<1x32x128xf32, #tpu.memory_space<vmem>> -> memref<32x128xf32, #tpu.memory_space<vmem>>
      %dma_start3A_2941 = arith.constant 0 : i32
      %dma_start3A_2942 = tpu.memref_slice %arg7[%dma_start3A_2941, %multiple_of3A_2930] : memref<32x1000000xf32, #tpu.memory_space<hbm>> -> memref<32x128xf32, #tpu.memory_space<hbm>>
      tpu.enqueue_dma source(%dma_start3A_2942 : memref<32x128xf32, #tpu.memory_space<hbm>>) target(%dma_start3A_2940 : memref<32x128xf32, #tpu.memory_space<vmem>>) target_semaphore(%arg16 : memref<!tpu.dma_semaphore, #tpu.memory_space<semaphore_mem>>)
      %add3A_2943 = arith.constant 12 : i32
      %add3A_2944 = arith.addi %mul3A_321, %add3A_2943 : i32
      %rem3A_2945 = arith.constant 4 : i32
      %rem3A_2946 = arith.remsi %add3A_2944, %rem3A_2945 : i32
      %slice3A_2947 = vector.extract_strided_slice %get3A_323 {offsets = [12], sizes = [1], strides = [1]} : vector<16xi32> to vector<1xi32>
      %squeeze3A_2948 = vector.extract %slice3A_2947[0] : i32 from vector<1xi32>
      %slice3A_2949 = vector.extract_strided_slice %get3A_325 {offsets = [12], sizes = [1], strides = [1]} : vector<16xi32> to vector<1xi32>
      %squeeze3A_2950 = vector.extract %slice3A_2949[0] : i32 from vector<1xi32>
      %dma_wait3A_2951 = arith.constant 0 : i32
      %dma_wait3A_2952 = arith.constant 0 : i32
      %dma_wait3A_2953 = tpu.memref_slice %arg11[%rem3A_2946, %dma_wait3A_2951, %dma_wait3A_2952] : memref<4x32x128xf32, #tpu.memory_space<vmem>> -> memref<1x32x128xf32, #tpu.memory_space<vmem>>
      %dma_wait3A_2954 = tpu.memref_squeeze %dma_wait3A_2953 : memref<1x32x128xf32, #tpu.memory_space<vmem>> -> memref<32x128xf32, #tpu.memory_space<vmem>>
      %dma_wait3A_2955 = arith.constant 0 : i32
      %dma_wait3A_2956 = arith.constant 0 : i32
      %dma_wait3A_2957 = tpu.memref_slice %arg4[%dma_wait3A_2955, %dma_wait3A_2956] : memref<32x1000000xf32, #tpu.memory_space<hbm>> -> memref<32x128xf32, #tpu.memory_space<hbm>>
      %dma_wait3A_2958 = arith.constant 0 : i32
      %dma_wait3A_2959 = arith.constant 0 : i32
      %dma_wait3A_2960 = tpu.memref_slice %arg11[%rem3A_2946, %dma_wait3A_2958, %dma_wait3A_2959] : memref<4x32x128xf32, #tpu.memory_space<vmem>> -> memref<1x32x128xf32, #tpu.memory_space<vmem>>
      %dma_wait3A_2961 = tpu.memref_squeeze %dma_wait3A_2960 : memref<1x32x128xf32, #tpu.memory_space<vmem>> -> memref<32x128xf32, #tpu.memory_space<vmem>>
      %dma_wait3A_2962 = arith.constant 0 : i32
      %dma_wait3A_2963 = arith.constant 0 : i32
      %dma_wait3A_2964 = tpu.memref_slice %arg4[%dma_wait3A_2962, %dma_wait3A_2963] : memref<32x1000000xf32, #tpu.memory_space<hbm>> -> memref<32x128xf32, #tpu.memory_space<hbm>>
      tpu.wait_dma2 semaphore(%arg16 : memref<!tpu.dma_semaphore, #tpu.memory_space<semaphore_mem>>) src(%dma_wait3A_2964 : memref<32x128xf32, #tpu.memory_space<hbm>>) dst(%dma_wait3A_2961 : memref<32x128xf32, #tpu.memory_space<vmem>>)
      %dma_wait3A_2965 = arith.constant 0 : i32
      %dma_wait3A_2966 = arith.constant 0 : i32
      %dma_wait3A_2967 = tpu.memref_slice %arg12[%rem3A_2946, %dma_wait3A_2965, %dma_wait3A_2966] : memref<4x32x128xf32, #tpu.memory_space<vmem>> -> memref<1x32x128xf32, #tpu.memory_space<vmem>>
      %dma_wait3A_2968 = tpu.memref_squeeze %dma_wait3A_2967 : memref<1x32x128xf32, #tpu.memory_space<vmem>> -> memref<32x128xf32, #tpu.memory_space<vmem>>
      %dma_wait3A_2969 = arith.constant 0 : i32
      %dma_wait3A_2970 = arith.constant 0 : i32
      %dma_wait3A_2971 = tpu.memref_slice %arg5[%dma_wait3A_2969, %dma_wait3A_2970] : memref<32x1000000xf32, #tpu.memory_space<hbm>> -> memref<32x128xf32, #tpu.memory_space<hbm>>
      %dma_wait3A_2972 = arith.constant 0 : i32
      %dma_wait3A_2973 = arith.constant 0 : i32
      %dma_wait3A_2974 = tpu.memref_slice %arg12[%rem3A_2946, %dma_wait3A_2972, %dma_wait3A_2973] : memref<4x32x128xf32, #tpu.memory_space<vmem>> -> memref<1x32x128xf32, #tpu.memory_space<vmem>>
      %dma_wait3A_2975 = tpu.memref_squeeze %dma_wait3A_2974 : memref<1x32x128xf32, #tpu.memory_space<vmem>> -> memref<32x128xf32, #tpu.memory_space<vmem>>
      %dma_wait3A_2976 = arith.constant 0 : i32
      %dma_wait3A_2977 = arith.constant 0 : i32
      %dma_wait3A_2978 = tpu.memref_slice %arg5[%dma_wait3A_2976, %dma_wait3A_2977] : memref<32x1000000xf32, #tpu.memory_space<hbm>> -> memref<32x128xf32, #tpu.memory_space<hbm>>
      tpu.wait_dma2 semaphore(%arg16 : memref<!tpu.dma_semaphore, #tpu.memory_space<semaphore_mem>>) src(%dma_wait3A_2978 : memref<32x128xf32, #tpu.memory_space<hbm>>) dst(%dma_wait3A_2975 : memref<32x128xf32, #tpu.memory_space<vmem>>)
      %dma_wait3A_2979 = arith.constant 0 : i32
      %dma_wait3A_2980 = arith.constant 0 : i32
      %dma_wait3A_2981 = tpu.memref_slice %arg13[%rem3A_2946, %dma_wait3A_2979, %dma_wait3A_2980] : memref<4x32x128xf32, #tpu.memory_space<vmem>> -> memref<1x32x128xf32, #tpu.memory_space<vmem>>
      %dma_wait3A_2982 = tpu.memref_squeeze %dma_wait3A_2981 : memref<1x32x128xf32, #tpu.memory_space<vmem>> -> memref<32x128xf32, #tpu.memory_space<vmem>>
      %dma_wait3A_2983 = arith.constant 0 : i32
      %dma_wait3A_2984 = arith.constant 0 : i32
      %dma_wait3A_2985 = tpu.memref_slice %arg6[%dma_wait3A_2983, %dma_wait3A_2984] : memref<32x1000000xf32, #tpu.memory_space<hbm>> -> memref<32x128xf32, #tpu.memory_space<hbm>>
      %dma_wait3A_2986 = arith.constant 0 : i32
      %dma_wait3A_2987 = arith.constant 0 : i32
      %dma_wait3A_2988 = tpu.memref_slice %arg13[%rem3A_2946, %dma_wait3A_2986, %dma_wait3A_2987] : memref<4x32x128xf32, #tpu.memory_space<vmem>> -> memref<1x32x128xf32, #tpu.memory_space<vmem>>
      %dma_wait3A_2989 = tpu.memref_squeeze %dma_wait3A_2988 : memref<1x32x128xf32, #tpu.memory_space<vmem>> -> memref<32x128xf32, #tpu.memory_space<vmem>>
      %dma_wait3A_2990 = arith.constant 0 : i32
      %dma_wait3A_2991 = arith.constant 0 : i32
      %dma_wait3A_2992 = tpu.memref_slice %arg6[%dma_wait3A_2990, %dma_wait3A_2991] : memref<32x1000000xf32, #tpu.memory_space<hbm>> -> memref<32x128xf32, #tpu.memory_space<hbm>>
      tpu.wait_dma2 semaphore(%arg16 : memref<!tpu.dma_semaphore, #tpu.memory_space<semaphore_mem>>) src(%dma_wait3A_2992 : memref<32x128xf32, #tpu.memory_space<hbm>>) dst(%dma_wait3A_2989 : memref<32x128xf32, #tpu.memory_space<vmem>>)
      %dma_wait3A_2993 = arith.constant 0 : i32
      %dma_wait3A_2994 = arith.constant 0 : i32
      %dma_wait3A_2995 = tpu.memref_slice %arg14[%rem3A_2946, %dma_wait3A_2993, %dma_wait3A_2994] : memref<4x32x128xf32, #tpu.memory_space<vmem>> -> memref<1x32x128xf32, #tpu.memory_space<vmem>>
      %dma_wait3A_2996 = tpu.memref_squeeze %dma_wait3A_2995 : memref<1x32x128xf32, #tpu.memory_space<vmem>> -> memref<32x128xf32, #tpu.memory_space<vmem>>
      %dma_wait3A_2997 = arith.constant 0 : i32
      %dma_wait3A_2998 = arith.constant 0 : i32
      %dma_wait3A_2999 = tpu.memref_slice %arg7[%dma_wait3A_2997, %dma_wait3A_2998] : memref<32x1000000xf32, #tpu.memory_space<hbm>> -> memref<32x128xf32, #tpu.memory_space<hbm>>
      %dma_wait3A_3000 = arith.constant 0 : i32
      %dma_wait3A_3001 = arith.constant 0 : i32
      %dma_wait3A_3002 = tpu.memref_slice %arg14[%rem3A_2946, %dma_wait3A_3000, %dma_wait3A_3001] : memref<4x32x128xf32, #tpu.memory_space<vmem>> -> memref<1x32x128xf32, #tpu.memory_space<vmem>>
      %dma_wait3A_3003 = tpu.memref_squeeze %dma_wait3A_3002 : memref<1x32x128xf32, #tpu.memory_space<vmem>> -> memref<32x128xf32, #tpu.memory_space<vmem>>
      %dma_wait3A_3004 = arith.constant 0 : i32
      %dma_wait3A_3005 = arith.constant 0 : i32
      %dma_wait3A_3006 = tpu.memref_slice %arg7[%dma_wait3A_3004, %dma_wait3A_3005] : memref<32x1000000xf32, #tpu.memory_space<hbm>> -> memref<32x128xf32, #tpu.memory_space<hbm>>
      tpu.wait_dma2 semaphore(%arg16 : memref<!tpu.dma_semaphore, #tpu.memory_space<semaphore_mem>>) src(%dma_wait3A_3006 : memref<32x128xf32, #tpu.memory_space<hbm>>) dst(%dma_wait3A_3003 : memref<32x128xf32, #tpu.memory_space<vmem>>)
      %rem3A_3007 = arith.constant 128 : i32
      %rem3A_3008 = arith.remsi %add3A_2944, %rem3A_3007 : i32
      %and3A_3009 = arith.constant 127 : i32
      %and3A_3010 = arith.andi %squeeze3A_2948, %and3A_3009 : i32
      %broadcast_in_dim3A_3011 = vector.broadcast %and3A_3010 : i32 to vector<16xi32>
      %gather3A_3012 = arith.constant 0 : i32
      %gather3A_3013 = arith.constant 0 : i32
      %gather3A_3014 = tpu.memref_slice %arg11[%rem3A_2946, %gather3A_3012, %gather3A_3013] : memref<4x32x128xf32, #tpu.memory_space<vmem>> -> memref<1x32x128xf32, #tpu.memory_space<vmem>>
      %gather3A_3015 = tpu.memref_squeeze %gather3A_3014 : memref<1x32x128xf32, #tpu.memory_space<vmem>> -> memref<32x128xf32, #tpu.memory_space<vmem>>
      %gather3A_3016 = tpu.vector_load_idx %gather3A_3015[%add3A_5, %broadcast_in_dim3A_3011] : memref<32x128xf32, #tpu.memory_space<vmem>>[vector<16xi32>, vector<16xi32>], vector<16xf32>,
      %swap3A_3017 = arith.index_cast %rem3A_3008 : i32 to index
      %swap3A_3018 = arith.constant 0 : index
      %swap3A_3019 = tpu.vector_load %arg15[%swap3A_3017, %swap3A_3018] {strides = array<i32>} : memref<128x128xf32, #tpu.memory_space<vmem>>, vector<16xf32>,
      tpu.vector_store %arg15[%swap3A_3017, %swap3A_3018], %gather3A_3016 {strides = array<i32>} : memref<128x128xf32, #tpu.memory_space<vmem>>, vector<16xf32>,
      %gather3A_3020 = arith.constant 0 : i32
      %gather3A_3021 = arith.constant 0 : i32
      %gather3A_3022 = tpu.memref_slice %arg11[%rem3A_2946, %gather3A_3020, %gather3A_3021] : memref<4x32x128xf32, #tpu.memory_space<vmem>> -> memref<1x32x128xf32, #tpu.memory_space<vmem>>
      %gather3A_3023 = tpu.memref_squeeze %gather3A_3022 : memref<1x32x128xf32, #tpu.memory_space<vmem>> -> memref<32x128xf32, #tpu.memory_space<vmem>>
      %gather3A_3024 = tpu.vector_load_idx %gather3A_3023[%add3A_9, %broadcast_in_dim3A_3011] : memref<32x128xf32, #tpu.memory_space<vmem>>[vector<16xi32>, vector<16xi32>], vector<16xf32>,
      %swap3A_3025 = arith.index_cast %rem3A_3008 : i32 to index
      %swap3A_3026 = arith.constant 16 : index
      %swap3A_3027 = tpu.vector_load %arg15[%swap3A_3025, %swap3A_3026] {strides = array<i32>} : memref<128x128xf32, #tpu.memory_space<vmem>>, vector<16xf32>,
      tpu.vector_store %arg15[%swap3A_3025, %swap3A_3026], %gather3A_3024 {strides = array<i32>} : memref<128x128xf32, #tpu.memory_space<vmem>>, vector<16xf32>,
      %and3A_3028 = arith.constant 127 : i32
      %and3A_3029 = arith.andi %squeeze3A_2950, %and3A_3028 : i32
      %broadcast_in_dim3A_3030 = vector.broadcast %and3A_3029 : i32 to vector<16xi32>
      %gather3A_3031 = arith.constant 0 : i32
      %gather3A_3032 = arith.constant 0 : i32
      %gather3A_3033 = tpu.memref_slice %arg12[%rem3A_2946, %gather3A_3031, %gather3A_3032] : memref<4x32x128xf32, #tpu.memory_space<vmem>> -> memref<1x32x128xf32, #tpu.memory_space<vmem>>
      %gather3A_3034 = tpu.memref_squeeze %gather3A_3033 : memref<1x32x128xf32, #tpu.memory_space<vmem>> -> memref<32x128xf32, #tpu.memory_space<vmem>>
      %gather3A_3035 = tpu.vector_load_idx %gather3A_3034[%add3A_5, %broadcast_in_dim3A_3030] : memref<32x128xf32, #tpu.memory_space<vmem>>[vector<16xi32>, vector<16xi32>], vector<16xf32>,
      %swap3A_3036 = arith.index_cast %rem3A_3008 : i32 to index
      %swap3A_3037 = arith.constant 32 : index
      %swap3A_3038 = tpu.vector_load %arg15[%swap3A_3036, %swap3A_3037] {strides = array<i32>} : memref<128x128xf32, #tpu.memory_space<vmem>>, vector<16xf32>,
      tpu.vector_store %arg15[%swap3A_3036, %swap3A_3037], %gather3A_3035 {strides = array<i32>} : memref<128x128xf32, #tpu.memory_space<vmem>>, vector<16xf32>,
      %gather3A_3039 = arith.constant 0 : i32
      %gather3A_3040 = arith.constant 0 : i32
      %gather3A_3041 = tpu.memref_slice %arg12[%rem3A_2946, %gather3A_3039, %gather3A_3040] : memref<4x32x128xf32, #tpu.memory_space<vmem>> -> memref<1x32x128xf32, #tpu.memory_space<vmem>>
      %gather3A_3042 = tpu.memref_squeeze %gather3A_3041 : memref<1x32x128xf32, #tpu.memory_space<vmem>> -> memref<32x128xf32, #tpu.memory_space<vmem>>
      %gather3A_3043 = tpu.vector_load_idx %gather3A_3042[%add3A_9, %broadcast_in_dim3A_3030] : memref<32x128xf32, #tpu.memory_space<vmem>>[vector<16xi32>, vector<16xi32>], vector<16xf32>,
      %swap3A_3044 = arith.index_cast %rem3A_3008 : i32 to index
      %swap3A_3045 = arith.constant 48 : index
      %swap3A_3046 = tpu.vector_load %arg15[%swap3A_3044, %swap3A_3045] {strides = array<i32>} : memref<128x128xf32, #tpu.memory_space<vmem>>, vector<16xf32>,
      tpu.vector_store %arg15[%swap3A_3044, %swap3A_3045], %gather3A_3043 {strides = array<i32>} : memref<128x128xf32, #tpu.memory_space<vmem>>, vector<16xf32>,
      %and3A_3047 = arith.constant 127 : i32
      %and3A_3048 = arith.andi %squeeze3A_2948, %and3A_3047 : i32
      %broadcast_in_dim3A_3049 = vector.broadcast %and3A_3048 : i32 to vector<16xi32>
      %gather3A_3050 = arith.constant 0 : i32
      %gather3A_3051 = arith.constant 0 : i32
      %gather3A_3052 = tpu.memref_slice %arg13[%rem3A_2946, %gather3A_3050, %gather3A_3051] : memref<4x32x128xf32, #tpu.memory_space<vmem>> -> memref<1x32x128xf32, #tpu.memory_space<vmem>>
      %gather3A_3053 = tpu.memref_squeeze %gather3A_3052 : memref<1x32x128xf32, #tpu.memory_space<vmem>> -> memref<32x128xf32, #tpu.memory_space<vmem>>
      %gather3A_3054 = tpu.vector_load_idx %gather3A_3053[%add3A_5, %broadcast_in_dim3A_3049] : memref<32x128xf32, #tpu.memory_space<vmem>>[vector<16xi32>, vector<16xi32>], vector<16xf32>,
      %swap3A_3055 = arith.index_cast %rem3A_3008 : i32 to index
      %swap3A_3056 = arith.constant 64 : index
      %swap3A_3057 = tpu.vector_load %arg15[%swap3A_3055, %swap3A_3056] {strides = array<i32>} : memref<128x128xf32, #tpu.memory_space<vmem>>, vector<16xf32>,
      tpu.vector_store %arg15[%swap3A_3055, %swap3A_3056], %gather3A_3054 {strides = array<i32>} : memref<128x128xf32, #tpu.memory_space<vmem>>, vector<16xf32>,
      %gather3A_3058 = arith.constant 0 : i32
      %gather3A_3059 = arith.constant 0 : i32
      %gather3A_3060 = tpu.memref_slice %arg13[%rem3A_2946, %gather3A_3058, %gather3A_3059] : memref<4x32x128xf32, #tpu.memory_space<vmem>> -> memref<1x32x128xf32, #tpu.memory_space<vmem>>
      %gather3A_3061 = tpu.memref_squeeze %gather3A_3060 : memref<1x32x128xf32, #tpu.memory_space<vmem>> -> memref<32x128xf32, #tpu.memory_space<vmem>>
      %gather3A_3062 = tpu.vector_load_idx %gather3A_3061[%add3A_9, %broadcast_in_dim3A_3049] : memref<32x128xf32, #tpu.memory_space<vmem>>[vector<16xi32>, vector<16xi32>], vector<16xf32>,
      %swap3A_3063 = arith.index_cast %rem3A_3008 : i32 to index
      %swap3A_3064 = arith.constant 80 : index
      %swap3A_3065 = tpu.vector_load %arg15[%swap3A_3063, %swap3A_3064] {strides = array<i32>} : memref<128x128xf32, #tpu.memory_space<vmem>>, vector<16xf32>,
      tpu.vector_store %arg15[%swap3A_3063, %swap3A_3064], %gather3A_3062 {strides = array<i32>} : memref<128x128xf32, #tpu.memory_space<vmem>>, vector<16xf32>,
      %and3A_3066 = arith.constant 127 : i32
      %and3A_3067 = arith.andi %squeeze3A_2950, %and3A_3066 : i32
      %broadcast_in_dim3A_3068 = vector.broadcast %and3A_3067 : i32 to vector<16xi32>
      %gather3A_3069 = arith.constant 0 : i32
      %gather3A_3070 = arith.constant 0 : i32
      %gather3A_3071 = tpu.memref_slice %arg14[%rem3A_2946, %gather3A_3069, %gather3A_3070] : memref<4x32x128xf32, #tpu.memory_space<vmem>> -> memref<1x32x128xf32, #tpu.memory_space<vmem>>
      %gather3A_3072 = tpu.memref_squeeze %gather3A_3071 : memref<1x32x128xf32, #tpu.memory_space<vmem>> -> memref<32x128xf32, #tpu.memory_space<vmem>>
      %gather3A_3073 = tpu.vector_load_idx %gather3A_3072[%add3A_5, %broadcast_in_dim3A_3068] : memref<32x128xf32, #tpu.memory_space<vmem>>[vector<16xi32>, vector<16xi32>], vector<16xf32>,
      %swap3A_3074 = arith.index_cast %rem3A_3008 : i32 to index
      %swap3A_3075 = arith.constant 96 : index
      %swap3A_3076 = tpu.vector_load %arg15[%swap3A_3074, %swap3A_3075] {strides = array<i32>} : memref<128x128xf32, #tpu.memory_space<vmem>>, vector<16xf32>,
      tpu.vector_store %arg15[%swap3A_3074, %swap3A_3075], %gather3A_3073 {strides = array<i32>} : memref<128x128xf32, #tpu.memory_space<vmem>>, vector<16xf32>,
      %gather3A_3077 = arith.constant 0 : i32
      %gather3A_3078 = arith.constant 0 : i32
      %gather3A_3079 = tpu.memref_slice %arg14[%rem3A_2946, %gather3A_3077, %gather3A_3078] : memref<4x32x128xf32, #tpu.memory_space<vmem>> -> memref<1x32x128xf32, #tpu.memory_space<vmem>>
      %gather3A_3080 = tpu.memref_squeeze %gather3A_3079 : memref<1x32x128xf32, #tpu.memory_space<vmem>> -> memref<32x128xf32, #tpu.memory_space<vmem>>
      %gather3A_3081 = tpu.vector_load_idx %gather3A_3080[%add3A_9, %broadcast_in_dim3A_3068] : memref<32x128xf32, #tpu.memory_space<vmem>>[vector<16xi32>, vector<16xi32>], vector<16xf32>,
      %swap3A_3082 = arith.index_cast %rem3A_3008 : i32 to index
      %swap3A_3083 = arith.constant 112 : index
      %swap3A_3084 = tpu.vector_load %arg15[%swap3A_3082, %swap3A_3083] {strides = array<i32>} : memref<128x128xf32, #tpu.memory_space<vmem>>, vector<16xf32>,
      tpu.vector_store %arg15[%swap3A_3082, %swap3A_3083], %gather3A_3081 {strides = array<i32>} : memref<128x128xf32, #tpu.memory_space<vmem>>, vector<16xf32>,
      %add3A_3085 = arith.constant 4 : i32
      %add3A_3086 = arith.addi %add3A_2944, %add3A_3085 : i32
      %rem3A_3087 = arith.constant 4 : i32
      %rem3A_3088 = arith.remsi %add3A_3086, %rem3A_3087 : i32
      %lt3A = arith.constant 31 : i32
      %lt3A_3089 = arith.cmpi slt, %add3A_319, %lt3A : i32
      %convert_element_type3A = arith.extui %lt3A_3089 : i1 to i32
      %cond3A = arith.constant 0 : i32
      %cond3A_3090 = arith.cmpi ne, %convert_element_type3A, %cond3A : i32
      scf.if %cond3A_3090 {
        %slice3A_3550 = vector.extract_strided_slice %get3A_330 {offsets = [0], sizes = [1], strides = [1]} : vector<16xi32> to vector<1xi32>
        %squeeze3A_3551 = vector.extract %slice3A_3550[0] : i32 from vector<1xi32>
        %slice3A_3552 = vector.extract_strided_slice %get3A_332 {offsets = [0], sizes = [1], strides = [1]} : vector<16xi32> to vector<1xi32>
        %squeeze3A_3553 = vector.extract %slice3A_3552[0] : i32 from vector<1xi32>
        %shift_right_logical3A_3554 = arith.constant 7 : i32
        %shift_right_logical3A_3555 = arith.shrui %squeeze3A_3551, %shift_right_logical3A_3554 : i32
        %shift_left3A_3556 = arith.constant 7 : i32
        %shift_left3A_3557 = arith.shli %shift_right_logical3A_3555, %shift_left3A_3556 : i32
        %multiple_of3A_3558 = tpu.assume_multiple %shift_left3A_3557, 128 : i32
        %dma_start3A_3559 = arith.constant 0 : i32
        %dma_start3A_3560 = arith.constant 0 : i32
        %dma_start3A_3561 = tpu.memref_slice %arg11[%rem3A_3088, %dma_start3A_3559, %dma_start3A_3560] : memref<4x32x128xf32, #tpu.memory_space<vmem>> -> memref<1x32x128xf32, #tpu.memory_space<vmem>>
        %dma_start3A_3562 = tpu.memref_squeeze %dma_start3A_3561 : memref<1x32x128xf32, #tpu.memory_space<vmem>> -> memref<32x128xf32, #tpu.memory_space<vmem>>
        %dma_start3A_3563 = arith.constant 0 : i32
        %dma_start3A_3564 = tpu.memref_slice %arg4[%dma_start3A_3563, %multiple_of3A_3558] : memref<32x1000000xf32, #tpu.memory_space<hbm>> -> memref<32x128xf32, #tpu.memory_space<hbm>>
        %dma_start3A_3565 = arith.constant 0 : i32
        %dma_start3A_3566 = arith.constant 0 : i32
        %dma_start3A_3567 = tpu.memref_slice %arg11[%rem3A_3088, %dma_start3A_3565, %dma_start3A_3566] : memref<4x32x128xf32, #tpu.memory_space<vmem>> -> memref<1x32x128xf32, #tpu.memory_space<vmem>>
        %dma_start3A_3568 = tpu.memref_squeeze %dma_start3A_3567 : memref<1x32x128xf32, #tpu.memory_space<vmem>> -> memref<32x128xf32, #tpu.memory_space<vmem>>
        %dma_start3A_3569 = arith.constant 0 : i32
        %dma_start3A_3570 = tpu.memref_slice %arg4[%dma_start3A_3569, %multiple_of3A_3558] : memref<32x1000000xf32, #tpu.memory_space<hbm>> -> memref<32x128xf32, #tpu.memory_space<hbm>>
        tpu.enqueue_dma source(%dma_start3A_3570 : memref<32x128xf32, #tpu.memory_space<hbm>>) target(%dma_start3A_3568 : memref<32x128xf32, #tpu.memory_space<vmem>>) target_semaphore(%arg16 : memref<!tpu.dma_semaphore, #tpu.memory_space<semaphore_mem>>)
        %shift_right_logical3A_3571 = arith.constant 7 : i32
        %shift_right_logical3A_3572 = arith.shrui %squeeze3A_3553, %shift_right_logical3A_3571 : i32
        %shift_left3A_3573 = arith.constant 7 : i32
        %shift_left3A_3574 = arith.shli %shift_right_logical3A_3572, %shift_left3A_3573 : i32
        %multiple_of3A_3575 = tpu.assume_multiple %shift_left3A_3574, 128 : i32
        %dma_start3A_3576 = arith.constant 0 : i32
        %dma_start3A_3577 = arith.constant 0 : i32
        %dma_start3A_3578 = tpu.memref_slice %arg12[%rem3A_3088, %dma_start3A_3576, %dma_start3A_3577] : memref<4x32x128xf32, #tpu.memory_space<vmem>> -> memref<1x32x128xf32, #tpu.memory_space<vmem>>
        %dma_start3A_3579 = tpu.memref_squeeze %dma_start3A_3578 : memref<1x32x128xf32, #tpu.memory_space<vmem>> -> memref<32x128xf32, #tpu.memory_space<vmem>>
        %dma_start3A_3580 = arith.constant 0 : i32
        %dma_start3A_3581 = tpu.memref_slice %arg5[%dma_start3A_3580, %multiple_of3A_3575] : memref<32x1000000xf32, #tpu.memory_space<hbm>> -> memref<32x128xf32, #tpu.memory_space<hbm>>
        %dma_start3A_3582 = arith.constant 0 : i32
        %dma_start3A_3583 = arith.constant 0 : i32
        %dma_start3A_3584 = tpu.memref_slice %arg12[%rem3A_3088, %dma_start3A_3582, %dma_start3A_3583] : memref<4x32x128xf32, #tpu.memory_space<vmem>> -> memref<1x32x128xf32, #tpu.memory_space<vmem>>
        %dma_start3A_3585 = tpu.memref_squeeze %dma_start3A_3584 : memref<1x32x128xf32, #tpu.memory_space<vmem>> -> memref<32x128xf32, #tpu.memory_space<vmem>>
        %dma_start3A_3586 = arith.constant 0 : i32
        %dma_start3A_3587 = tpu.memref_slice %arg5[%dma_start3A_3586, %multiple_of3A_3575] : memref<32x1000000xf32, #tpu.memory_space<hbm>> -> memref<32x128xf32, #tpu.memory_space<hbm>>
        tpu.enqueue_dma source(%dma_start3A_3587 : memref<32x128xf32, #tpu.memory_space<hbm>>) target(%dma_start3A_3585 : memref<32x128xf32, #tpu.memory_space<vmem>>) target_semaphore(%arg16 : memref<!tpu.dma_semaphore, #tpu.memory_space<semaphore_mem>>)
        %shift_right_logical3A_3588 = arith.constant 7 : i32
        %shift_right_logical3A_3589 = arith.shrui %squeeze3A_3551, %shift_right_logical3A_3588 : i32
        %shift_left3A_3590 = arith.constant 7 : i32
        %shift_left3A_3591 = arith.shli %shift_right_logical3A_3589, %shift_left3A_3590 : i32
        %multiple_of3A_3592 = tpu.assume_multiple %shift_left3A_3591, 128 : i32
        %dma_start3A_3593 = arith.constant 0 : i32
        %dma_start3A_3594 = arith.constant 0 : i32
        %dma_start3A_3595 = tpu.memref_slice %arg13[%rem3A_3088, %dma_start3A_3593, %dma_start3A_3594] : memref<4x32x128xf32, #tpu.memory_space<vmem>> -> memref<1x32x128xf32, #tpu.memory_space<vmem>>
        %dma_start3A_3596 = tpu.memref_squeeze %dma_start3A_3595 : memref<1x32x128xf32, #tpu.memory_space<vmem>> -> memref<32x128xf32, #tpu.memory_space<vmem>>
        %dma_start3A_3597 = arith.constant 0 : i32
        %dma_start3A_3598 = tpu.memref_slice %arg6[%dma_start3A_3597, %multiple_of3A_3592] : memref<32x1000000xf32, #tpu.memory_space<hbm>> -> memref<32x128xf32, #tpu.memory_space<hbm>>
        %dma_start3A_3599 = arith.constant 0 : i32
        %dma_start3A_3600 = arith.constant 0 : i32
        %dma_start3A_3601 = tpu.memref_slice %arg13[%rem3A_3088, %dma_start3A_3599, %dma_start3A_3600] : memref<4x32x128xf32, #tpu.memory_space<vmem>> -> memref<1x32x128xf32, #tpu.memory_space<vmem>>
        %dma_start3A_3602 = tpu.memref_squeeze %dma_start3A_3601 : memref<1x32x128xf32, #tpu.memory_space<vmem>> -> memref<32x128xf32, #tpu.memory_space<vmem>>
        %dma_start3A_3603 = arith.constant 0 : i32
        %dma_start3A_3604 = tpu.memref_slice %arg6[%dma_start3A_3603, %multiple_of3A_3592] : memref<32x1000000xf32, #tpu.memory_space<hbm>> -> memref<32x128xf32, #tpu.memory_space<hbm>>
        tpu.enqueue_dma source(%dma_start3A_3604 : memref<32x128xf32, #tpu.memory_space<hbm>>) target(%dma_start3A_3602 : memref<32x128xf32, #tpu.memory_space<vmem>>) target_semaphore(%arg16 : memref<!tpu.dma_semaphore, #tpu.memory_space<semaphore_mem>>)
        %shift_right_logical3A_3605 = arith.constant 7 : i32
        %shift_right_logical3A_3606 = arith.shrui %squeeze3A_3553, %shift_right_logical3A_3605 : i32
        %shift_left3A_3607 = arith.constant 7 : i32
        %shift_left3A_3608 = arith.shli %shift_right_logical3A_3606, %shift_left3A_3607 : i32
        %multiple_of3A_3609 = tpu.assume_multiple %shift_left3A_3608, 128 : i32
        %dma_start3A_3610 = arith.constant 0 : i32
        %dma_start3A_3611 = arith.constant 0 : i32
        %dma_start3A_3612 = tpu.memref_slice %arg14[%rem3A_3088, %dma_start3A_3610, %dma_start3A_3611] : memref<4x32x128xf32, #tpu.memory_space<vmem>> -> memref<1x32x128xf32, #tpu.memory_space<vmem>>
        %dma_start3A_3613 = tpu.memref_squeeze %dma_start3A_3612 : memref<1x32x128xf32, #tpu.memory_space<vmem>> -> memref<32x128xf32, #tpu.memory_space<vmem>>
        %dma_start3A_3614 = arith.constant 0 : i32
        %dma_start3A_3615 = tpu.memref_slice %arg7[%dma_start3A_3614, %multiple_of3A_3609] : memref<32x1000000xf32, #tpu.memory_space<hbm>> -> memref<32x128xf32, #tpu.memory_space<hbm>>
        %dma_start3A_3616 = arith.constant 0 : i32
        %dma_start3A_3617 = arith.constant 0 : i32
        %dma_start3A_3618 = tpu.memref_slice %arg14[%rem3A_3088, %dma_start3A_3616, %dma_start3A_3617] : memref<4x32x128xf32, #tpu.memory_space<vmem>> -> memref<1x32x128xf32, #tpu.memory_space<vmem>>
        %dma_start3A_3619 = tpu.memref_squeeze %dma_start3A_3618 : memref<1x32x128xf32, #tpu.memory_space<vmem>> -> memref<32x128xf32, #tpu.memory_space<vmem>>
        %dma_start3A_3620 = arith.constant 0 : i32
        %dma_start3A_3621 = tpu.memref_slice %arg7[%dma_start3A_3620, %multiple_of3A_3609] : memref<32x1000000xf32, #tpu.memory_space<hbm>> -> memref<32x128xf32, #tpu.memory_space<hbm>>
        tpu.enqueue_dma source(%dma_start3A_3621 : memref<32x128xf32, #tpu.memory_space<hbm>>) target(%dma_start3A_3619 : memref<32x128xf32, #tpu.memory_space<vmem>>) target_semaphore(%arg16 : memref<!tpu.dma_semaphore, #tpu.memory_space<semaphore_mem>>)
      } else {
      }
      %add3A_3091 = arith.constant 13 : i32
      %add3A_3092 = arith.addi %mul3A_321, %add3A_3091 : i32
      %rem3A_3093 = arith.constant 4 : i32
      %rem3A_3094 = arith.remsi %add3A_3092, %rem3A_3093 : i32
      %slice3A_3095 = vector.extract_strided_slice %get3A_323 {offsets = [13], sizes = [1], strides = [1]} : vector<16xi32> to vector<1xi32>
      %squeeze3A_3096 = vector.extract %slice3A_3095[0] : i32 from vector<1xi32>
      %slice3A_3097 = vector.extract_strided_slice %get3A_325 {offsets = [13], sizes = [1], strides = [1]} : vector<16xi32> to vector<1xi32>
      %squeeze3A_3098 = vector.extract %slice3A_3097[0] : i32 from vector<1xi32>
      %dma_wait3A_3099 = arith.constant 0 : i32
      %dma_wait3A_3100 = arith.constant 0 : i32
      %dma_wait3A_3101 = tpu.memref_slice %arg11[%rem3A_3094, %dma_wait3A_3099, %dma_wait3A_3100] : memref<4x32x128xf32, #tpu.memory_space<vmem>> -> memref<1x32x128xf32, #tpu.memory_space<vmem>>
      %dma_wait3A_3102 = tpu.memref_squeeze %dma_wait3A_3101 : memref<1x32x128xf32, #tpu.memory_space<vmem>> -> memref<32x128xf32, #tpu.memory_space<vmem>>
      %dma_wait3A_3103 = arith.constant 0 : i32
      %dma_wait3A_3104 = arith.constant 0 : i32
      %dma_wait3A_3105 = tpu.memref_slice %arg4[%dma_wait3A_3103, %dma_wait3A_3104] : memref<32x1000000xf32, #tpu.memory_space<hbm>> -> memref<32x128xf32, #tpu.memory_space<hbm>>
      %dma_wait3A_3106 = arith.constant 0 : i32
      %dma_wait3A_3107 = arith.constant 0 : i32
      %dma_wait3A_3108 = tpu.memref_slice %arg11[%rem3A_3094, %dma_wait3A_3106, %dma_wait3A_3107] : memref<4x32x128xf32, #tpu.memory_space<vmem>> -> memref<1x32x128xf32, #tpu.memory_space<vmem>>
      %dma_wait3A_3109 = tpu.memref_squeeze %dma_wait3A_3108 : memref<1x32x128xf32, #tpu.memory_space<vmem>> -> memref<32x128xf32, #tpu.memory_space<vmem>>
      %dma_wait3A_3110 = arith.constant 0 : i32
      %dma_wait3A_3111 = arith.constant 0 : i32
      %dma_wait3A_3112 = tpu.memref_slice %arg4[%dma_wait3A_3110, %dma_wait3A_3111] : memref<32x1000000xf32, #tpu.memory_space<hbm>> -> memref<32x128xf32, #tpu.memory_space<hbm>>
      tpu.wait_dma2 semaphore(%arg16 : memref<!tpu.dma_semaphore, #tpu.memory_space<semaphore_mem>>) src(%dma_wait3A_3112 : memref<32x128xf32, #tpu.memory_space<hbm>>) dst(%dma_wait3A_3109 : memref<32x128xf32, #tpu.memory_space<vmem>>)
      %dma_wait3A_3113 = arith.constant 0 : i32
      %dma_wait3A_3114 = arith.constant 0 : i32
      %dma_wait3A_3115 = tpu.memref_slice %arg12[%rem3A_3094, %dma_wait3A_3113, %dma_wait3A_3114] : memref<4x32x128xf32, #tpu.memory_space<vmem>> -> memref<1x32x128xf32, #tpu.memory_space<vmem>>
      %dma_wait3A_3116 = tpu.memref_squeeze %dma_wait3A_3115 : memref<1x32x128xf32, #tpu.memory_space<vmem>> -> memref<32x128xf32, #tpu.memory_space<vmem>>
      %dma_wait3A_3117 = arith.constant 0 : i32
      %dma_wait3A_3118 = arith.constant 0 : i32
      %dma_wait3A_3119 = tpu.memref_slice %arg5[%dma_wait3A_3117, %dma_wait3A_3118] : memref<32x1000000xf32, #tpu.memory_space<hbm>> -> memref<32x128xf32, #tpu.memory_space<hbm>>
      %dma_wait3A_3120 = arith.constant 0 : i32
      %dma_wait3A_3121 = arith.constant 0 : i32
      %dma_wait3A_3122 = tpu.memref_slice %arg12[%rem3A_3094, %dma_wait3A_3120, %dma_wait3A_3121] : memref<4x32x128xf32, #tpu.memory_space<vmem>> -> memref<1x32x128xf32, #tpu.memory_space<vmem>>
      %dma_wait3A_3123 = tpu.memref_squeeze %dma_wait3A_3122 : memref<1x32x128xf32, #tpu.memory_space<vmem>> -> memref<32x128xf32, #tpu.memory_space<vmem>>
      %dma_wait3A_3124 = arith.constant 0 : i32
      %dma_wait3A_3125 = arith.constant 0 : i32
      %dma_wait3A_3126 = tpu.memref_slice %arg5[%dma_wait3A_3124, %dma_wait3A_3125] : memref<32x1000000xf32, #tpu.memory_space<hbm>> -> memref<32x128xf32, #tpu.memory_space<hbm>>
      tpu.wait_dma2 semaphore(%arg16 : memref<!tpu.dma_semaphore, #tpu.memory_space<semaphore_mem>>) src(%dma_wait3A_3126 : memref<32x128xf32, #tpu.memory_space<hbm>>) dst(%dma_wait3A_3123 : memref<32x128xf32, #tpu.memory_space<vmem>>)
      %dma_wait3A_3127 = arith.constant 0 : i32
      %dma_wait3A_3128 = arith.constant 0 : i32
      %dma_wait3A_3129 = tpu.memref_slice %arg13[%rem3A_3094, %dma_wait3A_3127, %dma_wait3A_3128] : memref<4x32x128xf32, #tpu.memory_space<vmem>> -> memref<1x32x128xf32, #tpu.memory_space<vmem>>
      %dma_wait3A_3130 = tpu.memref_squeeze %dma_wait3A_3129 : memref<1x32x128xf32, #tpu.memory_space<vmem>> -> memref<32x128xf32, #tpu.memory_space<vmem>>
      %dma_wait3A_3131 = arith.constant 0 : i32
      %dma_wait3A_3132 = arith.constant 0 : i32
      %dma_wait3A_3133 = tpu.memref_slice %arg6[%dma_wait3A_3131, %dma_wait3A_3132] : memref<32x1000000xf32, #tpu.memory_space<hbm>> -> memref<32x128xf32, #tpu.memory_space<hbm>>
      %dma_wait3A_3134 = arith.constant 0 : i32
      %dma_wait3A_3135 = arith.constant 0 : i32
      %dma_wait3A_3136 = tpu.memref_slice %arg13[%rem3A_3094, %dma_wait3A_3134, %dma_wait3A_3135] : memref<4x32x128xf32, #tpu.memory_space<vmem>> -> memref<1x32x128xf32, #tpu.memory_space<vmem>>
      %dma_wait3A_3137 = tpu.memref_squeeze %dma_wait3A_3136 : memref<1x32x128xf32, #tpu.memory_space<vmem>> -> memref<32x128xf32, #tpu.memory_space<vmem>>
      %dma_wait3A_3138 = arith.constant 0 : i32
      %dma_wait3A_3139 = arith.constant 0 : i32
      %dma_wait3A_3140 = tpu.memref_slice %arg6[%dma_wait3A_3138, %dma_wait3A_3139] : memref<32x1000000xf32, #tpu.memory_space<hbm>> -> memref<32x128xf32, #tpu.memory_space<hbm>>
      tpu.wait_dma2 semaphore(%arg16 : memref<!tpu.dma_semaphore, #tpu.memory_space<semaphore_mem>>) src(%dma_wait3A_3140 : memref<32x128xf32, #tpu.memory_space<hbm>>) dst(%dma_wait3A_3137 : memref<32x128xf32, #tpu.memory_space<vmem>>)
      %dma_wait3A_3141 = arith.constant 0 : i32
      %dma_wait3A_3142 = arith.constant 0 : i32
      %dma_wait3A_3143 = tpu.memref_slice %arg14[%rem3A_3094, %dma_wait3A_3141, %dma_wait3A_3142] : memref<4x32x128xf32, #tpu.memory_space<vmem>> -> memref<1x32x128xf32, #tpu.memory_space<vmem>>
      %dma_wait3A_3144 = tpu.memref_squeeze %dma_wait3A_3143 : memref<1x32x128xf32, #tpu.memory_space<vmem>> -> memref<32x128xf32, #tpu.memory_space<vmem>>
      %dma_wait3A_3145 = arith.constant 0 : i32
      %dma_wait3A_3146 = arith.constant 0 : i32
      %dma_wait3A_3147 = tpu.memref_slice %arg7[%dma_wait3A_3145, %dma_wait3A_3146] : memref<32x1000000xf32, #tpu.memory_space<hbm>> -> memref<32x128xf32, #tpu.memory_space<hbm>>
      %dma_wait3A_3148 = arith.constant 0 : i32
      %dma_wait3A_3149 = arith.constant 0 : i32
      %dma_wait3A_3150 = tpu.memref_slice %arg14[%rem3A_3094, %dma_wait3A_3148, %dma_wait3A_3149] : memref<4x32x128xf32, #tpu.memory_space<vmem>> -> memref<1x32x128xf32, #tpu.memory_space<vmem>>
      %dma_wait3A_3151 = tpu.memref_squeeze %dma_wait3A_3150 : memref<1x32x128xf32, #tpu.memory_space<vmem>> -> memref<32x128xf32, #tpu.memory_space<vmem>>
      %dma_wait3A_3152 = arith.constant 0 : i32
      %dma_wait3A_3153 = arith.constant 0 : i32
      %dma_wait3A_3154 = tpu.memref_slice %arg7[%dma_wait3A_3152, %dma_wait3A_3153] : memref<32x1000000xf32, #tpu.memory_space<hbm>> -> memref<32x128xf32, #tpu.memory_space<hbm>>
      tpu.wait_dma2 semaphore(%arg16 : memref<!tpu.dma_semaphore, #tpu.memory_space<semaphore_mem>>) src(%dma_wait3A_3154 : memref<32x128xf32, #tpu.memory_space<hbm>>) dst(%dma_wait3A_3151 : memref<32x128xf32, #tpu.memory_space<vmem>>)
      %rem3A_3155 = arith.constant 128 : i32
      %rem3A_3156 = arith.remsi %add3A_3092, %rem3A_3155 : i32
      %and3A_3157 = arith.constant 127 : i32
      %and3A_3158 = arith.andi %squeeze3A_3096, %and3A_3157 : i32
      %broadcast_in_dim3A_3159 = vector.broadcast %and3A_3158 : i32 to vector<16xi32>
      %gather3A_3160 = arith.constant 0 : i32
      %gather3A_3161 = arith.constant 0 : i32
      %gather3A_3162 = tpu.memref_slice %arg11[%rem3A_3094, %gather3A_3160, %gather3A_3161] : memref<4x32x128xf32, #tpu.memory_space<vmem>> -> memref<1x32x128xf32, #tpu.memory_space<vmem>>
      %gather3A_3163 = tpu.memref_squeeze %gather3A_3162 : memref<1x32x128xf32, #tpu.memory_space<vmem>> -> memref<32x128xf32, #tpu.memory_space<vmem>>
      %gather3A_3164 = tpu.vector_load_idx %gather3A_3163[%add3A_5, %broadcast_in_dim3A_3159] : memref<32x128xf32, #tpu.memory_space<vmem>>[vector<16xi32>, vector<16xi32>], vector<16xf32>,
      %swap3A_3165 = arith.index_cast %rem3A_3156 : i32 to index
      %swap3A_3166 = arith.constant 0 : index
      %swap3A_3167 = tpu.vector_load %arg15[%swap3A_3165, %swap3A_3166] {strides = array<i32>} : memref<128x128xf32, #tpu.memory_space<vmem>>, vector<16xf32>,
      tpu.vector_store %arg15[%swap3A_3165, %swap3A_3166], %gather3A_3164 {strides = array<i32>} : memref<128x128xf32, #tpu.memory_space<vmem>>, vector<16xf32>,
      %gather3A_3168 = arith.constant 0 : i32
      %gather3A_3169 = arith.constant 0 : i32
      %gather3A_3170 = tpu.memref_slice %arg11[%rem3A_3094, %gather3A_3168, %gather3A_3169] : memref<4x32x128xf32, #tpu.memory_space<vmem>> -> memref<1x32x128xf32, #tpu.memory_space<vmem>>
      %gather3A_3171 = tpu.memref_squeeze %gather3A_3170 : memref<1x32x128xf32, #tpu.memory_space<vmem>> -> memref<32x128xf32, #tpu.memory_space<vmem>>
      %gather3A_3172 = tpu.vector_load_idx %gather3A_3171[%add3A_9, %broadcast_in_dim3A_3159] : memref<32x128xf32, #tpu.memory_space<vmem>>[vector<16xi32>, vector<16xi32>], vector<16xf32>,
      %swap3A_3173 = arith.index_cast %rem3A_3156 : i32 to index
      %swap3A_3174 = arith.constant 16 : index
      %swap3A_3175 = tpu.vector_load %arg15[%swap3A_3173, %swap3A_3174] {strides = array<i32>} : memref<128x128xf32, #tpu.memory_space<vmem>>, vector<16xf32>,
      tpu.vector_store %arg15[%swap3A_3173, %swap3A_3174], %gather3A_3172 {strides = array<i32>} : memref<128x128xf32, #tpu.memory_space<vmem>>, vector<16xf32>,
      %and3A_3176 = arith.constant 127 : i32
      %and3A_3177 = arith.andi %squeeze3A_3098, %and3A_3176 : i32
      %broadcast_in_dim3A_3178 = vector.broadcast %and3A_3177 : i32 to vector<16xi32>
      %gather3A_3179 = arith.constant 0 : i32
      %gather3A_3180 = arith.constant 0 : i32
      %gather3A_3181 = tpu.memref_slice %arg12[%rem3A_3094, %gather3A_3179, %gather3A_3180] : memref<4x32x128xf32, #tpu.memory_space<vmem>> -> memref<1x32x128xf32, #tpu.memory_space<vmem>>
      %gather3A_3182 = tpu.memref_squeeze %gather3A_3181 : memref<1x32x128xf32, #tpu.memory_space<vmem>> -> memref<32x128xf32, #tpu.memory_space<vmem>>
      %gather3A_3183 = tpu.vector_load_idx %gather3A_3182[%add3A_5, %broadcast_in_dim3A_3178] : memref<32x128xf32, #tpu.memory_space<vmem>>[vector<16xi32>, vector<16xi32>], vector<16xf32>,
      %swap3A_3184 = arith.index_cast %rem3A_3156 : i32 to index
      %swap3A_3185 = arith.constant 32 : index
      %swap3A_3186 = tpu.vector_load %arg15[%swap3A_3184, %swap3A_3185] {strides = array<i32>} : memref<128x128xf32, #tpu.memory_space<vmem>>, vector<16xf32>,
      tpu.vector_store %arg15[%swap3A_3184, %swap3A_3185], %gather3A_3183 {strides = array<i32>} : memref<128x128xf32, #tpu.memory_space<vmem>>, vector<16xf32>,
      %gather3A_3187 = arith.constant 0 : i32
      %gather3A_3188 = arith.constant 0 : i32
      %gather3A_3189 = tpu.memref_slice %arg12[%rem3A_3094, %gather3A_3187, %gather3A_3188] : memref<4x32x128xf32, #tpu.memory_space<vmem>> -> memref<1x32x128xf32, #tpu.memory_space<vmem>>
      %gather3A_3190 = tpu.memref_squeeze %gather3A_3189 : memref<1x32x128xf32, #tpu.memory_space<vmem>> -> memref<32x128xf32, #tpu.memory_space<vmem>>
      %gather3A_3191 = tpu.vector_load_idx %gather3A_3190[%add3A_9, %broadcast_in_dim3A_3178] : memref<32x128xf32, #tpu.memory_space<vmem>>[vector<16xi32>, vector<16xi32>], vector<16xf32>,
      %swap3A_3192 = arith.index_cast %rem3A_3156 : i32 to index
      %swap3A_3193 = arith.constant 48 : index
      %swap3A_3194 = tpu.vector_load %arg15[%swap3A_3192, %swap3A_3193] {strides = array<i32>} : memref<128x128xf32, #tpu.memory_space<vmem>>, vector<16xf32>,
      tpu.vector_store %arg15[%swap3A_3192, %swap3A_3193], %gather3A_3191 {strides = array<i32>} : memref<128x128xf32, #tpu.memory_space<vmem>>, vector<16xf32>,
      %and3A_3195 = arith.constant 127 : i32
      %and3A_3196 = arith.andi %squeeze3A_3096, %and3A_3195 : i32
      %broadcast_in_dim3A_3197 = vector.broadcast %and3A_3196 : i32 to vector<16xi32>
      %gather3A_3198 = arith.constant 0 : i32
      %gather3A_3199 = arith.constant 0 : i32
      %gather3A_3200 = tpu.memref_slice %arg13[%rem3A_3094, %gather3A_3198, %gather3A_3199] : memref<4x32x128xf32, #tpu.memory_space<vmem>> -> memref<1x32x128xf32, #tpu.memory_space<vmem>>
      %gather3A_3201 = tpu.memref_squeeze %gather3A_3200 : memref<1x32x128xf32, #tpu.memory_space<vmem>> -> memref<32x128xf32, #tpu.memory_space<vmem>>
      %gather3A_3202 = tpu.vector_load_idx %gather3A_3201[%add3A_5, %broadcast_in_dim3A_3197] : memref<32x128xf32, #tpu.memory_space<vmem>>[vector<16xi32>, vector<16xi32>], vector<16xf32>,
      %swap3A_3203 = arith.index_cast %rem3A_3156 : i32 to index
      %swap3A_3204 = arith.constant 64 : index
      %swap3A_3205 = tpu.vector_load %arg15[%swap3A_3203, %swap3A_3204] {strides = array<i32>} : memref<128x128xf32, #tpu.memory_space<vmem>>, vector<16xf32>,
      tpu.vector_store %arg15[%swap3A_3203, %swap3A_3204], %gather3A_3202 {strides = array<i32>} : memref<128x128xf32, #tpu.memory_space<vmem>>, vector<16xf32>,
      %gather3A_3206 = arith.constant 0 : i32
      %gather3A_3207 = arith.constant 0 : i32
      %gather3A_3208 = tpu.memref_slice %arg13[%rem3A_3094, %gather3A_3206, %gather3A_3207] : memref<4x32x128xf32, #tpu.memory_space<vmem>> -> memref<1x32x128xf32, #tpu.memory_space<vmem>>
      %gather3A_3209 = tpu.memref_squeeze %gather3A_3208 : memref<1x32x128xf32, #tpu.memory_space<vmem>> -> memref<32x128xf32, #tpu.memory_space<vmem>>
      %gather3A_3210 = tpu.vector_load_idx %gather3A_3209[%add3A_9, %broadcast_in_dim3A_3197] : memref<32x128xf32, #tpu.memory_space<vmem>>[vector<16xi32>, vector<16xi32>], vector<16xf32>,
      %swap3A_3211 = arith.index_cast %rem3A_3156 : i32 to index
      %swap3A_3212 = arith.constant 80 : index
      %swap3A_3213 = tpu.vector_load %arg15[%swap3A_3211, %swap3A_3212] {strides = array<i32>} : memref<128x128xf32, #tpu.memory_space<vmem>>, vector<16xf32>,
      tpu.vector_store %arg15[%swap3A_3211, %swap3A_3212], %gather3A_3210 {strides = array<i32>} : memref<128x128xf32, #tpu.memory_space<vmem>>, vector<16xf32>,
      %and3A_3214 = arith.constant 127 : i32
      %and3A_3215 = arith.andi %squeeze3A_3098, %and3A_3214 : i32
      %broadcast_in_dim3A_3216 = vector.broadcast %and3A_3215 : i32 to vector<16xi32>
      %gather3A_3217 = arith.constant 0 : i32
      %gather3A_3218 = arith.constant 0 : i32
      %gather3A_3219 = tpu.memref_slice %arg14[%rem3A_3094, %gather3A_3217, %gather3A_3218] : memref<4x32x128xf32, #tpu.memory_space<vmem>> -> memref<1x32x128xf32, #tpu.memory_space<vmem>>
      %gather3A_3220 = tpu.memref_squeeze %gather3A_3219 : memref<1x32x128xf32, #tpu.memory_space<vmem>> -> memref<32x128xf32, #tpu.memory_space<vmem>>
      %gather3A_3221 = tpu.vector_load_idx %gather3A_3220[%add3A_5, %broadcast_in_dim3A_3216] : memref<32x128xf32, #tpu.memory_space<vmem>>[vector<16xi32>, vector<16xi32>], vector<16xf32>,
      %swap3A_3222 = arith.index_cast %rem3A_3156 : i32 to index
      %swap3A_3223 = arith.constant 96 : index
      %swap3A_3224 = tpu.vector_load %arg15[%swap3A_3222, %swap3A_3223] {strides = array<i32>} : memref<128x128xf32, #tpu.memory_space<vmem>>, vector<16xf32>,
      tpu.vector_store %arg15[%swap3A_3222, %swap3A_3223], %gather3A_3221 {strides = array<i32>} : memref<128x128xf32, #tpu.memory_space<vmem>>, vector<16xf32>,
      %gather3A_3225 = arith.constant 0 : i32
      %gather3A_3226 = arith.constant 0 : i32
      %gather3A_3227 = tpu.memref_slice %arg14[%rem3A_3094, %gather3A_3225, %gather3A_3226] : memref<4x32x128xf32, #tpu.memory_space<vmem>> -> memref<1x32x128xf32, #tpu.memory_space<vmem>>
      %gather3A_3228 = tpu.memref_squeeze %gather3A_3227 : memref<1x32x128xf32, #tpu.memory_space<vmem>> -> memref<32x128xf32, #tpu.memory_space<vmem>>
      %gather3A_3229 = tpu.vector_load_idx %gather3A_3228[%add3A_9, %broadcast_in_dim3A_3216] : memref<32x128xf32, #tpu.memory_space<vmem>>[vector<16xi32>, vector<16xi32>], vector<16xf32>,
      %swap3A_3230 = arith.index_cast %rem3A_3156 : i32 to index
      %swap3A_3231 = arith.constant 112 : index
      %swap3A_3232 = tpu.vector_load %arg15[%swap3A_3230, %swap3A_3231] {strides = array<i32>} : memref<128x128xf32, #tpu.memory_space<vmem>>, vector<16xf32>,
      tpu.vector_store %arg15[%swap3A_3230, %swap3A_3231], %gather3A_3229 {strides = array<i32>} : memref<128x128xf32, #tpu.memory_space<vmem>>, vector<16xf32>,
      %add3A_3233 = arith.constant 4 : i32
      %add3A_3234 = arith.addi %add3A_3092, %add3A_3233 : i32
      %rem3A_3235 = arith.constant 4 : i32
      %rem3A_3236 = arith.remsi %add3A_3234, %rem3A_3235 : i32
      %lt3A_3237 = arith.constant 31 : i32
      %lt3A_3238 = arith.cmpi slt, %add3A_319, %lt3A_3237 : i32
      %convert_element_type3A_3239 = arith.extui %lt3A_3238 : i1 to i32
      %cond3A_3240 = arith.constant 0 : i32
      %cond3A_3241 = arith.cmpi ne, %convert_element_type3A_3239, %cond3A_3240 : i32
      scf.if %cond3A_3241 {
        %slice3A_3550 = vector.extract_strided_slice %get3A_330 {offsets = [1], sizes = [1], strides = [1]} : vector<16xi32> to vector<1xi32>
        %squeeze3A_3551 = vector.extract %slice3A_3550[0] : i32 from vector<1xi32>
        %slice3A_3552 = vector.extract_strided_slice %get3A_332 {offsets = [1], sizes = [1], strides = [1]} : vector<16xi32> to vector<1xi32>
        %squeeze3A_3553 = vector.extract %slice3A_3552[0] : i32 from vector<1xi32>
        %shift_right_logical3A_3554 = arith.constant 7 : i32
        %shift_right_logical3A_3555 = arith.shrui %squeeze3A_3551, %shift_right_logical3A_3554 : i32
        %shift_left3A_3556 = arith.constant 7 : i32
        %shift_left3A_3557 = arith.shli %shift_right_logical3A_3555, %shift_left3A_3556 : i32
        %multiple_of3A_3558 = tpu.assume_multiple %shift_left3A_3557, 128 : i32
        %dma_start3A_3559 = arith.constant 0 : i32
        %dma_start3A_3560 = arith.constant 0 : i32
        %dma_start3A_3561 = tpu.memref_slice %arg11[%rem3A_3236, %dma_start3A_3559, %dma_start3A_3560] : memref<4x32x128xf32, #tpu.memory_space<vmem>> -> memref<1x32x128xf32, #tpu.memory_space<vmem>>
        %dma_start3A_3562 = tpu.memref_squeeze %dma_start3A_3561 : memref<1x32x128xf32, #tpu.memory_space<vmem>> -> memref<32x128xf32, #tpu.memory_space<vmem>>
        %dma_start3A_3563 = arith.constant 0 : i32
        %dma_start3A_3564 = tpu.memref_slice %arg4[%dma_start3A_3563, %multiple_of3A_3558] : memref<32x1000000xf32, #tpu.memory_space<hbm>> -> memref<32x128xf32, #tpu.memory_space<hbm>>
        %dma_start3A_3565 = arith.constant 0 : i32
        %dma_start3A_3566 = arith.constant 0 : i32
        %dma_start3A_3567 = tpu.memref_slice %arg11[%rem3A_3236, %dma_start3A_3565, %dma_start3A_3566] : memref<4x32x128xf32, #tpu.memory_space<vmem>> -> memref<1x32x128xf32, #tpu.memory_space<vmem>>
        %dma_start3A_3568 = tpu.memref_squeeze %dma_start3A_3567 : memref<1x32x128xf32, #tpu.memory_space<vmem>> -> memref<32x128xf32, #tpu.memory_space<vmem>>
        %dma_start3A_3569 = arith.constant 0 : i32
        %dma_start3A_3570 = tpu.memref_slice %arg4[%dma_start3A_3569, %multiple_of3A_3558] : memref<32x1000000xf32, #tpu.memory_space<hbm>> -> memref<32x128xf32, #tpu.memory_space<hbm>>
        tpu.enqueue_dma source(%dma_start3A_3570 : memref<32x128xf32, #tpu.memory_space<hbm>>) target(%dma_start3A_3568 : memref<32x128xf32, #tpu.memory_space<vmem>>) target_semaphore(%arg16 : memref<!tpu.dma_semaphore, #tpu.memory_space<semaphore_mem>>)
        %shift_right_logical3A_3571 = arith.constant 7 : i32
        %shift_right_logical3A_3572 = arith.shrui %squeeze3A_3553, %shift_right_logical3A_3571 : i32
        %shift_left3A_3573 = arith.constant 7 : i32
        %shift_left3A_3574 = arith.shli %shift_right_logical3A_3572, %shift_left3A_3573 : i32
        %multiple_of3A_3575 = tpu.assume_multiple %shift_left3A_3574, 128 : i32
        %dma_start3A_3576 = arith.constant 0 : i32
        %dma_start3A_3577 = arith.constant 0 : i32
        %dma_start3A_3578 = tpu.memref_slice %arg12[%rem3A_3236, %dma_start3A_3576, %dma_start3A_3577] : memref<4x32x128xf32, #tpu.memory_space<vmem>> -> memref<1x32x128xf32, #tpu.memory_space<vmem>>
        %dma_start3A_3579 = tpu.memref_squeeze %dma_start3A_3578 : memref<1x32x128xf32, #tpu.memory_space<vmem>> -> memref<32x128xf32, #tpu.memory_space<vmem>>
        %dma_start3A_3580 = arith.constant 0 : i32
        %dma_start3A_3581 = tpu.memref_slice %arg5[%dma_start3A_3580, %multiple_of3A_3575] : memref<32x1000000xf32, #tpu.memory_space<hbm>> -> memref<32x128xf32, #tpu.memory_space<hbm>>
        %dma_start3A_3582 = arith.constant 0 : i32
        %dma_start3A_3583 = arith.constant 0 : i32
        %dma_start3A_3584 = tpu.memref_slice %arg12[%rem3A_3236, %dma_start3A_3582, %dma_start3A_3583] : memref<4x32x128xf32, #tpu.memory_space<vmem>> -> memref<1x32x128xf32, #tpu.memory_space<vmem>>
        %dma_start3A_3585 = tpu.memref_squeeze %dma_start3A_3584 : memref<1x32x128xf32, #tpu.memory_space<vmem>> -> memref<32x128xf32, #tpu.memory_space<vmem>>
        %dma_start3A_3586 = arith.constant 0 : i32
        %dma_start3A_3587 = tpu.memref_slice %arg5[%dma_start3A_3586, %multiple_of3A_3575] : memref<32x1000000xf32, #tpu.memory_space<hbm>> -> memref<32x128xf32, #tpu.memory_space<hbm>>
        tpu.enqueue_dma source(%dma_start3A_3587 : memref<32x128xf32, #tpu.memory_space<hbm>>) target(%dma_start3A_3585 : memref<32x128xf32, #tpu.memory_space<vmem>>) target_semaphore(%arg16 : memref<!tpu.dma_semaphore, #tpu.memory_space<semaphore_mem>>)
        %shift_right_logical3A_3588 = arith.constant 7 : i32
        %shift_right_logical3A_3589 = arith.shrui %squeeze3A_3551, %shift_right_logical3A_3588 : i32
        %shift_left3A_3590 = arith.constant 7 : i32
        %shift_left3A_3591 = arith.shli %shift_right_logical3A_3589, %shift_left3A_3590 : i32
        %multiple_of3A_3592 = tpu.assume_multiple %shift_left3A_3591, 128 : i32
        %dma_start3A_3593 = arith.constant 0 : i32
        %dma_start3A_3594 = arith.constant 0 : i32
        %dma_start3A_3595 = tpu.memref_slice %arg13[%rem3A_3236, %dma_start3A_3593, %dma_start3A_3594] : memref<4x32x128xf32, #tpu.memory_space<vmem>> -> memref<1x32x128xf32, #tpu.memory_space<vmem>>
        %dma_start3A_3596 = tpu.memref_squeeze %dma_start3A_3595 : memref<1x32x128xf32, #tpu.memory_space<vmem>> -> memref<32x128xf32, #tpu.memory_space<vmem>>
        %dma_start3A_3597 = arith.constant 0 : i32
        %dma_start3A_3598 = tpu.memref_slice %arg6[%dma_start3A_3597, %multiple_of3A_3592] : memref<32x1000000xf32, #tpu.memory_space<hbm>> -> memref<32x128xf32, #tpu.memory_space<hbm>>
        %dma_start3A_3599 = arith.constant 0 : i32
        %dma_start3A_3600 = arith.constant 0 : i32
        %dma_start3A_3601 = tpu.memref_slice %arg13[%rem3A_3236, %dma_start3A_3599, %dma_start3A_3600] : memref<4x32x128xf32, #tpu.memory_space<vmem>> -> memref<1x32x128xf32, #tpu.memory_space<vmem>>
        %dma_start3A_3602 = tpu.memref_squeeze %dma_start3A_3601 : memref<1x32x128xf32, #tpu.memory_space<vmem>> -> memref<32x128xf32, #tpu.memory_space<vmem>>
        %dma_start3A_3603 = arith.constant 0 : i32
        %dma_start3A_3604 = tpu.memref_slice %arg6[%dma_start3A_3603, %multiple_of3A_3592] : memref<32x1000000xf32, #tpu.memory_space<hbm>> -> memref<32x128xf32, #tpu.memory_space<hbm>>
        tpu.enqueue_dma source(%dma_start3A_3604 : memref<32x128xf32, #tpu.memory_space<hbm>>) target(%dma_start3A_3602 : memref<32x128xf32, #tpu.memory_space<vmem>>) target_semaphore(%arg16 : memref<!tpu.dma_semaphore, #tpu.memory_space<semaphore_mem>>)
        %shift_right_logical3A_3605 = arith.constant 7 : i32
        %shift_right_logical3A_3606 = arith.shrui %squeeze3A_3553, %shift_right_logical3A_3605 : i32
        %shift_left3A_3607 = arith.constant 7 : i32
        %shift_left3A_3608 = arith.shli %shift_right_logical3A_3606, %shift_left3A_3607 : i32
        %multiple_of3A_3609 = tpu.assume_multiple %shift_left3A_3608, 128 : i32
        %dma_start3A_3610 = arith.constant 0 : i32
        %dma_start3A_3611 = arith.constant 0 : i32
        %dma_start3A_3612 = tpu.memref_slice %arg14[%rem3A_3236, %dma_start3A_3610, %dma_start3A_3611] : memref<4x32x128xf32, #tpu.memory_space<vmem>> -> memref<1x32x128xf32, #tpu.memory_space<vmem>>
        %dma_start3A_3613 = tpu.memref_squeeze %dma_start3A_3612 : memref<1x32x128xf32, #tpu.memory_space<vmem>> -> memref<32x128xf32, #tpu.memory_space<vmem>>
        %dma_start3A_3614 = arith.constant 0 : i32
        %dma_start3A_3615 = tpu.memref_slice %arg7[%dma_start3A_3614, %multiple_of3A_3609] : memref<32x1000000xf32, #tpu.memory_space<hbm>> -> memref<32x128xf32, #tpu.memory_space<hbm>>
        %dma_start3A_3616 = arith.constant 0 : i32
        %dma_start3A_3617 = arith.constant 0 : i32
        %dma_start3A_3618 = tpu.memref_slice %arg14[%rem3A_3236, %dma_start3A_3616, %dma_start3A_3617] : memref<4x32x128xf32, #tpu.memory_space<vmem>> -> memref<1x32x128xf32, #tpu.memory_space<vmem>>
        %dma_start3A_3619 = tpu.memref_squeeze %dma_start3A_3618 : memref<1x32x128xf32, #tpu.memory_space<vmem>> -> memref<32x128xf32, #tpu.memory_space<vmem>>
        %dma_start3A_3620 = arith.constant 0 : i32
        %dma_start3A_3621 = tpu.memref_slice %arg7[%dma_start3A_3620, %multiple_of3A_3609] : memref<32x1000000xf32, #tpu.memory_space<hbm>> -> memref<32x128xf32, #tpu.memory_space<hbm>>
        tpu.enqueue_dma source(%dma_start3A_3621 : memref<32x128xf32, #tpu.memory_space<hbm>>) target(%dma_start3A_3619 : memref<32x128xf32, #tpu.memory_space<vmem>>) target_semaphore(%arg16 : memref<!tpu.dma_semaphore, #tpu.memory_space<semaphore_mem>>)
      } else {
      }
      %add3A_3242 = arith.constant 14 : i32
      %add3A_3243 = arith.addi %mul3A_321, %add3A_3242 : i32
      %rem3A_3244 = arith.constant 4 : i32
      %rem3A_3245 = arith.remsi %add3A_3243, %rem3A_3244 : i32
      %slice3A_3246 = vector.extract_strided_slice %get3A_323 {offsets = [14], sizes = [1], strides = [1]} : vector<16xi32> to vector<1xi32>
      %squeeze3A_3247 = vector.extract %slice3A_3246[0] : i32 from vector<1xi32>
      %slice3A_3248 = vector.extract_strided_slice %get3A_325 {offsets = [14], sizes = [1], strides = [1]} : vector<16xi32> to vector<1xi32>
      %squeeze3A_3249 = vector.extract %slice3A_3248[0] : i32 from vector<1xi32>
      %dma_wait3A_3250 = arith.constant 0 : i32
      %dma_wait3A_3251 = arith.constant 0 : i32
      %dma_wait3A_3252 = tpu.memref_slice %arg11[%rem3A_3245, %dma_wait3A_3250, %dma_wait3A_3251] : memref<4x32x128xf32, #tpu.memory_space<vmem>> -> memref<1x32x128xf32, #tpu.memory_space<vmem>>
      %dma_wait3A_3253 = tpu.memref_squeeze %dma_wait3A_3252 : memref<1x32x128xf32, #tpu.memory_space<vmem>> -> memref<32x128xf32, #tpu.memory_space<vmem>>
      %dma_wait3A_3254 = arith.constant 0 : i32
      %dma_wait3A_3255 = arith.constant 0 : i32
      %dma_wait3A_3256 = tpu.memref_slice %arg4[%dma_wait3A_3254, %dma_wait3A_3255] : memref<32x1000000xf32, #tpu.memory_space<hbm>> -> memref<32x128xf32, #tpu.memory_space<hbm>>
      %dma_wait3A_3257 = arith.constant 0 : i32
      %dma_wait3A_3258 = arith.constant 0 : i32
      %dma_wait3A_3259 = tpu.memref_slice %arg11[%rem3A_3245, %dma_wait3A_3257, %dma_wait3A_3258] : memref<4x32x128xf32, #tpu.memory_space<vmem>> -> memref<1x32x128xf32, #tpu.memory_space<vmem>>
      %dma_wait3A_3260 = tpu.memref_squeeze %dma_wait3A_3259 : memref<1x32x128xf32, #tpu.memory_space<vmem>> -> memref<32x128xf32, #tpu.memory_space<vmem>>
      %dma_wait3A_3261 = arith.constant 0 : i32
      %dma_wait3A_3262 = arith.constant 0 : i32
      %dma_wait3A_3263 = tpu.memref_slice %arg4[%dma_wait3A_3261, %dma_wait3A_3262] : memref<32x1000000xf32, #tpu.memory_space<hbm>> -> memref<32x128xf32, #tpu.memory_space<hbm>>
      tpu.wait_dma2 semaphore(%arg16 : memref<!tpu.dma_semaphore, #tpu.memory_space<semaphore_mem>>) src(%dma_wait3A_3263 : memref<32x128xf32, #tpu.memory_space<hbm>>) dst(%dma_wait3A_3260 : memref<32x128xf32, #tpu.memory_space<vmem>>)
      %dma_wait3A_3264 = arith.constant 0 : i32
      %dma_wait3A_3265 = arith.constant 0 : i32
      %dma_wait3A_3266 = tpu.memref_slice %arg12[%rem3A_3245, %dma_wait3A_3264, %dma_wait3A_3265] : memref<4x32x128xf32, #tpu.memory_space<vmem>> -> memref<1x32x128xf32, #tpu.memory_space<vmem>>
      %dma_wait3A_3267 = tpu.memref_squeeze %dma_wait3A_3266 : memref<1x32x128xf32, #tpu.memory_space<vmem>> -> memref<32x128xf32, #tpu.memory_space<vmem>>
      %dma_wait3A_3268 = arith.constant 0 : i32
      %dma_wait3A_3269 = arith.constant 0 : i32
      %dma_wait3A_3270 = tpu.memref_slice %arg5[%dma_wait3A_3268, %dma_wait3A_3269] : memref<32x1000000xf32, #tpu.memory_space<hbm>> -> memref<32x128xf32, #tpu.memory_space<hbm>>
      %dma_wait3A_3271 = arith.constant 0 : i32
      %dma_wait3A_3272 = arith.constant 0 : i32
      %dma_wait3A_3273 = tpu.memref_slice %arg12[%rem3A_3245, %dma_wait3A_3271, %dma_wait3A_3272] : memref<4x32x128xf32, #tpu.memory_space<vmem>> -> memref<1x32x128xf32, #tpu.memory_space<vmem>>
      %dma_wait3A_3274 = tpu.memref_squeeze %dma_wait3A_3273 : memref<1x32x128xf32, #tpu.memory_space<vmem>> -> memref<32x128xf32, #tpu.memory_space<vmem>>
      %dma_wait3A_3275 = arith.constant 0 : i32
      %dma_wait3A_3276 = arith.constant 0 : i32
      %dma_wait3A_3277 = tpu.memref_slice %arg5[%dma_wait3A_3275, %dma_wait3A_3276] : memref<32x1000000xf32, #tpu.memory_space<hbm>> -> memref<32x128xf32, #tpu.memory_space<hbm>>
      tpu.wait_dma2 semaphore(%arg16 : memref<!tpu.dma_semaphore, #tpu.memory_space<semaphore_mem>>) src(%dma_wait3A_3277 : memref<32x128xf32, #tpu.memory_space<hbm>>) dst(%dma_wait3A_3274 : memref<32x128xf32, #tpu.memory_space<vmem>>)
      %dma_wait3A_3278 = arith.constant 0 : i32
      %dma_wait3A_3279 = arith.constant 0 : i32
      %dma_wait3A_3280 = tpu.memref_slice %arg13[%rem3A_3245, %dma_wait3A_3278, %dma_wait3A_3279] : memref<4x32x128xf32, #tpu.memory_space<vmem>> -> memref<1x32x128xf32, #tpu.memory_space<vmem>>
      %dma_wait3A_3281 = tpu.memref_squeeze %dma_wait3A_3280 : memref<1x32x128xf32, #tpu.memory_space<vmem>> -> memref<32x128xf32, #tpu.memory_space<vmem>>
      %dma_wait3A_3282 = arith.constant 0 : i32
      %dma_wait3A_3283 = arith.constant 0 : i32
      %dma_wait3A_3284 = tpu.memref_slice %arg6[%dma_wait3A_3282, %dma_wait3A_3283] : memref<32x1000000xf32, #tpu.memory_space<hbm>> -> memref<32x128xf32, #tpu.memory_space<hbm>>
      %dma_wait3A_3285 = arith.constant 0 : i32
      %dma_wait3A_3286 = arith.constant 0 : i32
      %dma_wait3A_3287 = tpu.memref_slice %arg13[%rem3A_3245, %dma_wait3A_3285, %dma_wait3A_3286] : memref<4x32x128xf32, #tpu.memory_space<vmem>> -> memref<1x32x128xf32, #tpu.memory_space<vmem>>
      %dma_wait3A_3288 = tpu.memref_squeeze %dma_wait3A_3287 : memref<1x32x128xf32, #tpu.memory_space<vmem>> -> memref<32x128xf32, #tpu.memory_space<vmem>>
      %dma_wait3A_3289 = arith.constant 0 : i32
      %dma_wait3A_3290 = arith.constant 0 : i32
      %dma_wait3A_3291 = tpu.memref_slice %arg6[%dma_wait3A_3289, %dma_wait3A_3290] : memref<32x1000000xf32, #tpu.memory_space<hbm>> -> memref<32x128xf32, #tpu.memory_space<hbm>>
      tpu.wait_dma2 semaphore(%arg16 : memref<!tpu.dma_semaphore, #tpu.memory_space<semaphore_mem>>) src(%dma_wait3A_3291 : memref<32x128xf32, #tpu.memory_space<hbm>>) dst(%dma_wait3A_3288 : memref<32x128xf32, #tpu.memory_space<vmem>>)
      %dma_wait3A_3292 = arith.constant 0 : i32
      %dma_wait3A_3293 = arith.constant 0 : i32
      %dma_wait3A_3294 = tpu.memref_slice %arg14[%rem3A_3245, %dma_wait3A_3292, %dma_wait3A_3293] : memref<4x32x128xf32, #tpu.memory_space<vmem>> -> memref<1x32x128xf32, #tpu.memory_space<vmem>>
      %dma_wait3A_3295 = tpu.memref_squeeze %dma_wait3A_3294 : memref<1x32x128xf32, #tpu.memory_space<vmem>> -> memref<32x128xf32, #tpu.memory_space<vmem>>
      %dma_wait3A_3296 = arith.constant 0 : i32
      %dma_wait3A_3297 = arith.constant 0 : i32
      %dma_wait3A_3298 = tpu.memref_slice %arg7[%dma_wait3A_3296, %dma_wait3A_3297] : memref<32x1000000xf32, #tpu.memory_space<hbm>> -> memref<32x128xf32, #tpu.memory_space<hbm>>
      %dma_wait3A_3299 = arith.constant 0 : i32
      %dma_wait3A_3300 = arith.constant 0 : i32
      %dma_wait3A_3301 = tpu.memref_slice %arg14[%rem3A_3245, %dma_wait3A_3299, %dma_wait3A_3300] : memref<4x32x128xf32, #tpu.memory_space<vmem>> -> memref<1x32x128xf32, #tpu.memory_space<vmem>>
      %dma_wait3A_3302 = tpu.memref_squeeze %dma_wait3A_3301 : memref<1x32x128xf32, #tpu.memory_space<vmem>> -> memref<32x128xf32, #tpu.memory_space<vmem>>
      %dma_wait3A_3303 = arith.constant 0 : i32
      %dma_wait3A_3304 = arith.constant 0 : i32
      %dma_wait3A_3305 = tpu.memref_slice %arg7[%dma_wait3A_3303, %dma_wait3A_3304] : memref<32x1000000xf32, #tpu.memory_space<hbm>> -> memref<32x128xf32, #tpu.memory_space<hbm>>
      tpu.wait_dma2 semaphore(%arg16 : memref<!tpu.dma_semaphore, #tpu.memory_space<semaphore_mem>>) src(%dma_wait3A_3305 : memref<32x128xf32, #tpu.memory_space<hbm>>) dst(%dma_wait3A_3302 : memref<32x128xf32, #tpu.memory_space<vmem>>)
      %rem3A_3306 = arith.constant 128 : i32
      %rem3A_3307 = arith.remsi %add3A_3243, %rem3A_3306 : i32
      %and3A_3308 = arith.constant 127 : i32
      %and3A_3309 = arith.andi %squeeze3A_3247, %and3A_3308 : i32
      %broadcast_in_dim3A_3310 = vector.broadcast %and3A_3309 : i32 to vector<16xi32>
      %gather3A_3311 = arith.constant 0 : i32
      %gather3A_3312 = arith.constant 0 : i32
      %gather3A_3313 = tpu.memref_slice %arg11[%rem3A_3245, %gather3A_3311, %gather3A_3312] : memref<4x32x128xf32, #tpu.memory_space<vmem>> -> memref<1x32x128xf32, #tpu.memory_space<vmem>>
      %gather3A_3314 = tpu.memref_squeeze %gather3A_3313 : memref<1x32x128xf32, #tpu.memory_space<vmem>> -> memref<32x128xf32, #tpu.memory_space<vmem>>
      %gather3A_3315 = tpu.vector_load_idx %gather3A_3314[%add3A_5, %broadcast_in_dim3A_3310] : memref<32x128xf32, #tpu.memory_space<vmem>>[vector<16xi32>, vector<16xi32>], vector<16xf32>,
      %swap3A_3316 = arith.index_cast %rem3A_3307 : i32 to index
      %swap3A_3317 = arith.constant 0 : index
      %swap3A_3318 = tpu.vector_load %arg15[%swap3A_3316, %swap3A_3317] {strides = array<i32>} : memref<128x128xf32, #tpu.memory_space<vmem>>, vector<16xf32>,
      tpu.vector_store %arg15[%swap3A_3316, %swap3A_3317], %gather3A_3315 {strides = array<i32>} : memref<128x128xf32, #tpu.memory_space<vmem>>, vector<16xf32>,
      %gather3A_3319 = arith.constant 0 : i32
      %gather3A_3320 = arith.constant 0 : i32
      %gather3A_3321 = tpu.memref_slice %arg11[%rem3A_3245, %gather3A_3319, %gather3A_3320] : memref<4x32x128xf32, #tpu.memory_space<vmem>> -> memref<1x32x128xf32, #tpu.memory_space<vmem>>
      %gather3A_3322 = tpu.memref_squeeze %gather3A_3321 : memref<1x32x128xf32, #tpu.memory_space<vmem>> -> memref<32x128xf32, #tpu.memory_space<vmem>>
      %gather3A_3323 = tpu.vector_load_idx %gather3A_3322[%add3A_9, %broadcast_in_dim3A_3310] : memref<32x128xf32, #tpu.memory_space<vmem>>[vector<16xi32>, vector<16xi32>], vector<16xf32>,
      %swap3A_3324 = arith.index_cast %rem3A_3307 : i32 to index
      %swap3A_3325 = arith.constant 16 : index
      %swap3A_3326 = tpu.vector_load %arg15[%swap3A_3324, %swap3A_3325] {strides = array<i32>} : memref<128x128xf32, #tpu.memory_space<vmem>>, vector<16xf32>,
      tpu.vector_store %arg15[%swap3A_3324, %swap3A_3325], %gather3A_3323 {strides = array<i32>} : memref<128x128xf32, #tpu.memory_space<vmem>>, vector<16xf32>,
      %and3A_3327 = arith.constant 127 : i32
      %and3A_3328 = arith.andi %squeeze3A_3249, %and3A_3327 : i32
      %broadcast_in_dim3A_3329 = vector.broadcast %and3A_3328 : i32 to vector<16xi32>
      %gather3A_3330 = arith.constant 0 : i32
      %gather3A_3331 = arith.constant 0 : i32
      %gather3A_3332 = tpu.memref_slice %arg12[%rem3A_3245, %gather3A_3330, %gather3A_3331] : memref<4x32x128xf32, #tpu.memory_space<vmem>> -> memref<1x32x128xf32, #tpu.memory_space<vmem>>
      %gather3A_3333 = tpu.memref_squeeze %gather3A_3332 : memref<1x32x128xf32, #tpu.memory_space<vmem>> -> memref<32x128xf32, #tpu.memory_space<vmem>>
      %gather3A_3334 = tpu.vector_load_idx %gather3A_3333[%add3A_5, %broadcast_in_dim3A_3329] : memref<32x128xf32, #tpu.memory_space<vmem>>[vector<16xi32>, vector<16xi32>], vector<16xf32>,
      %swap3A_3335 = arith.index_cast %rem3A_3307 : i32 to index
      %swap3A_3336 = arith.constant 32 : index
      %swap3A_3337 = tpu.vector_load %arg15[%swap3A_3335, %swap3A_3336] {strides = array<i32>} : memref<128x128xf32, #tpu.memory_space<vmem>>, vector<16xf32>,
      tpu.vector_store %arg15[%swap3A_3335, %swap3A_3336], %gather3A_3334 {strides = array<i32>} : memref<128x128xf32, #tpu.memory_space<vmem>>, vector<16xf32>,
      %gather3A_3338 = arith.constant 0 : i32
      %gather3A_3339 = arith.constant 0 : i32
      %gather3A_3340 = tpu.memref_slice %arg12[%rem3A_3245, %gather3A_3338, %gather3A_3339] : memref<4x32x128xf32, #tpu.memory_space<vmem>> -> memref<1x32x128xf32, #tpu.memory_space<vmem>>
      %gather3A_3341 = tpu.memref_squeeze %gather3A_3340 : memref<1x32x128xf32, #tpu.memory_space<vmem>> -> memref<32x128xf32, #tpu.memory_space<vmem>>
      %gather3A_3342 = tpu.vector_load_idx %gather3A_3341[%add3A_9, %broadcast_in_dim3A_3329] : memref<32x128xf32, #tpu.memory_space<vmem>>[vector<16xi32>, vector<16xi32>], vector<16xf32>,
      %swap3A_3343 = arith.index_cast %rem3A_3307 : i32 to index
      %swap3A_3344 = arith.constant 48 : index
      %swap3A_3345 = tpu.vector_load %arg15[%swap3A_3343, %swap3A_3344] {strides = array<i32>} : memref<128x128xf32, #tpu.memory_space<vmem>>, vector<16xf32>,
      tpu.vector_store %arg15[%swap3A_3343, %swap3A_3344], %gather3A_3342 {strides = array<i32>} : memref<128x128xf32, #tpu.memory_space<vmem>>, vector<16xf32>,
      %and3A_3346 = arith.constant 127 : i32
      %and3A_3347 = arith.andi %squeeze3A_3247, %and3A_3346 : i32
      %broadcast_in_dim3A_3348 = vector.broadcast %and3A_3347 : i32 to vector<16xi32>
      %gather3A_3349 = arith.constant 0 : i32
      %gather3A_3350 = arith.constant 0 : i32
      %gather3A_3351 = tpu.memref_slice %arg13[%rem3A_3245, %gather3A_3349, %gather3A_3350] : memref<4x32x128xf32, #tpu.memory_space<vmem>> -> memref<1x32x128xf32, #tpu.memory_space<vmem>>
      %gather3A_3352 = tpu.memref_squeeze %gather3A_3351 : memref<1x32x128xf32, #tpu.memory_space<vmem>> -> memref<32x128xf32, #tpu.memory_space<vmem>>
      %gather3A_3353 = tpu.vector_load_idx %gather3A_3352[%add3A_5, %broadcast_in_dim3A_3348] : memref<32x128xf32, #tpu.memory_space<vmem>>[vector<16xi32>, vector<16xi32>], vector<16xf32>,
      %swap3A_3354 = arith.index_cast %rem3A_3307 : i32 to index
      %swap3A_3355 = arith.constant 64 : index
      %swap3A_3356 = tpu.vector_load %arg15[%swap3A_3354, %swap3A_3355] {strides = array<i32>} : memref<128x128xf32, #tpu.memory_space<vmem>>, vector<16xf32>,
      tpu.vector_store %arg15[%swap3A_3354, %swap3A_3355], %gather3A_3353 {strides = array<i32>} : memref<128x128xf32, #tpu.memory_space<vmem>>, vector<16xf32>,
      %gather3A_3357 = arith.constant 0 : i32
      %gather3A_3358 = arith.constant 0 : i32
      %gather3A_3359 = tpu.memref_slice %arg13[%rem3A_3245, %gather3A_3357, %gather3A_3358] : memref<4x32x128xf32, #tpu.memory_space<vmem>> -> memref<1x32x128xf32, #tpu.memory_space<vmem>>
      %gather3A_3360 = tpu.memref_squeeze %gather3A_3359 : memref<1x32x128xf32, #tpu.memory_space<vmem>> -> memref<32x128xf32, #tpu.memory_space<vmem>>
      %gather3A_3361 = tpu.vector_load_idx %gather3A_3360[%add3A_9, %broadcast_in_dim3A_3348] : memref<32x128xf32, #tpu.memory_space<vmem>>[vector<16xi32>, vector<16xi32>], vector<16xf32>,
      %swap3A_3362 = arith.index_cast %rem3A_3307 : i32 to index
      %swap3A_3363 = arith.constant 80 : index
      %swap3A_3364 = tpu.vector_load %arg15[%swap3A_3362, %swap3A_3363] {strides = array<i32>} : memref<128x128xf32, #tpu.memory_space<vmem>>, vector<16xf32>,
      tpu.vector_store %arg15[%swap3A_3362, %swap3A_3363], %gather3A_3361 {strides = array<i32>} : memref<128x128xf32, #tpu.memory_space<vmem>>, vector<16xf32>,
      %and3A_3365 = arith.constant 127 : i32
      %and3A_3366 = arith.andi %squeeze3A_3249, %and3A_3365 : i32
      %broadcast_in_dim3A_3367 = vector.broadcast %and3A_3366 : i32 to vector<16xi32>
      %gather3A_3368 = arith.constant 0 : i32
      %gather3A_3369 = arith.constant 0 : i32
      %gather3A_3370 = tpu.memref_slice %arg14[%rem3A_3245, %gather3A_3368, %gather3A_3369] : memref<4x32x128xf32, #tpu.memory_space<vmem>> -> memref<1x32x128xf32, #tpu.memory_space<vmem>>
      %gather3A_3371 = tpu.memref_squeeze %gather3A_3370 : memref<1x32x128xf32, #tpu.memory_space<vmem>> -> memref<32x128xf32, #tpu.memory_space<vmem>>
      %gather3A_3372 = tpu.vector_load_idx %gather3A_3371[%add3A_5, %broadcast_in_dim3A_3367] : memref<32x128xf32, #tpu.memory_space<vmem>>[vector<16xi32>, vector<16xi32>], vector<16xf32>,
      %swap3A_3373 = arith.index_cast %rem3A_3307 : i32 to index
      %swap3A_3374 = arith.constant 96 : index
      %swap3A_3375 = tpu.vector_load %arg15[%swap3A_3373, %swap3A_3374] {strides = array<i32>} : memref<128x128xf32, #tpu.memory_space<vmem>>, vector<16xf32>,
      tpu.vector_store %arg15[%swap3A_3373, %swap3A_3374], %gather3A_3372 {strides = array<i32>} : memref<128x128xf32, #tpu.memory_space<vmem>>, vector<16xf32>,
      %gather3A_3376 = arith.constant 0 : i32
      %gather3A_3377 = arith.constant 0 : i32
      %gather3A_3378 = tpu.memref_slice %arg14[%rem3A_3245, %gather3A_3376, %gather3A_3377] : memref<4x32x128xf32, #tpu.memory_space<vmem>> -> memref<1x32x128xf32, #tpu.memory_space<vmem>>
      %gather3A_3379 = tpu.memref_squeeze %gather3A_3378 : memref<1x32x128xf32, #tpu.memory_space<vmem>> -> memref<32x128xf32, #tpu.memory_space<vmem>>
      %gather3A_3380 = tpu.vector_load_idx %gather3A_3379[%add3A_9, %broadcast_in_dim3A_3367] : memref<32x128xf32, #tpu.memory_space<vmem>>[vector<16xi32>, vector<16xi32>], vector<16xf32>,
      %swap3A_3381 = arith.index_cast %rem3A_3307 : i32 to index
      %swap3A_3382 = arith.constant 112 : index
      %swap3A_3383 = tpu.vector_load %arg15[%swap3A_3381, %swap3A_3382] {strides = array<i32>} : memref<128x128xf32, #tpu.memory_space<vmem>>, vector<16xf32>,
      tpu.vector_store %arg15[%swap3A_3381, %swap3A_3382], %gather3A_3380 {strides = array<i32>} : memref<128x128xf32, #tpu.memory_space<vmem>>, vector<16xf32>,
      %add3A_3384 = arith.constant 4 : i32
      %add3A_3385 = arith.addi %add3A_3243, %add3A_3384 : i32
      %rem3A_3386 = arith.constant 4 : i32
      %rem3A_3387 = arith.remsi %add3A_3385, %rem3A_3386 : i32
      %lt3A_3388 = arith.constant 31 : i32
      %lt3A_3389 = arith.cmpi slt, %add3A_319, %lt3A_3388 : i32
      %convert_element_type3A_3390 = arith.extui %lt3A_3389 : i1 to i32
      %cond3A_3391 = arith.constant 0 : i32
      %cond3A_3392 = arith.cmpi ne, %convert_element_type3A_3390, %cond3A_3391 : i32
      scf.if %cond3A_3392 {
        %slice3A_3550 = vector.extract_strided_slice %get3A_330 {offsets = [2], sizes = [1], strides = [1]} : vector<16xi32> to vector<1xi32>
        %squeeze3A_3551 = vector.extract %slice3A_3550[0] : i32 from vector<1xi32>
        %slice3A_3552 = vector.extract_strided_slice %get3A_332 {offsets = [2], sizes = [1], strides = [1]} : vector<16xi32> to vector<1xi32>
        %squeeze3A_3553 = vector.extract %slice3A_3552[0] : i32 from vector<1xi32>
        %shift_right_logical3A_3554 = arith.constant 7 : i32
        %shift_right_logical3A_3555 = arith.shrui %squeeze3A_3551, %shift_right_logical3A_3554 : i32
        %shift_left3A_3556 = arith.constant 7 : i32
        %shift_left3A_3557 = arith.shli %shift_right_logical3A_3555, %shift_left3A_3556 : i32
        %multiple_of3A_3558 = tpu.assume_multiple %shift_left3A_3557, 128 : i32
        %dma_start3A_3559 = arith.constant 0 : i32
        %dma_start3A_3560 = arith.constant 0 : i32
        %dma_start3A_3561 = tpu.memref_slice %arg11[%rem3A_3387, %dma_start3A_3559, %dma_start3A_3560] : memref<4x32x128xf32, #tpu.memory_space<vmem>> -> memref<1x32x128xf32, #tpu.memory_space<vmem>>
        %dma_start3A_3562 = tpu.memref_squeeze %dma_start3A_3561 : memref<1x32x128xf32, #tpu.memory_space<vmem>> -> memref<32x128xf32, #tpu.memory_space<vmem>>
        %dma_start3A_3563 = arith.constant 0 : i32
        %dma_start3A_3564 = tpu.memref_slice %arg4[%dma_start3A_3563, %multiple_of3A_3558] : memref<32x1000000xf32, #tpu.memory_space<hbm>> -> memref<32x128xf32, #tpu.memory_space<hbm>>
        %dma_start3A_3565 = arith.constant 0 : i32
        %dma_start3A_3566 = arith.constant 0 : i32
        %dma_start3A_3567 = tpu.memref_slice %arg11[%rem3A_3387, %dma_start3A_3565, %dma_start3A_3566] : memref<4x32x128xf32, #tpu.memory_space<vmem>> -> memref<1x32x128xf32, #tpu.memory_space<vmem>>
        %dma_start3A_3568 = tpu.memref_squeeze %dma_start3A_3567 : memref<1x32x128xf32, #tpu.memory_space<vmem>> -> memref<32x128xf32, #tpu.memory_space<vmem>>
        %dma_start3A_3569 = arith.constant 0 : i32
        %dma_start3A_3570 = tpu.memref_slice %arg4[%dma_start3A_3569, %multiple_of3A_3558] : memref<32x1000000xf32, #tpu.memory_space<hbm>> -> memref<32x128xf32, #tpu.memory_space<hbm>>
        tpu.enqueue_dma source(%dma_start3A_3570 : memref<32x128xf32, #tpu.memory_space<hbm>>) target(%dma_start3A_3568 : memref<32x128xf32, #tpu.memory_space<vmem>>) target_semaphore(%arg16 : memref<!tpu.dma_semaphore, #tpu.memory_space<semaphore_mem>>)
        %shift_right_logical3A_3571 = arith.constant 7 : i32
        %shift_right_logical3A_3572 = arith.shrui %squeeze3A_3553, %shift_right_logical3A_3571 : i32
        %shift_left3A_3573 = arith.constant 7 : i32
        %shift_left3A_3574 = arith.shli %shift_right_logical3A_3572, %shift_left3A_3573 : i32
        %multiple_of3A_3575 = tpu.assume_multiple %shift_left3A_3574, 128 : i32
        %dma_start3A_3576 = arith.constant 0 : i32
        %dma_start3A_3577 = arith.constant 0 : i32
        %dma_start3A_3578 = tpu.memref_slice %arg12[%rem3A_3387, %dma_start3A_3576, %dma_start3A_3577] : memref<4x32x128xf32, #tpu.memory_space<vmem>> -> memref<1x32x128xf32, #tpu.memory_space<vmem>>
        %dma_start3A_3579 = tpu.memref_squeeze %dma_start3A_3578 : memref<1x32x128xf32, #tpu.memory_space<vmem>> -> memref<32x128xf32, #tpu.memory_space<vmem>>
        %dma_start3A_3580 = arith.constant 0 : i32
        %dma_start3A_3581 = tpu.memref_slice %arg5[%dma_start3A_3580, %multiple_of3A_3575] : memref<32x1000000xf32, #tpu.memory_space<hbm>> -> memref<32x128xf32, #tpu.memory_space<hbm>>
        %dma_start3A_3582 = arith.constant 0 : i32
        %dma_start3A_3583 = arith.constant 0 : i32
        %dma_start3A_3584 = tpu.memref_slice %arg12[%rem3A_3387, %dma_start3A_3582, %dma_start3A_3583] : memref<4x32x128xf32, #tpu.memory_space<vmem>> -> memref<1x32x128xf32, #tpu.memory_space<vmem>>
        %dma_start3A_3585 = tpu.memref_squeeze %dma_start3A_3584 : memref<1x32x128xf32, #tpu.memory_space<vmem>> -> memref<32x128xf32, #tpu.memory_space<vmem>>
        %dma_start3A_3586 = arith.constant 0 : i32
        %dma_start3A_3587 = tpu.memref_slice %arg5[%dma_start3A_3586, %multiple_of3A_3575] : memref<32x1000000xf32, #tpu.memory_space<hbm>> -> memref<32x128xf32, #tpu.memory_space<hbm>>
        tpu.enqueue_dma source(%dma_start3A_3587 : memref<32x128xf32, #tpu.memory_space<hbm>>) target(%dma_start3A_3585 : memref<32x128xf32, #tpu.memory_space<vmem>>) target_semaphore(%arg16 : memref<!tpu.dma_semaphore, #tpu.memory_space<semaphore_mem>>)
        %shift_right_logical3A_3588 = arith.constant 7 : i32
        %shift_right_logical3A_3589 = arith.shrui %squeeze3A_3551, %shift_right_logical3A_3588 : i32
        %shift_left3A_3590 = arith.constant 7 : i32
        %shift_left3A_3591 = arith.shli %shift_right_logical3A_3589, %shift_left3A_3590 : i32
        %multiple_of3A_3592 = tpu.assume_multiple %shift_left3A_3591, 128 : i32
        %dma_start3A_3593 = arith.constant 0 : i32
        %dma_start3A_3594 = arith.constant 0 : i32
        %dma_start3A_3595 = tpu.memref_slice %arg13[%rem3A_3387, %dma_start3A_3593, %dma_start3A_3594] : memref<4x32x128xf32, #tpu.memory_space<vmem>> -> memref<1x32x128xf32, #tpu.memory_space<vmem>>
        %dma_start3A_3596 = tpu.memref_squeeze %dma_start3A_3595 : memref<1x32x128xf32, #tpu.memory_space<vmem>> -> memref<32x128xf32, #tpu.memory_space<vmem>>
        %dma_start3A_3597 = arith.constant 0 : i32
        %dma_start3A_3598 = tpu.memref_slice %arg6[%dma_start3A_3597, %multiple_of3A_3592] : memref<32x1000000xf32, #tpu.memory_space<hbm>> -> memref<32x128xf32, #tpu.memory_space<hbm>>
        %dma_start3A_3599 = arith.constant 0 : i32
        %dma_start3A_3600 = arith.constant 0 : i32
        %dma_start3A_3601 = tpu.memref_slice %arg13[%rem3A_3387, %dma_start3A_3599, %dma_start3A_3600] : memref<4x32x128xf32, #tpu.memory_space<vmem>> -> memref<1x32x128xf32, #tpu.memory_space<vmem>>
        %dma_start3A_3602 = tpu.memref_squeeze %dma_start3A_3601 : memref<1x32x128xf32, #tpu.memory_space<vmem>> -> memref<32x128xf32, #tpu.memory_space<vmem>>
        %dma_start3A_3603 = arith.constant 0 : i32
        %dma_start3A_3604 = tpu.memref_slice %arg6[%dma_start3A_3603, %multiple_of3A_3592] : memref<32x1000000xf32, #tpu.memory_space<hbm>> -> memref<32x128xf32, #tpu.memory_space<hbm>>
        tpu.enqueue_dma source(%dma_start3A_3604 : memref<32x128xf32, #tpu.memory_space<hbm>>) target(%dma_start3A_3602 : memref<32x128xf32, #tpu.memory_space<vmem>>) target_semaphore(%arg16 : memref<!tpu.dma_semaphore, #tpu.memory_space<semaphore_mem>>)
        %shift_right_logical3A_3605 = arith.constant 7 : i32
        %shift_right_logical3A_3606 = arith.shrui %squeeze3A_3553, %shift_right_logical3A_3605 : i32
        %shift_left3A_3607 = arith.constant 7 : i32
        %shift_left3A_3608 = arith.shli %shift_right_logical3A_3606, %shift_left3A_3607 : i32
        %multiple_of3A_3609 = tpu.assume_multiple %shift_left3A_3608, 128 : i32
        %dma_start3A_3610 = arith.constant 0 : i32
        %dma_start3A_3611 = arith.constant 0 : i32
        %dma_start3A_3612 = tpu.memref_slice %arg14[%rem3A_3387, %dma_start3A_3610, %dma_start3A_3611] : memref<4x32x128xf32, #tpu.memory_space<vmem>> -> memref<1x32x128xf32, #tpu.memory_space<vmem>>
        %dma_start3A_3613 = tpu.memref_squeeze %dma_start3A_3612 : memref<1x32x128xf32, #tpu.memory_space<vmem>> -> memref<32x128xf32, #tpu.memory_space<vmem>>
        %dma_start3A_3614 = arith.constant 0 : i32
        %dma_start3A_3615 = tpu.memref_slice %arg7[%dma_start3A_3614, %multiple_of3A_3609] : memref<32x1000000xf32, #tpu.memory_space<hbm>> -> memref<32x128xf32, #tpu.memory_space<hbm>>
        %dma_start3A_3616 = arith.constant 0 : i32
        %dma_start3A_3617 = arith.constant 0 : i32
        %dma_start3A_3618 = tpu.memref_slice %arg14[%rem3A_3387, %dma_start3A_3616, %dma_start3A_3617] : memref<4x32x128xf32, #tpu.memory_space<vmem>> -> memref<1x32x128xf32, #tpu.memory_space<vmem>>
        %dma_start3A_3619 = tpu.memref_squeeze %dma_start3A_3618 : memref<1x32x128xf32, #tpu.memory_space<vmem>> -> memref<32x128xf32, #tpu.memory_space<vmem>>
        %dma_start3A_3620 = arith.constant 0 : i32
        %dma_start3A_3621 = tpu.memref_slice %arg7[%dma_start3A_3620, %multiple_of3A_3609] : memref<32x1000000xf32, #tpu.memory_space<hbm>> -> memref<32x128xf32, #tpu.memory_space<hbm>>
        tpu.enqueue_dma source(%dma_start3A_3621 : memref<32x128xf32, #tpu.memory_space<hbm>>) target(%dma_start3A_3619 : memref<32x128xf32, #tpu.memory_space<vmem>>) target_semaphore(%arg16 : memref<!tpu.dma_semaphore, #tpu.memory_space<semaphore_mem>>)
      } else {
      }
      %add3A_3393 = arith.constant 15 : i32
      %add3A_3394 = arith.addi %mul3A_321, %add3A_3393 : i32
      %rem3A_3395 = arith.constant 4 : i32
      %rem3A_3396 = arith.remsi %add3A_3394, %rem3A_3395 : i32
      %slice3A_3397 = vector.extract_strided_slice %get3A_323 {offsets = [15], sizes = [1], strides = [1]} : vector<16xi32> to vector<1xi32>
      %squeeze3A_3398 = vector.extract %slice3A_3397[0] : i32 from vector<1xi32>
      %slice3A_3399 = vector.extract_strided_slice %get3A_325 {offsets = [15], sizes = [1], strides = [1]} : vector<16xi32> to vector<1xi32>
      %squeeze3A_3400 = vector.extract %slice3A_3399[0] : i32 from vector<1xi32>
      %dma_wait3A_3401 = arith.constant 0 : i32
      %dma_wait3A_3402 = arith.constant 0 : i32
      %dma_wait3A_3403 = tpu.memref_slice %arg11[%rem3A_3396, %dma_wait3A_3401, %dma_wait3A_3402] : memref<4x32x128xf32, #tpu.memory_space<vmem>> -> memref<1x32x128xf32, #tpu.memory_space<vmem>>
      %dma_wait3A_3404 = tpu.memref_squeeze %dma_wait3A_3403 : memref<1x32x128xf32, #tpu.memory_space<vmem>> -> memref<32x128xf32, #tpu.memory_space<vmem>>
      %dma_wait3A_3405 = arith.constant 0 : i32
      %dma_wait3A_3406 = arith.constant 0 : i32
      %dma_wait3A_3407 = tpu.memref_slice %arg4[%dma_wait3A_3405, %dma_wait3A_3406] : memref<32x1000000xf32, #tpu.memory_space<hbm>> -> memref<32x128xf32, #tpu.memory_space<hbm>>
      %dma_wait3A_3408 = arith.constant 0 : i32
      %dma_wait3A_3409 = arith.constant 0 : i32
      %dma_wait3A_3410 = tpu.memref_slice %arg11[%rem3A_3396, %dma_wait3A_3408, %dma_wait3A_3409] : memref<4x32x128xf32, #tpu.memory_space<vmem>> -> memref<1x32x128xf32, #tpu.memory_space<vmem>>
      %dma_wait3A_3411 = tpu.memref_squeeze %dma_wait3A_3410 : memref<1x32x128xf32, #tpu.memory_space<vmem>> -> memref<32x128xf32, #tpu.memory_space<vmem>>
      %dma_wait3A_3412 = arith.constant 0 : i32
      %dma_wait3A_3413 = arith.constant 0 : i32
      %dma_wait3A_3414 = tpu.memref_slice %arg4[%dma_wait3A_3412, %dma_wait3A_3413] : memref<32x1000000xf32, #tpu.memory_space<hbm>> -> memref<32x128xf32, #tpu.memory_space<hbm>>
      tpu.wait_dma2 semaphore(%arg16 : memref<!tpu.dma_semaphore, #tpu.memory_space<semaphore_mem>>) src(%dma_wait3A_3414 : memref<32x128xf32, #tpu.memory_space<hbm>>) dst(%dma_wait3A_3411 : memref<32x128xf32, #tpu.memory_space<vmem>>)
      %dma_wait3A_3415 = arith.constant 0 : i32
      %dma_wait3A_3416 = arith.constant 0 : i32
      %dma_wait3A_3417 = tpu.memref_slice %arg12[%rem3A_3396, %dma_wait3A_3415, %dma_wait3A_3416] : memref<4x32x128xf32, #tpu.memory_space<vmem>> -> memref<1x32x128xf32, #tpu.memory_space<vmem>>
      %dma_wait3A_3418 = tpu.memref_squeeze %dma_wait3A_3417 : memref<1x32x128xf32, #tpu.memory_space<vmem>> -> memref<32x128xf32, #tpu.memory_space<vmem>>
      %dma_wait3A_3419 = arith.constant 0 : i32
      %dma_wait3A_3420 = arith.constant 0 : i32
      %dma_wait3A_3421 = tpu.memref_slice %arg5[%dma_wait3A_3419, %dma_wait3A_3420] : memref<32x1000000xf32, #tpu.memory_space<hbm>> -> memref<32x128xf32, #tpu.memory_space<hbm>>
      %dma_wait3A_3422 = arith.constant 0 : i32
      %dma_wait3A_3423 = arith.constant 0 : i32
      %dma_wait3A_3424 = tpu.memref_slice %arg12[%rem3A_3396, %dma_wait3A_3422, %dma_wait3A_3423] : memref<4x32x128xf32, #tpu.memory_space<vmem>> -> memref<1x32x128xf32, #tpu.memory_space<vmem>>
      %dma_wait3A_3425 = tpu.memref_squeeze %dma_wait3A_3424 : memref<1x32x128xf32, #tpu.memory_space<vmem>> -> memref<32x128xf32, #tpu.memory_space<vmem>>
      %dma_wait3A_3426 = arith.constant 0 : i32
      %dma_wait3A_3427 = arith.constant 0 : i32
      %dma_wait3A_3428 = tpu.memref_slice %arg5[%dma_wait3A_3426, %dma_wait3A_3427] : memref<32x1000000xf32, #tpu.memory_space<hbm>> -> memref<32x128xf32, #tpu.memory_space<hbm>>
      tpu.wait_dma2 semaphore(%arg16 : memref<!tpu.dma_semaphore, #tpu.memory_space<semaphore_mem>>) src(%dma_wait3A_3428 : memref<32x128xf32, #tpu.memory_space<hbm>>) dst(%dma_wait3A_3425 : memref<32x128xf32, #tpu.memory_space<vmem>>)
      %dma_wait3A_3429 = arith.constant 0 : i32
      %dma_wait3A_3430 = arith.constant 0 : i32
      %dma_wait3A_3431 = tpu.memref_slice %arg13[%rem3A_3396, %dma_wait3A_3429, %dma_wait3A_3430] : memref<4x32x128xf32, #tpu.memory_space<vmem>> -> memref<1x32x128xf32, #tpu.memory_space<vmem>>
      %dma_wait3A_3432 = tpu.memref_squeeze %dma_wait3A_3431 : memref<1x32x128xf32, #tpu.memory_space<vmem>> -> memref<32x128xf32, #tpu.memory_space<vmem>>
      %dma_wait3A_3433 = arith.constant 0 : i32
      %dma_wait3A_3434 = arith.constant 0 : i32
      %dma_wait3A_3435 = tpu.memref_slice %arg6[%dma_wait3A_3433, %dma_wait3A_3434] : memref<32x1000000xf32, #tpu.memory_space<hbm>> -> memref<32x128xf32, #tpu.memory_space<hbm>>
      %dma_wait3A_3436 = arith.constant 0 : i32
      %dma_wait3A_3437 = arith.constant 0 : i32
      %dma_wait3A_3438 = tpu.memref_slice %arg13[%rem3A_3396, %dma_wait3A_3436, %dma_wait3A_3437] : memref<4x32x128xf32, #tpu.memory_space<vmem>> -> memref<1x32x128xf32, #tpu.memory_space<vmem>>
      %dma_wait3A_3439 = tpu.memref_squeeze %dma_wait3A_3438 : memref<1x32x128xf32, #tpu.memory_space<vmem>> -> memref<32x128xf32, #tpu.memory_space<vmem>>
      %dma_wait3A_3440 = arith.constant 0 : i32
      %dma_wait3A_3441 = arith.constant 0 : i32
      %dma_wait3A_3442 = tpu.memref_slice %arg6[%dma_wait3A_3440, %dma_wait3A_3441] : memref<32x1000000xf32, #tpu.memory_space<hbm>> -> memref<32x128xf32, #tpu.memory_space<hbm>>
      tpu.wait_dma2 semaphore(%arg16 : memref<!tpu.dma_semaphore, #tpu.memory_space<semaphore_mem>>) src(%dma_wait3A_3442 : memref<32x128xf32, #tpu.memory_space<hbm>>) dst(%dma_wait3A_3439 : memref<32x128xf32, #tpu.memory_space<vmem>>)
      %dma_wait3A_3443 = arith.constant 0 : i32
      %dma_wait3A_3444 = arith.constant 0 : i32
      %dma_wait3A_3445 = tpu.memref_slice %arg14[%rem3A_3396, %dma_wait3A_3443, %dma_wait3A_3444] : memref<4x32x128xf32, #tpu.memory_space<vmem>> -> memref<1x32x128xf32, #tpu.memory_space<vmem>>
      %dma_wait3A_3446 = tpu.memref_squeeze %dma_wait3A_3445 : memref<1x32x128xf32, #tpu.memory_space<vmem>> -> memref<32x128xf32, #tpu.memory_space<vmem>>
      %dma_wait3A_3447 = arith.constant 0 : i32
      %dma_wait3A_3448 = arith.constant 0 : i32
      %dma_wait3A_3449 = tpu.memref_slice %arg7[%dma_wait3A_3447, %dma_wait3A_3448] : memref<32x1000000xf32, #tpu.memory_space<hbm>> -> memref<32x128xf32, #tpu.memory_space<hbm>>
      %dma_wait3A_3450 = arith.constant 0 : i32
      %dma_wait3A_3451 = arith.constant 0 : i32
      %dma_wait3A_3452 = tpu.memref_slice %arg14[%rem3A_3396, %dma_wait3A_3450, %dma_wait3A_3451] : memref<4x32x128xf32, #tpu.memory_space<vmem>> -> memref<1x32x128xf32, #tpu.memory_space<vmem>>
      %dma_wait3A_3453 = tpu.memref_squeeze %dma_wait3A_3452 : memref<1x32x128xf32, #tpu.memory_space<vmem>> -> memref<32x128xf32, #tpu.memory_space<vmem>>
      %dma_wait3A_3454 = arith.constant 0 : i32
      %dma_wait3A_3455 = arith.constant 0 : i32
      %dma_wait3A_3456 = tpu.memref_slice %arg7[%dma_wait3A_3454, %dma_wait3A_3455] : memref<32x1000000xf32, #tpu.memory_space<hbm>> -> memref<32x128xf32, #tpu.memory_space<hbm>>
      tpu.wait_dma2 semaphore(%arg16 : memref<!tpu.dma_semaphore, #tpu.memory_space<semaphore_mem>>) src(%dma_wait3A_3456 : memref<32x128xf32, #tpu.memory_space<hbm>>) dst(%dma_wait3A_3453 : memref<32x128xf32, #tpu.memory_space<vmem>>)
      %rem3A_3457 = arith.constant 128 : i32
      %rem3A_3458 = arith.remsi %add3A_3394, %rem3A_3457 : i32
      %and3A_3459 = arith.constant 127 : i32
      %and3A_3460 = arith.andi %squeeze3A_3398, %and3A_3459 : i32
      %broadcast_in_dim3A_3461 = vector.broadcast %and3A_3460 : i32 to vector<16xi32>
      %gather3A_3462 = arith.constant 0 : i32
      %gather3A_3463 = arith.constant 0 : i32
      %gather3A_3464 = tpu.memref_slice %arg11[%rem3A_3396, %gather3A_3462, %gather3A_3463] : memref<4x32x128xf32, #tpu.memory_space<vmem>> -> memref<1x32x128xf32, #tpu.memory_space<vmem>>
      %gather3A_3465 = tpu.memref_squeeze %gather3A_3464 : memref<1x32x128xf32, #tpu.memory_space<vmem>> -> memref<32x128xf32, #tpu.memory_space<vmem>>
      %gather3A_3466 = tpu.vector_load_idx %gather3A_3465[%add3A_5, %broadcast_in_dim3A_3461] : memref<32x128xf32, #tpu.memory_space<vmem>>[vector<16xi32>, vector<16xi32>], vector<16xf32>,
      %swap3A_3467 = arith.index_cast %rem3A_3458 : i32 to index
      %swap3A_3468 = arith.constant 0 : index
      %swap3A_3469 = tpu.vector_load %arg15[%swap3A_3467, %swap3A_3468] {strides = array<i32>} : memref<128x128xf32, #tpu.memory_space<vmem>>, vector<16xf32>,
      tpu.vector_store %arg15[%swap3A_3467, %swap3A_3468], %gather3A_3466 {strides = array<i32>} : memref<128x128xf32, #tpu.memory_space<vmem>>, vector<16xf32>,
      %gather3A_3470 = arith.constant 0 : i32
      %gather3A_3471 = arith.constant 0 : i32
      %gather3A_3472 = tpu.memref_slice %arg11[%rem3A_3396, %gather3A_3470, %gather3A_3471] : memref<4x32x128xf32, #tpu.memory_space<vmem>> -> memref<1x32x128xf32, #tpu.memory_space<vmem>>
      %gather3A_3473 = tpu.memref_squeeze %gather3A_3472 : memref<1x32x128xf32, #tpu.memory_space<vmem>> -> memref<32x128xf32, #tpu.memory_space<vmem>>
      %gather3A_3474 = tpu.vector_load_idx %gather3A_3473[%add3A_9, %broadcast_in_dim3A_3461] : memref<32x128xf32, #tpu.memory_space<vmem>>[vector<16xi32>, vector<16xi32>], vector<16xf32>,
      %swap3A_3475 = arith.index_cast %rem3A_3458 : i32 to index
      %swap3A_3476 = arith.constant 16 : index
      %swap3A_3477 = tpu.vector_load %arg15[%swap3A_3475, %swap3A_3476] {strides = array<i32>} : memref<128x128xf32, #tpu.memory_space<vmem>>, vector<16xf32>,
      tpu.vector_store %arg15[%swap3A_3475, %swap3A_3476], %gather3A_3474 {strides = array<i32>} : memref<128x128xf32, #tpu.memory_space<vmem>>, vector<16xf32>,
      %and3A_3478 = arith.constant 127 : i32
      %and3A_3479 = arith.andi %squeeze3A_3400, %and3A_3478 : i32
      %broadcast_in_dim3A_3480 = vector.broadcast %and3A_3479 : i32 to vector<16xi32>
      %gather3A_3481 = arith.constant 0 : i32
      %gather3A_3482 = arith.constant 0 : i32
      %gather3A_3483 = tpu.memref_slice %arg12[%rem3A_3396, %gather3A_3481, %gather3A_3482] : memref<4x32x128xf32, #tpu.memory_space<vmem>> -> memref<1x32x128xf32, #tpu.memory_space<vmem>>
      %gather3A_3484 = tpu.memref_squeeze %gather3A_3483 : memref<1x32x128xf32, #tpu.memory_space<vmem>> -> memref<32x128xf32, #tpu.memory_space<vmem>>
      %gather3A_3485 = tpu.vector_load_idx %gather3A_3484[%add3A_5, %broadcast_in_dim3A_3480] : memref<32x128xf32, #tpu.memory_space<vmem>>[vector<16xi32>, vector<16xi32>], vector<16xf32>,
      %swap3A_3486 = arith.index_cast %rem3A_3458 : i32 to index
      %swap3A_3487 = arith.constant 32 : index
      %swap3A_3488 = tpu.vector_load %arg15[%swap3A_3486, %swap3A_3487] {strides = array<i32>} : memref<128x128xf32, #tpu.memory_space<vmem>>, vector<16xf32>,
      tpu.vector_store %arg15[%swap3A_3486, %swap3A_3487], %gather3A_3485 {strides = array<i32>} : memref<128x128xf32, #tpu.memory_space<vmem>>, vector<16xf32>,
      %gather3A_3489 = arith.constant 0 : i32
      %gather3A_3490 = arith.constant 0 : i32
      %gather3A_3491 = tpu.memref_slice %arg12[%rem3A_3396, %gather3A_3489, %gather3A_3490] : memref<4x32x128xf32, #tpu.memory_space<vmem>> -> memref<1x32x128xf32, #tpu.memory_space<vmem>>
      %gather3A_3492 = tpu.memref_squeeze %gather3A_3491 : memref<1x32x128xf32, #tpu.memory_space<vmem>> -> memref<32x128xf32, #tpu.memory_space<vmem>>
      %gather3A_3493 = tpu.vector_load_idx %gather3A_3492[%add3A_9, %broadcast_in_dim3A_3480] : memref<32x128xf32, #tpu.memory_space<vmem>>[vector<16xi32>, vector<16xi32>], vector<16xf32>,
      %swap3A_3494 = arith.index_cast %rem3A_3458 : i32 to index
      %swap3A_3495 = arith.constant 48 : index
      %swap3A_3496 = tpu.vector_load %arg15[%swap3A_3494, %swap3A_3495] {strides = array<i32>} : memref<128x128xf32, #tpu.memory_space<vmem>>, vector<16xf32>,
      tpu.vector_store %arg15[%swap3A_3494, %swap3A_3495], %gather3A_3493 {strides = array<i32>} : memref<128x128xf32, #tpu.memory_space<vmem>>, vector<16xf32>,
      %and3A_3497 = arith.constant 127 : i32
      %and3A_3498 = arith.andi %squeeze3A_3398, %and3A_3497 : i32
      %broadcast_in_dim3A_3499 = vector.broadcast %and3A_3498 : i32 to vector<16xi32>
      %gather3A_3500 = arith.constant 0 : i32
      %gather3A_3501 = arith.constant 0 : i32
      %gather3A_3502 = tpu.memref_slice %arg13[%rem3A_3396, %gather3A_3500, %gather3A_3501] : memref<4x32x128xf32, #tpu.memory_space<vmem>> -> memref<1x32x128xf32, #tpu.memory_space<vmem>>
      %gather3A_3503 = tpu.memref_squeeze %gather3A_3502 : memref<1x32x128xf32, #tpu.memory_space<vmem>> -> memref<32x128xf32, #tpu.memory_space<vmem>>
      %gather3A_3504 = tpu.vector_load_idx %gather3A_3503[%add3A_5, %broadcast_in_dim3A_3499] : memref<32x128xf32, #tpu.memory_space<vmem>>[vector<16xi32>, vector<16xi32>], vector<16xf32>,
      %swap3A_3505 = arith.index_cast %rem3A_3458 : i32 to index
      %swap3A_3506 = arith.constant 64 : index
      %swap3A_3507 = tpu.vector_load %arg15[%swap3A_3505, %swap3A_3506] {strides = array<i32>} : memref<128x128xf32, #tpu.memory_space<vmem>>, vector<16xf32>,
      tpu.vector_store %arg15[%swap3A_3505, %swap3A_3506], %gather3A_3504 {strides = array<i32>} : memref<128x128xf32, #tpu.memory_space<vmem>>, vector<16xf32>,
      %gather3A_3508 = arith.constant 0 : i32
      %gather3A_3509 = arith.constant 0 : i32
      %gather3A_3510 = tpu.memref_slice %arg13[%rem3A_3396, %gather3A_3508, %gather3A_3509] : memref<4x32x128xf32, #tpu.memory_space<vmem>> -> memref<1x32x128xf32, #tpu.memory_space<vmem>>
      %gather3A_3511 = tpu.memref_squeeze %gather3A_3510 : memref<1x32x128xf32, #tpu.memory_space<vmem>> -> memref<32x128xf32, #tpu.memory_space<vmem>>
      %gather3A_3512 = tpu.vector_load_idx %gather3A_3511[%add3A_9, %broadcast_in_dim3A_3499] : memref<32x128xf32, #tpu.memory_space<vmem>>[vector<16xi32>, vector<16xi32>], vector<16xf32>,
      %swap3A_3513 = arith.index_cast %rem3A_3458 : i32 to index
      %swap3A_3514 = arith.constant 80 : index
      %swap3A_3515 = tpu.vector_load %arg15[%swap3A_3513, %swap3A_3514] {strides = array<i32>} : memref<128x128xf32, #tpu.memory_space<vmem>>, vector<16xf32>,
      tpu.vector_store %arg15[%swap3A_3513, %swap3A_3514], %gather3A_3512 {strides = array<i32>} : memref<128x128xf32, #tpu.memory_space<vmem>>, vector<16xf32>,
      %and3A_3516 = arith.constant 127 : i32
      %and3A_3517 = arith.andi %squeeze3A_3400, %and3A_3516 : i32
      %broadcast_in_dim3A_3518 = vector.broadcast %and3A_3517 : i32 to vector<16xi32>
      %gather3A_3519 = arith.constant 0 : i32
      %gather3A_3520 = arith.constant 0 : i32
      %gather3A_3521 = tpu.memref_slice %arg14[%rem3A_3396, %gather3A_3519, %gather3A_3520] : memref<4x32x128xf32, #tpu.memory_space<vmem>> -> memref<1x32x128xf32, #tpu.memory_space<vmem>>
      %gather3A_3522 = tpu.memref_squeeze %gather3A_3521 : memref<1x32x128xf32, #tpu.memory_space<vmem>> -> memref<32x128xf32, #tpu.memory_space<vmem>>
      %gather3A_3523 = tpu.vector_load_idx %gather3A_3522[%add3A_5, %broadcast_in_dim3A_3518] : memref<32x128xf32, #tpu.memory_space<vmem>>[vector<16xi32>, vector<16xi32>], vector<16xf32>,
      %swap3A_3524 = arith.index_cast %rem3A_3458 : i32 to index
      %swap3A_3525 = arith.constant 96 : index
      %swap3A_3526 = tpu.vector_load %arg15[%swap3A_3524, %swap3A_3525] {strides = array<i32>} : memref<128x128xf32, #tpu.memory_space<vmem>>, vector<16xf32>,
      tpu.vector_store %arg15[%swap3A_3524, %swap3A_3525], %gather3A_3523 {strides = array<i32>} : memref<128x128xf32, #tpu.memory_space<vmem>>, vector<16xf32>,
      %gather3A_3527 = arith.constant 0 : i32
      %gather3A_3528 = arith.constant 0 : i32
      %gather3A_3529 = tpu.memref_slice %arg14[%rem3A_3396, %gather3A_3527, %gather3A_3528] : memref<4x32x128xf32, #tpu.memory_space<vmem>> -> memref<1x32x128xf32, #tpu.memory_space<vmem>>
      %gather3A_3530 = tpu.memref_squeeze %gather3A_3529 : memref<1x32x128xf32, #tpu.memory_space<vmem>> -> memref<32x128xf32, #tpu.memory_space<vmem>>
      %gather3A_3531 = tpu.vector_load_idx %gather3A_3530[%add3A_9, %broadcast_in_dim3A_3518] : memref<32x128xf32, #tpu.memory_space<vmem>>[vector<16xi32>, vector<16xi32>], vector<16xf32>,
      %swap3A_3532 = arith.index_cast %rem3A_3458 : i32 to index
      %swap3A_3533 = arith.constant 112 : index
      %swap3A_3534 = tpu.vector_load %arg15[%swap3A_3532, %swap3A_3533] {strides = array<i32>} : memref<128x128xf32, #tpu.memory_space<vmem>>, vector<16xf32>,
      tpu.vector_store %arg15[%swap3A_3532, %swap3A_3533], %gather3A_3531 {strides = array<i32>} : memref<128x128xf32, #tpu.memory_space<vmem>>, vector<16xf32>,
      %add3A_3535 = arith.constant 4 : i32
      %add3A_3536 = arith.addi %add3A_3394, %add3A_3535 : i32
      %rem3A_3537 = arith.constant 4 : i32
      %rem3A_3538 = arith.remsi %add3A_3536, %rem3A_3537 : i32
      %lt3A_3539 = arith.constant 31 : i32
      %lt3A_3540 = arith.cmpi slt, %add3A_319, %lt3A_3539 : i32
      %convert_element_type3A_3541 = arith.extui %lt3A_3540 : i1 to i32
      %cond3A_3542 = arith.constant 0 : i32
      %cond3A_3543 = arith.cmpi ne, %convert_element_type3A_3541, %cond3A_3542 : i32
      scf.if %cond3A_3543 {
        %slice3A_3550 = vector.extract_strided_slice %get3A_330 {offsets = [3], sizes = [1], strides = [1]} : vector<16xi32> to vector<1xi32>
        %squeeze3A_3551 = vector.extract %slice3A_3550[0] : i32 from vector<1xi32>
        %slice3A_3552 = vector.extract_strided_slice %get3A_332 {offsets = [3], sizes = [1], strides = [1]} : vector<16xi32> to vector<1xi32>
        %squeeze3A_3553 = vector.extract %slice3A_3552[0] : i32 from vector<1xi32>
        %shift_right_logical3A_3554 = arith.constant 7 : i32
        %shift_right_logical3A_3555 = arith.shrui %squeeze3A_3551, %shift_right_logical3A_3554 : i32
        %shift_left3A_3556 = arith.constant 7 : i32
        %shift_left3A_3557 = arith.shli %shift_right_logical3A_3555, %shift_left3A_3556 : i32
        %multiple_of3A_3558 = tpu.assume_multiple %shift_left3A_3557, 128 : i32
        %dma_start3A_3559 = arith.constant 0 : i32
        %dma_start3A_3560 = arith.constant 0 : i32
        %dma_start3A_3561 = tpu.memref_slice %arg11[%rem3A_3538, %dma_start3A_3559, %dma_start3A_3560] : memref<4x32x128xf32, #tpu.memory_space<vmem>> -> memref<1x32x128xf32, #tpu.memory_space<vmem>>
        %dma_start3A_3562 = tpu.memref_squeeze %dma_start3A_3561 : memref<1x32x128xf32, #tpu.memory_space<vmem>> -> memref<32x128xf32, #tpu.memory_space<vmem>>
        %dma_start3A_3563 = arith.constant 0 : i32
        %dma_start3A_3564 = tpu.memref_slice %arg4[%dma_start3A_3563, %multiple_of3A_3558] : memref<32x1000000xf32, #tpu.memory_space<hbm>> -> memref<32x128xf32, #tpu.memory_space<hbm>>
        %dma_start3A_3565 = arith.constant 0 : i32
        %dma_start3A_3566 = arith.constant 0 : i32
        %dma_start3A_3567 = tpu.memref_slice %arg11[%rem3A_3538, %dma_start3A_3565, %dma_start3A_3566] : memref<4x32x128xf32, #tpu.memory_space<vmem>> -> memref<1x32x128xf32, #tpu.memory_space<vmem>>
        %dma_start3A_3568 = tpu.memref_squeeze %dma_start3A_3567 : memref<1x32x128xf32, #tpu.memory_space<vmem>> -> memref<32x128xf32, #tpu.memory_space<vmem>>
        %dma_start3A_3569 = arith.constant 0 : i32
        %dma_start3A_3570 = tpu.memref_slice %arg4[%dma_start3A_3569, %multiple_of3A_3558] : memref<32x1000000xf32, #tpu.memory_space<hbm>> -> memref<32x128xf32, #tpu.memory_space<hbm>>
        tpu.enqueue_dma source(%dma_start3A_3570 : memref<32x128xf32, #tpu.memory_space<hbm>>) target(%dma_start3A_3568 : memref<32x128xf32, #tpu.memory_space<vmem>>) target_semaphore(%arg16 : memref<!tpu.dma_semaphore, #tpu.memory_space<semaphore_mem>>)
        %shift_right_logical3A_3571 = arith.constant 7 : i32
        %shift_right_logical3A_3572 = arith.shrui %squeeze3A_3553, %shift_right_logical3A_3571 : i32
        %shift_left3A_3573 = arith.constant 7 : i32
        %shift_left3A_3574 = arith.shli %shift_right_logical3A_3572, %shift_left3A_3573 : i32
        %multiple_of3A_3575 = tpu.assume_multiple %shift_left3A_3574, 128 : i32
        %dma_start3A_3576 = arith.constant 0 : i32
        %dma_start3A_3577 = arith.constant 0 : i32
        %dma_start3A_3578 = tpu.memref_slice %arg12[%rem3A_3538, %dma_start3A_3576, %dma_start3A_3577] : memref<4x32x128xf32, #tpu.memory_space<vmem>> -> memref<1x32x128xf32, #tpu.memory_space<vmem>>
        %dma_start3A_3579 = tpu.memref_squeeze %dma_start3A_3578 : memref<1x32x128xf32, #tpu.memory_space<vmem>> -> memref<32x128xf32, #tpu.memory_space<vmem>>
        %dma_start3A_3580 = arith.constant 0 : i32
        %dma_start3A_3581 = tpu.memref_slice %arg5[%dma_start3A_3580, %multiple_of3A_3575] : memref<32x1000000xf32, #tpu.memory_space<hbm>> -> memref<32x128xf32, #tpu.memory_space<hbm>>
        %dma_start3A_3582 = arith.constant 0 : i32
        %dma_start3A_3583 = arith.constant 0 : i32
        %dma_start3A_3584 = tpu.memref_slice %arg12[%rem3A_3538, %dma_start3A_3582, %dma_start3A_3583] : memref<4x32x128xf32, #tpu.memory_space<vmem>> -> memref<1x32x128xf32, #tpu.memory_space<vmem>>
        %dma_start3A_3585 = tpu.memref_squeeze %dma_start3A_3584 : memref<1x32x128xf32, #tpu.memory_space<vmem>> -> memref<32x128xf32, #tpu.memory_space<vmem>>
        %dma_start3A_3586 = arith.constant 0 : i32
        %dma_start3A_3587 = tpu.memref_slice %arg5[%dma_start3A_3586, %multiple_of3A_3575] : memref<32x1000000xf32, #tpu.memory_space<hbm>> -> memref<32x128xf32, #tpu.memory_space<hbm>>
        tpu.enqueue_dma source(%dma_start3A_3587 : memref<32x128xf32, #tpu.memory_space<hbm>>) target(%dma_start3A_3585 : memref<32x128xf32, #tpu.memory_space<vmem>>) target_semaphore(%arg16 : memref<!tpu.dma_semaphore, #tpu.memory_space<semaphore_mem>>)
        %shift_right_logical3A_3588 = arith.constant 7 : i32
        %shift_right_logical3A_3589 = arith.shrui %squeeze3A_3551, %shift_right_logical3A_3588 : i32
        %shift_left3A_3590 = arith.constant 7 : i32
        %shift_left3A_3591 = arith.shli %shift_right_logical3A_3589, %shift_left3A_3590 : i32
        %multiple_of3A_3592 = tpu.assume_multiple %shift_left3A_3591, 128 : i32
        %dma_start3A_3593 = arith.constant 0 : i32
        %dma_start3A_3594 = arith.constant 0 : i32
        %dma_start3A_3595 = tpu.memref_slice %arg13[%rem3A_3538, %dma_start3A_3593, %dma_start3A_3594] : memref<4x32x128xf32, #tpu.memory_space<vmem>> -> memref<1x32x128xf32, #tpu.memory_space<vmem>>
        %dma_start3A_3596 = tpu.memref_squeeze %dma_start3A_3595 : memref<1x32x128xf32, #tpu.memory_space<vmem>> -> memref<32x128xf32, #tpu.memory_space<vmem>>
        %dma_start3A_3597 = arith.constant 0 : i32
        %dma_start3A_3598 = tpu.memref_slice %arg6[%dma_start3A_3597, %multiple_of3A_3592] : memref<32x1000000xf32, #tpu.memory_space<hbm>> -> memref<32x128xf32, #tpu.memory_space<hbm>>
        %dma_start3A_3599 = arith.constant 0 : i32
        %dma_start3A_3600 = arith.constant 0 : i32
        %dma_start3A_3601 = tpu.memref_slice %arg13[%rem3A_3538, %dma_start3A_3599, %dma_start3A_3600] : memref<4x32x128xf32, #tpu.memory_space<vmem>> -> memref<1x32x128xf32, #tpu.memory_space<vmem>>
        %dma_start3A_3602 = tpu.memref_squeeze %dma_start3A_3601 : memref<1x32x128xf32, #tpu.memory_space<vmem>> -> memref<32x128xf32, #tpu.memory_space<vmem>>
        %dma_start3A_3603 = arith.constant 0 : i32
        %dma_start3A_3604 = tpu.memref_slice %arg6[%dma_start3A_3603, %multiple_of3A_3592] : memref<32x1000000xf32, #tpu.memory_space<hbm>> -> memref<32x128xf32, #tpu.memory_space<hbm>>
        tpu.enqueue_dma source(%dma_start3A_3604 : memref<32x128xf32, #tpu.memory_space<hbm>>) target(%dma_start3A_3602 : memref<32x128xf32, #tpu.memory_space<vmem>>) target_semaphore(%arg16 : memref<!tpu.dma_semaphore, #tpu.memory_space<semaphore_mem>>)
        %shift_right_logical3A_3605 = arith.constant 7 : i32
        %shift_right_logical3A_3606 = arith.shrui %squeeze3A_3553, %shift_right_logical3A_3605 : i32
        %shift_left3A_3607 = arith.constant 7 : i32
        %shift_left3A_3608 = arith.shli %shift_right_logical3A_3606, %shift_left3A_3607 : i32
        %multiple_of3A_3609 = tpu.assume_multiple %shift_left3A_3608, 128 : i32
        %dma_start3A_3610 = arith.constant 0 : i32
        %dma_start3A_3611 = arith.constant 0 : i32
        %dma_start3A_3612 = tpu.memref_slice %arg14[%rem3A_3538, %dma_start3A_3610, %dma_start3A_3611] : memref<4x32x128xf32, #tpu.memory_space<vmem>> -> memref<1x32x128xf32, #tpu.memory_space<vmem>>
        %dma_start3A_3613 = tpu.memref_squeeze %dma_start3A_3612 : memref<1x32x128xf32, #tpu.memory_space<vmem>> -> memref<32x128xf32, #tpu.memory_space<vmem>>
        %dma_start3A_3614 = arith.constant 0 : i32
        %dma_start3A_3615 = tpu.memref_slice %arg7[%dma_start3A_3614, %multiple_of3A_3609] : memref<32x1000000xf32, #tpu.memory_space<hbm>> -> memref<32x128xf32, #tpu.memory_space<hbm>>
        %dma_start3A_3616 = arith.constant 0 : i32
        %dma_start3A_3617 = arith.constant 0 : i32
        %dma_start3A_3618 = tpu.memref_slice %arg14[%rem3A_3538, %dma_start3A_3616, %dma_start3A_3617] : memref<4x32x128xf32, #tpu.memory_space<vmem>> -> memref<1x32x128xf32, #tpu.memory_space<vmem>>
        %dma_start3A_3619 = tpu.memref_squeeze %dma_start3A_3618 : memref<1x32x128xf32, #tpu.memory_space<vmem>> -> memref<32x128xf32, #tpu.memory_space<vmem>>
        %dma_start3A_3620 = arith.constant 0 : i32
        %dma_start3A_3621 = tpu.memref_slice %arg7[%dma_start3A_3620, %multiple_of3A_3609] : memref<32x1000000xf32, #tpu.memory_space<hbm>> -> memref<32x128xf32, #tpu.memory_space<hbm>>
        tpu.enqueue_dma source(%dma_start3A_3621 : memref<32x128xf32, #tpu.memory_space<hbm>>) target(%dma_start3A_3619 : memref<32x128xf32, #tpu.memory_space<vmem>>) target_semaphore(%arg16 : memref<!tpu.dma_semaphore, #tpu.memory_space<semaphore_mem>>)
      } else {
      }
      %rem3A_3544 = arith.constant 8 : i32
      %rem3A_3545 = arith.remsi %add3A_319, %rem3A_3544 : i32
      %eq3A = arith.constant 7 : i32
      %eq3A_3546 = arith.cmpi eq, %rem3A_3545, %eq3A : i32
      %convert_element_type3A_3547 = arith.extui %eq3A_3546 : i1 to i32
      %cond3A_3548 = arith.constant 0 : i32
      %cond3A_3549 = arith.cmpi ne, %convert_element_type3A_3547, %cond3A_3548 : i32
      scf.if %cond3A_3549 {
        %shift_right_logical3A_3550 = arith.constant 7 : i32
        %shift_right_logical3A_3551 = arith.shrui %mul3A_321, %shift_right_logical3A_3550 : i32
        %shift_left3A_3552 = arith.constant 7 : i32
        %shift_left3A_3553 = arith.shli %shift_right_logical3A_3551, %shift_left3A_3552 : i32
        %add3A_3554 = arith.addi %mul3A_2, %shift_left3A_3553 : i32
        %multiple_of3A_3555 = tpu.assume_multiple %add3A_3554, 128 : i32
        "tpu.region"() ({
          %run_scoped3A = tpu.sem_alloc : memref<!tpu.dma_semaphore, #tpu.memory_space<semaphore_mem>>
          %dma_start3A_3556 = arith.constant 0 : i32
          %dma_start3A_3557 = tpu.memref_slice %arg8[%multiple_of3A_3555, %dma_start3A_3556] : memref<16384x128xf32, #tpu.memory_space<hbm>> -> memref<128x128xf32, #tpu.memory_space<hbm>>
          %dma_start3A_3558 = arith.constant 0 : i32
          %dma_start3A_3559 = tpu.memref_slice %arg8[%multiple_of3A_3555, %dma_start3A_3558] : memref<16384x128xf32, #tpu.memory_space<hbm>> -> memref<128x128xf32, #tpu.memory_space<hbm>>
          tpu.enqueue_dma source(%arg15 : memref<128x128xf32, #tpu.memory_space<vmem>>) target(%dma_start3A_3559 : memref<128x128xf32, #tpu.memory_space<hbm>>) target_semaphore(%run_scoped3A : memref<!tpu.dma_semaphore, #tpu.memory_space<semaphore_mem>>)
          %dma_wait3A_3560 = arith.constant 0 : i32
          %dma_wait3A_3561 = tpu.memref_slice %arg8[%multiple_of3A_3555, %dma_wait3A_3560] : memref<16384x128xf32, #tpu.memory_space<hbm>> -> memref<128x128xf32, #tpu.memory_space<hbm>>
          %dma_wait3A_3562 = arith.constant 0 : i32
          %dma_wait3A_3563 = tpu.memref_slice %arg8[%multiple_of3A_3555, %dma_wait3A_3562] : memref<16384x128xf32, #tpu.memory_space<hbm>> -> memref<128x128xf32, #tpu.memory_space<hbm>>
          tpu.wait_dma2 semaphore(%run_scoped3A : memref<!tpu.dma_semaphore, #tpu.memory_space<semaphore_mem>>) src(%arg15 : memref<128x128xf32, #tpu.memory_space<vmem>>) dst(%dma_wait3A_3563 : memref<128x128xf32, #tpu.memory_space<hbm>>)
          tpu.yield
        }) : () -> ()
      } else {
      }
    }
    %scan3A_314 = arith.constant 32 : i32
    return
  }
}

module attributes {stable_mosaic.version = 14 : i64} {
  func.func @_mlp_body(%arg0: i32, %arg1: memref<2048x128xf32, #tpu.memory_space<vmem>>, %arg2: memref<32x64xf32, #tpu.memory_space<vmem>>, %arg3: memref<32x64xf32, #tpu.memory_space<vmem>>, %arg4: memref<64xf32, #tpu.memory_space<vmem>>, %arg5: memref<64x32xf32, #tpu.memory_space<vmem>>, %arg6: memref<32xf32, #tpu.memory_space<vmem>>, %arg7: memref<32x16xf32, #tpu.memory_space<vmem>>, %arg8: memref<16xf32, #tpu.memory_space<vmem>>, %arg9: memref<32xf32, #tpu.memory_space<vmem>>, %arg10: memref<16xf32, #tpu.memory_space<vmem>>, %arg11: memref<1xf32, #tpu.memory_space<vmem>>, %arg12: memref<2048xf32, #tpu.memory_space<vmem>>) attributes {dimension_semantics = [#tpu.dimension_semantics<arbitrary>], iteration_bounds = array<i64: 8>, scalar_prefetch = 0 : i64, scratch_operands = 0 : i64, tpu.core_type = #tpu.core_type<tc>, window_params = [{transform_indices = @transform_0, window_bounds = array<i64: 2048, 128>}, {pipeline_mode = #tpu.pipeline_mode<synchronous>, transform_indices = @transform_1, window_bounds = array<i64: 32, 64>}, {pipeline_mode = #tpu.pipeline_mode<synchronous>, transform_indices = @transform_2, window_bounds = array<i64: 32, 64>}, {pipeline_mode = #tpu.pipeline_mode<synchronous>, transform_indices = @transform_3, window_bounds = array<i64: 64>}, {pipeline_mode = #tpu.pipeline_mode<synchronous>, transform_indices = @transform_4, window_bounds = array<i64: 64, 32>}, {pipeline_mode = #tpu.pipeline_mode<synchronous>, transform_indices = @transform_5, window_bounds = array<i64: 32>}, {pipeline_mode = #tpu.pipeline_mode<synchronous>, transform_indices = @transform_6, window_bounds = array<i64: 32, 16>}, {pipeline_mode = #tpu.pipeline_mode<synchronous>, transform_indices = @transform_7, window_bounds = array<i64: 16>}, {pipeline_mode = #tpu.pipeline_mode<synchronous>, transform_indices = @transform_8, window_bounds = array<i64: 32>}, {pipeline_mode = #tpu.pipeline_mode<synchronous>, transform_indices = @transform_9, window_bounds = array<i64: 16>}, {pipeline_mode = #tpu.pipeline_mode<synchronous>, transform_indices = @transform_10, window_bounds = array<i64: 1>}, {transform_indices = @transform_11, window_bounds = array<i64: 2048>}]} {
    %get3A = arith.constant 0 : index
    %get3A_0 = arith.constant 0 : index
    %get3A_1 = vector.load %arg1[%get3A, %get3A_0] : memref<2048x128xf32, #tpu.memory_space<vmem>>, vector<2048x128xf32>
    %slice3A = vector.extract_strided_slice %get3A_1 {offsets = [0, 0], sizes = [2048, 32], strides = [1, 1]} : vector<2048x128xf32> to vector<2048x32xf32>
    %slice3A_2 = vector.extract_strided_slice %get3A_1 {offsets = [0, 32], sizes = [2048, 32], strides = [1, 1]} : vector<2048x128xf32> to vector<2048x32xf32>
    %mul3A = arith.mulf %slice3A, %slice3A_2 : vector<2048x32xf32>
    %slice3A_3 = vector.extract_strided_slice %get3A_1 {offsets = [0, 64], sizes = [2048, 32], strides = [1, 1]} : vector<2048x128xf32> to vector<2048x32xf32>
    %slice3A_4 = vector.extract_strided_slice %get3A_1 {offsets = [0, 96], sizes = [2048, 32], strides = [1, 1]} : vector<2048x128xf32> to vector<2048x32xf32>
    %get3A_5 = arith.constant 0 : index
    %get3A_6 = arith.constant 0 : index
    %get3A_7 = vector.load %arg2[%get3A_5, %get3A_6] : memref<32x64xf32, #tpu.memory_space<vmem>>, vector<32x64xf32>
    %dot_general3A = arith.constant dense<0.000000e+00> : vector<2048x64xf32>
    %dot_general3A_8 = tpu.matmul %slice3A_3, %get3A_7, %dot_general3A {dimension_numbers = #tpu.dot_dimension_numbers<[1], [0], [0], [1], [0, 0, 1, 1], [], []>, transpose_lhs_hint = false} : vector<2048x32xf32>, vector<32x64xf32>, vector<2048x64xf32> -> vector<2048x64xf32>
    %get3A_9 = arith.constant 0 : index
    %get3A_10 = arith.constant 0 : index
    %get3A_11 = vector.load %arg3[%get3A_9, %get3A_10] : memref<32x64xf32, #tpu.memory_space<vmem>>, vector<32x64xf32>
    %dot_general3A_12 = arith.constant dense<0.000000e+00> : vector<2048x64xf32>
    %dot_general3A_13 = tpu.matmul %slice3A_4, %get3A_11, %dot_general3A_12 {dimension_numbers = #tpu.dot_dimension_numbers<[1], [0], [0], [1], [0, 0, 1, 1], [], []>, transpose_lhs_hint = false} : vector<2048x32xf32>, vector<32x64xf32>, vector<2048x64xf32> -> vector<2048x64xf32>
    %add3A = arith.addf %dot_general3A_8, %dot_general3A_13 : vector<2048x64xf32>
    %get3A_14 = arith.constant 0 : index
    %get3A_15 = vector.load %arg4[%get3A_14] : memref<64xf32, #tpu.memory_space<vmem>>, vector<64xf32>
    %broadcast_in_dim3A = vector.shape_cast %get3A_15 : vector<64xf32> to vector<1x64xf32>
    %add3A_16 = vector.broadcast %broadcast_in_dim3A : vector<1x64xf32> to vector<2048x64xf32>
    %add3A_17 = arith.addf %add3A, %add3A_16 : vector<2048x64xf32>
    %max3A = arith.constant 0.000000e+00 : f32
    %max3A_18 = vector.broadcast %max3A : f32 to vector<2048x64xf32>
    %max3A_19 = arith.maximumf %add3A_17, %max3A_18 : vector<2048x64xf32>
    %get3A_20 = arith.constant 0 : index
    %get3A_21 = arith.constant 0 : index
    %get3A_22 = vector.load %arg5[%get3A_20, %get3A_21] : memref<64x32xf32, #tpu.memory_space<vmem>>, vector<64x32xf32>
    %dot_general3A_23 = arith.constant dense<0.000000e+00> : vector<2048x32xf32>
    %dot_general3A_24 = tpu.matmul %max3A_19, %get3A_22, %dot_general3A_23 {dimension_numbers = #tpu.dot_dimension_numbers<[1], [0], [0], [1], [0, 0, 1, 1], [], []>, transpose_lhs_hint = false} : vector<2048x64xf32>, vector<64x32xf32>, vector<2048x32xf32> -> vector<2048x32xf32>
    %get3A_25 = arith.constant 0 : index
    %get3A_26 = vector.load %arg6[%get3A_25] : memref<32xf32, #tpu.memory_space<vmem>>, vector<32xf32>
    %broadcast_in_dim3A_27 = vector.shape_cast %get3A_26 : vector<32xf32> to vector<1x32xf32>
    %add3A_28 = vector.broadcast %broadcast_in_dim3A_27 : vector<1x32xf32> to vector<2048x32xf32>
    %add3A_29 = arith.addf %dot_general3A_24, %add3A_28 : vector<2048x32xf32>
    %max3A_30 = arith.constant 0.000000e+00 : f32
    %max3A_31 = vector.broadcast %max3A_30 : f32 to vector<2048x32xf32>
    %max3A_32 = arith.maximumf %add3A_29, %max3A_31 : vector<2048x32xf32>
    %get3A_33 = arith.constant 0 : index
    %get3A_34 = arith.constant 0 : index
    %get3A_35 = vector.load %arg7[%get3A_33, %get3A_34] : memref<32x16xf32, #tpu.memory_space<vmem>>, vector<32x16xf32>
    %dot_general3A_36 = arith.constant dense<0.000000e+00> : vector<2048x16xf32>
    %dot_general3A_37 = tpu.matmul %max3A_32, %get3A_35, %dot_general3A_36 {dimension_numbers = #tpu.dot_dimension_numbers<[1], [0], [0], [1], [0, 0, 1, 1], [], []>, transpose_lhs_hint = false} : vector<2048x32xf32>, vector<32x16xf32>, vector<2048x16xf32> -> vector<2048x16xf32>
    %get3A_38 = arith.constant 0 : index
    %get3A_39 = vector.load %arg8[%get3A_38] : memref<16xf32, #tpu.memory_space<vmem>>, vector<16xf32>
    %broadcast_in_dim3A_40 = vector.shape_cast %get3A_39 : vector<16xf32> to vector<1x16xf32>
    %add3A_41 = vector.broadcast %broadcast_in_dim3A_40 : vector<1x16xf32> to vector<2048x16xf32>
    %add3A_42 = arith.addf %dot_general3A_37, %add3A_41 : vector<2048x16xf32>
    %max3A_43 = arith.constant 0.000000e+00 : f32
    %max3A_44 = vector.broadcast %max3A_43 : f32 to vector<2048x16xf32>
    %max3A_45 = arith.maximumf %add3A_42, %max3A_44 : vector<2048x16xf32>
    %get3A_46 = arith.constant 0 : index
    %get3A_47 = vector.load %arg9[%get3A_46] : memref<32xf32, #tpu.memory_space<vmem>>, vector<32xf32>
    %broadcast_in_dim3A_48 = vector.shape_cast %get3A_47 : vector<32xf32> to vector<1x32xf32>
    %mul3A_49 = vector.broadcast %broadcast_in_dim3A_48 : vector<1x32xf32> to vector<2048x32xf32>
    %mul3A_50 = arith.mulf %mul3A, %mul3A_49 : vector<2048x32xf32>
    %reduce_sum3A = arith.constant dense<0.000000e+00> : vector<2048xf32>
    %reduce_sum3A_51 = vector.multi_reduction <add>, %mul3A_50, %reduce_sum3A [1] : vector<2048x32xf32> to vector<2048xf32>
    %get3A_52 = arith.constant 0 : index
    %get3A_53 = vector.load %arg10[%get3A_52] : memref<16xf32, #tpu.memory_space<vmem>>, vector<16xf32>
    %broadcast_in_dim3A_54 = vector.shape_cast %get3A_53 : vector<16xf32> to vector<1x16xf32>
    %mul3A_55 = vector.broadcast %broadcast_in_dim3A_54 : vector<1x16xf32> to vector<2048x16xf32>
    %mul3A_56 = arith.mulf %max3A_45, %mul3A_55 : vector<2048x16xf32>
    %reduce_sum3A_57 = arith.constant dense<0.000000e+00> : vector<2048xf32>
    %reduce_sum3A_58 = vector.multi_reduction <add>, %mul3A_56, %reduce_sum3A_57 [1] : vector<2048x16xf32> to vector<2048xf32>
    %add3A_59 = arith.addf %reduce_sum3A_51, %reduce_sum3A_58 : vector<2048xf32>
    %get3A_60 = arith.constant 0 : index
    %get3A_61 = vector.load %arg11[%get3A_60] : memref<1xf32, #tpu.memory_space<vmem>>, vector<1xf32>
    %add3A_62 = vector.broadcast %get3A_61 : vector<1xf32> to vector<2048xf32>
    %add3A_63 = arith.addf %add3A_59, %add3A_62 : vector<2048xf32>
    %logistic3A = arith.negf %add3A_63 : vector<2048xf32>
    %logistic3A_64 = math.exp %logistic3A : vector<2048xf32>
    %logistic3A_65 = arith.constant 1.000000e+00 : f32
    %logistic3A_66 = vector.broadcast %logistic3A_65 : f32 to vector<2048xf32>
    %logistic3A_67 = arith.addf %logistic3A_66, %logistic3A_64 : vector<2048xf32>
    %logistic3A_68 = arith.divf %logistic3A_66, %logistic3A_67 : vector<2048xf32>
    %swap3A = arith.constant 0 : index
    %swap3A_69 = vector.load %arg12[%swap3A] : memref<2048xf32, #tpu.memory_space<vmem>>, vector<2048xf32>
    tpu.vector_store %arg12[%swap3A], %logistic3A_68 {strides = array<i32>} : memref<2048xf32, #tpu.memory_space<vmem>>, vector<2048xf32>,
    return
  }
  func.func @transform_0(%arg0: i32) -> (i32, i32) {
    %c0_i32 = arith.constant 0 : i32
    %c0_i32_0 = arith.constant 0 : i32
    return %arg0, %c0_i32 : i32, i32
  }
  func.func @transform_1(%arg0: i32) -> (i32, i32) {
    %c0_i32 = arith.constant 0 : i32
    %c0_i32_0 = arith.constant 0 : i32
    %c0_i32_1 = arith.constant 0 : i32
    return %c0_i32, %c0_i32_0 : i32, i32
  }
  func.func @transform_2(%arg0: i32) -> (i32, i32) {
    %c0_i32 = arith.constant 0 : i32
    %c0_i32_0 = arith.constant 0 : i32
    %c0_i32_1 = arith.constant 0 : i32
    return %c0_i32, %c0_i32_0 : i32, i32
  }
  func.func @transform_3(%arg0: i32) -> i32 {
    %c0_i32 = arith.constant 0 : i32
    %c0_i32_0 = arith.constant 0 : i32
    return %c0_i32 : i32
  }
  func.func @transform_4(%arg0: i32) -> (i32, i32) {
    %c0_i32 = arith.constant 0 : i32
    %c0_i32_0 = arith.constant 0 : i32
    %c0_i32_1 = arith.constant 0 : i32
    return %c0_i32, %c0_i32_0 : i32, i32
  }
  func.func @transform_5(%arg0: i32) -> i32 {
    %c0_i32 = arith.constant 0 : i32
    %c0_i32_0 = arith.constant 0 : i32
    return %c0_i32 : i32
  }
  func.func @transform_6(%arg0: i32) -> (i32, i32) {
    %c0_i32 = arith.constant 0 : i32
    %c0_i32_0 = arith.constant 0 : i32
    %c0_i32_1 = arith.constant 0 : i32
    return %c0_i32, %c0_i32_0 : i32, i32
  }
  func.func @transform_7(%arg0: i32) -> i32 {
    %c0_i32 = arith.constant 0 : i32
    %c0_i32_0 = arith.constant 0 : i32
    return %c0_i32 : i32
  }
  func.func @transform_8(%arg0: i32) -> i32 {
    %c0_i32 = arith.constant 0 : i32
    %c0_i32_0 = arith.constant 0 : i32
    return %c0_i32 : i32
  }
  func.func @transform_9(%arg0: i32) -> i32 {
    %c0_i32 = arith.constant 0 : i32
    %c0_i32_0 = arith.constant 0 : i32
    return %c0_i32 : i32
  }
  func.func @transform_10(%arg0: i32) -> i32 {
    %c0_i32 = arith.constant 0 : i32
    %c0_i32_0 = arith.constant 0 : i32
    return %c0_i32 : i32
  }
  func.func @transform_11(%arg0: i32) -> i32 {
    %c0_i32 = arith.constant 0 : i32
    return %arg0 : i32
  }
}

</mosaic_0001>

<sc_bundles>
// kernel: kernel.4.cloned.1.call-start
scs
__scs_entry_jumppad:
0x0: {  	(pc) =	sbr.rel $0x88, $3  }
0x1: {  	(tag) =	ssettag $0x0;
	lr =	simm.s32 $0x1  }
0x2: {  	[smem:$0x3F93] =	sst lr;
	_ =	strace $0xD0000000  }
0x3: {  	_ = 	snop  }
0x4: {  	_ = 	snop  }
0x5: {  	_ = 	snop  }
0x6: {  	_ = 	snop  }
0x7: {  	_ = 	snop  }
__scs_overlays_trampoline_lowered:
0x8: {  	[smem:$0x3FA2] =	sst s0  }
0x9: {  	[smem:$0x3FA3] =	sst s1  }
0xa: {  	[smem:$0x3FA4] =	sst s2  }
0xb: {  	[smem:$0x3FA5] =	sst s3  }
0xc: {  	[smem:$0x3FA6] =	sst s4  }
0xd: {  	[smem:$0x3FA7] =	sst s5  }
0xe: {  	[smem:$0x3FA8] =	sst s6  }
0xf: {  	[smem:$0x3FA9] =	sst s7  }
0x10: {  	[smem:$0x3FAA] =	sst s8  }
0x11: {  	[smem:$0x3FAB] =	sst s9;
	s0 =	simm.s32 @!p0 $0x0  }
0x12: {  	s1 =	sld [smem:$0x3F91];
	s0 =	simm.s32 @p0 $0x1  }
0x13: {  	[smem:$0x3FAC] =	sst s0;
	s0 =	simm.s32 @!p1 $0x0  }
0x14: {  	s2 =	sld [smem:$0x3F90];
	s0 =	simm.s32 @p1 $0x1  }
0x15: {  	[smem:$0x3FAD] =	sst s0;
	s0 =	simm.s32 @!p2 $0x0  }
0x16: {  	s3 =	sld [smem:$0x3FDB];
	s0 =	simm.s32 @p2 $0x1  }
0x17: {  	s4 =	simm.s32 $0x1BF5;
	[smem:$0x3FAF] =	sst s0  }
0x18: {  	s0 =	sld [smem:$0x3F92];
	_ =	swait.ge [sflag:s4], $0x0  }
0x19: {  	s7 =	sld [smem:$0x3F93]  }
0x1a: {  	s8 =	sadd.s32 $0xFFFFE003, lr  }
0x1b: {  	s9 =	sadd.s32 $0xFFFFFEF7, lr;
	s5 =	simm.s32 $0xFFFFFFFF;
	p2 =	slt.u32 s8, $0xFFFFF086  }
0x1c: {  	p1 =	slt.u32 s9, $0xF7A;
	s5 =	simm.s32 @!p2 $0x0  }
0x1d: {  	s5 =	simm.s32 @p1 $0x1;
	p0 =	seq.s32 s7, s2  }
0x1e: {  	s7 =	smul.u32 @!p0 $0xF7A, s2;
	p2 =	seq.s32 @!p0 s5, $0x0  }
0x1f: {  	s9 =	smul.u32 $0xF7A, s1;
	s8 =	simm.s32 @!p0 $0x1BF5;
	p2 =	por !p2, p0  }
0x20: {  	[sflag:s8] =	ssyncset.s32 @!p0 $0xFFFFF086;
	s6 =	sadd.s32 @!p0 s3, s7;
	s7 =	simm.s32 @!p0 $0x108  }
0x21: {  	s3 =	sadd.s32 s3, s9;
	s6 =	sadd.s32 @!p0 $0x88, s6;
	s7 =	simm.s32 @p2 $0x1082  }
0x22: {  	[simem:s7], [sflag:s8] =	dma.local @!p0 [hbm:s6], $0xF7A  }
0x23: {  	s9 =	sor.u32 $0xD0000000, s2;
	s6 =	simm.s32 $0x108;
	_ =	swait.ge @!p0 [sflag:s8], $0x0  }
0x24: {  	s3 =	sadd.s32 $0x88, s3;
	s6 =	simm.s32 @!p1 $0x1082;
	[sflag:s4] =	ssyncset.s32 $0xFFFFF086  }
0x25: {  	[simem:s6], [sflag:s4] =	dma.local [hbm:s3], $0xF7A  }
0x26: {  	[smem:$0x3F93] =	sst s1;
	(tag) =	ssettag s2;
	_ =	strace s9  }
0x27: {  	s1 =	sld [smem:$0x3FA3]  }
0x28: {  	s2 =	sld [smem:$0x3FA4]  }
0x29: {  	s4 =	sld [smem:$0x3FA6]  }
0x2a: {  	p0 =	seq.s32 s5, $0x0;
	s5 =	sld [smem:$0x3FA7]  }
0x2b: {  	s6 =	sld [smem:$0x3FA8]  }
0x2c: {  	s7 =	sld [smem:$0x3FA9]  }
0x2d: {  	s3 =	simm.s32 $0x108;
	s8 =	sld [smem:$0x3FAA]  }
0x2e: {  	s3 =	simm.s32 @!p0 $0x1082;
	s9 =	sld [smem:$0x3FAB]  }
0x2f: {  	lr =	sadd.s32 s0, s3;
	s0 =	sld [smem:$0x3FA2]  }
0x30: {  	s3 =	sld [smem:$0x3FA5]  }
0x31: {  	[smem:$0x3FAE] =	sst s10  }
0x32: {  	s10 =	sld [smem:$0x3FAC];
	_ =	sdelay $0x3  }
0x33: {  	p0 =	seq.s32 s10, $0x1;
	s10 =	sld [smem:$0x3FAE];
	_ =	sdelay $0x3  }
0x34: {  	[smem:$0x3FAE] =	sst s10  }
0x35: {  	s10 =	sld [smem:$0x3FAD];
	_ =	sdelay $0x3  }
0x36: {  	p1 =	seq.s32 s10, $0x1;
	s10 =	sld [smem:$0x3FAE];
	_ =	sdelay $0x3  }
0x37: {  	[smem:$0x3FAE] =	sst s10  }
0x38: {  	s10 =	sld [smem:$0x3FAF]  }
0x39: {  	_ = 	snop;
	(pc) =	sbr.ind lr, $3  }
0x3a: {  	_ = 	snop  }
0x3b: {  	_ = 	snop  }
0x3c: {  	p2 =	seq.s32 s10, $0x1;
	s10 =	sld [smem:$0x3FAE]  }
0x3d: {  	_ =	shalt  }
0x3e: {  	_ =	shalt  }
0x3f: {  	_ =	shalt  }
0x40: {  	_ =	shalt  }
0x41: {  	_ =	shalt  }
0x42: {  	_ =	shalt  }
0x43: {  	_ =	shalt  }
0x44: {  	_ =	shalt  }
0x45: {  	_ =	shalt  }
0x46: {  	_ =	shalt  }
0x47: {  	_ =	shalt  }
0x48: {  	_ =	shalt  }
0x49: {  	_ =	shalt  }
0x4a: {  	_ =	shalt  }
0x4b: {  	_ =	shalt  }
0x4c: {  	_ =	shalt  }
0x4d: {  	_ =	shalt  }
0x4e: {  	_ =	shalt  }
0x4f: {  	_ =	shalt  }
0x50: {  	_ =	shalt  }
0x51: {  	_ =	shalt  }
0x52: {  	_ =	shalt  }
0x53: {  	_ =	shalt  }
0x54: {  	_ =	shalt  }
0x55: {  	_ =	shalt  }
0x56: {  	_ =	shalt  }
0x57: {  	_ =	shalt  }
0x58: {  	_ =	shalt  }
0x59: {  	_ =	shalt  }
0x5a: {  	_ =	shalt  }
0x5b: {  	_ =	shalt  }
0x5c: {  	_ =	shalt  }
0x5d: {  	_ =	shalt  }
0x5e: {  	_ =	shalt  }
0x5f: {  	_ =	shalt  }
0x60: {  	_ =	shalt  }
0x61: {  	_ =	shalt  }
0x62: {  	_ =	shalt  }
0x63: {  	_ =	shalt  }
0x64: {  	_ =	shalt  }
0x65: {  	_ =	shalt  }
0x66: {  	_ =	shalt  }
0x67: {  	_ =	shalt  }
0x68: {  	_ =	shalt  }
0x69: {  	_ =	shalt  }
0x6a: {  	_ =	shalt  }
0x6b: {  	_ =	shalt  }
0x6c: {  	_ =	shalt  }
0x6d: {  	_ =	shalt  }
0x6e: {  	_ =	shalt  }
0x6f: {  	_ =	shalt  }
0x70: {  	_ =	shalt  }
0x71: {  	_ =	shalt  }
0x72: {  	_ =	shalt  }
0x73: {  	_ =	shalt  }
0x74: {  	_ =	shalt  }
0x75: {  	_ =	shalt  }
0x76: {  	_ =	shalt  }
0x77: {  	_ =	shalt  }
0x78: {  	_ =	shalt  }
0x79: {  	_ =	shalt  }
0x7a: {  	_ =	shalt  }
0x7b: {  	_ =	shalt  }
0x7c: {  	_ =	shalt  }
0x7d: {  	_ =	shalt  }
0x7e: {  	_ =	shalt  }
0x7f: {  	_ =	shalt  }
0x80: {  	_ =	shalt  }
0x81: {  	_ =	shalt  }
0x82: {  	_ =	shalt  }
0x83: {  	_ =	shalt  }
0x84: {  	_ =	shalt  }
0x85: {  	_ =	shalt  }
0x86: {  	_ =	shalt  }
0x87: {  	_ =	shalt  }
.Lfunc_end0:
.L_simem_size_0:
called_computation_lowered:
.L_overlay_start_0:
0x88: {  	s2 =	sld [smem:$0x3FD9]  }
0x89: {  	s3 =	sld [smem:$0x3FFE];
	_ =	sdelay $0x1  }
0x8a: {  	s1 =	srdreg.scid  }
0x8b: {  	s0 =	sand.u32 $0x1, s1  }
0x8c: {  	s17 =	sshll.u32 s0, $0xA;
	s2 =	sadd.s32 s3, s2  }
0x8d: {  	s2 =	sadd.s32 s2, s17  }
0x8e: {  	[smem:$0x3FBA] =	sst s2  }
0x8f: {  	_ = 	snop  }
0x90: {  	s2 =	sld [smem:$0x3FC9]  }
0x91: {  	s18 =	sld [smem:$0x3FC8]  }
0x92: {  	s4 =	sld [smem:$0x3FC7]  }
0x93: {  	s5 =	sld [smem:$0x3FC6]  }
0x94: {  	s6 =	sld [smem:$0x3FC5]  }
0x95: {  	s7 =	sld [smem:$0x3FC4];
	(tm) =	ssettm $0x1  }
0x96: {  	s8 =	sld [smem:$0x3FFB];
	_ =	sdelay $0x3  }
0x97: {  	_ =	strace s8  }
0x98: {  	s8 =	sld [smem:$0x3FFC];
	_ =	sdelay $0x3  }
0x99: {  	_ =	strace s8  }
0x9a: {  	s8 =	sld [smem:$0x3FFD];
	_ =	sdelay $0x3  }
0x9b: {  	_ =	strace s8  }
0x9c: {  	_ =	strace $0x8FFFFFFF  }
0x9d: {  	s19 =	sld [smem:$0x3FDB];
	_ =	sdelay $0x1  }
0x9e: {  	s9 =	simm.s32 $_scs_section_size  }
0x9f: {  	s10 =	simm.s32 $_size__tile_overlayer_lowered;
	s11 =	simm.s32 $_tile_overlayer_lowered  }
0xa0: {  	s22 =	simm.s32 $0x1BFF;
	s21 =	sshll.u32 s11, $0x1;
	s8 =	sadd.s32 s9, s19  }
0xa1: {  	s12 =	simm.s32 $0x0;
	s20 =	sshll.u32 s10, $0x1;
	s10 =	sadd.s32 s21, s8  }
0xa2: {  	[timem:s12], [sflag:s22] =	dma.local [hbm:s10], s20  }
0xa3: {  	_ =	swait.ge [sflag:s22], s20  }
0xa4: {  	s9 =	ssub.s32 $0x0, s20;
	[sflag:s22] =	ssyncset.done $0x0  }
0xa5: {  	[sflag:s22] =	ssyncadd.s32 s9;
	_ =	sdelay $0x1  }
0xa6: {  	s23 =	simm.s32 $0x1B8B  }
0xa7: {  	_ =	swait.ge [sflag:s23], $0x1  }
0xa8: {  	[sflag:s23] =	ssyncset.done $0x0  }
0xa9: {  	s25 =	simm.s32 $0x1B8E;
	s24 =	sld [smem:$0x3FFE];
	[sflag:s23] =	ssyncadd.s32 $0xFFFFFFFF  }
0xaa: {  	s26 =	simm.s32 $execute0_lowered;
	[smem:$0x3FD2] =	sst s25  }
0xab: {  	s10 =	sshll.u32 s26, $0x1;
	_ =	strace $0x80000046;
	[dreg:$0x1] =	wrdreg $0xFFFFFFFF  }
0xac: {  	s28 =	simm.s32 $_size_execute0_lowered;
	s8 =	sadd.s32 s8, s10;
	[dreg:$0x0] =	wrdreg $0x0  }
0xad: {  	s10 =	sshll.u32 s28, $0x1;
	[dreg:$0x2] =	wrdreg s8  }
0xae: {  	[dreg:$0x3] =	wrdreg s10  }
0xaf: {  	[dreg:$0x4] =	wrdreg $0xC0  }
0xb0: {  	_ =	task [dreg:s12], $0x5FFFF  }
0xb1: {  	[dreg:$0x1] =	wrdreg $0xFFFFFFFF  }
0xb2: {  	[dreg:$0x0] =	wrdreg $0x60  }
0xb3: {  	[dreg:$0x2] =	wrdreg s2  }
0xb4: {  	[dreg:$0x3] =	wrdreg s18  }
0xb5: {  	[dreg:$0x4] =	wrdreg s4  }
0xb6: {  	[dreg:$0x5] =	wrdreg s5  }
0xb7: {  	[dreg:$0x6] =	wrdreg s6  }
0xb8: {  	[dreg:$0x7] =	wrdreg s7  }
0xb9: {  	[dreg:$0x8] =	wrdreg s24  }
0xba: {  	[dreg:$0x9] =	wrdreg $0x9  }
0xbb: {  	_ =	task.clear_ibuf [dreg:s12], $0xAFFFF;
	_ =	strace $0x90000046  }
0xbc: {  	s29 =	simm.s32 $0x9;
	_ =	strace $0x80000048  }
0xbd: {  	_ =	swait.ge [sflag:s29], $0x1  }
0xbe: {  	[sflag:s29] =	ssyncadd.s32 $0xFFFFFFFF  }
0xbf: {  	_ =	strace $0x90000048  }
0xc0: {  	_ =	sfence  }
0xc1: {  	s30 =	sld [smem:$0x0];
	_ =	sdelay $0x2  }
0xc2: {  	s31 =	sshll.u32 s1, $0xD;
	s1 =	sshrl.u32 s1, $0x2  }
0xc3: {  	s3 =	sand.u32 $0x4000, s31;
	s1 =	sadd.s32 s1, s30  }
0xc4: {  	s0 =	sor.u32 s3, s0;
	s1 =	sshll.u32 s1, $0x11  }
0xc5: {  	s0 =	sor.u32 s1, s0  }
0xc6: {  	s0 =	sadd.s32 $0x8F2B, s0  }
0xc7: {  	[sflag:s0] =	ssyncadd.remote.s32 $0x1  }
0xc8: {  	_ =	sfence.sel $0xFFFF  }
0xc9: {  	[dreg:$0x0] =	wrdreg $0xFFFFFFFF;
	(pc) =	sbr.abs _section_cstart, $3  }
0xca: {  	[dreg:$0x1] =	wrdreg $0xFFFFFFFF  }
0xcb: {  	_ =	task.clear_ibuf [dreg:s12], $0x2FFFF;
	_ =	strace $0x9FFFFFFF  }
0xcc: {  	(tm) =	ssettm $0x7FFFFFFF  }
0xcd: {  	_ =	shalt  }
tec
execute0_lowered:
.L_overlay_start_1:
0x0: {  	(tag) =	ssettag $0x1  }
0x1: {  	s0 =	rddreg [dreg:$0x0]  }
0x2: {  	s4 =	rddreg [dreg:$0x1]  }
0x3: {  	s6 =	rddreg [dreg:$0x6]  }
0x4: {  	s7 =	srdreg.scid;
	s8 =	stileid.u32  }
0x5: {  	s10 =	simm.s32 $0x0;
	s14 =	simm.s32 $0x7A1400;
	s15 =	simm.s32 $0x400  }
0x6: {  	s22 =	simm.s32 $0x1400;
	s20 =	simm.s32 $0x2400;
	s21 =	simm.s32 $0x6400  }
0x7: {  	s30 =	simm.s32 $0xA400;
	s28 =	simm.s32 $0xE400;
	s19 =	simm.s32 $0x3400  }
0x8: {  	s12 =	simm.s32 $0x7400;
	s16 =	simm.s32 $0xB400;
	s13 =	simm.s32 $0xF400  }
0x9: {  	s1 =	simm.s32 $0x0;
	s31 =	simm.s32 $0xD400;
	s7 =	sand.u32 $0x1, s7  }
0xa: {  	s8 =	sshll.u32 s8, $0xA;
	[smem:$0x7FF] =	sst s10;
	s9 =	sshll.u32 s7, $0x9  }
0xb: {  	s6 =	sadd.s32 $0x1600, s6;
	s7 =	ssub.s32 $0x2, s7;
	s9 =	sor.u32 s9, s8  }
0xc: {  	_ =	strace $0x80000047;
	[dreg:$0x8] =	wrdreg s9;
	s9 =	sshrl.u32 s9, $0x3  }
0xd: {  	[dreg:$0x9] =	wrdreg s6;
	s23 =	sshrl.u32 s7, $0x1;
	s0 =	sadd.s32 s0, s9  }
0xe: {  	v0 =	vlaneseq.u32;
	s24 =	ssub.s32 s7, s23;
	s25 =	sadd.s32 s4, s9;
	[dreg:$0xa] =	wrdreg s0  }
0xf: {  	s29 =	simm.s32 $0xE400;
	v0 =	vmul.u32 $0x80, v0;
	s26 =	smax.u32 s24, $0x1;
	[dreg:$0xb] =	wrdreg s25  }
0x10: {  	s23 =	simm.s32 $0x5400;
	s24 =	simm.s32 $0x9400;
	[dreg:$0xc] =	wrdreg s26  }
0x11: {  	v1 =	vor.u32 $0x800, v0;
	s25 =	simm.s32 $0xD400;
	s0 =	simm.s32 $0x1;
	s26 =	simm.s32 $0xF400  }
.LBB2_1:
0x12: {  	[dreg:$0xd] =	wrdreg s1  }
0x13: {  	s4 =	simm.s32 $0x0;
	s6 =	rddreg [dreg:$0xa];
	s7 =	simm.s32 $0x2  }
0x14: {  	[tilespmem:s4], [sflag:$0x2] =	stream.linear.gather [hbm4b:s6+s4], $0x200, $0x38;
	[tilespmem:$0x14400] =	vst v63  }
0x15: {  	_ =	swait.ge [sflag:s7], $0x200  }
0x16: {  	[sflag:s7] =	ssyncset.done $0x0  }
0x17: {  	s8 =	simm.s32 $0x200;
	s5 =	rddreg [dreg:$0xb];
	[sflag:s7] =	ssyncadd.s32 $0xFFFFFE00  }
0x18: {  	[tilespmem:s8], [sflag:$0x2] =	stream.linear.gather [hbm4b:s5+s4], $0x200, $0x38;
	[tilespmem:$0x14400] =	vst v63  }
0x19: {  	_ =	swait.ge [sflag:s7], $0x200  }
0x1a: {  	[sflag:s7] =	ssyncset.done $0x0  }
0x1b: {  	[sflag:s7] =	ssyncadd.s32 $0xFFFFFE00  }
0x1c: {  	v2 =	vld [tilespmem:$0x0]  }
0x1d: {  	v3 =	vld [tilespmem:$0x200];
	_ =	sdelay $0x3  }
0x1e: {  	(v2sf) =	vpush v2, $0x0  }
0x1f: {  	(v2sf) =	vpush v3, $0x0;
	_ =	sdelay $0x6  }
0x20: {  	(v2sf) =	vpush v2, $0x1  }
0x21: {  	(v2sf) =	vpush v3, $0x1;
	_ =	sdelay $0x5  }
0x22: {  	s7 =	spop (v2sf)  }
0x23: {  	s1 =	rddreg [dreg:$0x2];
	s4 =	sand.u32 $0xFFFFF80, s7;
	s8 =	spop (v2sf)  }
0x24: {  	s2 =	rddreg [dreg:$0x3];
	(v2sf) =	vpush v2, $0x2;
	s9 =	sadd.s32 s1, s4;
	s6 =	sand.u32 $0xFFFFF80, s8  }
0x25: {  	(v2sf) =	vpush v3, $0x2;
	[tilespmem:s15], [sflag:$0x1] =	stream.strided.gather [hbm4b:s9+s15], $0x1000, s14, s15, $0x38;
	[tilespmem:$0x14400] =	vst v63  }
0x26: {  	s11 =	simm.s32 $0x4400;
	s3 =	rddreg [dreg:$0x4];
	s10 =	sadd.s32 s2, s6  }
0x27: {  	[tilespmem:s11], [sflag:$0x1] =	stream.strided.gather [hbm4b:s10+s15], $0x1000, s14, s15, $0x38;
	[tilespmem:$0x14400] =	vst v63  }
0x28: {  	s5 =	simm.s32 $0x8400;
	s4 =	sadd.s32 s3, s4  }
0x29: {  	[tilespmem:s5], [sflag:$0x1] =	stream.strided.gather [hbm4b:s4+s15], $0x1000, s14, s15, $0x38;
	[tilespmem:$0x14400] =	vst v63  }
0x2a: {  	s18 =	simm.s32 $0xC400;
	s7 =	spop (v2sf);
	s5 =	rddreg [dreg:$0x5]  }
0x2b: {  	(v2sf) =	vpush v2, $0x3;
	s8 =	spop (v2sf);
	s4 =	sand.u32 $0xFFFFF80, s7;
	s17 =	sadd.s32 s5, s6  }
0x2c: {  	[tilespmem:s18], [sflag:$0x1] =	stream.strided.gather [hbm4b:s17+s15], $0x1000, s14, s15, $0x38;
	[tilespmem:$0x14400] =	vst v63  }
0x2d: {  	(v2sf) =	vpush v3, $0x3;
	s9 =	sadd.s32 s1, s4;
	s6 =	sand.u32 $0xFFFFF80, s8  }
0x2e: {  	[tilespmem:s22], [sflag:$0x1] =	stream.strided.gather [hbm4b:s9+s15], $0x1000, s14, s15, $0x38;
	[tilespmem:$0x14400] =	vst v63  }
0x2f: {  	s10 =	sadd.s32 s2, s6  }
0x30: {  	[tilespmem:s23], [sflag:$0x1] =	stream.strided.gather [hbm4b:s10+s15], $0x1000, s14, s15, $0x38;
	[tilespmem:$0x14400] =	vst v63  }
0x31: {  	s4 =	sadd.s32 s3, s4  }
0x32: {  	[tilespmem:s24], [sflag:$0x1] =	stream.strided.gather [hbm4b:s4+s15], $0x1000, s14, s15, $0x38;
	[tilespmem:$0x14400] =	vst v63  }
0x33: {  	s11 =	spop (v2sf)  }
0x34: {  	s6 =	sadd.s32 s5, s6;
	s4 =	sand.u32 $0xFFFFF80, s11;
	s17 =	spop (v2sf)  }
0x35: {  	[tilespmem:s25], [sflag:$0x1] =	stream.strided.gather [hbm4b:s6+s15], $0x1000, s14, s15, $0x38;
	[tilespmem:$0x14400] =	vst v63  }
0x36: {  	s18 =	sadd.s32 s1, s4;
	s6 =	sand.u32 $0xFFFFF80, s17  }
0x37: {  	[tilespmem:s20], [sflag:$0x1] =	stream.strided.gather [hbm4b:s18+s15], $0x1000, s14, s15, $0x38;
	[tilespmem:$0x14400] =	vst v63  }
0x38: {  	s22 =	sadd.s32 s2, s6  }
0x39: {  	[tilespmem:s21], [sflag:$0x1] =	stream.strided.gather [hbm4b:s22+s15], $0x1000, s14, s15, $0x38;
	[tilespmem:$0x14400] =	vst v63  }
0x3a: {  	s4 =	sadd.s32 s3, s4;
	s23 =	spop (v2sf)  }
0x3b: {  	[tilespmem:s30], [sflag:$0x1] =	stream.strided.gather [hbm4b:s4+s15], $0x1000, s14, s15, $0x38;
	[tilespmem:$0x14400] =	vst v63  }
0x3c: {  	s6 =	sadd.s32 s5, s6;
	s24 =	spop (v2sf);
	s4 =	sand.u32 $0xFFFFF80, s23  }
0x3d: {  	[tilespmem:s28], [sflag:$0x1] =	stream.strided.gather [hbm4b:s6+s15], $0x1000, s14, s15, $0x38;
	[tilespmem:$0x14400] =	vst v63  }
0x3e: {  	s25 =	sadd.s32 s1, s4;
	s6 =	sand.u32 $0xFFFFF80, s24  }
0x3f: {  	[tilespmem:s19], [sflag:$0x1] =	stream.strided.gather [hbm4b:s25+s15], $0x1000, s14, s15, $0x38;
	[tilespmem:$0x14400] =	vst v63  }
0x40: {  	s28 =	sadd.s32 s2, s6  }
0x41: {  	[tilespmem:s12], [sflag:$0x1] =	stream.strided.gather [hbm4b:s28+s15], $0x1000, s14, s15, $0x38;
	[tilespmem:$0x14400] =	vst v63  }
0x42: {  	s11 =	simm.s32 $0x0;
	s4 =	sadd.s32 s3, s4;
	s1 =	simm.s32 $0x0  }
0x43: {  	[tilespmem:s16], [sflag:$0x1] =	stream.strided.gather [hbm4b:s4+s15], $0x1000, s14, s15, $0x38;
	[tilespmem:$0x14400] =	vst v63  }
0x44: {  	s3 =	simm.s32 $0x0;
	s30 =	sadd.s32 s5, s6;
	s2 =	simm.s32 $0x0  }
0x45: {  	[tilespmem:s13], [sflag:$0x1] =	stream.strided.gather [hbm4b:s30+s15], $0x1000, s14, s15, $0x38;
	[tilespmem:$0x14400] =	vst v63  }
.LBB2_2:
0x46: {  	s4 =	sshra.s32 s11, $0x2  }
0x47: {  	v4 =	vld [tilespmem:s4+$0x0]  }
0x48: {  	v5 =	vld [tilespmem:s4+$0x200];
	_ =	sdelay $0x3  }
0x49: {  	(v2sf) =	vpush v4, $0x0  }
0x4a: {  	(v2sf) =	vpush v5, $0x0;
	_ =	sdelay $0xd  }
0x4b: {  	[dreg:$0x10] =	wrdreg s3;
	s18 =	smin.u32 s2, $0x1E0;
	s6 =	spop (v2sf)  }
0x4c: {  	[dreg:$0xf] =	wrdreg s2;
	v2 =	vld [tilespmem:s18+$0x10];
	s7 =	spop (v2sf)  }
0x4d: {  	v3 =	vld [tilespmem:s18+$0x210];
	_ =	swait.ge [sflag:s0], $0x1000  }
0x4e: {  	[sflag:s0] =	ssyncset.done $0x0  }
0x4f: {  	[sflag:s0] =	ssyncadd.s32 $0xFFFFF000  }
0x50: {  	_ =	swait.ge [sflag:s0], $0x1000  }
0x51: {  	[sflag:s0] =	ssyncset.done $0x0  }
0x52: {  	[sflag:s0] =	ssyncadd.s32 $0xFFFFF000  }
0x53: {  	s19 =	sand.u32 $0x7F, s6;
	_ =	swait.ge [sflag:s0], $0x1000  }
0x54: {  	v6 =	vor.u32 s19, v0;
	[sflag:s0] =	ssyncset.done $0x0  }
0x55: {  	[sflag:s0] =	ssyncadd.s32 $0xFFFFF000  }
0x56: {  	_ =	swait.ge [sflag:s0], $0x1000  }
0x57: {  	[sflag:s0] =	ssyncset.done $0x0  }
0x58: {  	[sflag:s0] =	ssyncadd.s32 $0xFFFFF000  }
0x59: {  	v7 =	vld.idx.msk [tilespmem:v6+s15+$0x0], $0xffff  }
0x5a: {  	v8 =	vor.u32 s19, v1;
	_ =	sdelay $0x2  }
0x5b: {  	s4 =	sand.u32 $0x3800, s1  }
0x5c: {  	[tilespmem:s4+$0x10400] =	vst v7  }
0x5d: {  	s20 =	sand.u32 $0x7F, s7;
	v7 =	vld.idx.msk [tilespmem:v8+s15+$0x0], $0xffff  }
0x5e: {  	v9 =	vor.u32 s20, v0;
	_ =	sdelay $0x3  }
0x5f: {  	s24 =	simm.s32 $0x4400;
	[tilespmem:s4+$0x10410] =	vst v7  }
0x60: {  	v7 =	vld.idx.msk [tilespmem:v9+s24+$0x0], $0xffff  }
0x61: {  	v10 =	vor.u32 s20, v1;
	_ =	sdelay $0x3  }
0x62: {  	[tilespmem:s4+$0x10420] =	vst v7  }
0x63: {  	v7 =	vld.idx.msk [tilespmem:v10+s24+$0x0], $0xffff;
	_ =	sdelay $0x4  }
0x64: {  	s25 =	simm.s32 $0x8400;
	[tilespmem:s4+$0x10430] =	vst v7  }
0x65: {  	v6 =	vld.idx.msk [tilespmem:v6+s25+$0x0], $0xffff;
	_ =	sdelay $0x4  }
0x66: {  	[tilespmem:s4+$0x10440] =	vst v6  }
0x67: {  	(v2sf) =	vpush v4, $0x4;
	v6 =	vld.idx.msk [tilespmem:v8+s25+$0x0], $0xffff  }
0x68: {  	(v2sf) =	vpush v5, $0x4;
	_ =	sdelay $0x3  }
0x69: {  	s21 =	simm.s32 $0xC400;
	[tilespmem:s4+$0x10450] =	vst v6  }
0x6a: {  	v6 =	vld.idx.msk [tilespmem:v9+s21+$0x0], $0xffff;
	_ =	sdelay $0x1  }
0x6b: {  	(v2sf) =	vpush v4, $0x1  }
0x6c: {  	(v2sf) =	vpush v5, $0x1;
	_ =	sdelay $0x1  }
0x6d: {  	[tilespmem:s4+$0x10460] =	vst v6  }
0x6e: {  	v6 =	vld.idx.msk [tilespmem:v10+s21+$0x0], $0xffff;
	_ =	sdelay $0x2  }
0x6f: {  	s12 =	spop (v2sf)  }
0x70: {  	s2 =	rddreg [dreg:$0x2];
	s23 =	sand.u32 $0xFFFFF80, s12;
	s6 =	spop (v2sf)  }
0x71: {  	s3 =	rddreg [dreg:$0x3];
	s8 =	sadd.s32 s2, s23;
	s9 =	sand.u32 $0xFFFFF80, s6;
	[tilespmem:s4+$0x10470] =	vst v6  }
0x72: {  	[tilespmem:s15], [sflag:$0x1] =	stream.strided.gather [hbm4b:s8+s15], $0x1000, s14, s15, $0x38;
	[tilespmem:$0x14400] =	vst v63  }
0x73: {  	s5 =	rddreg [dreg:$0x4];
	s16 =	sadd.s32 s3, s9  }
0x74: {  	[tilespmem:s24], [sflag:$0x1] =	stream.strided.gather [hbm4b:s16+s15], $0x1000, s14, s15, $0x38;
	[tilespmem:$0x14400] =	vst v63  }
0x75: {  	[dreg:$0xe] =	wrdreg s1;
	s7 =	sadd.s32 s5, s23  }
0x76: {  	[tilespmem:s25], [sflag:$0x1] =	stream.strided.gather [hbm4b:s7+s15], $0x1000, s14, s15, $0x38;
	[tilespmem:$0x14400] =	vst v63  }
0x77: {  	s10 =	rddreg [dreg:$0x5];
	s16 =	spop (v2sf)  }
0x78: {  	s22 =	simm.s32 $0xC400;
	s13 =	sadd.s32 s10, s9;
	s17 =	spop (v2sf)  }
0x79: {  	[tilespmem:s22], [sflag:$0x1] =	stream.strided.gather [hbm4b:s13+s15], $0x1000, s14, s15, $0x38;
	[tilespmem:$0x14400] =	vst v63  }
0x7a: {  	_ =	swait.ge [sflag:s0], $0x1000  }
0x7b: {  	[sflag:s0] =	ssyncset.done $0x0  }
0x7c: {  	[sflag:s0] =	ssyncadd.s32 $0xFFFFF000  }
0x7d: {  	_ =	swait.ge [sflag:s0], $0x1000  }
0x7e: {  	[sflag:s0] =	ssyncset.done $0x0  }
0x7f: {  	[sflag:s0] =	ssyncadd.s32 $0xFFFFF000  }
0x80: {  	s7 =	sand.u32 $0x7F, s16;
	_ =	swait.ge [sflag:s0], $0x1000  }
0x81: {  	v40 =	vor.u32 s7, v0;
	[sflag:s0] =	ssyncset.done $0x0  }
0x82: {  	[sflag:s0] =	ssyncadd.s32 $0xFFFFF000  }
0x83: {  	_ =	swait.ge [sflag:s0], $0x1000  }
0x84: {  	[sflag:s0] =	ssyncset.done $0x0  }
0x85: {  	s18 =	simm.s32 $0x1400;
	[sflag:s0] =	ssyncadd.s32 $0xFFFFF000  }
0x86: {  	v41 =	vld.idx.msk [tilespmem:v40+s18+$0x0], $0xffff  }
0x87: {  	v42 =	vor.u32 s7, v1;
	_ =	sdelay $0x3  }
0x88: {  	[tilespmem:s4+$0x10480] =	vst v41  }
0x89: {  	s19 =	sand.u32 $0x7F, s17;
	v7 =	vld.idx.msk [tilespmem:v42+s18+$0x0], $0xffff  }
0x8a: {  	v43 =	vor.u32 s19, v0;
	_ =	sdelay $0x3  }
0x8b: {  	s20 =	simm.s32 $0x5400;
	[tilespmem:s4+$0x10490] =	vst v7  }
0x8c: {  	v7 =	vld.idx.msk [tilespmem:v43+s20+$0x0], $0xffff  }
0x8d: {  	v44 =	vor.u32 s19, v1;
	_ =	sdelay $0x3  }
0x8e: {  	[tilespmem:s4+$0x104A0] =	vst v7  }
0x8f: {  	v7 =	vld.idx.msk [tilespmem:v44+s20+$0x0], $0xffff;
	_ =	sdelay $0x4  }
0x90: {  	s30 =	simm.s32 $0x9400;
	[tilespmem:s4+$0x104B0] =	vst v7  }
0x91: {  	v6 =	vld.idx.msk [tilespmem:v40+s30+$0x0], $0xffff;
	_ =	sdelay $0x4  }
0x92: {  	[tilespmem:s4+$0x104C0] =	vst v6  }
0x93: {  	(v2sf) =	vpush v4, $0x5;
	v6 =	vld.idx.msk [tilespmem:v42+s30+$0x0], $0xffff  }
0x94: {  	(v2sf) =	vpush v5, $0x5;
	_ =	sdelay $0x3  }
0x95: {  	[tilespmem:s4+$0x104D0] =	vst v6  }
0x96: {  	(v2sf) =	vpush v4, $0x2;
	v6 =	vld.idx.msk [tilespmem:v43+s31+$0x0], $0xffff;
	_ =	sdelay $0x1  }
0x97: {  	(v2sf) =	vpush v5, $0x2;
	_ =	sdelay $0x2  }
0x98: {  	[tilespmem:s4+$0x104E0] =	vst v6  }
0x99: {  	v6 =	vld.idx.msk [tilespmem:v44+s31+$0x0], $0xffff;
	_ =	sdelay $0x2  }
0x9a: {  	s17 =	spop (v2sf)  }
0x9b: {  	s22 =	sand.u32 $0xFFFFF80, s17;
	s7 =	spop (v2sf)  }
0x9c: {  	s9 =	simm.s32 $0x1400;
	s23 =	sadd.s32 s2, s22;
	s13 =	sand.u32 $0xFFFFF80, s7;
	[tilespmem:s4+$0x104F0] =	vst v6  }
0x9d: {  	[tilespmem:s9], [sflag:$0x1] =	stream.strided.gather [hbm4b:s23+s15], $0x1000, s14, s15, $0x38;
	[tilespmem:$0x14400] =	vst v63  }
0x9e: {  	s21 =	simm.s32 $0x5400;
	s18 =	sadd.s32 s3, s13  }
0x9f: {  	[tilespmem:s21], [sflag:$0x1] =	stream.strided.gather [hbm4b:s18+s15], $0x1000, s14, s15, $0x38;
	[tilespmem:$0x14400] =	vst v63  }
0xa0: {  	s8 =	sadd.s32 s5, s22;
	s19 =	spop (v2sf)  }
0xa1: {  	[tilespmem:s30], [sflag:$0x1] =	stream.strided.gather [hbm4b:s8+s15], $0x1000, s14, s15, $0x38;
	[tilespmem:$0x14400] =	vst v63  }
0xa2: {  	s20 =	spop (v2sf);
	s18 =	sadd.s32 s10, s13  }
0xa3: {  	[tilespmem:s31], [sflag:$0x1] =	stream.strided.gather [hbm4b:s18+s15], $0x1000, s14, s15, $0x38;
	[tilespmem:$0x14400] =	vst v63  }
0xa4: {  	_ =	swait.ge [sflag:s0], $0x1000  }
0xa5: {  	[sflag:s0] =	ssyncset.done $0x0  }
0xa6: {  	[sflag:s0] =	ssyncadd.s32 $0xFFFFF000  }
0xa7: {  	_ =	swait.ge [sflag:s0], $0x1000  }
0xa8: {  	[sflag:s0] =	ssyncset.done $0x0  }
0xa9: {  	[sflag:s0] =	ssyncadd.s32 $0xFFFFF000  }
0xaa: {  	s8 =	sand.u32 $0x7F, s19;
	_ =	swait.ge [sflag:s0], $0x1000  }
0xab: {  	v45 =	vor.u32 s8, v0;
	[sflag:s0] =	ssyncset.done $0x0  }
0xac: {  	[sflag:s0] =	ssyncadd.s32 $0xFFFFF000  }
0xad: {  	_ =	swait.ge [sflag:s0], $0x1000  }
0xae: {  	[sflag:s0] =	ssyncset.done $0x0  }
0xaf: {  	s21 =	simm.s32 $0x2400;
	[sflag:s0] =	ssyncadd.s32 $0xFFFFF000  }
0xb0: {  	v46 =	vld.idx.msk [tilespmem:v45+s21+$0x0], $0xffff  }
0xb1: {  	v47 =	vor.u32 s8, v1;
	_ =	sdelay $0x3  }
0xb2: {  	[tilespmem:s4+$0x10500] =	vst v46  }
0xb3: {  	s22 =	sand.u32 $0x7F, s20;
	v7 =	vld.idx.msk [tilespmem:v47+s21+$0x0], $0xffff  }
0xb4: {  	v48 =	vor.u32 s22, v0;
	_ =	sdelay $0x3  }
0xb5: {  	s23 =	simm.s32 $0x6400;
	[tilespmem:s4+$0x10510] =	vst v7  }
0xb6: {  	v7 =	vld.idx.msk [tilespmem:v48+s23+$0x0], $0xffff  }
0xb7: {  	v49 =	vor.u32 s22, v1;
	_ =	sdelay $0x3  }
0xb8: {  	[tilespmem:s4+$0x10520] =	vst v7  }
0xb9: {  	v7 =	vld.idx.msk [tilespmem:v49+s23+$0x0], $0xffff;
	_ =	sdelay $0x4  }
0xba: {  	s28 =	simm.s32 $0xA400;
	[tilespmem:s4+$0x10530] =	vst v7  }
0xbb: {  	v6 =	vld.idx.msk [tilespmem:v45+s28+$0x0], $0xffff;
	_ =	sdelay $0x4  }
0xbc: {  	[tilespmem:s4+$0x10540] =	vst v6  }
0xbd: {  	(v2sf) =	vpush v4, $0x6;
	v6 =	vld.idx.msk [tilespmem:v47+s28+$0x0], $0xffff;
	_ =	sdelay $0x1  }
0xbe: {  	(v2sf) =	vpush v5, $0x6;
	_ =	sdelay $0x2  }
0xbf: {  	[tilespmem:s4+$0x10550] =	vst v6  }
0xc0: {  	v6 =	vld.idx.msk [tilespmem:v48+s29+$0x0], $0xffff  }
0xc1: {  	(v2sf) =	vpush v4, $0x3;
	_ =	sdelay $0x1  }
0xc2: {  	(v2sf) =	vpush v5, $0x3;
	_ =	sdelay $0x1  }
0xc3: {  	[tilespmem:s4+$0x10560] =	vst v6  }
0xc4: {  	v6 =	vld.idx.msk [tilespmem:v49+s29+$0x0], $0xffff;
	_ =	sdelay $0x2  }
0xc5: {  	s18 =	spop (v2sf)  }
0xc6: {  	s9 =	sand.u32 $0xFFFFF80, s18  }
0xc7: {  	s13 =	simm.s32 $0x2400;
	s8 =	spop (v2sf);
	s19 =	sadd.s32 s2, s9;
	[tilespmem:s4+$0x10570] =	vst v6  }
0xc8: {  	[tilespmem:s13], [sflag:$0x1] =	stream.strided.gather [hbm4b:s19+s15], $0x1000, s14, s15, $0x38;
	[tilespmem:$0x14400] =	vst v63  }
0xc9: {  	s13 =	sand.u32 $0xFFFFF80, s8  }
0xca: {  	s21 =	simm.s32 $0x6400;
	s20 =	sadd.s32 s3, s13  }
0xcb: {  	[tilespmem:s21], [sflag:$0x1] =	stream.strided.gather [hbm4b:s20+s15], $0x1000, s14, s15, $0x38;
	[tilespmem:$0x14400] =	vst v63  }
0xcc: {  	s16 =	sadd.s32 s5, s9;
	s23 =	spop (v2sf)  }
0xcd: {  	[tilespmem:s28], [sflag:$0x1] =	stream.strided.gather [hbm4b:s16+s15], $0x1000, s14, s15, $0x38;
	[tilespmem:$0x14400] =	vst v63  }
0xce: {  	s1 =	spop (v2sf);
	s22 =	sadd.s32 s10, s13  }
0xcf: {  	[tilespmem:s29], [sflag:$0x1] =	stream.strided.gather [hbm4b:s22+s15], $0x1000, s14, s15, $0x38;
	[tilespmem:$0x14400] =	vst v63  }
0xd0: {  	_ =	swait.ge [sflag:s0], $0x1000  }
0xd1: {  	[sflag:s0] =	ssyncset.done $0x0  }
0xd2: {  	[sflag:s0] =	ssyncadd.s32 $0xFFFFF000  }
0xd3: {  	_ =	swait.ge [sflag:s0], $0x1000  }
0xd4: {  	[sflag:s0] =	ssyncset.done $0x0  }
0xd5: {  	[sflag:s0] =	ssyncadd.s32 $0xFFFFF000  }
0xd6: {  	s16 =	sand.u32 $0x7F, s23;
	_ =	swait.ge [sflag:s0], $0x1000  }
0xd7: {  	v50 =	vor.u32 s16, v0;
	[sflag:s0] =	ssyncset.done $0x0  }
0xd8: {  	[sflag:s0] =	ssyncadd.s32 $0xFFFFF000  }
0xd9: {  	_ =	swait.ge [sflag:s0], $0x1000  }
0xda: {  	[sflag:s0] =	ssyncset.done $0x0  }
0xdb: {  	s9 =	simm.s32 $0x3400;
	[sflag:s0] =	ssyncadd.s32 $0xFFFFF000  }
0xdc: {  	v51 =	vld.idx.msk [tilespmem:v50+s9+$0x0], $0xffff  }
0xdd: {  	v52 =	vor.u32 s16, v1;
	_ =	sdelay $0x3  }
0xde: {  	[tilespmem:s4+$0x10580] =	vst v51  }
0xdf: {  	s20 =	sand.u32 $0x7F, s1;
	v7 =	vld.idx.msk [tilespmem:v52+s9+$0x0], $0xffff  }
0xe0: {  	v53 =	vor.u32 s20, v0;
	_ =	sdelay $0x3  }
0xe1: {  	s21 =	simm.s32 $0x7400;
	[tilespmem:s4+$0x10590] =	vst v7  }
0xe2: {  	v7 =	vld.idx.msk [tilespmem:v53+s21+$0x0], $0xffff  }
0xe3: {  	v54 =	vor.u32 s20, v1;
	_ =	sdelay $0x3  }
0xe4: {  	[tilespmem:s4+$0x105A0] =	vst v7  }
0xe5: {  	v7 =	vld.idx.msk [tilespmem:v54+s21+$0x0], $0xffff;
	_ =	sdelay $0x4  }
0xe6: {  	s13 =	simm.s32 $0xB400;
	[tilespmem:s4+$0x105B0] =	vst v7  }
0xe7: {  	v6 =	vld.idx.msk [tilespmem:v50+s13+$0x0], $0xffff;
	_ =	sdelay $0x4  }
0xe8: {  	[tilespmem:s4+$0x105C0] =	vst v6  }
0xe9: {  	(v2sf) =	vpush v4, $0x7;
	v6 =	vld.idx.msk [tilespmem:v52+s13+$0x0], $0xffff  }
0xea: {  	(v2sf) =	vpush v5, $0x7;
	_ =	sdelay $0x3  }
0xeb: {  	[tilespmem:s4+$0x105D0] =	vst v6  }
0xec: {  	v6 =	vld.idx.msk [tilespmem:v53+s26+$0x0], $0xffff;
	_ =	sdelay $0x4  }
0xed: {  	[tilespmem:s4+$0x105E0] =	vst v6  }
0xee: {  	v6 =	vld.idx.msk [tilespmem:v54+s26+$0x0], $0xffff;
	_ =	sdelay $0x2  }
0xef: {  	s19 =	spop (v2sf)  }
0xf0: {  	s20 =	sand.u32 $0xFFFFF80, s19;
	s16 =	spop (v2sf)  }
0xf1: {  	s9 =	simm.s32 $0x3400;
	s22 =	sadd.s32 s2, s20;
	s23 =	sand.u32 $0xFFFFF80, s16;
	[tilespmem:s4+$0x105F0] =	vst v6  }
0xf2: {  	[tilespmem:s9], [sflag:$0x1] =	stream.strided.gather [hbm4b:s22+s15], $0x1000, s14, s15, $0x38;
	[tilespmem:$0x14400] =	vst v63  }
0xf3: {  	s1 =	simm.s32 $0x7400;
	s22 =	sadd.s32 s3, s23  }
0xf4: {  	[tilespmem:s1], [sflag:$0x1] =	stream.strided.gather [hbm4b:s22+s15], $0x1000, s14, s15, $0x38;
	[tilespmem:$0x14400] =	vst v63  }
0xf5: {  	s20 =	sadd.s32 s5, s20  }
0xf6: {  	[tilespmem:s13], [sflag:$0x1] =	stream.strided.gather [hbm4b:s20+s15], $0x1000, s14, s15, $0x38;
	[tilespmem:$0x14400] =	vst v63  }
0xf7: {  	s23 =	sadd.s32 s10, s23  }
0xf8: {  	[tilespmem:s26], [sflag:$0x1] =	stream.strided.gather [hbm4b:s23+s15], $0x1000, s14, s15, $0x38;
	[tilespmem:$0x14400] =	vst v63  }
0xf9: {  	_ =	swait.ge [sflag:s0], $0x1000  }
0xfa: {  	[sflag:s0] =	ssyncset.done $0x0  }
0xfb: {  	[sflag:s0] =	ssyncadd.s32 $0xFFFFF000  }
0xfc: {  	_ =	swait.ge [sflag:s0], $0x1000  }
0xfd: {  	[sflag:s0] =	ssyncset.done $0x0  }
0xfe: {  	[sflag:s0] =	ssyncadd.s32 $0xFFFFF000  }
0xff: {  	s12 =	sand.u32 $0x7F, s12;
	_ =	swait.ge [sflag:s0], $0x1000  }
0x100: {  	v55 =	vor.u32 s12, v0;
	[sflag:s0] =	ssyncset.done $0x0  }
0x101: {  	[sflag:s0] =	ssyncadd.s32 $0xFFFFF000  }
0x102: {  	_ =	swait.ge [sflag:s0], $0x1000  }
0x103: {  	[sflag:s0] =	ssyncset.done $0x0  }
0x104: {  	[sflag:s0] =	ssyncadd.s32 $0xFFFFF000  }
0x105: {  	v56 =	vld.idx.msk [tilespmem:v55+s15+$0x0], $0xffff  }
0x106: {  	v57 =	vor.u32 s12, v1;
	_ =	sdelay $0x3  }
0x107: {  	[tilespmem:s4+$0x10600] =	vst v56  }
0x108: {  	s6 =	sand.u32 $0x7F, s6;
	v7 =	vld.idx.msk [tilespmem:v57+s15+$0x0], $0xffff  }
0x109: {  	v58 =	vor.u32 s6, v0;
	_ =	sdelay $0x3  }
0x10a: {  	[tilespmem:s4+$0x10610] =	vst v7  }
0x10b: {  	v7 =	vld.idx.msk [tilespmem:v58+s24+$0x0], $0xffff  }
0x10c: {  	v59 =	vor.u32 s6, v1;
	_ =	sdelay $0x3  }
0x10d: {  	[tilespmem:s4+$0x10620] =	vst v7  }
0x10e: {  	v7 =	vld.idx.msk [tilespmem:v59+s24+$0x0], $0xffff;
	_ =	sdelay $0x4  }
0x10f: {  	[tilespmem:s4+$0x10630] =	vst v7  }
0x110: {  	v6 =	vld.idx.msk [tilespmem:v55+s25+$0x0], $0xffff;
	_ =	sdelay $0x4  }
0x111: {  	[tilespmem:s4+$0x10640] =	vst v6  }
0x112: {  	(v2sf) =	vpush v4, $0x8;
	v6 =	vld.idx.msk [tilespmem:v57+s25+$0x0], $0xffff  }
0x113: {  	(v2sf) =	vpush v5, $0x8;
	_ =	sdelay $0x3  }
0x114: {  	s21 =	simm.s32 $0xC400;
	[tilespmem:s4+$0x10650] =	vst v6  }
0x115: {  	v6 =	vld.idx.msk [tilespmem:v58+s21+$0x0], $0xffff;
	_ =	sdelay $0x4  }
0x116: {  	[tilespmem:s4+$0x10660] =	vst v6  }
0x117: {  	v6 =	vld.idx.msk [tilespmem:v59+s21+$0x0], $0xffff;
	_ =	sdelay $0x2  }
0x118: {  	s20 =	spop (v2sf)  }
0x119: {  	s12 =	sand.u32 $0xFFFFF80, s20;
	s6 =	spop (v2sf)  }
0x11a: {  	s22 =	sadd.s32 s2, s12;
	s21 =	sand.u32 $0xFFFFF80, s6;
	[tilespmem:s4+$0x10670] =	vst v6  }
0x11b: {  	[tilespmem:s15], [sflag:$0x1] =	stream.strided.gather [hbm4b:s22+s15], $0x1000, s14, s15, $0x38;
	[tilespmem:$0x14400] =	vst v63  }
0x11c: {  	s22 =	sadd.s32 s3, s21  }
0x11d: {  	[tilespmem:s24], [sflag:$0x1] =	stream.strided.gather [hbm4b:s22+s15], $0x1000, s14, s15, $0x38;
	[tilespmem:$0x14400] =	vst v63  }
0x11e: {  	s12 =	sadd.s32 s5, s12  }
0x11f: {  	[tilespmem:s25], [sflag:$0x1] =	stream.strided.gather [hbm4b:s12+s15], $0x1000, s14, s15, $0x38;
	[tilespmem:$0x14400] =	vst v63  }
0x120: {  	s23 =	simm.s32 $0xC400;
	s22 =	sadd.s32 s10, s21  }
0x121: {  	[tilespmem:s23], [sflag:$0x1] =	stream.strided.gather [hbm4b:s22+s15], $0x1000, s14, s15, $0x38;
	[tilespmem:$0x14400] =	vst v63  }
0x122: {  	_ =	swait.ge [sflag:s0], $0x1000  }
0x123: {  	[sflag:s0] =	ssyncset.done $0x0  }
0x124: {  	[sflag:s0] =	ssyncadd.s32 $0xFFFFF000  }
0x125: {  	_ =	swait.ge [sflag:s0], $0x1000  }
0x126: {  	[sflag:s0] =	ssyncset.done $0x0  }
0x127: {  	[sflag:s0] =	ssyncadd.s32 $0xFFFFF000  }
0x128: {  	s21 =	sand.u32 $0x7F, s17;
	_ =	swait.ge [sflag:s0], $0x1000  }
0x129: {  	v60 =	vor.u32 s21, v0;
	[sflag:s0] =	ssyncset.done $0x0  }
0x12a: {  	[sflag:s0] =	ssyncadd.s32 $0xFFFFF000  }
0x12b: {  	_ =	swait.ge [sflag:s0], $0x1000  }
0x12c: {  	[sflag:s0] =	ssyncset.done $0x0  }
0x12d: {  	s22 =	simm.s32 $0x1400;
	[sflag:s0] =	ssyncadd.s32 $0xFFFFF000  }
0x12e: {  	v61 =	vld.idx.msk [tilespmem:v60+s22+$0x0], $0xffff  }
0x12f: {  	v62 =	vor.u32 s21, v1;
	_ =	sdelay $0x3  }
0x130: {  	[tilespmem:s4+$0x10680] =	vst v61  }
0x131: {  	s7 =	sand.u32 $0x7F, s7;
	v7 =	vld.idx.msk [tilespmem:v62+s22+$0x0], $0xffff  }
0x132: {  	v63 =	vor.u32 s7, v0;
	_ =	sdelay $0x3  }
0x133: {  	s23 =	simm.s32 $0x5400;
	[tilespmem:s4+$0x10690] =	vst v7  }
0x134: {  	v7 =	vld.idx.msk [tilespmem:v63+s23+$0x0], $0xffff  }
0x135: {  	v12 =	vor.u32 s7, v1;
	_ =	sdelay $0x3  }
0x136: {  	[tilespmem:s4+$0x106A0] =	vst v7  }
0x137: {  	v7 =	vld.idx.msk [tilespmem:v12+s23+$0x0], $0xffff;
	_ =	sdelay $0x4  }
0x138: {  	[tilespmem:s4+$0x106B0] =	vst v7  }
0x139: {  	v6 =	vld.idx.msk [tilespmem:v60+s30+$0x0], $0xffff;
	_ =	sdelay $0x4  }
0x13a: {  	[tilespmem:s4+$0x106C0] =	vst v6  }
0x13b: {  	(v2sf) =	vpush v4, $0x9;
	v6 =	vld.idx.msk [tilespmem:v62+s30+$0x0], $0xffff;
	_ =	sdelay $0x1  }
0x13c: {  	(v2sf) =	vpush v5, $0x9;
	_ =	sdelay $0x2  }
0x13d: {  	[tilespmem:s4+$0x106D0] =	vst v6  }
0x13e: {  	v6 =	vld.idx.msk [tilespmem:v63+s31+$0x0], $0xffff;
	_ =	sdelay $0x4  }
0x13f: {  	[tilespmem:s4+$0x106E0] =	vst v6  }
0x140: {  	v6 =	vld.idx.msk [tilespmem:v12+s31+$0x0], $0xffff;
	_ =	sdelay $0x2  }
0x141: {  	s21 =	spop (v2sf)  }
0x142: {  	s12 =	sand.u32 $0xFFFFF80, s21  }
0x143: {  	s22 =	simm.s32 $0x1400;
	s7 =	spop (v2sf);
	s17 =	sadd.s32 s2, s12;
	[tilespmem:s4+$0x106F0] =	vst v6  }
0x144: {  	[tilespmem:s22], [sflag:$0x1] =	stream.strided.gather [hbm4b:s17+s15], $0x1000, s14, s15, $0x38;
	[tilespmem:$0x14400] =	vst v63  }
0x145: {  	s17 =	sand.u32 $0xFFFFF80, s7  }
0x146: {  	s23 =	simm.s32 $0x5400;
	s22 =	sadd.s32 s3, s17  }
0x147: {  	[tilespmem:s23], [sflag:$0x1] =	stream.strided.gather [hbm4b:s22+s15], $0x1000, s14, s15, $0x38;
	[tilespmem:$0x14400] =	vst v63  }
0x148: {  	s12 =	sadd.s32 s5, s12  }
0x149: {  	[tilespmem:s30], [sflag:$0x1] =	stream.strided.gather [hbm4b:s12+s15], $0x1000, s14, s15, $0x38;
	[tilespmem:$0x14400] =	vst v63  }
0x14a: {  	s17 =	sadd.s32 s10, s17  }
0x14b: {  	[tilespmem:s31], [sflag:$0x1] =	stream.strided.gather [hbm4b:s17+s15], $0x1000, s14, s15, $0x38;
	[tilespmem:$0x14400] =	vst v63  }
0x14c: {  	_ =	swait.ge [sflag:s0], $0x1000  }
0x14d: {  	[sflag:s0] =	ssyncset.done $0x0  }
0x14e: {  	[sflag:s0] =	ssyncadd.s32 $0xFFFFF000  }
0x14f: {  	_ =	swait.ge [sflag:s0], $0x1000  }
0x150: {  	[sflag:s0] =	ssyncset.done $0x0  }
0x151: {  	[sflag:s0] =	ssyncadd.s32 $0xFFFFF000  }
0x152: {  	s22 =	sand.u32 $0x7F, s18;
	_ =	swait.ge [sflag:s0], $0x1000  }
0x153: {  	v13 =	vor.u32 s22, v0;
	[sflag:s0] =	ssyncset.done $0x0  }
0x154: {  	[sflag:s0] =	ssyncadd.s32 $0xFFFFF000  }
0x155: {  	_ =	swait.ge [sflag:s0], $0x1000  }
0x156: {  	[sflag:s0] =	ssyncset.done $0x0  }
0x157: {  	s23 =	simm.s32 $0x2400;
	[sflag:s0] =	ssyncadd.s32 $0xFFFFF000  }
0x158: {  	v14 =	vld.idx.msk [tilespmem:v13+s23+$0x0], $0xffff  }
0x159: {  	v15 =	vor.u32 s22, v1;
	_ =	sdelay $0x3  }
0x15a: {  	[tilespmem:s4+$0x10700] =	vst v14  }
0x15b: {  	s8 =	sand.u32 $0x7F, s8;
	v7 =	vld.idx.msk [tilespmem:v15+s23+$0x0], $0xffff  }
0x15c: {  	v16 =	vor.u32 s8, v0;
	_ =	sdelay $0x3  }
0x15d: {  	s17 =	simm.s32 $0x6400;
	[tilespmem:s4+$0x10710] =	vst v7  }
0x15e: {  	v7 =	vld.idx.msk [tilespmem:v16+s17+$0x0], $0xffff  }
0x15f: {  	v17 =	vor.u32 s8, v1;
	_ =	sdelay $0x3  }
0x160: {  	[tilespmem:s4+$0x10720] =	vst v7  }
0x161: {  	v7 =	vld.idx.msk [tilespmem:v17+s17+$0x0], $0xffff;
	_ =	sdelay $0x4  }
0x162: {  	[tilespmem:s4+$0x10730] =	vst v7  }
0x163: {  	v6 =	vld.idx.msk [tilespmem:v13+s28+$0x0], $0xffff;
	_ =	sdelay $0x4  }
0x164: {  	[tilespmem:s4+$0x10740] =	vst v6  }
0x165: {  	(v2sf) =	vpush v4, $0xA;
	v6 =	vld.idx.msk [tilespmem:v15+s28+$0x0], $0xffff;
	_ =	sdelay $0x1  }
0x166: {  	(v2sf) =	vpush v5, $0xA;
	_ =	sdelay $0x2  }
0x167: {  	[tilespmem:s4+$0x10750] =	vst v6  }
0x168: {  	v6 =	vld.idx.msk [tilespmem:v16+s29+$0x0], $0xffff;
	_ =	sdelay $0x4  }
0x169: {  	[tilespmem:s4+$0x10760] =	vst v6  }
0x16a: {  	v6 =	vld.idx.msk [tilespmem:v17+s29+$0x0], $0xffff;
	_ =	sdelay $0x2  }
0x16b: {  	s22 =	spop (v2sf)  }
0x16c: {  	s8 =	sand.u32 $0xFFFFF80, s22  }
0x16d: {  	s18 =	simm.s32 $0x2400;
	s12 =	spop (v2sf);
	s17 =	sadd.s32 s2, s8;
	[tilespmem:s4+$0x10770] =	vst v6  }
0x16e: {  	[tilespmem:s18], [sflag:$0x1] =	stream.strided.gather [hbm4b:s17+s15], $0x1000, s14, s15, $0x38;
	[tilespmem:$0x14400] =	vst v63  }
0x16f: {  	s17 =	sand.u32 $0xFFFFF80, s12  }
0x170: {  	s23 =	simm.s32 $0x6400;
	s18 =	sadd.s32 s3, s17  }
0x171: {  	[tilespmem:s23], [sflag:$0x1] =	stream.strided.gather [hbm4b:s18+s15], $0x1000, s14, s15, $0x38;
	[tilespmem:$0x14400] =	vst v63  }
0x172: {  	s8 =	sadd.s32 s5, s8  }
0x173: {  	[tilespmem:s28], [sflag:$0x1] =	stream.strided.gather [hbm4b:s8+s15], $0x1000, s14, s15, $0x38;
	[tilespmem:$0x14400] =	vst v63  }
0x174: {  	s18 =	sadd.s32 s10, s17  }
0x175: {  	[tilespmem:s29], [sflag:$0x1] =	stream.strided.gather [hbm4b:s18+s15], $0x1000, s14, s15, $0x38;
	[tilespmem:$0x14400] =	vst v63  }
0x176: {  	_ =	swait.ge [sflag:s0], $0x1000  }
0x177: {  	[sflag:s0] =	ssyncset.done $0x0  }
0x178: {  	[sflag:s0] =	ssyncadd.s32 $0xFFFFF000  }
0x179: {  	_ =	swait.ge [sflag:s0], $0x1000  }
0x17a: {  	[sflag:s0] =	ssyncset.done $0x0  }
0x17b: {  	[sflag:s0] =	ssyncadd.s32 $0xFFFFF000  }
0x17c: {  	s23 =	sand.u32 $0x7F, s19;
	_ =	swait.ge [sflag:s0], $0x1000  }
0x17d: {  	v18 =	vor.u32 s23, v0;
	[sflag:s0] =	ssyncset.done $0x0  }
0x17e: {  	[sflag:s0] =	ssyncadd.s32 $0xFFFFF000  }
0x17f: {  	_ =	swait.ge [sflag:s0], $0x1000  }
0x180: {  	[sflag:s0] =	ssyncset.done $0x0  }
0x181: {  	[sflag:s0] =	ssyncadd.s32 $0xFFFFF000  }
0x182: {  	v19 =	vld.idx.msk [tilespmem:v18+s9+$0x0], $0xffff  }
0x183: {  	v20 =	vor.u32 s23, v1;
	_ =	sdelay $0x3  }
0x184: {  	[tilespmem:s4+$0x10780] =	vst v19  }
0x185: {  	s17 =	sand.u32 $0x7F, s16;
	v7 =	vld.idx.msk [tilespmem:v20+s9+$0x0], $0xffff  }
0x186: {  	v21 =	vor.u32 s17, v0;
	_ =	sdelay $0x3  }
0x187: {  	[tilespmem:s4+$0x10790] =	vst v7  }
0x188: {  	v7 =	vld.idx.msk [tilespmem:v21+s1+$0x0], $0xffff  }
0x189: {  	v22 =	vor.u32 s17, v1;
	_ =	sdelay $0x3  }
0x18a: {  	[tilespmem:s4+$0x107A0] =	vst v7  }
0x18b: {  	v7 =	vld.idx.msk [tilespmem:v22+s1+$0x0], $0xffff;
	_ =	sdelay $0x4  }
0x18c: {  	[tilespmem:s4+$0x107B0] =	vst v7  }
0x18d: {  	v6 =	vld.idx.msk [tilespmem:v18+s13+$0x0], $0xffff;
	_ =	sdelay $0x4  }
0x18e: {  	[tilespmem:s4+$0x107C0] =	vst v6  }
0x18f: {  	(v2sf) =	vpush v4, $0xB;
	v6 =	vld.idx.msk [tilespmem:v20+s13+$0x0], $0xffff  }
0x190: {  	(v2sf) =	vpush v5, $0xB;
	_ =	sdelay $0x3  }
0x191: {  	[tilespmem:s4+$0x107D0] =	vst v6  }
0x192: {  	v6 =	vld.idx.msk [tilespmem:v21+s26+$0x0], $0xffff;
	_ =	sdelay $0x4  }
0x193: {  	[tilespmem:s4+$0x107E0] =	vst v6  }
0x194: {  	v6 =	vld.idx.msk [tilespmem:v22+s26+$0x0], $0xffff;
	_ =	sdelay $0x2  }
0x195: {  	s23 =	spop (v2sf)  }
0x196: {  	s8 =	sand.u32 $0xFFFFF80, s23;
	s17 =	spop (v2sf)  }
0x197: {  	s18 =	sadd.s32 s2, s8;
	s19 =	sand.u32 $0xFFFFF80, s17;
	[tilespmem:s4+$0x107F0] =	vst v6  }
0x198: {  	[tilespmem:s9], [sflag:$0x1] =	stream.strided.gather [hbm4b:s18+s15], $0x1000, s14, s15, $0x38;
	[tilespmem:$0x14400] =	vst v63  }
0x199: {  	s9 =	sadd.s32 s3, s19  }
0x19a: {  	[tilespmem:s1], [sflag:$0x1] =	stream.strided.gather [hbm4b:s9+s15], $0x1000, s14, s15, $0x38;
	[tilespmem:$0x14400] =	vst v63  }
0x19b: {  	s8 =	sadd.s32 s5, s8  }
0x19c: {  	[tilespmem:s13], [sflag:$0x1] =	stream.strided.gather [hbm4b:s8+s15], $0x1000, s14, s15, $0x38;
	[tilespmem:$0x14400] =	vst v63  }
0x19d: {  	s19 =	sadd.s32 s10, s19  }
0x19e: {  	[tilespmem:s26], [sflag:$0x1] =	stream.strided.gather [hbm4b:s19+s15], $0x1000, s14, s15, $0x38;
	[tilespmem:$0x14400] =	vst v63  }
0x19f: {  	_ =	swait.ge [sflag:s0], $0x1000  }
0x1a0: {  	[sflag:s0] =	ssyncset.done $0x0  }
0x1a1: {  	[sflag:s0] =	ssyncadd.s32 $0xFFFFF000  }
0x1a2: {  	_ =	swait.ge [sflag:s0], $0x1000  }
0x1a3: {  	[sflag:s0] =	ssyncset.done $0x0  }
0x1a4: {  	[sflag:s0] =	ssyncadd.s32 $0xFFFFF000  }
0x1a5: {  	s1 =	sand.u32 $0x7F, s20;
	_ =	swait.ge [sflag:s0], $0x1000  }
0x1a6: {  	v23 =	vor.u32 s1, v0;
	[sflag:s0] =	ssyncset.done $0x0  }
0x1a7: {  	[sflag:s0] =	ssyncadd.s32 $0xFFFFF000  }
0x1a8: {  	_ =	swait.ge [sflag:s0], $0x1000  }
0x1a9: {  	[sflag:s0] =	ssyncset.done $0x0  }
0x1aa: {  	[sflag:s0] =	ssyncadd.s32 $0xFFFFF000  }
0x1ab: {  	v24 =	vld.idx.msk [tilespmem:v23+s15+$0x0], $0xffff  }
0x1ac: {  	v25 =	vor.u32 s1, v1;
	_ =	sdelay $0x3  }
0x1ad: {  	[tilespmem:s4+$0x10800] =	vst v24  }
0x1ae: {  	s6 =	sand.u32 $0x7F, s6;
	v7 =	vld.idx.msk [tilespmem:v25+s15+$0x0], $0xffff  }
0x1af: {  	v26 =	vor.u32 s6, v0;
	_ =	sdelay $0x3  }
0x1b0: {  	[tilespmem:s4+$0x10810] =	vst v7  }
0x1b1: {  	v7 =	vld.idx.msk [tilespmem:v26+s24+$0x0], $0xffff  }
0x1b2: {  	v27 =	vor.u32 s6, v1;
	_ =	sdelay $0x3  }
0x1b3: {  	[tilespmem:s4+$0x10820] =	vst v7  }
0x1b4: {  	v7 =	vld.idx.msk [tilespmem:v27+s24+$0x0], $0xffff;
	_ =	sdelay $0x4  }
0x1b5: {  	[tilespmem:s4+$0x10830] =	vst v7  }
0x1b6: {  	v6 =	vld.idx.msk [tilespmem:v23+s25+$0x0], $0xffff;
	_ =	sdelay $0x4  }
0x1b7: {  	[tilespmem:s4+$0x10840] =	vst v6  }
0x1b8: {  	(v2sf) =	vpush v4, $0xC;
	v6 =	vld.idx.msk [tilespmem:v25+s25+$0x0], $0xffff  }
0x1b9: {  	(v2sf) =	vpush v5, $0xC;
	_ =	sdelay $0x3  }
0x1ba: {  	s9 =	simm.s32 $0xC400;
	[tilespmem:s4+$0x10850] =	vst v6  }
0x1bb: {  	v6 =	vld.idx.msk [tilespmem:v26+s9+$0x0], $0xffff;
	_ =	sdelay $0x4  }
0x1bc: {  	[tilespmem:s4+$0x10860] =	vst v6  }
0x1bd: {  	v6 =	vld.idx.msk [tilespmem:v27+s9+$0x0], $0xffff;
	_ =	sdelay $0x2  }
0x1be: {  	s20 =	spop (v2sf)  }
0x1bf: {  	s6 =	sand.u32 $0xFFFFF80, s20;
	s18 =	spop (v2sf)  }
0x1c0: {  	s16 =	sadd.s32 s2, s6;
	s19 =	sand.u32 $0xFFFFF80, s18;
	[tilespmem:s4+$0x10870] =	vst v6  }
0x1c1: {  	[tilespmem:s15], [sflag:$0x1] =	stream.strided.gather [hbm4b:s16+s15], $0x1000, s14, s15, $0x38;
	[tilespmem:$0x14400] =	vst v63  }
0x1c2: {  	s9 =	sadd.s32 s3, s19  }
0x1c3: {  	[tilespmem:s24], [sflag:$0x1] =	stream.strided.gather [hbm4b:s9+s15], $0x1000, s14, s15, $0x38;
	[tilespmem:$0x14400] =	vst v63  }
0x1c4: {  	s6 =	sadd.s32 s5, s6  }
0x1c5: {  	[tilespmem:s25], [sflag:$0x1] =	stream.strided.gather [hbm4b:s6+s15], $0x1000, s14, s15, $0x38;
	[tilespmem:$0x14400] =	vst v63  }
0x1c6: {  	s1 =	simm.s32 $0xC400;
	s16 =	sadd.s32 s10, s19  }
0x1c7: {  	[tilespmem:s1], [sflag:$0x1] =	stream.strided.gather [hbm4b:s16+s15], $0x1000, s14, s15, $0x38;
	[tilespmem:$0x14400] =	vst v63  }
0x1c8: {  	_ =	swait.ge [sflag:s0], $0x1000  }
0x1c9: {  	[sflag:s0] =	ssyncset.done $0x0  }
0x1ca: {  	[sflag:s0] =	ssyncadd.s32 $0xFFFFF000  }
0x1cb: {  	_ =	swait.ge [sflag:s0], $0x1000  }
0x1cc: {  	[sflag:s0] =	ssyncset.done $0x0  }
0x1cd: {  	[sflag:s0] =	ssyncadd.s32 $0xFFFFF000  }
0x1ce: {  	s19 =	sand.u32 $0x7F, s21;
	_ =	swait.ge [sflag:s0], $0x1000  }
0x1cf: {  	v28 =	vor.u32 s19, v0;
	[sflag:s0] =	ssyncset.done $0x0  }
0x1d0: {  	[sflag:s0] =	ssyncadd.s32 $0xFFFFF000  }
0x1d1: {  	_ =	swait.ge [sflag:s0], $0x1000  }
0x1d2: {  	[sflag:s0] =	ssyncset.done $0x0  }
0x1d3: {  	s21 =	simm.s32 $0x1400;
	[sflag:s0] =	ssyncadd.s32 $0xFFFFF000  }
0x1d4: {  	v29 =	vld.idx.msk [tilespmem:v28+s21+$0x0], $0xffff  }
0x1d5: {  	v30 =	vor.u32 s19, v1;
	_ =	sdelay $0x3  }
0x1d6: {  	[tilespmem:s4+$0x10880] =	vst v29  }
0x1d7: {  	s7 =	sand.u32 $0x7F, s7;
	v7 =	vld.idx.msk [tilespmem:v30+s21+$0x0], $0xffff  }
0x1d8: {  	v31 =	vor.u32 s7, v0;
	_ =	sdelay $0x3  }
0x1d9: {  	s8 =	simm.s32 $0x5400;
	[tilespmem:s4+$0x10890] =	vst v7  }
0x1da: {  	v7 =	vld.idx.msk [tilespmem:v31+s8+$0x0], $0xffff  }
0x1db: {  	v32 =	vor.u32 s7, v1;
	_ =	sdelay $0x3  }
0x1dc: {  	[tilespmem:s4+$0x108A0] =	vst v7  }
0x1dd: {  	v7 =	vld.idx.msk [tilespmem:v32+s8+$0x0], $0xffff;
	_ =	sdelay $0x4  }
0x1de: {  	[tilespmem:s4+$0x108B0] =	vst v7  }
0x1df: {  	v6 =	vld.idx.msk [tilespmem:v28+s30+$0x0], $0xffff;
	_ =	sdelay $0x4  }
0x1e0: {  	[tilespmem:s4+$0x108C0] =	vst v6  }
0x1e1: {  	(v2sf) =	vpush v4, $0xD;
	v6 =	vld.idx.msk [tilespmem:v30+s30+$0x0], $0xffff;
	_ =	sdelay $0x1  }
0x1e2: {  	(v2sf) =	vpush v5, $0xD;
	_ =	sdelay $0x2  }
0x1e3: {  	[tilespmem:s4+$0x108D0] =	vst v6  }
0x1e4: {  	v6 =	vld.idx.msk [tilespmem:v31+s31+$0x0], $0xffff;
	_ =	sdelay $0x4  }
0x1e5: {  	[tilespmem:s4+$0x108E0] =	vst v6  }
0x1e6: {  	v6 =	vld.idx.msk [tilespmem:v32+s31+$0x0], $0xffff;
	_ =	sdelay $0x2  }
0x1e7: {  	s19 =	spop (v2sf)  }
0x1e8: {  	s6 =	sand.u32 $0xFFFFF80, s19  }
0x1e9: {  	s9 =	simm.s32 $0x1400;
	s21 =	sadd.s32 s2, s6;
	s8 =	spop (v2sf);
	[tilespmem:s4+$0x108F0] =	vst v6  }
0x1ea: {  	[tilespmem:s9], [sflag:$0x1] =	stream.strided.gather [hbm4b:s21+s15], $0x1000, s14, s15, $0x38;
	[tilespmem:$0x14400] =	vst v63  }
0x1eb: {  	s9 =	sand.u32 $0xFFFFF80, s8  }
0x1ec: {  	s16 =	simm.s32 $0x5400;
	s21 =	sadd.s32 s3, s9  }
0x1ed: {  	[tilespmem:s16], [sflag:$0x1] =	stream.strided.gather [hbm4b:s21+s15], $0x1000, s14, s15, $0x38;
	[tilespmem:$0x14400] =	vst v63  }
0x1ee: {  	s6 =	sadd.s32 s5, s6  }
0x1ef: {  	[tilespmem:s30], [sflag:$0x1] =	stream.strided.gather [hbm4b:s6+s15], $0x1000, s14, s15, $0x38;
	[tilespmem:$0x14400] =	vst v63  }
0x1f0: {  	s1 =	sadd.s32 s10, s9  }
0x1f1: {  	[tilespmem:s31], [sflag:$0x1] =	stream.strided.gather [hbm4b:s1+s15], $0x1000, s14, s15, $0x38;
	[tilespmem:$0x14400] =	vst v63  }
0x1f2: {  	_ =	swait.ge [sflag:s0], $0x1000  }
0x1f3: {  	[sflag:s0] =	ssyncset.done $0x0  }
0x1f4: {  	[sflag:s0] =	ssyncadd.s32 $0xFFFFF000  }
0x1f5: {  	_ =	swait.ge [sflag:s0], $0x1000  }
0x1f6: {  	[sflag:s0] =	ssyncset.done $0x0  }
0x1f7: {  	[sflag:s0] =	ssyncadd.s32 $0xFFFFF000  }
0x1f8: {  	s7 =	sand.u32 $0x7F, s22;
	_ =	swait.ge [sflag:s0], $0x1000  }
0x1f9: {  	v33 =	vor.u32 s7, v0;
	[sflag:s0] =	ssyncset.done $0x0  }
0x1fa: {  	[sflag:s0] =	ssyncadd.s32 $0xFFFFF000  }
0x1fb: {  	_ =	swait.ge [sflag:s0], $0x1000  }
0x1fc: {  	[sflag:s0] =	ssyncset.done $0x0  }
0x1fd: {  	s9 =	simm.s32 $0x2400;
	[sflag:s0] =	ssyncadd.s32 $0xFFFFF000  }
0x1fe: {  	v34 =	vld.idx.msk [tilespmem:v33+s9+$0x0], $0xffff  }
0x1ff: {  	v35 =	vor.u32 s7, v1;
	_ =	sdelay $0x3  }
0x200: {  	[tilespmem:s4+$0x10900] =	vst v34  }
0x201: {  	s12 =	sand.u32 $0x7F, s12;
	v7 =	vld.idx.msk [tilespmem:v35+s9+$0x0], $0xffff  }
0x202: {  	v36 =	vor.u32 s12, v0;
	_ =	sdelay $0x3  }
0x203: {  	s16 =	simm.s32 $0x6400;
	[tilespmem:s4+$0x10910] =	vst v7  }
0x204: {  	v7 =	vld.idx.msk [tilespmem:v36+s16+$0x0], $0xffff  }
0x205: {  	v37 =	vor.u32 s12, v1;
	_ =	sdelay $0x3  }
0x206: {  	[tilespmem:s4+$0x10920] =	vst v7  }
0x207: {  	v7 =	vld.idx.msk [tilespmem:v37+s16+$0x0], $0xffff;
	_ =	sdelay $0x4  }
0x208: {  	[tilespmem:s4+$0x10930] =	vst v7  }
0x209: {  	v6 =	vld.idx.msk [tilespmem:v33+s28+$0x0], $0xffff;
	_ =	sdelay $0x4  }
0x20a: {  	[tilespmem:s4+$0x10940] =	vst v6  }
0x20b: {  	(v2sf) =	vpush v4, $0xE;
	v6 =	vld.idx.msk [tilespmem:v35+s28+$0x0], $0xffff;
	_ =	sdelay $0x1  }
0x20c: {  	(v2sf) =	vpush v5, $0xE;
	_ =	sdelay $0x2  }
0x20d: {  	[tilespmem:s4+$0x10950] =	vst v6  }
0x20e: {  	v6 =	vld.idx.msk [tilespmem:v36+s29+$0x0], $0xffff;
	_ =	sdelay $0x4  }
0x20f: {  	[tilespmem:s4+$0x10960] =	vst v6  }
0x210: {  	v6 =	vld.idx.msk [tilespmem:v37+s29+$0x0], $0xffff;
	_ =	sdelay $0x2  }
0x211: {  	s16 =	spop (v2sf)  }
0x212: {  	s6 =	sand.u32 $0xFFFFF80, s16  }
0x213: {  	s9 =	simm.s32 $0x2400;
	s7 =	spop (v2sf);
	s22 =	sadd.s32 s2, s6;
	[tilespmem:s4+$0x10970] =	vst v6  }
0x214: {  	[tilespmem:s9], [sflag:$0x1] =	stream.strided.gather [hbm4b:s22+s15], $0x1000, s14, s15, $0x38;
	[tilespmem:$0x14400] =	vst v63  }
0x215: {  	s9 =	sand.u32 $0xFFFFF80, s7  }
0x216: {  	s21 =	simm.s32 $0x6400;
	s22 =	sadd.s32 s3, s9  }
0x217: {  	[tilespmem:s21], [sflag:$0x1] =	stream.strided.gather [hbm4b:s22+s15], $0x1000, s14, s15, $0x38;
	[tilespmem:$0x14400] =	vst v63  }
0x218: {  	s6 =	sadd.s32 s5, s6  }
0x219: {  	[tilespmem:s28], [sflag:$0x1] =	stream.strided.gather [hbm4b:s6+s15], $0x1000, s14, s15, $0x38;
	[tilespmem:$0x14400] =	vst v63  }
0x21a: {  	s1 =	sadd.s32 s10, s9  }
0x21b: {  	[tilespmem:s29], [sflag:$0x1] =	stream.strided.gather [hbm4b:s1+s15], $0x1000, s14, s15, $0x38;
	[tilespmem:$0x14400] =	vst v63  }
0x21c: {  	_ =	swait.ge [sflag:s0], $0x1000  }
0x21d: {  	[sflag:s0] =	ssyncset.done $0x0  }
0x21e: {  	[sflag:s0] =	ssyncadd.s32 $0xFFFFF000  }
0x21f: {  	_ =	swait.ge [sflag:s0], $0x1000  }
0x220: {  	[sflag:s0] =	ssyncset.done $0x0  }
0x221: {  	[sflag:s0] =	ssyncadd.s32 $0xFFFFF000  }
0x222: {  	s9 =	sand.u32 $0x7F, s23;
	_ =	swait.ge [sflag:s0], $0x1000  }
0x223: {  	v38 =	vor.u32 s9, v0;
	[sflag:s0] =	ssyncset.done $0x0  }
0x224: {  	[sflag:s0] =	ssyncadd.s32 $0xFFFFF000  }
0x225: {  	_ =	swait.ge [sflag:s0], $0x1000  }
0x226: {  	[sflag:s0] =	ssyncset.done $0x0  }
0x227: {  	s12 =	simm.s32 $0x3400;
	[sflag:s0] =	ssyncadd.s32 $0xFFFFF000  }
0x228: {  	v39 =	vld.idx.msk [tilespmem:v38+s12+$0x0], $0xffff  }
0x229: {  	v40 =	vor.u32 s9, v1;
	_ =	sdelay $0x3  }
0x22a: {  	[tilespmem:s4+$0x10980] =	vst v39  }
0x22b: {  	s17 =	sand.u32 $0x7F, s17;
	v7 =	vld.idx.msk [tilespmem:v40+s12+$0x0], $0xffff  }
0x22c: {  	v41 =	vor.u32 s17, v0;
	_ =	sdelay $0x3  }
0x22d: {  	s21 =	simm.s32 $0x7400;
	[tilespmem:s4+$0x10990] =	vst v7  }
0x22e: {  	v7 =	vld.idx.msk [tilespmem:v41+s21+$0x0], $0xffff  }
0x22f: {  	v42 =	vor.u32 s17, v1;
	_ =	sdelay $0x3  }
0x230: {  	[tilespmem:s4+$0x109A0] =	vst v7  }
0x231: {  	v7 =	vld.idx.msk [tilespmem:v42+s21+$0x0], $0xffff;
	_ =	sdelay $0x4  }
0x232: {  	[tilespmem:s4+$0x109B0] =	vst v7  }
0x233: {  	v6 =	vld.idx.msk [tilespmem:v38+s13+$0x0], $0xffff;
	_ =	sdelay $0x4  }
0x234: {  	[tilespmem:s4+$0x109C0] =	vst v6  }
0x235: {  	(v2sf) =	vpush v4, $0xF;
	v6 =	vld.idx.msk [tilespmem:v40+s13+$0x0], $0xffff  }
0x236: {  	(v2sf) =	vpush v5, $0xF;
	_ =	sdelay $0x3  }
0x237: {  	[tilespmem:s4+$0x109D0] =	vst v6  }
0x238: {  	v43 =	vld.idx.msk [tilespmem:v41+s26+$0x0], $0xffff;
	_ =	sdelay $0x4  }
0x239: {  	[tilespmem:s4+$0x109E0] =	vst v43  }
0x23a: {  	v4 =	vld.idx.msk [tilespmem:v42+s26+$0x0], $0xffff;
	_ =	sdelay $0x2  }
0x23b: {  	s12 =	spop (v2sf)  }
0x23c: {  	s17 =	sand.u32 $0xFFFFF80, s12;
	s6 =	spop (v2sf)  }
0x23d: {  	s1 =	simm.s32 $0x3400;
	s22 =	sadd.s32 s2, s17;
	s21 =	sand.u32 $0xFFFFF80, s6;
	[tilespmem:s4+$0x109F0] =	vst v4  }
0x23e: {  	[tilespmem:s1], [sflag:$0x1] =	stream.strided.gather [hbm4b:s22+s15], $0x1000, s14, s15, $0x38;
	[tilespmem:$0x14400] =	vst v63  }
0x23f: {  	s9 =	simm.s32 $0x7400;
	s23 =	sadd.s32 s3, s21  }
0x240: {  	[tilespmem:s9], [sflag:$0x1] =	stream.strided.gather [hbm4b:s23+s15], $0x1000, s14, s15, $0x38;
	[tilespmem:$0x14400] =	vst v63  }
0x241: {  	s17 =	sadd.s32 s5, s17  }
0x242: {  	[tilespmem:s13], [sflag:$0x1] =	stream.strided.gather [hbm4b:s17+s15], $0x1000, s14, s15, $0x38;
	[tilespmem:$0x14400] =	vst v63  }
0x243: {  	s23 =	sadd.s32 s10, s21  }
0x244: {  	[tilespmem:s26], [sflag:$0x1] =	stream.strided.gather [hbm4b:s23+s15], $0x1000, s14, s15, $0x38;
	[tilespmem:$0x14400] =	vst v63  }
0x245: {  	_ =	swait.ge [sflag:s0], $0x1000  }
0x246: {  	[sflag:s0] =	ssyncset.done $0x0  }
0x247: {  	[sflag:s0] =	ssyncadd.s32 $0xFFFFF000  }
0x248: {  	_ =	swait.ge [sflag:s0], $0x1000  }
0x249: {  	[sflag:s0] =	ssyncset.done $0x0  }
0x24a: {  	[sflag:s0] =	ssyncadd.s32 $0xFFFFF000  }
0x24b: {  	s21 =	sand.u32 $0x7F, s20;
	_ =	swait.ge [sflag:s0], $0x1000  }
0x24c: {  	v44 =	vor.u32 s21, v0;
	[sflag:s0] =	ssyncset.done $0x0  }
0x24d: {  	[sflag:s0] =	ssyncadd.s32 $0xFFFFF000  }
0x24e: {  	_ =	swait.ge [sflag:s0], $0x1000  }
0x24f: {  	[sflag:s0] =	ssyncset.done $0x0  }
0x250: {  	[sflag:s0] =	ssyncadd.s32 $0xFFFFF000  }
0x251: {  	v45 =	vld.idx.msk [tilespmem:v44+s15+$0x0], $0xffff  }
0x252: {  	v46 =	vor.u32 s21, v1;
	_ =	sdelay $0x3  }
0x253: {  	[tilespmem:s4+$0x10A00] =	vst v45  }
0x254: {  	s22 =	sand.u32 $0x7F, s18;
	v5 =	vld.idx.msk [tilespmem:v46+s15+$0x0], $0xffff  }
0x255: {  	v47 =	vor.u32 s22, v0;
	_ =	sdelay $0x3  }
0x256: {  	[tilespmem:s4+$0x10A10] =	vst v5  }
0x257: {  	v5 =	vld.idx.msk [tilespmem:v47+s24+$0x0], $0xffff  }
0x258: {  	v48 =	vor.u32 s22, v1;
	_ =	sdelay $0x3  }
0x259: {  	[tilespmem:s4+$0x10A20] =	vst v5  }
0x25a: {  	v5 =	vld.idx.msk [tilespmem:v48+s24+$0x0], $0xffff;
	_ =	sdelay $0x4  }
0x25b: {  	[tilespmem:s4+$0x10A30] =	vst v5  }
0x25c: {  	v4 =	vld.idx.msk [tilespmem:v44+s25+$0x0], $0xffff;
	_ =	sdelay $0x4  }
0x25d: {  	p0 =	seq.s32 s11, $0x7C0;
	[tilespmem:s4+$0x10A40] =	vst v4  }
0x25e: {  	(v2sf) =	vpush @!p0 v2, $0x0;
	v4 =	vld.idx.msk [tilespmem:v46+s25+$0x0], $0xffff  }
0x25f: {  	(v2sf) =	vpush @!p0 v3, $0x0;
	_ =	sdelay $0x3  }
0x260: {  	s23 =	simm.s32 $0xC400;
	[tilespmem:s4+$0x10A50] =	vst v4  }
0x261: {  	v4 =	vld.idx.msk [tilespmem:v47+s23+$0x0], $0xffff;
	_ =	sdelay $0x4  }
0x262: {  	[tilespmem:s4+$0x10A60] =	vst v4  }
0x263: {  	v4 =	vld.idx.msk [tilespmem:v48+s23+$0x0], $0xffff;
	_ =	sdelay $0x2  }
0x264: {  	s17 =	spop @!p0 (v2sf)  }
0x265: {  	s18 =	simm.s32 @!p0 $0x400;
	s20 =	sand.u32 @!p0 $0xFFFFF80, s17;
	s21 =	spop @!p0 (v2sf)  }
0x266: {  	s17 =	simm.s32 @!p0 $0x7A1400;
	s22 =	sadd.s32 @!p0 s2, s20;
	s21 =	sand.u32 @!p0 $0xFFFFF80, s21;
	[tilespmem:s4+$0x10A70] =	vst v4  }
0x267: {  	[tilespmem:s18], [sflag:$0x1] =	stream.strided.gather @!p0 [hbm4b:s22+s18], $0x1000, s17, s18, $0x38;
	[tilespmem:$0x14400] =	vst v63  }
0x268: {  	s23 =	simm.s32 @!p0 $0x4400;
	s22 =	sadd.s32 @!p0 s3, s21  }
0x269: {  	[tilespmem:s23], [sflag:$0x1] =	stream.strided.gather @!p0 [hbm4b:s22+s18], $0x1000, s17, s18, $0x38;
	[tilespmem:$0x14400] =	vst v63  }
0x26a: {  	s20 =	sadd.s32 @!p0 s5, s20;
	s22 =	simm.s32 @!p0 $0x8400  }
0x26b: {  	[tilespmem:s22], [sflag:$0x1] =	stream.strided.gather @!p0 [hbm4b:s20+s18], $0x1000, s17, s18, $0x38;
	[tilespmem:$0x14400] =	vst v63  }
0x26c: {  	s20 =	sadd.s32 @!p0 s10, s21;
	s21 =	simm.s32 @!p0 $0xC400  }
0x26d: {  	[tilespmem:s21], [sflag:$0x1] =	stream.strided.gather @!p0 [hbm4b:s20+s18], $0x1000, s17, s18, $0x38;
	[tilespmem:$0x14400] =	vst v63  }
0x26e: {  	_ =	swait.ge [sflag:s0], $0x1000  }
0x26f: {  	[sflag:s0] =	ssyncset.done $0x0  }
0x270: {  	[sflag:s0] =	ssyncadd.s32 $0xFFFFF000  }
0x271: {  	_ =	swait.ge [sflag:s0], $0x1000  }
0x272: {  	[sflag:s0] =	ssyncset.done $0x0  }
0x273: {  	[sflag:s0] =	ssyncadd.s32 $0xFFFFF000  }
0x274: {  	s19 =	sand.u32 $0x7F, s19;
	_ =	swait.ge [sflag:s0], $0x1000  }
0x275: {  	v49 =	vor.u32 s19, v0;
	[sflag:s0] =	ssyncset.done $0x0  }
0x276: {  	[sflag:s0] =	ssyncadd.s32 $0xFFFFF000  }
0x277: {  	_ =	swait.ge [sflag:s0], $0x1000  }
0x278: {  	[sflag:s0] =	ssyncset.done $0x0  }
0x279: {  	s24 =	simm.s32 $0x1400;
	[sflag:s0] =	ssyncadd.s32 $0xFFFFF000  }
0x27a: {  	v50 =	vld.idx.msk [tilespmem:v49+s24+$0x0], $0xffff  }
0x27b: {  	v51 =	vor.u32 s19, v1;
	_ =	sdelay $0x3  }
0x27c: {  	[tilespmem:s4+$0x10A80] =	vst v50  }
0x27d: {  	s8 =	sand.u32 $0x7F, s8;
	v5 =	vld.idx.msk [tilespmem:v51+s24+$0x0], $0xffff  }
0x27e: {  	v52 =	vor.u32 s8, v0;
	_ =	sdelay $0x3  }
0x27f: {  	s25 =	simm.s32 $0x5400;
	[tilespmem:s4+$0x10A90] =	vst v5  }
0x280: {  	v5 =	vld.idx.msk [tilespmem:v52+s25+$0x0], $0xffff  }
0x281: {  	v53 =	vor.u32 s8, v1;
	_ =	sdelay $0x3  }
0x282: {  	[tilespmem:s4+$0x10AA0] =	vst v5  }
0x283: {  	v5 =	vld.idx.msk [tilespmem:v53+s25+$0x0], $0xffff;
	_ =	sdelay $0x4  }
0x284: {  	[tilespmem:s4+$0x10AB0] =	vst v5  }
0x285: {  	v4 =	vld.idx.msk [tilespmem:v49+s30+$0x0], $0xffff;
	_ =	sdelay $0x4  }
0x286: {  	[tilespmem:s4+$0x10AC0] =	vst v4  }
0x287: {  	(v2sf) =	vpush @!p0 v2, $0x1;
	v4 =	vld.idx.msk [tilespmem:v51+s30+$0x0], $0xffff  }
0x288: {  	(v2sf) =	vpush @!p0 v3, $0x1;
	_ =	sdelay $0x3  }
0x289: {  	[tilespmem:s4+$0x10AD0] =	vst v4  }
0x28a: {  	v4 =	vld.idx.msk [tilespmem:v52+s31+$0x0], $0xffff;
	_ =	sdelay $0x4  }
0x28b: {  	[tilespmem:s4+$0x10AE0] =	vst v4  }
0x28c: {  	v4 =	vld.idx.msk [tilespmem:v53+s31+$0x0], $0xffff;
	_ =	sdelay $0x2  }
0x28d: {  	s8 =	spop @!p0 (v2sf)  }
0x28e: {  	s8 =	sand.u32 @!p0 $0xFFFFF80, s8;
	s19 =	spop @!p0 (v2sf)  }
0x28f: {  	s21 =	simm.s32 @!p0 $0x1400;
	s20 =	sadd.s32 @!p0 s2, s8;
	s19 =	sand.u32 @!p0 $0xFFFFF80, s19;
	[tilespmem:s4+$0x10AF0] =	vst v4  }
0x290: {  	[tilespmem:s21], [sflag:$0x1] =	stream.strided.gather @!p0 [hbm4b:s20+s18], $0x1000, s17, s18, $0x38;
	[tilespmem:$0x14400] =	vst v63  }
0x291: {  	s20 =	sadd.s32 @!p0 s3, s19;
	s21 =	simm.s32 @!p0 $0x5400  }
0x292: {  	[tilespmem:s21], [sflag:$0x1] =	stream.strided.gather @!p0 [hbm4b:s20+s18], $0x1000, s17, s18, $0x38;
	[tilespmem:$0x14400] =	vst v63  }
0x293: {  	s8 =	sadd.s32 @!p0 s5, s8;
	s20 =	simm.s32 @!p0 $0x9400  }
0x294: {  	[tilespmem:s20], [sflag:$0x1] =	stream.strided.gather @!p0 [hbm4b:s8+s18], $0x1000, s17, s18, $0x38;
	[tilespmem:$0x14400] =	vst v63  }
0x295: {  	s8 =	sadd.s32 @!p0 s10, s19;
	s19 =	simm.s32 @!p0 $0xD400  }
0x296: {  	[tilespmem:s19], [sflag:$0x1] =	stream.strided.gather @!p0 [hbm4b:s8+s18], $0x1000, s17, s18, $0x38;
	[tilespmem:$0x14400] =	vst v63  }
0x297: {  	_ =	swait.ge [sflag:s0], $0x1000  }
0x298: {  	[sflag:s0] =	ssyncset.done $0x0  }
0x299: {  	[sflag:s0] =	ssyncadd.s32 $0xFFFFF000  }
0x29a: {  	_ =	swait.ge [sflag:s0], $0x1000  }
0x29b: {  	[sflag:s0] =	ssyncset.done $0x0  }
0x29c: {  	[sflag:s0] =	ssyncadd.s32 $0xFFFFF000  }
0x29d: {  	s20 =	sand.u32 $0x7F, s16;
	_ =	swait.ge [sflag:s0], $0x1000  }
0x29e: {  	v54 =	vor.u32 s20, v0;
	[sflag:s0] =	ssyncset.done $0x0  }
0x29f: {  	[sflag:s0] =	ssyncadd.s32 $0xFFFFF000  }
0x2a0: {  	_ =	swait.ge [sflag:s0], $0x1000  }
0x2a1: {  	[sflag:s0] =	ssyncset.done $0x0  }
0x2a2: {  	s21 =	simm.s32 $0x2400;
	[sflag:s0] =	ssyncadd.s32 $0xFFFFF000  }
0x2a3: {  	v55 =	vld.idx.msk [tilespmem:v54+s21+$0x0], $0xffff  }
0x2a4: {  	v56 =	vor.u32 s20, v1;
	_ =	sdelay $0x3  }
0x2a5: {  	[tilespmem:s4+$0x10B00] =	vst v55  }
0x2a6: {  	s7 =	sand.u32 $0x7F, s7;
	v5 =	vld.idx.msk [tilespmem:v56+s21+$0x0], $0xffff  }
0x2a7: {  	v57 =	vor.u32 s7, v0;
	_ =	sdelay $0x3  }
0x2a8: {  	s19 =	simm.s32 $0x6400;
	[tilespmem:s4+$0x10B10] =	vst v5  }
0x2a9: {  	v5 =	vld.idx.msk [tilespmem:v57+s19+$0x0], $0xffff  }
0x2aa: {  	v58 =	vor.u32 s7, v1;
	_ =	sdelay $0x3  }
0x2ab: {  	[tilespmem:s4+$0x10B20] =	vst v5  }
0x2ac: {  	v5 =	vld.idx.msk [tilespmem:v58+s19+$0x0], $0xffff;
	_ =	sdelay $0x4  }
0x2ad: {  	[tilespmem:s4+$0x10B30] =	vst v5  }
0x2ae: {  	v4 =	vld.idx.msk [tilespmem:v54+s28+$0x0], $0xffff;
	_ =	sdelay $0x4  }
0x2af: {  	[tilespmem:s4+$0x10B40] =	vst v4  }
0x2b0: {  	(v2sf) =	vpush @!p0 v2, $0x2;
	v4 =	vld.idx.msk [tilespmem:v56+s28+$0x0], $0xffff  }
0x2b1: {  	(v2sf) =	vpush @!p0 v3, $0x2;
	_ =	sdelay $0x3  }
0x2b2: {  	[tilespmem:s4+$0x10B50] =	vst v4  }
0x2b3: {  	v4 =	vld.idx.msk [tilespmem:v57+s29+$0x0], $0xffff;
	_ =	sdelay $0x4  }
0x2b4: {  	[tilespmem:s4+$0x10B60] =	vst v4  }
0x2b5: {  	v4 =	vld.idx.msk [tilespmem:v58+s29+$0x0], $0xffff;
	_ =	sdelay $0x2  }
0x2b6: {  	s7 =	spop @!p0 (v2sf)  }
0x2b7: {  	s7 =	sand.u32 @!p0 $0xFFFFF80, s7;
	s8 =	spop @!p0 (v2sf)  }
0x2b8: {  	s16 =	sadd.s32 @!p0 s2, s7;
	s8 =	sand.u32 @!p0 $0xFFFFF80, s8;
	s19 =	simm.s32 @!p0 $0x2400;
	[tilespmem:s4+$0x10B70] =	vst v4  }
0x2b9: {  	[tilespmem:s19], [sflag:$0x1] =	stream.strided.gather @!p0 [hbm4b:s16+s18], $0x1000, s17, s18, $0x38;
	[tilespmem:$0x14400] =	vst v63  }
0x2ba: {  	s16 =	sadd.s32 @!p0 s3, s8;
	s19 =	simm.s32 @!p0 $0x6400  }
0x2bb: {  	[tilespmem:s19], [sflag:$0x1] =	stream.strided.gather @!p0 [hbm4b:s16+s18], $0x1000, s17, s18, $0x38;
	[tilespmem:$0x14400] =	vst v63  }
0x2bc: {  	s7 =	sadd.s32 @!p0 s5, s7;
	s16 =	simm.s32 @!p0 $0xA400  }
0x2bd: {  	[tilespmem:s16], [sflag:$0x1] =	stream.strided.gather @!p0 [hbm4b:s7+s18], $0x1000, s17, s18, $0x38;
	[tilespmem:$0x14400] =	vst v63  }
0x2be: {  	s7 =	sadd.s32 @!p0 s10, s8;
	s8 =	simm.s32 @!p0 $0xE400  }
0x2bf: {  	[tilespmem:s8], [sflag:$0x1] =	stream.strided.gather @!p0 [hbm4b:s7+s18], $0x1000, s17, s18, $0x38;
	[tilespmem:$0x14400] =	vst v63  }
0x2c0: {  	_ =	swait.ge [sflag:s0], $0x1000  }
0x2c1: {  	[sflag:s0] =	ssyncset.done $0x0  }
0x2c2: {  	[sflag:s0] =	ssyncadd.s32 $0xFFFFF000  }
0x2c3: {  	_ =	swait.ge [sflag:s0], $0x1000  }
0x2c4: {  	[sflag:s0] =	ssyncset.done $0x0  }
0x2c5: {  	[sflag:s0] =	ssyncadd.s32 $0xFFFFF000  }
0x2c6: {  	s16 =	sand.u32 $0x7F, s12;
	_ =	swait.ge [sflag:s0], $0x1000  }
0x2c7: {  	v59 =	vor.u32 s16, v0;
	[sflag:s0] =	ssyncset.done $0x0  }
0x2c8: {  	[sflag:s0] =	ssyncadd.s32 $0xFFFFF000  }
0x2c9: {  	_ =	swait.ge [sflag:s0], $0x1000  }
0x2ca: {  	[sflag:s0] =	ssyncset.done $0x0  }
0x2cb: {  	[sflag:s0] =	ssyncadd.s32 $0xFFFFF000  }
0x2cc: {  	v60 =	vld.idx.msk [tilespmem:v59+s1+$0x0], $0xffff  }
0x2cd: {  	v61 =	vor.u32 s16, v1;
	_ =	sdelay $0x3  }
0x2ce: {  	[tilespmem:s4+$0x10B80] =	vst v60  }
0x2cf: {  	s6 =	sand.u32 $0x7F, s6;
	v5 =	vld.idx.msk [tilespmem:v61+s1+$0x0], $0xffff  }
0x2d0: {  	v62 =	vor.u32 s6, v0;
	_ =	sdelay $0x3  }
0x2d1: {  	[tilespmem:s4+$0x10B90] =	vst v5  }
0x2d2: {  	v5 =	vld.idx.msk [tilespmem:v62+s9+$0x0], $0xffff  }
0x2d3: {  	v63 =	vor.u32 s6, v1;
	_ =	sdelay $0x3  }
0x2d4: {  	[tilespmem:s4+$0x10BA0] =	vst v5  }
0x2d5: {  	v5 =	vld.idx.msk [tilespmem:v63+s9+$0x0], $0xffff;
	_ =	sdelay $0x4  }
0x2d6: {  	[tilespmem:s4+$0x10BB0] =	vst v5  }
0x2d7: {  	v4 =	vld.idx.msk [tilespmem:v59+s13+$0x0], $0xffff;
	_ =	sdelay $0x4  }
0x2d8: {  	[tilespmem:s4+$0x10BC0] =	vst v4  }
0x2d9: {  	(v2sf) =	vpush @!p0 v2, $0x3;
	v4 =	vld.idx.msk [tilespmem:v61+s13+$0x0], $0xffff;
	_ =	sdelay $0x1  }
0x2da: {  	(v2sf) =	vpush @!p0 v3, $0x3;
	_ =	sdelay $0x2  }
0x2db: {  	[tilespmem:s4+$0x10BD0] =	vst v4  }
0x2dc: {  	v2 =	vld.idx.msk [tilespmem:v62+s26+$0x0], $0xffff;
	_ =	sdelay $0x4  }
0x2dd: {  	[tilespmem:s4+$0x10BE0] =	vst v2  }
0x2de: {  	v2 =	vld.idx.msk [tilespmem:v63+s26+$0x0], $0xffff;
	_ =	sdelay $0x2  }
0x2df: {  	s6 =	spop @!p0 (v2sf)  }
0x2e0: {  	s6 =	sand.u32 @!p0 $0xFFFFF80, s6  }
0x2e1: {  	s8 =	simm.s32 @!p0 $0x3400;
	s7 =	sadd.s32 @!p0 s2, s6;
	[tilespmem:s4+$0x10BF0] =	vst v2;
	s4 =	spop @!p0 (v2sf)  }
0x2e2: {  	[tilespmem:s8], [sflag:$0x1] =	stream.strided.gather @!p0 [hbm4b:s7+s18], $0x1000, s17, s18, $0x38;
	[tilespmem:$0x14400] =	vst v63  }
0x2e3: {  	s4 =	sand.u32 @!p0 $0xFFFFF80, s4  }
0x2e4: {  	s8 =	simm.s32 @!p0 $0x7400;
	s7 =	sadd.s32 @!p0 s3, s4  }
0x2e5: {  	[tilespmem:s8], [sflag:$0x1] =	stream.strided.gather @!p0 [hbm4b:s7+s18], $0x1000, s17, s18, $0x38;
	[tilespmem:$0x14400] =	vst v63  }
0x2e6: {  	s6 =	sadd.s32 @!p0 s5, s6;
	s7 =	simm.s32 @!p0 $0xB400  }
0x2e7: {  	[tilespmem:s7], [sflag:$0x1] =	stream.strided.gather @!p0 [hbm4b:s6+s18], $0x1000, s17, s18, $0x38;
	[tilespmem:$0x14400] =	vst v63  }
0x2e8: {  	s3 =	rddreg [dreg:$0x10];
	s4 =	sadd.s32 @!p0 s10, s4;
	s6 =	simm.s32 @!p0 $0xF400  }
0x2e9: {  	[tilespmem:s6], [sflag:$0x1] =	stream.strided.gather @!p0 [hbm4b:s4+s18], $0x1000, s17, s18, $0x38;
	[tilespmem:$0x14400] =	vst v63  }
0x2ea: {  	s4 =	sand.u32 @!p0 $0x7, s3  }
0x2eb: {  	p1 =	sne.s32 @!p0 s4, $0x7  }
0x2ec: {  	s2 =	rddreg [dreg:$0xf];
	p0 =	por p0, !p1  }
0x2ed: {  	s4 =	sand.u32 @p0 $0x180, s2;
	s6 =	rddreg @p0 [dreg:$0x8]  }
0x2ee: {  	s4 =	sor.u32 @p0 s6, s4  }
0x2ef: {  	s6 =	rddreg @p0 [dreg:$0x9];
	s4 =	sshll.u32 @p0 s4, $0x4  }
0x2f0: {  	s1 =	simm.s32 @p0 $0x10400;
	s4 =	sadd.s32 @p0 s6, s4;
	s6 =	simm.s32 @p0 $0x0  }
0x2f1: {  	[hbm4b:s4+s6] =	stream.linear.scatter @p0 [tilespmem:s1], [sflag:$0x2], $0x4000, $0x38;
	[tilespmem:$0x14400] =	vst v63  }
0x2f2: {  	s4 =	simm.s32 @p0 $0x2  }
0x2f3: {  	_ =	swait.ge @p0 [sflag:s4], $0x4000  }
0x2f4: {  	s11 =	sadd.s32 $0x40, s11;
	s23 =	simm.s32 $0x5400;
	[sflag:s4] =	ssyncset.done @p0 $0x0  }
0x2f5: {  	s22 =	simm.s32 $0x1400;
	[sflag:s4] =	ssyncadd.s32 @p0 $0xFFFFC000;
	p0 =	sne.s32 s11, $0x800  }
.Ltmp0:
0x2f6: {  	s24 =	simm.s32 $0x9400;
	s25 =	simm.s32 $0xD400;
	(pc) =	sbr.rel @p0 .LBB2_2-.Ltmp0, $4  }
0x2f7: {  	s30 =	simm.s32 $0xA400;
	s20 =	simm.s32 $0x2400;
	s21 =	simm.s32 $0x6400  }
0x2f8: {  	s28 =	simm.s32 $0xE400;
	s19 =	simm.s32 $0x3400;
	s12 =	simm.s32 $0x7400  }
0x2f9: {  	s16 =	simm.s32 $0xB400;
	s13 =	simm.s32 $0xF400;
	s18 =	rddreg [dreg:$0xe]  }
0x2fa: {  	s3 =	sadd.s32 $0x1, s3;
	s2 =	sadd.s32 $0x10, s2;
	s1 =	sadd.s32 $0x800, s18  }
0x2fb: {  	s1 =	rddreg [dreg:$0xd]  }
0x2fc: {  	s4 =	rddreg [dreg:$0xc];
	s1 =	sadd.s32 $0x1, s1  }
0x2fd: {  	p0 =	sne.s32 s1, s4  }
.Ltmp1:
0x2fe: {  	_ = 	snop;
	(pc) =	sbr.rel @p0 .LBB2_1-.Ltmp1, $1  }
0x2ff: {  	_ =	sdelay $0x3  }
0x300: {  	_ =	sfence.sel $0x180000  }
0x301: {  	[bflag:$0x0] =	sbarrier.arrive $0xFFFF  }
0x302: {  	_ =	strace $0x90000047  }
0x303: {  	s0 =	stileid.u32;
	[bflag:$0x2] =	sbarrier.arrive $0xFFFF  }
0x304: {  	p0 =	sne.s32 s0, $0x0;
	s0 =	rddreg [dreg:$0x7]  }
0x305: {  	s0 =	sadd.s32 @!p0 $0x100000, s0  }
0x306: {  	[sflag:s0] =	ssyncadd.tile.s32 @!p0 $0x1;
	_ =	shalt  }
.Lfunc_end2:
_tile_overlayer_lowered:
.L_overlay_start_2:
0x307: {  	(tag) =	ssettag $0x2  }
0x308: {  	s0 =	rddreg [dreg:$0x0];
	s2 =	stileid.u32  }
0x309: {  	s1 =	rddreg [dreg:$0x1];
	p0 =	sne.s32 s2, $0x0  }
0x30a: {  	s3 =	rddreg [dreg:$0x2];
	[bflag:$0x3] =	sbarrier.arrive $0xFFFF;
	s2 =	simm.s32 @!p0 $0x1C02  }
0x30b: {  	[timem:s3], [sflag:s2] =	dma.local @!p0 [hbm:s0], s1  }
0x30c: {  	s0 =	simm.s32 @!p0 $0x2  }
0x30d: {  	_ =	swait.ge @!p0 [sflag:s0], s1  }
0x30e: {  	s1 =	ssub.s32 @!p0 $0x0, s1;
	[sflag:s0] =	ssyncset.done @!p0 $0x0  }
0x30f: {  	[sflag:s0] =	ssyncadd.s32 @!p0 s1  }
0x310: {  	[bflag:$0x3] =	sbarrier.arrive $0xFFFF  }
0x311: {  	_ =	shalt  }

</sc_bundles>
